<compile_context>
chip_gen: v7x
topology: tpu7x:2x2x1
jax: 0.10.2.dev20260603
libtpu: 0.0.44.dev20260713+nightly
codegen_flags: <defaults>
</compile_context>

<pallas_src>
import functools

import jax
import jax.numpy as jnp
from jax import lax
from jax.experimental import pallas as pl
from jax.experimental.pallas import tpu as pltpu
from jax.experimental.pallas import tpu_sc as plsc

VOCAB = 1_000_000
EMB = 64
BATCH = 16384

NC = 2
NS = 16
L = 16
NW = NC * NS
BPW = BATCH // NW
NWAVE = BPW // L
IDX_CHUNK = 128
N_CHUNKS = BPW // IDX_CHUNK


def _glove_body(ii_hbm, jj_hbm, wi_hbm, wj_hbm, bi_hbm, bj_hbm, out_hbm,
                idx_i, idx_j, rbi, rbj, bias_i, bias_j, out_v,
                sem0, sem1, semb):
    wid = lax.axis_index("s") * NC + lax.axis_index("c")
    base = wid * BPW

    pltpu.sync_copy(ii_hbm.at[pl.ds(wid * N_CHUNKS, N_CHUNKS)], idx_i)
    pltpu.sync_copy(jj_hbm.at[pl.ds(wid * N_CHUNKS, N_CHUNKS)], idx_j)

    for c in range(N_CHUNKS):
        sl = pl.ds(c * IDX_CHUNK, IDX_CHUNK)
        pltpu.async_copy(bi_hbm.at[idx_i.at[c]], bias_i.at[sl], semb)
        pltpu.async_copy(bj_hbm.at[idx_j.at[c]], bias_j.at[sl], semb)

    lane_id = lax.iota(jnp.int32, L)
    sems = (sem0, sem1)

    def fire(g, p):
        sem = sems[p]
        v_i = idx_i[g // 8, pl.ds((g % 8) * L, L)]
        v_j = idx_j[g // 8, pl.ds((g % 8) * L, L)]
        for t in range(L):
            slot = p * L + t
            pltpu.async_copy(wi_hbm.at[pl.ds(v_i[t], 1)],
                             rbi.at[pl.ds(slot, 1)], sem)
            pltpu.async_copy(wj_hbm.at[pl.ds(v_j[t], 1)],
                             rbj.at[pl.ds(slot, 1)], sem)

    def drain(p):
        sem = sems[p]
        pltpu.make_async_copy(wi_hbm.at[pl.ds(0, L)],
                              rbi.at[pl.ds(p * L, L)], sem).wait()
        pltpu.make_async_copy(wj_hbm.at[pl.ds(0, L)],
                              rbj.at[pl.ds(p * L, L)], sem).wait()

    def compute(g, p):
        dots = jnp.zeros((L,), jnp.float32)
        for t in range(L):
            slot = p * L + t
            s = rbi[slot, pl.ds(0, L)] * rbj[slot, pl.ds(0, L)]
            for k in range(1, EMB // L):
                s = s + rbi[slot, pl.ds(k * L, L)] * rbj[slot, pl.ds(k * L, L)]
            dot = jnp.full((L,), jnp.sum(s), jnp.float32)
            dots = jnp.where(lane_id == t, dot, dots)
        sl = pl.ds(g * L, L)
        out_v[sl] = dots + bias_i[sl] + bias_j[sl]

    fire(0, 0)
    fire(1, 1)

    for c in range(N_CHUNKS):
        sl = pl.ds(c * IDX_CHUNK, IDX_CHUNK)
        pltpu.make_async_copy(bi_hbm.at[pl.ds(0, IDX_CHUNK)],
                              bias_i.at[sl], semb).wait()
        pltpu.make_async_copy(bj_hbm.at[pl.ds(0, IDX_CHUNK)],
                              bias_j.at[sl], semb).wait()

    def step(g2, carry):
        g = g2 * 2
        drain(0)
        compute(g, 0)

        @pl.when(g2 < NWAVE // 2 - 1)
        def _():
            fire(g + 2, 0)

        drain(1)
        compute(g + 1, 1)

        @pl.when(g2 < NWAVE // 2 - 1)
        def _():
            fire(g + 3, 1)

        return carry

    lax.fori_loop(0, NWAVE // 2, step, 0)

    pltpu.sync_copy(out_v, out_hbm.at[pl.ds(base, BPW)])


@jax.jit
def _glove_sc(ii, jj, wi, wj, bi_flat, bj_flat):
    mesh = plsc.VectorSubcoreMesh(core_axis_name="c", subcore_axis_name="s",
                                  num_cores=NC, num_subcores=NS)
    f = functools.partial(
        pl.kernel,
        out_type=jax.ShapeDtypeStruct((BATCH,), jnp.float32),
        mesh=mesh,
        compiler_params=pltpu.CompilerParams(needs_layout_passes=False,
                                             use_tc_tiling_on_sc=True),
        scratch_types=[
            pltpu.VMEM((N_CHUNKS, IDX_CHUNK), jnp.int32),
            pltpu.VMEM((N_CHUNKS, IDX_CHUNK), jnp.int32),
            pltpu.VMEM((2 * L, EMB), jnp.float32),
            pltpu.VMEM((2 * L, EMB), jnp.float32),
            pltpu.VMEM((BPW,), jnp.float32),
            pltpu.VMEM((BPW,), jnp.float32),
            pltpu.VMEM((BPW,), jnp.float32),
            pltpu.SemaphoreType.DMA,
            pltpu.SemaphoreType.DMA,
            pltpu.SemaphoreType.DMA,
        ],
    )(_glove_body)
    return f(ii.reshape(NW * N_CHUNKS, IDX_CHUNK),
             jj.reshape(NW * N_CHUNKS, IDX_CHUNK),
             wi, wj, bi_flat, bj_flat)


def kernel(i_indices, j_indices, wi, wj, bi, bj):
    ii = i_indices.astype(jnp.int32)
    jj = j_indices.astype(jnp.int32)
    bif = pltpu.einshape("ab->(ba)", bi, assert_is_tile_preserving=True)
    bjf = pltpu.einshape("ab->(ba)", bj, assert_is_tile_preserving=True)
    return _glove_sc(ii, jj, wi, wj, bif, bjf)

# --- scband reference (transcript-rebuilt; emitter-appended) ---
"""Pipeline reference for scband-glove-model-36043365548475 (READ-ONLY COPY).

The authoritative reference and input builder live on the scoring server;
editing this copy changes nothing except your own understanding.
"""

import jax, jax.numpy as jnp
import numpy as np

VOCAB = 1000000
EMB = 64


def _init_table(key, vocab, emb):
    init_width = 0.5 / emb
    return jax.random.uniform(key, (vocab, emb), minval=-init_width, maxval=init_width, dtype=jnp.float32)


def setup_inputs(seed: int = 0) -> dict:
    key = jax.random.key(seed)
    k_i, k_j, k_wi, k_wj, k_bi, k_bj = jax.random.split(key, 6)
    i_indices = jax.random.randint(k_i, (16384,), 0, VOCAB, dtype=jnp.int64 if jax.config.jax_enable_x64 else jnp.int32)
    j_indices = jax.random.randint(k_j, (16384,), 0, VOCAB, dtype=jnp.int64 if jax.config.jax_enable_x64 else jnp.int32)
    wi = _init_table(k_wi, VOCAB, EMB)
    wj = _init_table(k_wj, VOCAB, EMB)
    # bias tables: init width based on emb_size=1 as in the torch code
    bi = jax.random.uniform(k_bi, (VOCAB, 1), minval=-0.5, maxval=0.5, dtype=jnp.float32)
    bj = jax.random.uniform(k_bj, (VOCAB, 1), minval=-0.5, maxval=0.5, dtype=jnp.float32)
    return {"i_indices": i_indices, "j_indices": j_indices, "wi": wi, "wj": wj, "bi": bi, "bj": bj}


def reference(i_indices, j_indices, wi, wj, bi, bj):
    w_i = jnp.take(wi, i_indices, axis=0)          # [B, EMB]
    w_j = jnp.take(wj, j_indices, axis=0)          # [B, EMB]
    b_i = jnp.take(bi, i_indices, axis=0).squeeze()  # [B]
    b_j = jnp.take(bj, j_indices, axis=0).squeeze()  # [B]
    x = jnp.sum(w_i * w_j, axis=1) + b_i + b_j       # [B]
    return x

if __name__ == "__main__":
    import jax
    _d = setup_inputs()
    print(jax.jit(kernel)(*tuple(_d.values())))

</pallas_src>

<mosaic_0001>
#map = affine_map<(d0, d1) -> (0, 0)>
#map1 = affine_map<(d0, d1) -> (0)>
module attributes {stable_mosaic.version = 14 : i64} {
  func.func @_glove_body(%arg0: i32, %arg1: i32, %arg2: memref<128x128xi32, #tpu.memory_space<hbm>>, %arg3: memref<128x128xi32, #tpu.memory_space<hbm>>, %arg4: memref<1000000x64xf32, #tpu.memory_space<hbm>>, %arg5: memref<1000000x64xf32, #tpu.memory_space<hbm>>, %arg6: memref<1000000xf32, #tpu.memory_space<hbm>>, %arg7: memref<1000000xf32, #tpu.memory_space<hbm>>, %arg8: memref<16384xf32, #tpu.memory_space<hbm>>, %arg9: memref<4x128xi32, #tpu.memory_space<vmem>>, %arg10: memref<4x128xi32, #tpu.memory_space<vmem>>, %arg11: memref<32x64xf32, #tpu.memory_space<vmem>>, %arg12: memref<32x64xf32, #tpu.memory_space<vmem>>, %arg13: memref<512xf32, #tpu.memory_space<vmem>>, %arg14: memref<512xf32, #tpu.memory_space<vmem>>, %arg15: memref<512xf32, #tpu.memory_space<vmem>>, %arg16: memref<!tpu.dma_semaphore, #tpu.memory_space<semaphore_mem>>, %arg17: memref<!tpu.dma_semaphore, #tpu.memory_space<semaphore_mem>>, %arg18: memref<!tpu.dma_semaphore, #tpu.memory_space<semaphore_mem>>) attributes {dimension_semantics = [#tpu.dimension_semantics<core_parallel>, #tpu.dimension_semantics<subcore_parallel>], iteration_bounds = array<i64: 2, 16>, scalar_prefetch = 0 : i64, scratch_operands = 10 : i64, tpu.core_type = #tpu.core_type<sc_vector_subcore>, window_params = [{transform_indices = #map}, {transform_indices = #map}, {transform_indices = #map}, {transform_indices = #map}, {transform_indices = #map1}, {transform_indices = #map1}, {transform_indices = #map1}]} {
    %mul3A = arith.constant 2 : i32
    %mul3A_0 = arith.muli %arg1, %mul3A : i32
    %add3A = arith.addi %mul3A_0, %arg0 : i32
    %mul3A_1 = arith.constant 512 : i32
    %mul3A_2 = arith.muli %add3A, %mul3A_1 : i32
    %mul3A_3 = arith.constant 4 : i32
    %mul3A_4 = arith.muli %add3A, %mul3A_3 : i32
    "tpu.region"() ({
      %run_scoped3A = tpu.sem_alloc : memref<!tpu.dma_semaphore, #tpu.memory_space<semaphore_mem>>
      %dma_start3A_919 = arith.constant 0 : i32
      %dma_start3A_920 = tpu.memref_slice %arg2[%mul3A_4, %dma_start3A_919] : memref<128x128xi32, #tpu.memory_space<hbm>> -> memref<4x128xi32, #tpu.memory_space<hbm>>
      %dma_start3A_921 = arith.constant 0 : i32
      %dma_start3A_922 = tpu.memref_slice %arg2[%mul3A_4, %dma_start3A_921] : memref<128x128xi32, #tpu.memory_space<hbm>> -> memref<4x128xi32, #tpu.memory_space<hbm>>
      tpu.enqueue_dma source(%dma_start3A_922 : memref<4x128xi32, #tpu.memory_space<hbm>>) target(%arg9 : memref<4x128xi32, #tpu.memory_space<vmem>>) target_semaphore(%run_scoped3A : memref<!tpu.dma_semaphore, #tpu.memory_space<semaphore_mem>>)
      %dma_wait3A_923 = arith.constant 0 : i32
      %dma_wait3A_924 = tpu.memref_slice %arg2[%mul3A_4, %dma_wait3A_923] : memref<128x128xi32, #tpu.memory_space<hbm>> -> memref<4x128xi32, #tpu.memory_space<hbm>>
      %dma_wait3A_925 = arith.constant 0 : i32
      %dma_wait3A_926 = tpu.memref_slice %arg2[%mul3A_4, %dma_wait3A_925] : memref<128x128xi32, #tpu.memory_space<hbm>> -> memref<4x128xi32, #tpu.memory_space<hbm>>
      tpu.wait_dma2 semaphore(%run_scoped3A : memref<!tpu.dma_semaphore, #tpu.memory_space<semaphore_mem>>) src(%dma_wait3A_926 : memref<4x128xi32, #tpu.memory_space<hbm>>) dst(%arg9 : memref<4x128xi32, #tpu.memory_space<vmem>>)
      tpu.yield
    }) : () -> ()
    %mul3A_5 = arith.constant 4 : i32
    %mul3A_6 = arith.muli %add3A, %mul3A_5 : i32
    "tpu.region"() ({
      %run_scoped3A = tpu.sem_alloc : memref<!tpu.dma_semaphore, #tpu.memory_space<semaphore_mem>>
      %dma_start3A_919 = arith.constant 0 : i32
      %dma_start3A_920 = tpu.memref_slice %arg3[%mul3A_6, %dma_start3A_919] : memref<128x128xi32, #tpu.memory_space<hbm>> -> memref<4x128xi32, #tpu.memory_space<hbm>>
      %dma_start3A_921 = arith.constant 0 : i32
      %dma_start3A_922 = tpu.memref_slice %arg3[%mul3A_6, %dma_start3A_921] : memref<128x128xi32, #tpu.memory_space<hbm>> -> memref<4x128xi32, #tpu.memory_space<hbm>>
      tpu.enqueue_dma source(%dma_start3A_922 : memref<4x128xi32, #tpu.memory_space<hbm>>) target(%arg10 : memref<4x128xi32, #tpu.memory_space<vmem>>) target_semaphore(%run_scoped3A : memref<!tpu.dma_semaphore, #tpu.memory_space<semaphore_mem>>)
      %dma_wait3A_923 = arith.constant 0 : i32
      %dma_wait3A_924 = tpu.memref_slice %arg3[%mul3A_6, %dma_wait3A_923] : memref<128x128xi32, #tpu.memory_space<hbm>> -> memref<4x128xi32, #tpu.memory_space<hbm>>
      %dma_wait3A_925 = arith.constant 0 : i32
      %dma_wait3A_926 = tpu.memref_slice %arg3[%mul3A_6, %dma_wait3A_925] : memref<128x128xi32, #tpu.memory_space<hbm>> -> memref<4x128xi32, #tpu.memory_space<hbm>>
      tpu.wait_dma2 semaphore(%run_scoped3A : memref<!tpu.dma_semaphore, #tpu.memory_space<semaphore_mem>>) src(%dma_wait3A_926 : memref<4x128xi32, #tpu.memory_space<hbm>>) dst(%arg10 : memref<4x128xi32, #tpu.memory_space<vmem>>)
      tpu.yield
    }) : () -> ()
    %dma_start3A = arith.constant 0 : i32
    %dma_start3A_7 = arith.constant 0 : i32
    %dma_start3A_8 = tpu.memref_slice %arg13[%dma_start3A_7] : memref<512xf32, #tpu.memory_space<vmem>> -> memref<128xf32, #tpu.memory_space<vmem>>
    %dma_start3A_9 = arith.constant 0 : i32
    %dma_start3A_10 = tpu.memref_slice %arg9[%dma_start3A, %dma_start3A_9] : memref<4x128xi32, #tpu.memory_space<vmem>> -> memref<1x128xi32, #tpu.memory_space<vmem>>
    %dma_start3A_11 = tpu.memref_squeeze %dma_start3A_10 : memref<1x128xi32, #tpu.memory_space<vmem>> -> memref<128xi32, #tpu.memory_space<vmem>>
    %dma_start3A_12 = arith.constant 0 : i32
    %dma_start3A_13 = tpu.memref_slice %arg6[%dma_start3A_12] : memref<1000000xf32, #tpu.memory_space<hbm>> -> memref<1000000xf32, #tpu.memory_space<hbm>>
    tpu.enqueue_indirect_dma source(%dma_start3A_13 : memref<1000000xf32, #tpu.memory_space<hbm>>) target(%dma_start3A_8 : memref<128xf32, #tpu.memory_space<vmem>>) offsets(%dma_start3A_11 : memref<128xi32, #tpu.memory_space<vmem>>) semaphore(%arg18 : memref<!tpu.dma_semaphore, #tpu.memory_space<semaphore_mem>>)
    %dma_start3A_14 = arith.constant 0 : i32
    %dma_start3A_15 = arith.constant 0 : i32
    %dma_start3A_16 = tpu.memref_slice %arg14[%dma_start3A_15] : memref<512xf32, #tpu.memory_space<vmem>> -> memref<128xf32, #tpu.memory_space<vmem>>
    %dma_start3A_17 = arith.constant 0 : i32
    %dma_start3A_18 = tpu.memref_slice %arg10[%dma_start3A_14, %dma_start3A_17] : memref<4x128xi32, #tpu.memory_space<vmem>> -> memref<1x128xi32, #tpu.memory_space<vmem>>
    %dma_start3A_19 = tpu.memref_squeeze %dma_start3A_18 : memref<1x128xi32, #tpu.memory_space<vmem>> -> memref<128xi32, #tpu.memory_space<vmem>>
    %dma_start3A_20 = arith.constant 0 : i32
    %dma_start3A_21 = tpu.memref_slice %arg7[%dma_start3A_20] : memref<1000000xf32, #tpu.memory_space<hbm>> -> memref<1000000xf32, #tpu.memory_space<hbm>>
    tpu.enqueue_indirect_dma source(%dma_start3A_21 : memref<1000000xf32, #tpu.memory_space<hbm>>) target(%dma_start3A_16 : memref<128xf32, #tpu.memory_space<vmem>>) offsets(%dma_start3A_19 : memref<128xi32, #tpu.memory_space<vmem>>) semaphore(%arg18 : memref<!tpu.dma_semaphore, #tpu.memory_space<semaphore_mem>>)
    %dma_start3A_22 = arith.constant 1 : i32
    %dma_start3A_23 = arith.constant 128 : i32
    %dma_start3A_24 = tpu.memref_slice %arg13[%dma_start3A_23] : memref<512xf32, #tpu.memory_space<vmem>> -> memref<128xf32, #tpu.memory_space<vmem>>
    %dma_start3A_25 = arith.constant 0 : i32
    %dma_start3A_26 = tpu.memref_slice %arg9[%dma_start3A_22, %dma_start3A_25] : memref<4x128xi32, #tpu.memory_space<vmem>> -> memref<1x128xi32, #tpu.memory_space<vmem>>
    %dma_start3A_27 = tpu.memref_squeeze %dma_start3A_26 : memref<1x128xi32, #tpu.memory_space<vmem>> -> memref<128xi32, #tpu.memory_space<vmem>>
    %dma_start3A_28 = arith.constant 0 : i32
    %dma_start3A_29 = tpu.memref_slice %arg6[%dma_start3A_28] : memref<1000000xf32, #tpu.memory_space<hbm>> -> memref<1000000xf32, #tpu.memory_space<hbm>>
    tpu.enqueue_indirect_dma source(%dma_start3A_29 : memref<1000000xf32, #tpu.memory_space<hbm>>) target(%dma_start3A_24 : memref<128xf32, #tpu.memory_space<vmem>>) offsets(%dma_start3A_27 : memref<128xi32, #tpu.memory_space<vmem>>) semaphore(%arg18 : memref<!tpu.dma_semaphore, #tpu.memory_space<semaphore_mem>>)
    %dma_start3A_30 = arith.constant 1 : i32
    %dma_start3A_31 = arith.constant 128 : i32
    %dma_start3A_32 = tpu.memref_slice %arg14[%dma_start3A_31] : memref<512xf32, #tpu.memory_space<vmem>> -> memref<128xf32, #tpu.memory_space<vmem>>
    %dma_start3A_33 = arith.constant 0 : i32
    %dma_start3A_34 = tpu.memref_slice %arg10[%dma_start3A_30, %dma_start3A_33] : memref<4x128xi32, #tpu.memory_space<vmem>> -> memref<1x128xi32, #tpu.memory_space<vmem>>
    %dma_start3A_35 = tpu.memref_squeeze %dma_start3A_34 : memref<1x128xi32, #tpu.memory_space<vmem>> -> memref<128xi32, #tpu.memory_space<vmem>>
    %dma_start3A_36 = arith.constant 0 : i32
    %dma_start3A_37 = tpu.memref_slice %arg7[%dma_start3A_36] : memref<1000000xf32, #tpu.memory_space<hbm>> -> memref<1000000xf32, #tpu.memory_space<hbm>>
    tpu.enqueue_indirect_dma source(%dma_start3A_37 : memref<1000000xf32, #tpu.memory_space<hbm>>) target(%dma_start3A_32 : memref<128xf32, #tpu.memory_space<vmem>>) offsets(%dma_start3A_35 : memref<128xi32, #tpu.memory_space<vmem>>) semaphore(%arg18 : memref<!tpu.dma_semaphore, #tpu.memory_space<semaphore_mem>>)
    %dma_start3A_38 = arith.constant 2 : i32
    %dma_start3A_39 = arith.constant 256 : i32
    %dma_start3A_40 = tpu.memref_slice %arg13[%dma_start3A_39] : memref<512xf32, #tpu.memory_space<vmem>> -> memref<128xf32, #tpu.memory_space<vmem>>
    %dma_start3A_41 = arith.constant 0 : i32
    %dma_start3A_42 = tpu.memref_slice %arg9[%dma_start3A_38, %dma_start3A_41] : memref<4x128xi32, #tpu.memory_space<vmem>> -> memref<1x128xi32, #tpu.memory_space<vmem>>
    %dma_start3A_43 = tpu.memref_squeeze %dma_start3A_42 : memref<1x128xi32, #tpu.memory_space<vmem>> -> memref<128xi32, #tpu.memory_space<vmem>>
    %dma_start3A_44 = arith.constant 0 : i32
    %dma_start3A_45 = tpu.memref_slice %arg6[%dma_start3A_44] : memref<1000000xf32, #tpu.memory_space<hbm>> -> memref<1000000xf32, #tpu.memory_space<hbm>>
    tpu.enqueue_indirect_dma source(%dma_start3A_45 : memref<1000000xf32, #tpu.memory_space<hbm>>) target(%dma_start3A_40 : memref<128xf32, #tpu.memory_space<vmem>>) offsets(%dma_start3A_43 : memref<128xi32, #tpu.memory_space<vmem>>) semaphore(%arg18 : memref<!tpu.dma_semaphore, #tpu.memory_space<semaphore_mem>>)
    %dma_start3A_46 = arith.constant 2 : i32
    %dma_start3A_47 = arith.constant 256 : i32
    %dma_start3A_48 = tpu.memref_slice %arg14[%dma_start3A_47] : memref<512xf32, #tpu.memory_space<vmem>> -> memref<128xf32, #tpu.memory_space<vmem>>
    %dma_start3A_49 = arith.constant 0 : i32
    %dma_start3A_50 = tpu.memref_slice %arg10[%dma_start3A_46, %dma_start3A_49] : memref<4x128xi32, #tpu.memory_space<vmem>> -> memref<1x128xi32, #tpu.memory_space<vmem>>
    %dma_start3A_51 = tpu.memref_squeeze %dma_start3A_50 : memref<1x128xi32, #tpu.memory_space<vmem>> -> memref<128xi32, #tpu.memory_space<vmem>>
    %dma_start3A_52 = arith.constant 0 : i32
    %dma_start3A_53 = tpu.memref_slice %arg7[%dma_start3A_52] : memref<1000000xf32, #tpu.memory_space<hbm>> -> memref<1000000xf32, #tpu.memory_space<hbm>>
    tpu.enqueue_indirect_dma source(%dma_start3A_53 : memref<1000000xf32, #tpu.memory_space<hbm>>) target(%dma_start3A_48 : memref<128xf32, #tpu.memory_space<vmem>>) offsets(%dma_start3A_51 : memref<128xi32, #tpu.memory_space<vmem>>) semaphore(%arg18 : memref<!tpu.dma_semaphore, #tpu.memory_space<semaphore_mem>>)
    %dma_start3A_54 = arith.constant 3 : i32
    %dma_start3A_55 = arith.constant 384 : i32
    %dma_start3A_56 = tpu.memref_slice %arg13[%dma_start3A_55] : memref<512xf32, #tpu.memory_space<vmem>> -> memref<128xf32, #tpu.memory_space<vmem>>
    %dma_start3A_57 = arith.constant 0 : i32
    %dma_start3A_58 = tpu.memref_slice %arg9[%dma_start3A_54, %dma_start3A_57] : memref<4x128xi32, #tpu.memory_space<vmem>> -> memref<1x128xi32, #tpu.memory_space<vmem>>
    %dma_start3A_59 = tpu.memref_squeeze %dma_start3A_58 : memref<1x128xi32, #tpu.memory_space<vmem>> -> memref<128xi32, #tpu.memory_space<vmem>>
    %dma_start3A_60 = arith.constant 0 : i32
    %dma_start3A_61 = tpu.memref_slice %arg6[%dma_start3A_60] : memref<1000000xf32, #tpu.memory_space<hbm>> -> memref<1000000xf32, #tpu.memory_space<hbm>>
    tpu.enqueue_indirect_dma source(%dma_start3A_61 : memref<1000000xf32, #tpu.memory_space<hbm>>) target(%dma_start3A_56 : memref<128xf32, #tpu.memory_space<vmem>>) offsets(%dma_start3A_59 : memref<128xi32, #tpu.memory_space<vmem>>) semaphore(%arg18 : memref<!tpu.dma_semaphore, #tpu.memory_space<semaphore_mem>>)
    %dma_start3A_62 = arith.constant 3 : i32
    %dma_start3A_63 = arith.constant 384 : i32
    %dma_start3A_64 = tpu.memref_slice %arg14[%dma_start3A_63] : memref<512xf32, #tpu.memory_space<vmem>> -> memref<128xf32, #tpu.memory_space<vmem>>
    %dma_start3A_65 = arith.constant 0 : i32
    %dma_start3A_66 = tpu.memref_slice %arg10[%dma_start3A_62, %dma_start3A_65] : memref<4x128xi32, #tpu.memory_space<vmem>> -> memref<1x128xi32, #tpu.memory_space<vmem>>
    %dma_start3A_67 = tpu.memref_squeeze %dma_start3A_66 : memref<1x128xi32, #tpu.memory_space<vmem>> -> memref<128xi32, #tpu.memory_space<vmem>>
    %dma_start3A_68 = arith.constant 0 : i32
    %dma_start3A_69 = tpu.memref_slice %arg7[%dma_start3A_68] : memref<1000000xf32, #tpu.memory_space<hbm>> -> memref<1000000xf32, #tpu.memory_space<hbm>>
    tpu.enqueue_indirect_dma source(%dma_start3A_69 : memref<1000000xf32, #tpu.memory_space<hbm>>) target(%dma_start3A_64 : memref<128xf32, #tpu.memory_space<vmem>>) offsets(%dma_start3A_67 : memref<128xi32, #tpu.memory_space<vmem>>) semaphore(%arg18 : memref<!tpu.dma_semaphore, #tpu.memory_space<semaphore_mem>>)
    %iota3A = tpu.iota {dimensions = array<i32: 0>} : vector<16xi32>
    %get3A = arith.constant 0 : i32
    %get3A_70 = arith.index_cast %get3A : i32 to index
    %get3A_71 = arith.constant 0 : index
    %get3A_72 = tpu.vector_load %arg9[%get3A_70, %get3A_71] {strides = array<i32>} : memref<4x128xi32, #tpu.memory_space<vmem>>, vector<16xi32>,
    %get3A_73 = arith.constant 0 : i32
    %get3A_74 = arith.index_cast %get3A_73 : i32 to index
    %get3A_75 = arith.constant 0 : index
    %get3A_76 = tpu.vector_load %arg10[%get3A_74, %get3A_75] {strides = array<i32>} : memref<4x128xi32, #tpu.memory_space<vmem>>, vector<16xi32>,
    %slice3A = vector.extract_strided_slice %get3A_72 {offsets = [0], sizes = [1], strides = [1]} : vector<16xi32> to vector<1xi32>
    %squeeze3A = vector.extract %slice3A[0] : i32 from vector<1xi32>
    %dma_start3A_77 = arith.constant 0 : i32
    %dma_start3A_78 = arith.constant 0 : i32
    %dma_start3A_79 = tpu.memref_slice %arg11[%dma_start3A_77, %dma_start3A_78] : memref<32x64xf32, #tpu.memory_space<vmem>> -> memref<1x64xf32, #tpu.memory_space<vmem>>
    %dma_start3A_80 = arith.constant 0 : i32
    %dma_start3A_81 = tpu.memref_slice %arg4[%squeeze3A, %dma_start3A_80] : memref<1000000x64xf32, #tpu.memory_space<hbm>> -> memref<1x64xf32, #tpu.memory_space<hbm>>
    %dma_start3A_82 = arith.constant 0 : i32
    %dma_start3A_83 = arith.constant 0 : i32
    %dma_start3A_84 = tpu.memref_slice %arg11[%dma_start3A_82, %dma_start3A_83] : memref<32x64xf32, #tpu.memory_space<vmem>> -> memref<1x64xf32, #tpu.memory_space<vmem>>
    %dma_start3A_85 = arith.constant 0 : i32
    %dma_start3A_86 = tpu.memref_slice %arg4[%squeeze3A, %dma_start3A_85] : memref<1000000x64xf32, #tpu.memory_space<hbm>> -> memref<1x64xf32, #tpu.memory_space<hbm>>
    tpu.enqueue_dma source(%dma_start3A_86 : memref<1x64xf32, #tpu.memory_space<hbm>>) target(%dma_start3A_84 : memref<1x64xf32, #tpu.memory_space<vmem>>) target_semaphore(%arg16 : memref<!tpu.dma_semaphore, #tpu.memory_space<semaphore_mem>>)
    %slice3A_87 = vector.extract_strided_slice %get3A_76 {offsets = [0], sizes = [1], strides = [1]} : vector<16xi32> to vector<1xi32>
    %squeeze3A_88 = vector.extract %slice3A_87[0] : i32 from vector<1xi32>
    %dma_start3A_89 = arith.constant 0 : i32
    %dma_start3A_90 = arith.constant 0 : i32
    %dma_start3A_91 = tpu.memref_slice %arg12[%dma_start3A_89, %dma_start3A_90] : memref<32x64xf32, #tpu.memory_space<vmem>> -> memref<1x64xf32, #tpu.memory_space<vmem>>
    %dma_start3A_92 = arith.constant 0 : i32
    %dma_start3A_93 = tpu.memref_slice %arg5[%squeeze3A_88, %dma_start3A_92] : memref<1000000x64xf32, #tpu.memory_space<hbm>> -> memref<1x64xf32, #tpu.memory_space<hbm>>
    %dma_start3A_94 = arith.constant 0 : i32
    %dma_start3A_95 = arith.constant 0 : i32
    %dma_start3A_96 = tpu.memref_slice %arg12[%dma_start3A_94, %dma_start3A_95] : memref<32x64xf32, #tpu.memory_space<vmem>> -> memref<1x64xf32, #tpu.memory_space<vmem>>
    %dma_start3A_97 = arith.constant 0 : i32
    %dma_start3A_98 = tpu.memref_slice %arg5[%squeeze3A_88, %dma_start3A_97] : memref<1000000x64xf32, #tpu.memory_space<hbm>> -> memref<1x64xf32, #tpu.memory_space<hbm>>
    tpu.enqueue_dma source(%dma_start3A_98 : memref<1x64xf32, #tpu.memory_space<hbm>>) target(%dma_start3A_96 : memref<1x64xf32, #tpu.memory_space<vmem>>) target_semaphore(%arg16 : memref<!tpu.dma_semaphore, #tpu.memory_space<semaphore_mem>>)
    %slice3A_99 = vector.extract_strided_slice %get3A_72 {offsets = [1], sizes = [1], strides = [1]} : vector<16xi32> to vector<1xi32>
    %squeeze3A_100 = vector.extract %slice3A_99[0] : i32 from vector<1xi32>
    %dma_start3A_101 = arith.constant 1 : i32
    %dma_start3A_102 = arith.constant 0 : i32
    %dma_start3A_103 = tpu.memref_slice %arg11[%dma_start3A_101, %dma_start3A_102] : memref<32x64xf32, #tpu.memory_space<vmem>> -> memref<1x64xf32, #tpu.memory_space<vmem>>
    %dma_start3A_104 = arith.constant 0 : i32
    %dma_start3A_105 = tpu.memref_slice %arg4[%squeeze3A_100, %dma_start3A_104] : memref<1000000x64xf32, #tpu.memory_space<hbm>> -> memref<1x64xf32, #tpu.memory_space<hbm>>
    %dma_start3A_106 = arith.constant 1 : i32
    %dma_start3A_107 = arith.constant 0 : i32
    %dma_start3A_108 = tpu.memref_slice %arg11[%dma_start3A_106, %dma_start3A_107] : memref<32x64xf32, #tpu.memory_space<vmem>> -> memref<1x64xf32, #tpu.memory_space<vmem>>
    %dma_start3A_109 = arith.constant 0 : i32
    %dma_start3A_110 = tpu.memref_slice %arg4[%squeeze3A_100, %dma_start3A_109] : memref<1000000x64xf32, #tpu.memory_space<hbm>> -> memref<1x64xf32, #tpu.memory_space<hbm>>
    tpu.enqueue_dma source(%dma_start3A_110 : memref<1x64xf32, #tpu.memory_space<hbm>>) target(%dma_start3A_108 : memref<1x64xf32, #tpu.memory_space<vmem>>) target_semaphore(%arg16 : memref<!tpu.dma_semaphore, #tpu.memory_space<semaphore_mem>>)
    %slice3A_111 = vector.extract_strided_slice %get3A_76 {offsets = [1], sizes = [1], strides = [1]} : vector<16xi32> to vector<1xi32>
    %squeeze3A_112 = vector.extract %slice3A_111[0] : i32 from vector<1xi32>
    %dma_start3A_113 = arith.constant 1 : i32
    %dma_start3A_114 = arith.constant 0 : i32
    %dma_start3A_115 = tpu.memref_slice %arg12[%dma_start3A_113, %dma_start3A_114] : memref<32x64xf32, #tpu.memory_space<vmem>> -> memref<1x64xf32, #tpu.memory_space<vmem>>
    %dma_start3A_116 = arith.constant 0 : i32
    %dma_start3A_117 = tpu.memref_slice %arg5[%squeeze3A_112, %dma_start3A_116] : memref<1000000x64xf32, #tpu.memory_space<hbm>> -> memref<1x64xf32, #tpu.memory_space<hbm>>
    %dma_start3A_118 = arith.constant 1 : i32
    %dma_start3A_119 = arith.constant 0 : i32
    %dma_start3A_120 = tpu.memref_slice %arg12[%dma_start3A_118, %dma_start3A_119] : memref<32x64xf32, #tpu.memory_space<vmem>> -> memref<1x64xf32, #tpu.memory_space<vmem>>
    %dma_start3A_121 = arith.constant 0 : i32
    %dma_start3A_122 = tpu.memref_slice %arg5[%squeeze3A_112, %dma_start3A_121] : memref<1000000x64xf32, #tpu.memory_space<hbm>> -> memref<1x64xf32, #tpu.memory_space<hbm>>
    tpu.enqueue_dma source(%dma_start3A_122 : memref<1x64xf32, #tpu.memory_space<hbm>>) target(%dma_start3A_120 : memref<1x64xf32, #tpu.memory_space<vmem>>) target_semaphore(%arg16 : memref<!tpu.dma_semaphore, #tpu.memory_space<semaphore_mem>>)
    %slice3A_123 = vector.extract_strided_slice %get3A_72 {offsets = [2], sizes = [1], strides = [1]} : vector<16xi32> to vector<1xi32>
    %squeeze3A_124 = vector.extract %slice3A_123[0] : i32 from vector<1xi32>
    %dma_start3A_125 = arith.constant 2 : i32
    %dma_start3A_126 = arith.constant 0 : i32
    %dma_start3A_127 = tpu.memref_slice %arg11[%dma_start3A_125, %dma_start3A_126] : memref<32x64xf32, #tpu.memory_space<vmem>> -> memref<1x64xf32, #tpu.memory_space<vmem>>
    %dma_start3A_128 = arith.constant 0 : i32
    %dma_start3A_129 = tpu.memref_slice %arg4[%squeeze3A_124, %dma_start3A_128] : memref<1000000x64xf32, #tpu.memory_space<hbm>> -> memref<1x64xf32, #tpu.memory_space<hbm>>
    %dma_start3A_130 = arith.constant 2 : i32
    %dma_start3A_131 = arith.constant 0 : i32
    %dma_start3A_132 = tpu.memref_slice %arg11[%dma_start3A_130, %dma_start3A_131] : memref<32x64xf32, #tpu.memory_space<vmem>> -> memref<1x64xf32, #tpu.memory_space<vmem>>
    %dma_start3A_133 = arith.constant 0 : i32
    %dma_start3A_134 = tpu.memref_slice %arg4[%squeeze3A_124, %dma_start3A_133] : memref<1000000x64xf32, #tpu.memory_space<hbm>> -> memref<1x64xf32, #tpu.memory_space<hbm>>
    tpu.enqueue_dma source(%dma_start3A_134 : memref<1x64xf32, #tpu.memory_space<hbm>>) target(%dma_start3A_132 : memref<1x64xf32, #tpu.memory_space<vmem>>) target_semaphore(%arg16 : memref<!tpu.dma_semaphore, #tpu.memory_space<semaphore_mem>>)
    %slice3A_135 = vector.extract_strided_slice %get3A_76 {offsets = [2], sizes = [1], strides = [1]} : vector<16xi32> to vector<1xi32>
    %squeeze3A_136 = vector.extract %slice3A_135[0] : i32 from vector<1xi32>
    %dma_start3A_137 = arith.constant 2 : i32
    %dma_start3A_138 = arith.constant 0 : i32
    %dma_start3A_139 = tpu.memref_slice %arg12[%dma_start3A_137, %dma_start3A_138] : memref<32x64xf32, #tpu.memory_space<vmem>> -> memref<1x64xf32, #tpu.memory_space<vmem>>
    %dma_start3A_140 = arith.constant 0 : i32
    %dma_start3A_141 = tpu.memref_slice %arg5[%squeeze3A_136, %dma_start3A_140] : memref<1000000x64xf32, #tpu.memory_space<hbm>> -> memref<1x64xf32, #tpu.memory_space<hbm>>
    %dma_start3A_142 = arith.constant 2 : i32
    %dma_start3A_143 = arith.constant 0 : i32
    %dma_start3A_144 = tpu.memref_slice %arg12[%dma_start3A_142, %dma_start3A_143] : memref<32x64xf32, #tpu.memory_space<vmem>> -> memref<1x64xf32, #tpu.memory_space<vmem>>
    %dma_start3A_145 = arith.constant 0 : i32
    %dma_start3A_146 = tpu.memref_slice %arg5[%squeeze3A_136, %dma_start3A_145] : memref<1000000x64xf32, #tpu.memory_space<hbm>> -> memref<1x64xf32, #tpu.memory_space<hbm>>
    tpu.enqueue_dma source(%dma_start3A_146 : memref<1x64xf32, #tpu.memory_space<hbm>>) target(%dma_start3A_144 : memref<1x64xf32, #tpu.memory_space<vmem>>) target_semaphore(%arg16 : memref<!tpu.dma_semaphore, #tpu.memory_space<semaphore_mem>>)
    %slice3A_147 = vector.extract_strided_slice %get3A_72 {offsets = [3], sizes = [1], strides = [1]} : vector<16xi32> to vector<1xi32>
    %squeeze3A_148 = vector.extract %slice3A_147[0] : i32 from vector<1xi32>
    %dma_start3A_149 = arith.constant 3 : i32
    %dma_start3A_150 = arith.constant 0 : i32
    %dma_start3A_151 = tpu.memref_slice %arg11[%dma_start3A_149, %dma_start3A_150] : memref<32x64xf32, #tpu.memory_space<vmem>> -> memref<1x64xf32, #tpu.memory_space<vmem>>
    %dma_start3A_152 = arith.constant 0 : i32
    %dma_start3A_153 = tpu.memref_slice %arg4[%squeeze3A_148, %dma_start3A_152] : memref<1000000x64xf32, #tpu.memory_space<hbm>> -> memref<1x64xf32, #tpu.memory_space<hbm>>
    %dma_start3A_154 = arith.constant 3 : i32
    %dma_start3A_155 = arith.constant 0 : i32
    %dma_start3A_156 = tpu.memref_slice %arg11[%dma_start3A_154, %dma_start3A_155] : memref<32x64xf32, #tpu.memory_space<vmem>> -> memref<1x64xf32, #tpu.memory_space<vmem>>
    %dma_start3A_157 = arith.constant 0 : i32
    %dma_start3A_158 = tpu.memref_slice %arg4[%squeeze3A_148, %dma_start3A_157] : memref<1000000x64xf32, #tpu.memory_space<hbm>> -> memref<1x64xf32, #tpu.memory_space<hbm>>
    tpu.enqueue_dma source(%dma_start3A_158 : memref<1x64xf32, #tpu.memory_space<hbm>>) target(%dma_start3A_156 : memref<1x64xf32, #tpu.memory_space<vmem>>) target_semaphore(%arg16 : memref<!tpu.dma_semaphore, #tpu.memory_space<semaphore_mem>>)
    %slice3A_159 = vector.extract_strided_slice %get3A_76 {offsets = [3], sizes = [1], strides = [1]} : vector<16xi32> to vector<1xi32>
    %squeeze3A_160 = vector.extract %slice3A_159[0] : i32 from vector<1xi32>
    %dma_start3A_161 = arith.constant 3 : i32
    %dma_start3A_162 = arith.constant 0 : i32
    %dma_start3A_163 = tpu.memref_slice %arg12[%dma_start3A_161, %dma_start3A_162] : memref<32x64xf32, #tpu.memory_space<vmem>> -> memref<1x64xf32, #tpu.memory_space<vmem>>
    %dma_start3A_164 = arith.constant 0 : i32
    %dma_start3A_165 = tpu.memref_slice %arg5[%squeeze3A_160, %dma_start3A_164] : memref<1000000x64xf32, #tpu.memory_space<hbm>> -> memref<1x64xf32, #tpu.memory_space<hbm>>
    %dma_start3A_166 = arith.constant 3 : i32
    %dma_start3A_167 = arith.constant 0 : i32
    %dma_start3A_168 = tpu.memref_slice %arg12[%dma_start3A_166, %dma_start3A_167] : memref<32x64xf32, #tpu.memory_space<vmem>> -> memref<1x64xf32, #tpu.memory_space<vmem>>
    %dma_start3A_169 = arith.constant 0 : i32
    %dma_start3A_170 = tpu.memref_slice %arg5[%squeeze3A_160, %dma_start3A_169] : memref<1000000x64xf32, #tpu.memory_space<hbm>> -> memref<1x64xf32, #tpu.memory_space<hbm>>
    tpu.enqueue_dma source(%dma_start3A_170 : memref<1x64xf32, #tpu.memory_space<hbm>>) target(%dma_start3A_168 : memref<1x64xf32, #tpu.memory_space<vmem>>) target_semaphore(%arg16 : memref<!tpu.dma_semaphore, #tpu.memory_space<semaphore_mem>>)
    %slice3A_171 = vector.extract_strided_slice %get3A_72 {offsets = [4], sizes = [1], strides = [1]} : vector<16xi32> to vector<1xi32>
    %squeeze3A_172 = vector.extract %slice3A_171[0] : i32 from vector<1xi32>
    %dma_start3A_173 = arith.constant 4 : i32
    %dma_start3A_174 = arith.constant 0 : i32
    %dma_start3A_175 = tpu.memref_slice %arg11[%dma_start3A_173, %dma_start3A_174] : memref<32x64xf32, #tpu.memory_space<vmem>> -> memref<1x64xf32, #tpu.memory_space<vmem>>
    %dma_start3A_176 = arith.constant 0 : i32
    %dma_start3A_177 = tpu.memref_slice %arg4[%squeeze3A_172, %dma_start3A_176] : memref<1000000x64xf32, #tpu.memory_space<hbm>> -> memref<1x64xf32, #tpu.memory_space<hbm>>
    %dma_start3A_178 = arith.constant 4 : i32
    %dma_start3A_179 = arith.constant 0 : i32
    %dma_start3A_180 = tpu.memref_slice %arg11[%dma_start3A_178, %dma_start3A_179] : memref<32x64xf32, #tpu.memory_space<vmem>> -> memref<1x64xf32, #tpu.memory_space<vmem>>
    %dma_start3A_181 = arith.constant 0 : i32
    %dma_start3A_182 = tpu.memref_slice %arg4[%squeeze3A_172, %dma_start3A_181] : memref<1000000x64xf32, #tpu.memory_space<hbm>> -> memref<1x64xf32, #tpu.memory_space<hbm>>
    tpu.enqueue_dma source(%dma_start3A_182 : memref<1x64xf32, #tpu.memory_space<hbm>>) target(%dma_start3A_180 : memref<1x64xf32, #tpu.memory_space<vmem>>) target_semaphore(%arg16 : memref<!tpu.dma_semaphore, #tpu.memory_space<semaphore_mem>>)
    %slice3A_183 = vector.extract_strided_slice %get3A_76 {offsets = [4], sizes = [1], strides = [1]} : vector<16xi32> to vector<1xi32>
    %squeeze3A_184 = vector.extract %slice3A_183[0] : i32 from vector<1xi32>
    %dma_start3A_185 = arith.constant 4 : i32
    %dma_start3A_186 = arith.constant 0 : i32
    %dma_start3A_187 = tpu.memref_slice %arg12[%dma_start3A_185, %dma_start3A_186] : memref<32x64xf32, #tpu.memory_space<vmem>> -> memref<1x64xf32, #tpu.memory_space<vmem>>
    %dma_start3A_188 = arith.constant 0 : i32
    %dma_start3A_189 = tpu.memref_slice %arg5[%squeeze3A_184, %dma_start3A_188] : memref<1000000x64xf32, #tpu.memory_space<hbm>> -> memref<1x64xf32, #tpu.memory_space<hbm>>
    %dma_start3A_190 = arith.constant 4 : i32
    %dma_start3A_191 = arith.constant 0 : i32
    %dma_start3A_192 = tpu.memref_slice %arg12[%dma_start3A_190, %dma_start3A_191] : memref<32x64xf32, #tpu.memory_space<vmem>> -> memref<1x64xf32, #tpu.memory_space<vmem>>
    %dma_start3A_193 = arith.constant 0 : i32
    %dma_start3A_194 = tpu.memref_slice %arg5[%squeeze3A_184, %dma_start3A_193] : memref<1000000x64xf32, #tpu.memory_space<hbm>> -> memref<1x64xf32, #tpu.memory_space<hbm>>
    tpu.enqueue_dma source(%dma_start3A_194 : memref<1x64xf32, #tpu.memory_space<hbm>>) target(%dma_start3A_192 : memref<1x64xf32, #tpu.memory_space<vmem>>) target_semaphore(%arg16 : memref<!tpu.dma_semaphore, #tpu.memory_space<semaphore_mem>>)
    %slice3A_195 = vector.extract_strided_slice %get3A_72 {offsets = [5], sizes = [1], strides = [1]} : vector<16xi32> to vector<1xi32>
    %squeeze3A_196 = vector.extract %slice3A_195[0] : i32 from vector<1xi32>
    %dma_start3A_197 = arith.constant 5 : i32
    %dma_start3A_198 = arith.constant 0 : i32
    %dma_start3A_199 = tpu.memref_slice %arg11[%dma_start3A_197, %dma_start3A_198] : memref<32x64xf32, #tpu.memory_space<vmem>> -> memref<1x64xf32, #tpu.memory_space<vmem>>
    %dma_start3A_200 = arith.constant 0 : i32
    %dma_start3A_201 = tpu.memref_slice %arg4[%squeeze3A_196, %dma_start3A_200] : memref<1000000x64xf32, #tpu.memory_space<hbm>> -> memref<1x64xf32, #tpu.memory_space<hbm>>
    %dma_start3A_202 = arith.constant 5 : i32
    %dma_start3A_203 = arith.constant 0 : i32
    %dma_start3A_204 = tpu.memref_slice %arg11[%dma_start3A_202, %dma_start3A_203] : memref<32x64xf32, #tpu.memory_space<vmem>> -> memref<1x64xf32, #tpu.memory_space<vmem>>
    %dma_start3A_205 = arith.constant 0 : i32
    %dma_start3A_206 = tpu.memref_slice %arg4[%squeeze3A_196, %dma_start3A_205] : memref<1000000x64xf32, #tpu.memory_space<hbm>> -> memref<1x64xf32, #tpu.memory_space<hbm>>
    tpu.enqueue_dma source(%dma_start3A_206 : memref<1x64xf32, #tpu.memory_space<hbm>>) target(%dma_start3A_204 : memref<1x64xf32, #tpu.memory_space<vmem>>) target_semaphore(%arg16 : memref<!tpu.dma_semaphore, #tpu.memory_space<semaphore_mem>>)
    %slice3A_207 = vector.extract_strided_slice %get3A_76 {offsets = [5], sizes = [1], strides = [1]} : vector<16xi32> to vector<1xi32>
    %squeeze3A_208 = vector.extract %slice3A_207[0] : i32 from vector<1xi32>
    %dma_start3A_209 = arith.constant 5 : i32
    %dma_start3A_210 = arith.constant 0 : i32
    %dma_start3A_211 = tpu.memref_slice %arg12[%dma_start3A_209, %dma_start3A_210] : memref<32x64xf32, #tpu.memory_space<vmem>> -> memref<1x64xf32, #tpu.memory_space<vmem>>
    %dma_start3A_212 = arith.constant 0 : i32
    %dma_start3A_213 = tpu.memref_slice %arg5[%squeeze3A_208, %dma_start3A_212] : memref<1000000x64xf32, #tpu.memory_space<hbm>> -> memref<1x64xf32, #tpu.memory_space<hbm>>
    %dma_start3A_214 = arith.constant 5 : i32
    %dma_start3A_215 = arith.constant 0 : i32
    %dma_start3A_216 = tpu.memref_slice %arg12[%dma_start3A_214, %dma_start3A_215] : memref<32x64xf32, #tpu.memory_space<vmem>> -> memref<1x64xf32, #tpu.memory_space<vmem>>
    %dma_start3A_217 = arith.constant 0 : i32
    %dma_start3A_218 = tpu.memref_slice %arg5[%squeeze3A_208, %dma_start3A_217] : memref<1000000x64xf32, #tpu.memory_space<hbm>> -> memref<1x64xf32, #tpu.memory_space<hbm>>
    tpu.enqueue_dma source(%dma_start3A_218 : memref<1x64xf32, #tpu.memory_space<hbm>>) target(%dma_start3A_216 : memref<1x64xf32, #tpu.memory_space<vmem>>) target_semaphore(%arg16 : memref<!tpu.dma_semaphore, #tpu.memory_space<semaphore_mem>>)
    %slice3A_219 = vector.extract_strided_slice %get3A_72 {offsets = [6], sizes = [1], strides = [1]} : vector<16xi32> to vector<1xi32>
    %squeeze3A_220 = vector.extract %slice3A_219[0] : i32 from vector<1xi32>
    %dma_start3A_221 = arith.constant 6 : i32
    %dma_start3A_222 = arith.constant 0 : i32
    %dma_start3A_223 = tpu.memref_slice %arg11[%dma_start3A_221, %dma_start3A_222] : memref<32x64xf32, #tpu.memory_space<vmem>> -> memref<1x64xf32, #tpu.memory_space<vmem>>
    %dma_start3A_224 = arith.constant 0 : i32
    %dma_start3A_225 = tpu.memref_slice %arg4[%squeeze3A_220, %dma_start3A_224] : memref<1000000x64xf32, #tpu.memory_space<hbm>> -> memref<1x64xf32, #tpu.memory_space<hbm>>
    %dma_start3A_226 = arith.constant 6 : i32
    %dma_start3A_227 = arith.constant 0 : i32
    %dma_start3A_228 = tpu.memref_slice %arg11[%dma_start3A_226, %dma_start3A_227] : memref<32x64xf32, #tpu.memory_space<vmem>> -> memref<1x64xf32, #tpu.memory_space<vmem>>
    %dma_start3A_229 = arith.constant 0 : i32
    %dma_start3A_230 = tpu.memref_slice %arg4[%squeeze3A_220, %dma_start3A_229] : memref<1000000x64xf32, #tpu.memory_space<hbm>> -> memref<1x64xf32, #tpu.memory_space<hbm>>
    tpu.enqueue_dma source(%dma_start3A_230 : memref<1x64xf32, #tpu.memory_space<hbm>>) target(%dma_start3A_228 : memref<1x64xf32, #tpu.memory_space<vmem>>) target_semaphore(%arg16 : memref<!tpu.dma_semaphore, #tpu.memory_space<semaphore_mem>>)
    %slice3A_231 = vector.extract_strided_slice %get3A_76 {offsets = [6], sizes = [1], strides = [1]} : vector<16xi32> to vector<1xi32>
    %squeeze3A_232 = vector.extract %slice3A_231[0] : i32 from vector<1xi32>
    %dma_start3A_233 = arith.constant 6 : i32
    %dma_start3A_234 = arith.constant 0 : i32
    %dma_start3A_235 = tpu.memref_slice %arg12[%dma_start3A_233, %dma_start3A_234] : memref<32x64xf32, #tpu.memory_space<vmem>> -> memref<1x64xf32, #tpu.memory_space<vmem>>
    %dma_start3A_236 = arith.constant 0 : i32
    %dma_start3A_237 = tpu.memref_slice %arg5[%squeeze3A_232, %dma_start3A_236] : memref<1000000x64xf32, #tpu.memory_space<hbm>> -> memref<1x64xf32, #tpu.memory_space<hbm>>
    %dma_start3A_238 = arith.constant 6 : i32
    %dma_start3A_239 = arith.constant 0 : i32
    %dma_start3A_240 = tpu.memref_slice %arg12[%dma_start3A_238, %dma_start3A_239] : memref<32x64xf32, #tpu.memory_space<vmem>> -> memref<1x64xf32, #tpu.memory_space<vmem>>
    %dma_start3A_241 = arith.constant 0 : i32
    %dma_start3A_242 = tpu.memref_slice %arg5[%squeeze3A_232, %dma_start3A_241] : memref<1000000x64xf32, #tpu.memory_space<hbm>> -> memref<1x64xf32, #tpu.memory_space<hbm>>
    tpu.enqueue_dma source(%dma_start3A_242 : memref<1x64xf32, #tpu.memory_space<hbm>>) target(%dma_start3A_240 : memref<1x64xf32, #tpu.memory_space<vmem>>) target_semaphore(%arg16 : memref<!tpu.dma_semaphore, #tpu.memory_space<semaphore_mem>>)
    %slice3A_243 = vector.extract_strided_slice %get3A_72 {offsets = [7], sizes = [1], strides = [1]} : vector<16xi32> to vector<1xi32>
    %squeeze3A_244 = vector.extract %slice3A_243[0] : i32 from vector<1xi32>
    %dma_start3A_245 = arith.constant 7 : i32
    %dma_start3A_246 = arith.constant 0 : i32
    %dma_start3A_247 = tpu.memref_slice %arg11[%dma_start3A_245, %dma_start3A_246] : memref<32x64xf32, #tpu.memory_space<vmem>> -> memref<1x64xf32, #tpu.memory_space<vmem>>
    %dma_start3A_248 = arith.constant 0 : i32
    %dma_start3A_249 = tpu.memref_slice %arg4[%squeeze3A_244, %dma_start3A_248] : memref<1000000x64xf32, #tpu.memory_space<hbm>> -> memref<1x64xf32, #tpu.memory_space<hbm>>
    %dma_start3A_250 = arith.constant 7 : i32
    %dma_start3A_251 = arith.constant 0 : i32
    %dma_start3A_252 = tpu.memref_slice %arg11[%dma_start3A_250, %dma_start3A_251] : memref<32x64xf32, #tpu.memory_space<vmem>> -> memref<1x64xf32, #tpu.memory_space<vmem>>
    %dma_start3A_253 = arith.constant 0 : i32
    %dma_start3A_254 = tpu.memref_slice %arg4[%squeeze3A_244, %dma_start3A_253] : memref<1000000x64xf32, #tpu.memory_space<hbm>> -> memref<1x64xf32, #tpu.memory_space<hbm>>
    tpu.enqueue_dma source(%dma_start3A_254 : memref<1x64xf32, #tpu.memory_space<hbm>>) target(%dma_start3A_252 : memref<1x64xf32, #tpu.memory_space<vmem>>) target_semaphore(%arg16 : memref<!tpu.dma_semaphore, #tpu.memory_space<semaphore_mem>>)
    %slice3A_255 = vector.extract_strided_slice %get3A_76 {offsets = [7], sizes = [1], strides = [1]} : vector<16xi32> to vector<1xi32>
    %squeeze3A_256 = vector.extract %slice3A_255[0] : i32 from vector<1xi32>
    %dma_start3A_257 = arith.constant 7 : i32
    %dma_start3A_258 = arith.constant 0 : i32
    %dma_start3A_259 = tpu.memref_slice %arg12[%dma_start3A_257, %dma_start3A_258] : memref<32x64xf32, #tpu.memory_space<vmem>> -> memref<1x64xf32, #tpu.memory_space<vmem>>
    %dma_start3A_260 = arith.constant 0 : i32
    %dma_start3A_261 = tpu.memref_slice %arg5[%squeeze3A_256, %dma_start3A_260] : memref<1000000x64xf32, #tpu.memory_space<hbm>> -> memref<1x64xf32, #tpu.memory_space<hbm>>
    %dma_start3A_262 = arith.constant 7 : i32
    %dma_start3A_263 = arith.constant 0 : i32
    %dma_start3A_264 = tpu.memref_slice %arg12[%dma_start3A_262, %dma_start3A_263] : memref<32x64xf32, #tpu.memory_space<vmem>> -> memref<1x64xf32, #tpu.memory_space<vmem>>
    %dma_start3A_265 = arith.constant 0 : i32
    %dma_start3A_266 = tpu.memref_slice %arg5[%squeeze3A_256, %dma_start3A_265] : memref<1000000x64xf32, #tpu.memory_space<hbm>> -> memref<1x64xf32, #tpu.memory_space<hbm>>
    tpu.enqueue_dma source(%dma_start3A_266 : memref<1x64xf32, #tpu.memory_space<hbm>>) target(%dma_start3A_264 : memref<1x64xf32, #tpu.memory_space<vmem>>) target_semaphore(%arg16 : memref<!tpu.dma_semaphore, #tpu.memory_space<semaphore_mem>>)
    %slice3A_267 = vector.extract_strided_slice %get3A_72 {offsets = [8], sizes = [1], strides = [1]} : vector<16xi32> to vector<1xi32>
    %squeeze3A_268 = vector.extract %slice3A_267[0] : i32 from vector<1xi32>
    %dma_start3A_269 = arith.constant 8 : i32
    %dma_start3A_270 = arith.constant 0 : i32
    %dma_start3A_271 = tpu.memref_slice %arg11[%dma_start3A_269, %dma_start3A_270] : memref<32x64xf32, #tpu.memory_space<vmem>> -> memref<1x64xf32, #tpu.memory_space<vmem>>
    %dma_start3A_272 = arith.constant 0 : i32
    %dma_start3A_273 = tpu.memref_slice %arg4[%squeeze3A_268, %dma_start3A_272] : memref<1000000x64xf32, #tpu.memory_space<hbm>> -> memref<1x64xf32, #tpu.memory_space<hbm>>
    %dma_start3A_274 = arith.constant 8 : i32
    %dma_start3A_275 = arith.constant 0 : i32
    %dma_start3A_276 = tpu.memref_slice %arg11[%dma_start3A_274, %dma_start3A_275] : memref<32x64xf32, #tpu.memory_space<vmem>> -> memref<1x64xf32, #tpu.memory_space<vmem>>
    %dma_start3A_277 = arith.constant 0 : i32
    %dma_start3A_278 = tpu.memref_slice %arg4[%squeeze3A_268, %dma_start3A_277] : memref<1000000x64xf32, #tpu.memory_space<hbm>> -> memref<1x64xf32, #tpu.memory_space<hbm>>
    tpu.enqueue_dma source(%dma_start3A_278 : memref<1x64xf32, #tpu.memory_space<hbm>>) target(%dma_start3A_276 : memref<1x64xf32, #tpu.memory_space<vmem>>) target_semaphore(%arg16 : memref<!tpu.dma_semaphore, #tpu.memory_space<semaphore_mem>>)
    %slice3A_279 = vector.extract_strided_slice %get3A_76 {offsets = [8], sizes = [1], strides = [1]} : vector<16xi32> to vector<1xi32>
    %squeeze3A_280 = vector.extract %slice3A_279[0] : i32 from vector<1xi32>
    %dma_start3A_281 = arith.constant 8 : i32
    %dma_start3A_282 = arith.constant 0 : i32
    %dma_start3A_283 = tpu.memref_slice %arg12[%dma_start3A_281, %dma_start3A_282] : memref<32x64xf32, #tpu.memory_space<vmem>> -> memref<1x64xf32, #tpu.memory_space<vmem>>
    %dma_start3A_284 = arith.constant 0 : i32
    %dma_start3A_285 = tpu.memref_slice %arg5[%squeeze3A_280, %dma_start3A_284] : memref<1000000x64xf32, #tpu.memory_space<hbm>> -> memref<1x64xf32, #tpu.memory_space<hbm>>
    %dma_start3A_286 = arith.constant 8 : i32
    %dma_start3A_287 = arith.constant 0 : i32
    %dma_start3A_288 = tpu.memref_slice %arg12[%dma_start3A_286, %dma_start3A_287] : memref<32x64xf32, #tpu.memory_space<vmem>> -> memref<1x64xf32, #tpu.memory_space<vmem>>
    %dma_start3A_289 = arith.constant 0 : i32
    %dma_start3A_290 = tpu.memref_slice %arg5[%squeeze3A_280, %dma_start3A_289] : memref<1000000x64xf32, #tpu.memory_space<hbm>> -> memref<1x64xf32, #tpu.memory_space<hbm>>
    tpu.enqueue_dma source(%dma_start3A_290 : memref<1x64xf32, #tpu.memory_space<hbm>>) target(%dma_start3A_288 : memref<1x64xf32, #tpu.memory_space<vmem>>) target_semaphore(%arg16 : memref<!tpu.dma_semaphore, #tpu.memory_space<semaphore_mem>>)
    %slice3A_291 = vector.extract_strided_slice %get3A_72 {offsets = [9], sizes = [1], strides = [1]} : vector<16xi32> to vector<1xi32>
    %squeeze3A_292 = vector.extract %slice3A_291[0] : i32 from vector<1xi32>
    %dma_start3A_293 = arith.constant 9 : i32
    %dma_start3A_294 = arith.constant 0 : i32
    %dma_start3A_295 = tpu.memref_slice %arg11[%dma_start3A_293, %dma_start3A_294] : memref<32x64xf32, #tpu.memory_space<vmem>> -> memref<1x64xf32, #tpu.memory_space<vmem>>
    %dma_start3A_296 = arith.constant 0 : i32
    %dma_start3A_297 = tpu.memref_slice %arg4[%squeeze3A_292, %dma_start3A_296] : memref<1000000x64xf32, #tpu.memory_space<hbm>> -> memref<1x64xf32, #tpu.memory_space<hbm>>
    %dma_start3A_298 = arith.constant 9 : i32
    %dma_start3A_299 = arith.constant 0 : i32
    %dma_start3A_300 = tpu.memref_slice %arg11[%dma_start3A_298, %dma_start3A_299] : memref<32x64xf32, #tpu.memory_space<vmem>> -> memref<1x64xf32, #tpu.memory_space<vmem>>
    %dma_start3A_301 = arith.constant 0 : i32
    %dma_start3A_302 = tpu.memref_slice %arg4[%squeeze3A_292, %dma_start3A_301] : memref<1000000x64xf32, #tpu.memory_space<hbm>> -> memref<1x64xf32, #tpu.memory_space<hbm>>
    tpu.enqueue_dma source(%dma_start3A_302 : memref<1x64xf32, #tpu.memory_space<hbm>>) target(%dma_start3A_300 : memref<1x64xf32, #tpu.memory_space<vmem>>) target_semaphore(%arg16 : memref<!tpu.dma_semaphore, #tpu.memory_space<semaphore_mem>>)
    %slice3A_303 = vector.extract_strided_slice %get3A_76 {offsets = [9], sizes = [1], strides = [1]} : vector<16xi32> to vector<1xi32>
    %squeeze3A_304 = vector.extract %slice3A_303[0] : i32 from vector<1xi32>
    %dma_start3A_305 = arith.constant 9 : i32
    %dma_start3A_306 = arith.constant 0 : i32
    %dma_start3A_307 = tpu.memref_slice %arg12[%dma_start3A_305, %dma_start3A_306] : memref<32x64xf32, #tpu.memory_space<vmem>> -> memref<1x64xf32, #tpu.memory_space<vmem>>
    %dma_start3A_308 = arith.constant 0 : i32
    %dma_start3A_309 = tpu.memref_slice %arg5[%squeeze3A_304, %dma_start3A_308] : memref<1000000x64xf32, #tpu.memory_space<hbm>> -> memref<1x64xf32, #tpu.memory_space<hbm>>
    %dma_start3A_310 = arith.constant 9 : i32
    %dma_start3A_311 = arith.constant 0 : i32
    %dma_start3A_312 = tpu.memref_slice %arg12[%dma_start3A_310, %dma_start3A_311] : memref<32x64xf32, #tpu.memory_space<vmem>> -> memref<1x64xf32, #tpu.memory_space<vmem>>
    %dma_start3A_313 = arith.constant 0 : i32
    %dma_start3A_314 = tpu.memref_slice %arg5[%squeeze3A_304, %dma_start3A_313] : memref<1000000x64xf32, #tpu.memory_space<hbm>> -> memref<1x64xf32, #tpu.memory_space<hbm>>
    tpu.enqueue_dma source(%dma_start3A_314 : memref<1x64xf32, #tpu.memory_space<hbm>>) target(%dma_start3A_312 : memref<1x64xf32, #tpu.memory_space<vmem>>) target_semaphore(%arg16 : memref<!tpu.dma_semaphore, #tpu.memory_space<semaphore_mem>>)
    %slice3A_315 = vector.extract_strided_slice %get3A_72 {offsets = [10], sizes = [1], strides = [1]} : vector<16xi32> to vector<1xi32>
    %squeeze3A_316 = vector.extract %slice3A_315[0] : i32 from vector<1xi32>
    %dma_start3A_317 = arith.constant 10 : i32
    %dma_start3A_318 = arith.constant 0 : i32
    %dma_start3A_319 = tpu.memref_slice %arg11[%dma_start3A_317, %dma_start3A_318] : memref<32x64xf32, #tpu.memory_space<vmem>> -> memref<1x64xf32, #tpu.memory_space<vmem>>
    %dma_start3A_320 = arith.constant 0 : i32
    %dma_start3A_321 = tpu.memref_slice %arg4[%squeeze3A_316, %dma_start3A_320] : memref<1000000x64xf32, #tpu.memory_space<hbm>> -> memref<1x64xf32, #tpu.memory_space<hbm>>
    %dma_start3A_322 = arith.constant 10 : i32
    %dma_start3A_323 = arith.constant 0 : i32
    %dma_start3A_324 = tpu.memref_slice %arg11[%dma_start3A_322, %dma_start3A_323] : memref<32x64xf32, #tpu.memory_space<vmem>> -> memref<1x64xf32, #tpu.memory_space<vmem>>
    %dma_start3A_325 = arith.constant 0 : i32
    %dma_start3A_326 = tpu.memref_slice %arg4[%squeeze3A_316, %dma_start3A_325] : memref<1000000x64xf32, #tpu.memory_space<hbm>> -> memref<1x64xf32, #tpu.memory_space<hbm>>
    tpu.enqueue_dma source(%dma_start3A_326 : memref<1x64xf32, #tpu.memory_space<hbm>>) target(%dma_start3A_324 : memref<1x64xf32, #tpu.memory_space<vmem>>) target_semaphore(%arg16 : memref<!tpu.dma_semaphore, #tpu.memory_space<semaphore_mem>>)
    %slice3A_327 = vector.extract_strided_slice %get3A_76 {offsets = [10], sizes = [1], strides = [1]} : vector<16xi32> to vector<1xi32>
    %squeeze3A_328 = vector.extract %slice3A_327[0] : i32 from vector<1xi32>
    %dma_start3A_329 = arith.constant 10 : i32
    %dma_start3A_330 = arith.constant 0 : i32
    %dma_start3A_331 = tpu.memref_slice %arg12[%dma_start3A_329, %dma_start3A_330] : memref<32x64xf32, #tpu.memory_space<vmem>> -> memref<1x64xf32, #tpu.memory_space<vmem>>
    %dma_start3A_332 = arith.constant 0 : i32
    %dma_start3A_333 = tpu.memref_slice %arg5[%squeeze3A_328, %dma_start3A_332] : memref<1000000x64xf32, #tpu.memory_space<hbm>> -> memref<1x64xf32, #tpu.memory_space<hbm>>
    %dma_start3A_334 = arith.constant 10 : i32
    %dma_start3A_335 = arith.constant 0 : i32
    %dma_start3A_336 = tpu.memref_slice %arg12[%dma_start3A_334, %dma_start3A_335] : memref<32x64xf32, #tpu.memory_space<vmem>> -> memref<1x64xf32, #tpu.memory_space<vmem>>
    %dma_start3A_337 = arith.constant 0 : i32
    %dma_start3A_338 = tpu.memref_slice %arg5[%squeeze3A_328, %dma_start3A_337] : memref<1000000x64xf32, #tpu.memory_space<hbm>> -> memref<1x64xf32, #tpu.memory_space<hbm>>
    tpu.enqueue_dma source(%dma_start3A_338 : memref<1x64xf32, #tpu.memory_space<hbm>>) target(%dma_start3A_336 : memref<1x64xf32, #tpu.memory_space<vmem>>) target_semaphore(%arg16 : memref<!tpu.dma_semaphore, #tpu.memory_space<semaphore_mem>>)
    %slice3A_339 = vector.extract_strided_slice %get3A_72 {offsets = [11], sizes = [1], strides = [1]} : vector<16xi32> to vector<1xi32>
    %squeeze3A_340 = vector.extract %slice3A_339[0] : i32 from vector<1xi32>
    %dma_start3A_341 = arith.constant 11 : i32
    %dma_start3A_342 = arith.constant 0 : i32
    %dma_start3A_343 = tpu.memref_slice %arg11[%dma_start3A_341, %dma_start3A_342] : memref<32x64xf32, #tpu.memory_space<vmem>> -> memref<1x64xf32, #tpu.memory_space<vmem>>
    %dma_start3A_344 = arith.constant 0 : i32
    %dma_start3A_345 = tpu.memref_slice %arg4[%squeeze3A_340, %dma_start3A_344] : memref<1000000x64xf32, #tpu.memory_space<hbm>> -> memref<1x64xf32, #tpu.memory_space<hbm>>
    %dma_start3A_346 = arith.constant 11 : i32
    %dma_start3A_347 = arith.constant 0 : i32
    %dma_start3A_348 = tpu.memref_slice %arg11[%dma_start3A_346, %dma_start3A_347] : memref<32x64xf32, #tpu.memory_space<vmem>> -> memref<1x64xf32, #tpu.memory_space<vmem>>
    %dma_start3A_349 = arith.constant 0 : i32
    %dma_start3A_350 = tpu.memref_slice %arg4[%squeeze3A_340, %dma_start3A_349] : memref<1000000x64xf32, #tpu.memory_space<hbm>> -> memref<1x64xf32, #tpu.memory_space<hbm>>
    tpu.enqueue_dma source(%dma_start3A_350 : memref<1x64xf32, #tpu.memory_space<hbm>>) target(%dma_start3A_348 : memref<1x64xf32, #tpu.memory_space<vmem>>) target_semaphore(%arg16 : memref<!tpu.dma_semaphore, #tpu.memory_space<semaphore_mem>>)
    %slice3A_351 = vector.extract_strided_slice %get3A_76 {offsets = [11], sizes = [1], strides = [1]} : vector<16xi32> to vector<1xi32>
    %squeeze3A_352 = vector.extract %slice3A_351[0] : i32 from vector<1xi32>
    %dma_start3A_353 = arith.constant 11 : i32
    %dma_start3A_354 = arith.constant 0 : i32
    %dma_start3A_355 = tpu.memref_slice %arg12[%dma_start3A_353, %dma_start3A_354] : memref<32x64xf32, #tpu.memory_space<vmem>> -> memref<1x64xf32, #tpu.memory_space<vmem>>
    %dma_start3A_356 = arith.constant 0 : i32
    %dma_start3A_357 = tpu.memref_slice %arg5[%squeeze3A_352, %dma_start3A_356] : memref<1000000x64xf32, #tpu.memory_space<hbm>> -> memref<1x64xf32, #tpu.memory_space<hbm>>
    %dma_start3A_358 = arith.constant 11 : i32
    %dma_start3A_359 = arith.constant 0 : i32
    %dma_start3A_360 = tpu.memref_slice %arg12[%dma_start3A_358, %dma_start3A_359] : memref<32x64xf32, #tpu.memory_space<vmem>> -> memref<1x64xf32, #tpu.memory_space<vmem>>
    %dma_start3A_361 = arith.constant 0 : i32
    %dma_start3A_362 = tpu.memref_slice %arg5[%squeeze3A_352, %dma_start3A_361] : memref<1000000x64xf32, #tpu.memory_space<hbm>> -> memref<1x64xf32, #tpu.memory_space<hbm>>
    tpu.enqueue_dma source(%dma_start3A_362 : memref<1x64xf32, #tpu.memory_space<hbm>>) target(%dma_start3A_360 : memref<1x64xf32, #tpu.memory_space<vmem>>) target_semaphore(%arg16 : memref<!tpu.dma_semaphore, #tpu.memory_space<semaphore_mem>>)
    %slice3A_363 = vector.extract_strided_slice %get3A_72 {offsets = [12], sizes = [1], strides = [1]} : vector<16xi32> to vector<1xi32>
    %squeeze3A_364 = vector.extract %slice3A_363[0] : i32 from vector<1xi32>
    %dma_start3A_365 = arith.constant 12 : i32
    %dma_start3A_366 = arith.constant 0 : i32
    %dma_start3A_367 = tpu.memref_slice %arg11[%dma_start3A_365, %dma_start3A_366] : memref<32x64xf32, #tpu.memory_space<vmem>> -> memref<1x64xf32, #tpu.memory_space<vmem>>
    %dma_start3A_368 = arith.constant 0 : i32
    %dma_start3A_369 = tpu.memref_slice %arg4[%squeeze3A_364, %dma_start3A_368] : memref<1000000x64xf32, #tpu.memory_space<hbm>> -> memref<1x64xf32, #tpu.memory_space<hbm>>
    %dma_start3A_370 = arith.constant 12 : i32
    %dma_start3A_371 = arith.constant 0 : i32
    %dma_start3A_372 = tpu.memref_slice %arg11[%dma_start3A_370, %dma_start3A_371] : memref<32x64xf32, #tpu.memory_space<vmem>> -> memref<1x64xf32, #tpu.memory_space<vmem>>
    %dma_start3A_373 = arith.constant 0 : i32
    %dma_start3A_374 = tpu.memref_slice %arg4[%squeeze3A_364, %dma_start3A_373] : memref<1000000x64xf32, #tpu.memory_space<hbm>> -> memref<1x64xf32, #tpu.memory_space<hbm>>
    tpu.enqueue_dma source(%dma_start3A_374 : memref<1x64xf32, #tpu.memory_space<hbm>>) target(%dma_start3A_372 : memref<1x64xf32, #tpu.memory_space<vmem>>) target_semaphore(%arg16 : memref<!tpu.dma_semaphore, #tpu.memory_space<semaphore_mem>>)
    %slice3A_375 = vector.extract_strided_slice %get3A_76 {offsets = [12], sizes = [1], strides = [1]} : vector<16xi32> to vector<1xi32>
    %squeeze3A_376 = vector.extract %slice3A_375[0] : i32 from vector<1xi32>
    %dma_start3A_377 = arith.constant 12 : i32
    %dma_start3A_378 = arith.constant 0 : i32
    %dma_start3A_379 = tpu.memref_slice %arg12[%dma_start3A_377, %dma_start3A_378] : memref<32x64xf32, #tpu.memory_space<vmem>> -> memref<1x64xf32, #tpu.memory_space<vmem>>
    %dma_start3A_380 = arith.constant 0 : i32
    %dma_start3A_381 = tpu.memref_slice %arg5[%squeeze3A_376, %dma_start3A_380] : memref<1000000x64xf32, #tpu.memory_space<hbm>> -> memref<1x64xf32, #tpu.memory_space<hbm>>
    %dma_start3A_382 = arith.constant 12 : i32
    %dma_start3A_383 = arith.constant 0 : i32
    %dma_start3A_384 = tpu.memref_slice %arg12[%dma_start3A_382, %dma_start3A_383] : memref<32x64xf32, #tpu.memory_space<vmem>> -> memref<1x64xf32, #tpu.memory_space<vmem>>
    %dma_start3A_385 = arith.constant 0 : i32
    %dma_start3A_386 = tpu.memref_slice %arg5[%squeeze3A_376, %dma_start3A_385] : memref<1000000x64xf32, #tpu.memory_space<hbm>> -> memref<1x64xf32, #tpu.memory_space<hbm>>
    tpu.enqueue_dma source(%dma_start3A_386 : memref<1x64xf32, #tpu.memory_space<hbm>>) target(%dma_start3A_384 : memref<1x64xf32, #tpu.memory_space<vmem>>) target_semaphore(%arg16 : memref<!tpu.dma_semaphore, #tpu.memory_space<semaphore_mem>>)
    %slice3A_387 = vector.extract_strided_slice %get3A_72 {offsets = [13], sizes = [1], strides = [1]} : vector<16xi32> to vector<1xi32>
    %squeeze3A_388 = vector.extract %slice3A_387[0] : i32 from vector<1xi32>
    %dma_start3A_389 = arith.constant 13 : i32
    %dma_start3A_390 = arith.constant 0 : i32
    %dma_start3A_391 = tpu.memref_slice %arg11[%dma_start3A_389, %dma_start3A_390] : memref<32x64xf32, #tpu.memory_space<vmem>> -> memref<1x64xf32, #tpu.memory_space<vmem>>
    %dma_start3A_392 = arith.constant 0 : i32
    %dma_start3A_393 = tpu.memref_slice %arg4[%squeeze3A_388, %dma_start3A_392] : memref<1000000x64xf32, #tpu.memory_space<hbm>> -> memref<1x64xf32, #tpu.memory_space<hbm>>
    %dma_start3A_394 = arith.constant 13 : i32
    %dma_start3A_395 = arith.constant 0 : i32
    %dma_start3A_396 = tpu.memref_slice %arg11[%dma_start3A_394, %dma_start3A_395] : memref<32x64xf32, #tpu.memory_space<vmem>> -> memref<1x64xf32, #tpu.memory_space<vmem>>
    %dma_start3A_397 = arith.constant 0 : i32
    %dma_start3A_398 = tpu.memref_slice %arg4[%squeeze3A_388, %dma_start3A_397] : memref<1000000x64xf32, #tpu.memory_space<hbm>> -> memref<1x64xf32, #tpu.memory_space<hbm>>
    tpu.enqueue_dma source(%dma_start3A_398 : memref<1x64xf32, #tpu.memory_space<hbm>>) target(%dma_start3A_396 : memref<1x64xf32, #tpu.memory_space<vmem>>) target_semaphore(%arg16 : memref<!tpu.dma_semaphore, #tpu.memory_space<semaphore_mem>>)
    %slice3A_399 = vector.extract_strided_slice %get3A_76 {offsets = [13], sizes = [1], strides = [1]} : vector<16xi32> to vector<1xi32>
    %squeeze3A_400 = vector.extract %slice3A_399[0] : i32 from vector<1xi32>
    %dma_start3A_401 = arith.constant 13 : i32
    %dma_start3A_402 = arith.constant 0 : i32
    %dma_start3A_403 = tpu.memref_slice %arg12[%dma_start3A_401, %dma_start3A_402] : memref<32x64xf32, #tpu.memory_space<vmem>> -> memref<1x64xf32, #tpu.memory_space<vmem>>
    %dma_start3A_404 = arith.constant 0 : i32
    %dma_start3A_405 = tpu.memref_slice %arg5[%squeeze3A_400, %dma_start3A_404] : memref<1000000x64xf32, #tpu.memory_space<hbm>> -> memref<1x64xf32, #tpu.memory_space<hbm>>
    %dma_start3A_406 = arith.constant 13 : i32
    %dma_start3A_407 = arith.constant 0 : i32
    %dma_start3A_408 = tpu.memref_slice %arg12[%dma_start3A_406, %dma_start3A_407] : memref<32x64xf32, #tpu.memory_space<vmem>> -> memref<1x64xf32, #tpu.memory_space<vmem>>
    %dma_start3A_409 = arith.constant 0 : i32
    %dma_start3A_410 = tpu.memref_slice %arg5[%squeeze3A_400, %dma_start3A_409] : memref<1000000x64xf32, #tpu.memory_space<hbm>> -> memref<1x64xf32, #tpu.memory_space<hbm>>
    tpu.enqueue_dma source(%dma_start3A_410 : memref<1x64xf32, #tpu.memory_space<hbm>>) target(%dma_start3A_408 : memref<1x64xf32, #tpu.memory_space<vmem>>) target_semaphore(%arg16 : memref<!tpu.dma_semaphore, #tpu.memory_space<semaphore_mem>>)
    %slice3A_411 = vector.extract_strided_slice %get3A_72 {offsets = [14], sizes = [1], strides = [1]} : vector<16xi32> to vector<1xi32>
    %squeeze3A_412 = vector.extract %slice3A_411[0] : i32 from vector<1xi32>
    %dma_start3A_413 = arith.constant 14 : i32
    %dma_start3A_414 = arith.constant 0 : i32
    %dma_start3A_415 = tpu.memref_slice %arg11[%dma_start3A_413, %dma_start3A_414] : memref<32x64xf32, #tpu.memory_space<vmem>> -> memref<1x64xf32, #tpu.memory_space<vmem>>
    %dma_start3A_416 = arith.constant 0 : i32
    %dma_start3A_417 = tpu.memref_slice %arg4[%squeeze3A_412, %dma_start3A_416] : memref<1000000x64xf32, #tpu.memory_space<hbm>> -> memref<1x64xf32, #tpu.memory_space<hbm>>
    %dma_start3A_418 = arith.constant 14 : i32
    %dma_start3A_419 = arith.constant 0 : i32
    %dma_start3A_420 = tpu.memref_slice %arg11[%dma_start3A_418, %dma_start3A_419] : memref<32x64xf32, #tpu.memory_space<vmem>> -> memref<1x64xf32, #tpu.memory_space<vmem>>
    %dma_start3A_421 = arith.constant 0 : i32
    %dma_start3A_422 = tpu.memref_slice %arg4[%squeeze3A_412, %dma_start3A_421] : memref<1000000x64xf32, #tpu.memory_space<hbm>> -> memref<1x64xf32, #tpu.memory_space<hbm>>
    tpu.enqueue_dma source(%dma_start3A_422 : memref<1x64xf32, #tpu.memory_space<hbm>>) target(%dma_start3A_420 : memref<1x64xf32, #tpu.memory_space<vmem>>) target_semaphore(%arg16 : memref<!tpu.dma_semaphore, #tpu.memory_space<semaphore_mem>>)
    %slice3A_423 = vector.extract_strided_slice %get3A_76 {offsets = [14], sizes = [1], strides = [1]} : vector<16xi32> to vector<1xi32>
    %squeeze3A_424 = vector.extract %slice3A_423[0] : i32 from vector<1xi32>
    %dma_start3A_425 = arith.constant 14 : i32
    %dma_start3A_426 = arith.constant 0 : i32
    %dma_start3A_427 = tpu.memref_slice %arg12[%dma_start3A_425, %dma_start3A_426] : memref<32x64xf32, #tpu.memory_space<vmem>> -> memref<1x64xf32, #tpu.memory_space<vmem>>
    %dma_start3A_428 = arith.constant 0 : i32
    %dma_start3A_429 = tpu.memref_slice %arg5[%squeeze3A_424, %dma_start3A_428] : memref<1000000x64xf32, #tpu.memory_space<hbm>> -> memref<1x64xf32, #tpu.memory_space<hbm>>
    %dma_start3A_430 = arith.constant 14 : i32
    %dma_start3A_431 = arith.constant 0 : i32
    %dma_start3A_432 = tpu.memref_slice %arg12[%dma_start3A_430, %dma_start3A_431] : memref<32x64xf32, #tpu.memory_space<vmem>> -> memref<1x64xf32, #tpu.memory_space<vmem>>
    %dma_start3A_433 = arith.constant 0 : i32
    %dma_start3A_434 = tpu.memref_slice %arg5[%squeeze3A_424, %dma_start3A_433] : memref<1000000x64xf32, #tpu.memory_space<hbm>> -> memref<1x64xf32, #tpu.memory_space<hbm>>
    tpu.enqueue_dma source(%dma_start3A_434 : memref<1x64xf32, #tpu.memory_space<hbm>>) target(%dma_start3A_432 : memref<1x64xf32, #tpu.memory_space<vmem>>) target_semaphore(%arg16 : memref<!tpu.dma_semaphore, #tpu.memory_space<semaphore_mem>>)
    %slice3A_435 = vector.extract_strided_slice %get3A_72 {offsets = [15], sizes = [1], strides = [1]} : vector<16xi32> to vector<1xi32>
    %squeeze3A_436 = vector.extract %slice3A_435[0] : i32 from vector<1xi32>
    %dma_start3A_437 = arith.constant 15 : i32
    %dma_start3A_438 = arith.constant 0 : i32
    %dma_start3A_439 = tpu.memref_slice %arg11[%dma_start3A_437, %dma_start3A_438] : memref<32x64xf32, #tpu.memory_space<vmem>> -> memref<1x64xf32, #tpu.memory_space<vmem>>
    %dma_start3A_440 = arith.constant 0 : i32
    %dma_start3A_441 = tpu.memref_slice %arg4[%squeeze3A_436, %dma_start3A_440] : memref<1000000x64xf32, #tpu.memory_space<hbm>> -> memref<1x64xf32, #tpu.memory_space<hbm>>
    %dma_start3A_442 = arith.constant 15 : i32
    %dma_start3A_443 = arith.constant 0 : i32
    %dma_start3A_444 = tpu.memref_slice %arg11[%dma_start3A_442, %dma_start3A_443] : memref<32x64xf32, #tpu.memory_space<vmem>> -> memref<1x64xf32, #tpu.memory_space<vmem>>
    %dma_start3A_445 = arith.constant 0 : i32
    %dma_start3A_446 = tpu.memref_slice %arg4[%squeeze3A_436, %dma_start3A_445] : memref<1000000x64xf32, #tpu.memory_space<hbm>> -> memref<1x64xf32, #tpu.memory_space<hbm>>
    tpu.enqueue_dma source(%dma_start3A_446 : memref<1x64xf32, #tpu.memory_space<hbm>>) target(%dma_start3A_444 : memref<1x64xf32, #tpu.memory_space<vmem>>) target_semaphore(%arg16 : memref<!tpu.dma_semaphore, #tpu.memory_space<semaphore_mem>>)
    %slice3A_447 = vector.extract_strided_slice %get3A_76 {offsets = [15], sizes = [1], strides = [1]} : vector<16xi32> to vector<1xi32>
    %squeeze3A_448 = vector.extract %slice3A_447[0] : i32 from vector<1xi32>
    %dma_start3A_449 = arith.constant 15 : i32
    %dma_start3A_450 = arith.constant 0 : i32
    %dma_start3A_451 = tpu.memref_slice %arg12[%dma_start3A_449, %dma_start3A_450] : memref<32x64xf32, #tpu.memory_space<vmem>> -> memref<1x64xf32, #tpu.memory_space<vmem>>
    %dma_start3A_452 = arith.constant 0 : i32
    %dma_start3A_453 = tpu.memref_slice %arg5[%squeeze3A_448, %dma_start3A_452] : memref<1000000x64xf32, #tpu.memory_space<hbm>> -> memref<1x64xf32, #tpu.memory_space<hbm>>
    %dma_start3A_454 = arith.constant 15 : i32
    %dma_start3A_455 = arith.constant 0 : i32
    %dma_start3A_456 = tpu.memref_slice %arg12[%dma_start3A_454, %dma_start3A_455] : memref<32x64xf32, #tpu.memory_space<vmem>> -> memref<1x64xf32, #tpu.memory_space<vmem>>
    %dma_start3A_457 = arith.constant 0 : i32
    %dma_start3A_458 = tpu.memref_slice %arg5[%squeeze3A_448, %dma_start3A_457] : memref<1000000x64xf32, #tpu.memory_space<hbm>> -> memref<1x64xf32, #tpu.memory_space<hbm>>
    tpu.enqueue_dma source(%dma_start3A_458 : memref<1x64xf32, #tpu.memory_space<hbm>>) target(%dma_start3A_456 : memref<1x64xf32, #tpu.memory_space<vmem>>) target_semaphore(%arg16 : memref<!tpu.dma_semaphore, #tpu.memory_space<semaphore_mem>>)
    %get3A_459 = arith.constant 0 : i32
    %get3A_460 = arith.index_cast %get3A_459 : i32 to index
    %get3A_461 = arith.constant 16 : index
    %get3A_462 = tpu.vector_load %arg9[%get3A_460, %get3A_461] {strides = array<i32>} : memref<4x128xi32, #tpu.memory_space<vmem>>, vector<16xi32>,
    %get3A_463 = arith.constant 0 : i32
    %get3A_464 = arith.index_cast %get3A_463 : i32 to index
    %get3A_465 = arith.constant 16 : index
    %get3A_466 = tpu.vector_load %arg10[%get3A_464, %get3A_465] {strides = array<i32>} : memref<4x128xi32, #tpu.memory_space<vmem>>, vector<16xi32>,
    %slice3A_467 = vector.extract_strided_slice %get3A_462 {offsets = [0], sizes = [1], strides = [1]} : vector<16xi32> to vector<1xi32>
    %squeeze3A_468 = vector.extract %slice3A_467[0] : i32 from vector<1xi32>
    %dma_start3A_469 = arith.constant 16 : i32
    %dma_start3A_470 = arith.constant 0 : i32
    %dma_start3A_471 = tpu.memref_slice %arg11[%dma_start3A_469, %dma_start3A_470] : memref<32x64xf32, #tpu.memory_space<vmem>> -> memref<1x64xf32, #tpu.memory_space<vmem>>
    %dma_start3A_472 = arith.constant 0 : i32
    %dma_start3A_473 = tpu.memref_slice %arg4[%squeeze3A_468, %dma_start3A_472] : memref<1000000x64xf32, #tpu.memory_space<hbm>> -> memref<1x64xf32, #tpu.memory_space<hbm>>
    %dma_start3A_474 = arith.constant 16 : i32
    %dma_start3A_475 = arith.constant 0 : i32
    %dma_start3A_476 = tpu.memref_slice %arg11[%dma_start3A_474, %dma_start3A_475] : memref<32x64xf32, #tpu.memory_space<vmem>> -> memref<1x64xf32, #tpu.memory_space<vmem>>
    %dma_start3A_477 = arith.constant 0 : i32
    %dma_start3A_478 = tpu.memref_slice %arg4[%squeeze3A_468, %dma_start3A_477] : memref<1000000x64xf32, #tpu.memory_space<hbm>> -> memref<1x64xf32, #tpu.memory_space<hbm>>
    tpu.enqueue_dma source(%dma_start3A_478 : memref<1x64xf32, #tpu.memory_space<hbm>>) target(%dma_start3A_476 : memref<1x64xf32, #tpu.memory_space<vmem>>) target_semaphore(%arg17 : memref<!tpu.dma_semaphore, #tpu.memory_space<semaphore_mem>>)
    %slice3A_479 = vector.extract_strided_slice %get3A_466 {offsets = [0], sizes = [1], strides = [1]} : vector<16xi32> to vector<1xi32>
    %squeeze3A_480 = vector.extract %slice3A_479[0] : i32 from vector<1xi32>
    %dma_start3A_481 = arith.constant 16 : i32
    %dma_start3A_482 = arith.constant 0 : i32
    %dma_start3A_483 = tpu.memref_slice %arg12[%dma_start3A_481, %dma_start3A_482] : memref<32x64xf32, #tpu.memory_space<vmem>> -> memref<1x64xf32, #tpu.memory_space<vmem>>
    %dma_start3A_484 = arith.constant 0 : i32
    %dma_start3A_485 = tpu.memref_slice %arg5[%squeeze3A_480, %dma_start3A_484] : memref<1000000x64xf32, #tpu.memory_space<hbm>> -> memref<1x64xf32, #tpu.memory_space<hbm>>
    %dma_start3A_486 = arith.constant 16 : i32
    %dma_start3A_487 = arith.constant 0 : i32
    %dma_start3A_488 = tpu.memref_slice %arg12[%dma_start3A_486, %dma_start3A_487] : memref<32x64xf32, #tpu.memory_space<vmem>> -> memref<1x64xf32, #tpu.memory_space<vmem>>
    %dma_start3A_489 = arith.constant 0 : i32
    %dma_start3A_490 = tpu.memref_slice %arg5[%squeeze3A_480, %dma_start3A_489] : memref<1000000x64xf32, #tpu.memory_space<hbm>> -> memref<1x64xf32, #tpu.memory_space<hbm>>
    tpu.enqueue_dma source(%dma_start3A_490 : memref<1x64xf32, #tpu.memory_space<hbm>>) target(%dma_start3A_488 : memref<1x64xf32, #tpu.memory_space<vmem>>) target_semaphore(%arg17 : memref<!tpu.dma_semaphore, #tpu.memory_space<semaphore_mem>>)
    %slice3A_491 = vector.extract_strided_slice %get3A_462 {offsets = [1], sizes = [1], strides = [1]} : vector<16xi32> to vector<1xi32>
    %squeeze3A_492 = vector.extract %slice3A_491[0] : i32 from vector<1xi32>
    %dma_start3A_493 = arith.constant 17 : i32
    %dma_start3A_494 = arith.constant 0 : i32
    %dma_start3A_495 = tpu.memref_slice %arg11[%dma_start3A_493, %dma_start3A_494] : memref<32x64xf32, #tpu.memory_space<vmem>> -> memref<1x64xf32, #tpu.memory_space<vmem>>
    %dma_start3A_496 = arith.constant 0 : i32
    %dma_start3A_497 = tpu.memref_slice %arg4[%squeeze3A_492, %dma_start3A_496] : memref<1000000x64xf32, #tpu.memory_space<hbm>> -> memref<1x64xf32, #tpu.memory_space<hbm>>
    %dma_start3A_498 = arith.constant 17 : i32
    %dma_start3A_499 = arith.constant 0 : i32
    %dma_start3A_500 = tpu.memref_slice %arg11[%dma_start3A_498, %dma_start3A_499] : memref<32x64xf32, #tpu.memory_space<vmem>> -> memref<1x64xf32, #tpu.memory_space<vmem>>
    %dma_start3A_501 = arith.constant 0 : i32
    %dma_start3A_502 = tpu.memref_slice %arg4[%squeeze3A_492, %dma_start3A_501] : memref<1000000x64xf32, #tpu.memory_space<hbm>> -> memref<1x64xf32, #tpu.memory_space<hbm>>
    tpu.enqueue_dma source(%dma_start3A_502 : memref<1x64xf32, #tpu.memory_space<hbm>>) target(%dma_start3A_500 : memref<1x64xf32, #tpu.memory_space<vmem>>) target_semaphore(%arg17 : memref<!tpu.dma_semaphore, #tpu.memory_space<semaphore_mem>>)
    %slice3A_503 = vector.extract_strided_slice %get3A_466 {offsets = [1], sizes = [1], strides = [1]} : vector<16xi32> to vector<1xi32>
    %squeeze3A_504 = vector.extract %slice3A_503[0] : i32 from vector<1xi32>
    %dma_start3A_505 = arith.constant 17 : i32
    %dma_start3A_506 = arith.constant 0 : i32
    %dma_start3A_507 = tpu.memref_slice %arg12[%dma_start3A_505, %dma_start3A_506] : memref<32x64xf32, #tpu.memory_space<vmem>> -> memref<1x64xf32, #tpu.memory_space<vmem>>
    %dma_start3A_508 = arith.constant 0 : i32
    %dma_start3A_509 = tpu.memref_slice %arg5[%squeeze3A_504, %dma_start3A_508] : memref<1000000x64xf32, #tpu.memory_space<hbm>> -> memref<1x64xf32, #tpu.memory_space<hbm>>
    %dma_start3A_510 = arith.constant 17 : i32
    %dma_start3A_511 = arith.constant 0 : i32
    %dma_start3A_512 = tpu.memref_slice %arg12[%dma_start3A_510, %dma_start3A_511] : memref<32x64xf32, #tpu.memory_space<vmem>> -> memref<1x64xf32, #tpu.memory_space<vmem>>
    %dma_start3A_513 = arith.constant 0 : i32
    %dma_start3A_514 = tpu.memref_slice %arg5[%squeeze3A_504, %dma_start3A_513] : memref<1000000x64xf32, #tpu.memory_space<hbm>> -> memref<1x64xf32, #tpu.memory_space<hbm>>
    tpu.enqueue_dma source(%dma_start3A_514 : memref<1x64xf32, #tpu.memory_space<hbm>>) target(%dma_start3A_512 : memref<1x64xf32, #tpu.memory_space<vmem>>) target_semaphore(%arg17 : memref<!tpu.dma_semaphore, #tpu.memory_space<semaphore_mem>>)
    %slice3A_515 = vector.extract_strided_slice %get3A_462 {offsets = [2], sizes = [1], strides = [1]} : vector<16xi32> to vector<1xi32>
    %squeeze3A_516 = vector.extract %slice3A_515[0] : i32 from vector<1xi32>
    %dma_start3A_517 = arith.constant 18 : i32
    %dma_start3A_518 = arith.constant 0 : i32
    %dma_start3A_519 = tpu.memref_slice %arg11[%dma_start3A_517, %dma_start3A_518] : memref<32x64xf32, #tpu.memory_space<vmem>> -> memref<1x64xf32, #tpu.memory_space<vmem>>
    %dma_start3A_520 = arith.constant 0 : i32
    %dma_start3A_521 = tpu.memref_slice %arg4[%squeeze3A_516, %dma_start3A_520] : memref<1000000x64xf32, #tpu.memory_space<hbm>> -> memref<1x64xf32, #tpu.memory_space<hbm>>
    %dma_start3A_522 = arith.constant 18 : i32
    %dma_start3A_523 = arith.constant 0 : i32
    %dma_start3A_524 = tpu.memref_slice %arg11[%dma_start3A_522, %dma_start3A_523] : memref<32x64xf32, #tpu.memory_space<vmem>> -> memref<1x64xf32, #tpu.memory_space<vmem>>
    %dma_start3A_525 = arith.constant 0 : i32
    %dma_start3A_526 = tpu.memref_slice %arg4[%squeeze3A_516, %dma_start3A_525] : memref<1000000x64xf32, #tpu.memory_space<hbm>> -> memref<1x64xf32, #tpu.memory_space<hbm>>
    tpu.enqueue_dma source(%dma_start3A_526 : memref<1x64xf32, #tpu.memory_space<hbm>>) target(%dma_start3A_524 : memref<1x64xf32, #tpu.memory_space<vmem>>) target_semaphore(%arg17 : memref<!tpu.dma_semaphore, #tpu.memory_space<semaphore_mem>>)
    %slice3A_527 = vector.extract_strided_slice %get3A_466 {offsets = [2], sizes = [1], strides = [1]} : vector<16xi32> to vector<1xi32>
    %squeeze3A_528 = vector.extract %slice3A_527[0] : i32 from vector<1xi32>
    %dma_start3A_529 = arith.constant 18 : i32
    %dma_start3A_530 = arith.constant 0 : i32
    %dma_start3A_531 = tpu.memref_slice %arg12[%dma_start3A_529, %dma_start3A_530] : memref<32x64xf32, #tpu.memory_space<vmem>> -> memref<1x64xf32, #tpu.memory_space<vmem>>
    %dma_start3A_532 = arith.constant 0 : i32
    %dma_start3A_533 = tpu.memref_slice %arg5[%squeeze3A_528, %dma_start3A_532] : memref<1000000x64xf32, #tpu.memory_space<hbm>> -> memref<1x64xf32, #tpu.memory_space<hbm>>
    %dma_start3A_534 = arith.constant 18 : i32
    %dma_start3A_535 = arith.constant 0 : i32
    %dma_start3A_536 = tpu.memref_slice %arg12[%dma_start3A_534, %dma_start3A_535] : memref<32x64xf32, #tpu.memory_space<vmem>> -> memref<1x64xf32, #tpu.memory_space<vmem>>
    %dma_start3A_537 = arith.constant 0 : i32
    %dma_start3A_538 = tpu.memref_slice %arg5[%squeeze3A_528, %dma_start3A_537] : memref<1000000x64xf32, #tpu.memory_space<hbm>> -> memref<1x64xf32, #tpu.memory_space<hbm>>
    tpu.enqueue_dma source(%dma_start3A_538 : memref<1x64xf32, #tpu.memory_space<hbm>>) target(%dma_start3A_536 : memref<1x64xf32, #tpu.memory_space<vmem>>) target_semaphore(%arg17 : memref<!tpu.dma_semaphore, #tpu.memory_space<semaphore_mem>>)
    %slice3A_539 = vector.extract_strided_slice %get3A_462 {offsets = [3], sizes = [1], strides = [1]} : vector<16xi32> to vector<1xi32>
    %squeeze3A_540 = vector.extract %slice3A_539[0] : i32 from vector<1xi32>
    %dma_start3A_541 = arith.constant 19 : i32
    %dma_start3A_542 = arith.constant 0 : i32
    %dma_start3A_543 = tpu.memref_slice %arg11[%dma_start3A_541, %dma_start3A_542] : memref<32x64xf32, #tpu.memory_space<vmem>> -> memref<1x64xf32, #tpu.memory_space<vmem>>
    %dma_start3A_544 = arith.constant 0 : i32
    %dma_start3A_545 = tpu.memref_slice %arg4[%squeeze3A_540, %dma_start3A_544] : memref<1000000x64xf32, #tpu.memory_space<hbm>> -> memref<1x64xf32, #tpu.memory_space<hbm>>
    %dma_start3A_546 = arith.constant 19 : i32
    %dma_start3A_547 = arith.constant 0 : i32
    %dma_start3A_548 = tpu.memref_slice %arg11[%dma_start3A_546, %dma_start3A_547] : memref<32x64xf32, #tpu.memory_space<vmem>> -> memref<1x64xf32, #tpu.memory_space<vmem>>
    %dma_start3A_549 = arith.constant 0 : i32
    %dma_start3A_550 = tpu.memref_slice %arg4[%squeeze3A_540, %dma_start3A_549] : memref<1000000x64xf32, #tpu.memory_space<hbm>> -> memref<1x64xf32, #tpu.memory_space<hbm>>
    tpu.enqueue_dma source(%dma_start3A_550 : memref<1x64xf32, #tpu.memory_space<hbm>>) target(%dma_start3A_548 : memref<1x64xf32, #tpu.memory_space<vmem>>) target_semaphore(%arg17 : memref<!tpu.dma_semaphore, #tpu.memory_space<semaphore_mem>>)
    %slice3A_551 = vector.extract_strided_slice %get3A_466 {offsets = [3], sizes = [1], strides = [1]} : vector<16xi32> to vector<1xi32>
    %squeeze3A_552 = vector.extract %slice3A_551[0] : i32 from vector<1xi32>
    %dma_start3A_553 = arith.constant 19 : i32
    %dma_start3A_554 = arith.constant 0 : i32
    %dma_start3A_555 = tpu.memref_slice %arg12[%dma_start3A_553, %dma_start3A_554] : memref<32x64xf32, #tpu.memory_space<vmem>> -> memref<1x64xf32, #tpu.memory_space<vmem>>
    %dma_start3A_556 = arith.constant 0 : i32
    %dma_start3A_557 = tpu.memref_slice %arg5[%squeeze3A_552, %dma_start3A_556] : memref<1000000x64xf32, #tpu.memory_space<hbm>> -> memref<1x64xf32, #tpu.memory_space<hbm>>
    %dma_start3A_558 = arith.constant 19 : i32
    %dma_start3A_559 = arith.constant 0 : i32
    %dma_start3A_560 = tpu.memref_slice %arg12[%dma_start3A_558, %dma_start3A_559] : memref<32x64xf32, #tpu.memory_space<vmem>> -> memref<1x64xf32, #tpu.memory_space<vmem>>
    %dma_start3A_561 = arith.constant 0 : i32
    %dma_start3A_562 = tpu.memref_slice %arg5[%squeeze3A_552, %dma_start3A_561] : memref<1000000x64xf32, #tpu.memory_space<hbm>> -> memref<1x64xf32, #tpu.memory_space<hbm>>
    tpu.enqueue_dma source(%dma_start3A_562 : memref<1x64xf32, #tpu.memory_space<hbm>>) target(%dma_start3A_560 : memref<1x64xf32, #tpu.memory_space<vmem>>) target_semaphore(%arg17 : memref<!tpu.dma_semaphore, #tpu.memory_space<semaphore_mem>>)
    %slice3A_563 = vector.extract_strided_slice %get3A_462 {offsets = [4], sizes = [1], strides = [1]} : vector<16xi32> to vector<1xi32>
    %squeeze3A_564 = vector.extract %slice3A_563[0] : i32 from vector<1xi32>
    %dma_start3A_565 = arith.constant 20 : i32
    %dma_start3A_566 = arith.constant 0 : i32
    %dma_start3A_567 = tpu.memref_slice %arg11[%dma_start3A_565, %dma_start3A_566] : memref<32x64xf32, #tpu.memory_space<vmem>> -> memref<1x64xf32, #tpu.memory_space<vmem>>
    %dma_start3A_568 = arith.constant 0 : i32
    %dma_start3A_569 = tpu.memref_slice %arg4[%squeeze3A_564, %dma_start3A_568] : memref<1000000x64xf32, #tpu.memory_space<hbm>> -> memref<1x64xf32, #tpu.memory_space<hbm>>
    %dma_start3A_570 = arith.constant 20 : i32
    %dma_start3A_571 = arith.constant 0 : i32
    %dma_start3A_572 = tpu.memref_slice %arg11[%dma_start3A_570, %dma_start3A_571] : memref<32x64xf32, #tpu.memory_space<vmem>> -> memref<1x64xf32, #tpu.memory_space<vmem>>
    %dma_start3A_573 = arith.constant 0 : i32
    %dma_start3A_574 = tpu.memref_slice %arg4[%squeeze3A_564, %dma_start3A_573] : memref<1000000x64xf32, #tpu.memory_space<hbm>> -> memref<1x64xf32, #tpu.memory_space<hbm>>
    tpu.enqueue_dma source(%dma_start3A_574 : memref<1x64xf32, #tpu.memory_space<hbm>>) target(%dma_start3A_572 : memref<1x64xf32, #tpu.memory_space<vmem>>) target_semaphore(%arg17 : memref<!tpu.dma_semaphore, #tpu.memory_space<semaphore_mem>>)
    %slice3A_575 = vector.extract_strided_slice %get3A_466 {offsets = [4], sizes = [1], strides = [1]} : vector<16xi32> to vector<1xi32>
    %squeeze3A_576 = vector.extract %slice3A_575[0] : i32 from vector<1xi32>
    %dma_start3A_577 = arith.constant 20 : i32
    %dma_start3A_578 = arith.constant 0 : i32
    %dma_start3A_579 = tpu.memref_slice %arg12[%dma_start3A_577, %dma_start3A_578] : memref<32x64xf32, #tpu.memory_space<vmem>> -> memref<1x64xf32, #tpu.memory_space<vmem>>
    %dma_start3A_580 = arith.constant 0 : i32
    %dma_start3A_581 = tpu.memref_slice %arg5[%squeeze3A_576, %dma_start3A_580] : memref<1000000x64xf32, #tpu.memory_space<hbm>> -> memref<1x64xf32, #tpu.memory_space<hbm>>
    %dma_start3A_582 = arith.constant 20 : i32
    %dma_start3A_583 = arith.constant 0 : i32
    %dma_start3A_584 = tpu.memref_slice %arg12[%dma_start3A_582, %dma_start3A_583] : memref<32x64xf32, #tpu.memory_space<vmem>> -> memref<1x64xf32, #tpu.memory_space<vmem>>
    %dma_start3A_585 = arith.constant 0 : i32
    %dma_start3A_586 = tpu.memref_slice %arg5[%squeeze3A_576, %dma_start3A_585] : memref<1000000x64xf32, #tpu.memory_space<hbm>> -> memref<1x64xf32, #tpu.memory_space<hbm>>
    tpu.enqueue_dma source(%dma_start3A_586 : memref<1x64xf32, #tpu.memory_space<hbm>>) target(%dma_start3A_584 : memref<1x64xf32, #tpu.memory_space<vmem>>) target_semaphore(%arg17 : memref<!tpu.dma_semaphore, #tpu.memory_space<semaphore_mem>>)
    %slice3A_587 = vector.extract_strided_slice %get3A_462 {offsets = [5], sizes = [1], strides = [1]} : vector<16xi32> to vector<1xi32>
    %squeeze3A_588 = vector.extract %slice3A_587[0] : i32 from vector<1xi32>
    %dma_start3A_589 = arith.constant 21 : i32
    %dma_start3A_590 = arith.constant 0 : i32
    %dma_start3A_591 = tpu.memref_slice %arg11[%dma_start3A_589, %dma_start3A_590] : memref<32x64xf32, #tpu.memory_space<vmem>> -> memref<1x64xf32, #tpu.memory_space<vmem>>
    %dma_start3A_592 = arith.constant 0 : i32
    %dma_start3A_593 = tpu.memref_slice %arg4[%squeeze3A_588, %dma_start3A_592] : memref<1000000x64xf32, #tpu.memory_space<hbm>> -> memref<1x64xf32, #tpu.memory_space<hbm>>
    %dma_start3A_594 = arith.constant 21 : i32
    %dma_start3A_595 = arith.constant 0 : i32
    %dma_start3A_596 = tpu.memref_slice %arg11[%dma_start3A_594, %dma_start3A_595] : memref<32x64xf32, #tpu.memory_space<vmem>> -> memref<1x64xf32, #tpu.memory_space<vmem>>
    %dma_start3A_597 = arith.constant 0 : i32
    %dma_start3A_598 = tpu.memref_slice %arg4[%squeeze3A_588, %dma_start3A_597] : memref<1000000x64xf32, #tpu.memory_space<hbm>> -> memref<1x64xf32, #tpu.memory_space<hbm>>
    tpu.enqueue_dma source(%dma_start3A_598 : memref<1x64xf32, #tpu.memory_space<hbm>>) target(%dma_start3A_596 : memref<1x64xf32, #tpu.memory_space<vmem>>) target_semaphore(%arg17 : memref<!tpu.dma_semaphore, #tpu.memory_space<semaphore_mem>>)
    %slice3A_599 = vector.extract_strided_slice %get3A_466 {offsets = [5], sizes = [1], strides = [1]} : vector<16xi32> to vector<1xi32>
    %squeeze3A_600 = vector.extract %slice3A_599[0] : i32 from vector<1xi32>
    %dma_start3A_601 = arith.constant 21 : i32
    %dma_start3A_602 = arith.constant 0 : i32
    %dma_start3A_603 = tpu.memref_slice %arg12[%dma_start3A_601, %dma_start3A_602] : memref<32x64xf32, #tpu.memory_space<vmem>> -> memref<1x64xf32, #tpu.memory_space<vmem>>
    %dma_start3A_604 = arith.constant 0 : i32
    %dma_start3A_605 = tpu.memref_slice %arg5[%squeeze3A_600, %dma_start3A_604] : memref<1000000x64xf32, #tpu.memory_space<hbm>> -> memref<1x64xf32, #tpu.memory_space<hbm>>
    %dma_start3A_606 = arith.constant 21 : i32
    %dma_start3A_607 = arith.constant 0 : i32
    %dma_start3A_608 = tpu.memref_slice %arg12[%dma_start3A_606, %dma_start3A_607] : memref<32x64xf32, #tpu.memory_space<vmem>> -> memref<1x64xf32, #tpu.memory_space<vmem>>
    %dma_start3A_609 = arith.constant 0 : i32
    %dma_start3A_610 = tpu.memref_slice %arg5[%squeeze3A_600, %dma_start3A_609] : memref<1000000x64xf32, #tpu.memory_space<hbm>> -> memref<1x64xf32, #tpu.memory_space<hbm>>
    tpu.enqueue_dma source(%dma_start3A_610 : memref<1x64xf32, #tpu.memory_space<hbm>>) target(%dma_start3A_608 : memref<1x64xf32, #tpu.memory_space<vmem>>) target_semaphore(%arg17 : memref<!tpu.dma_semaphore, #tpu.memory_space<semaphore_mem>>)
    %slice3A_611 = vector.extract_strided_slice %get3A_462 {offsets = [6], sizes = [1], strides = [1]} : vector<16xi32> to vector<1xi32>
    %squeeze3A_612 = vector.extract %slice3A_611[0] : i32 from vector<1xi32>
    %dma_start3A_613 = arith.constant 22 : i32
    %dma_start3A_614 = arith.constant 0 : i32
    %dma_start3A_615 = tpu.memref_slice %arg11[%dma_start3A_613, %dma_start3A_614] : memref<32x64xf32, #tpu.memory_space<vmem>> -> memref<1x64xf32, #tpu.memory_space<vmem>>
    %dma_start3A_616 = arith.constant 0 : i32
    %dma_start3A_617 = tpu.memref_slice %arg4[%squeeze3A_612, %dma_start3A_616] : memref<1000000x64xf32, #tpu.memory_space<hbm>> -> memref<1x64xf32, #tpu.memory_space<hbm>>
    %dma_start3A_618 = arith.constant 22 : i32
    %dma_start3A_619 = arith.constant 0 : i32
    %dma_start3A_620 = tpu.memref_slice %arg11[%dma_start3A_618, %dma_start3A_619] : memref<32x64xf32, #tpu.memory_space<vmem>> -> memref<1x64xf32, #tpu.memory_space<vmem>>
    %dma_start3A_621 = arith.constant 0 : i32
    %dma_start3A_622 = tpu.memref_slice %arg4[%squeeze3A_612, %dma_start3A_621] : memref<1000000x64xf32, #tpu.memory_space<hbm>> -> memref<1x64xf32, #tpu.memory_space<hbm>>
    tpu.enqueue_dma source(%dma_start3A_622 : memref<1x64xf32, #tpu.memory_space<hbm>>) target(%dma_start3A_620 : memref<1x64xf32, #tpu.memory_space<vmem>>) target_semaphore(%arg17 : memref<!tpu.dma_semaphore, #tpu.memory_space<semaphore_mem>>)
    %slice3A_623 = vector.extract_strided_slice %get3A_466 {offsets = [6], sizes = [1], strides = [1]} : vector<16xi32> to vector<1xi32>
    %squeeze3A_624 = vector.extract %slice3A_623[0] : i32 from vector<1xi32>
    %dma_start3A_625 = arith.constant 22 : i32
    %dma_start3A_626 = arith.constant 0 : i32
    %dma_start3A_627 = tpu.memref_slice %arg12[%dma_start3A_625, %dma_start3A_626] : memref<32x64xf32, #tpu.memory_space<vmem>> -> memref<1x64xf32, #tpu.memory_space<vmem>>
    %dma_start3A_628 = arith.constant 0 : i32
    %dma_start3A_629 = tpu.memref_slice %arg5[%squeeze3A_624, %dma_start3A_628] : memref<1000000x64xf32, #tpu.memory_space<hbm>> -> memref<1x64xf32, #tpu.memory_space<hbm>>
    %dma_start3A_630 = arith.constant 22 : i32
    %dma_start3A_631 = arith.constant 0 : i32
    %dma_start3A_632 = tpu.memref_slice %arg12[%dma_start3A_630, %dma_start3A_631] : memref<32x64xf32, #tpu.memory_space<vmem>> -> memref<1x64xf32, #tpu.memory_space<vmem>>
    %dma_start3A_633 = arith.constant 0 : i32
    %dma_start3A_634 = tpu.memref_slice %arg5[%squeeze3A_624, %dma_start3A_633] : memref<1000000x64xf32, #tpu.memory_space<hbm>> -> memref<1x64xf32, #tpu.memory_space<hbm>>
    tpu.enqueue_dma source(%dma_start3A_634 : memref<1x64xf32, #tpu.memory_space<hbm>>) target(%dma_start3A_632 : memref<1x64xf32, #tpu.memory_space<vmem>>) target_semaphore(%arg17 : memref<!tpu.dma_semaphore, #tpu.memory_space<semaphore_mem>>)
    %slice3A_635 = vector.extract_strided_slice %get3A_462 {offsets = [7], sizes = [1], strides = [1]} : vector<16xi32> to vector<1xi32>
    %squeeze3A_636 = vector.extract %slice3A_635[0] : i32 from vector<1xi32>
    %dma_start3A_637 = arith.constant 23 : i32
    %dma_start3A_638 = arith.constant 0 : i32
    %dma_start3A_639 = tpu.memref_slice %arg11[%dma_start3A_637, %dma_start3A_638] : memref<32x64xf32, #tpu.memory_space<vmem>> -> memref<1x64xf32, #tpu.memory_space<vmem>>
    %dma_start3A_640 = arith.constant 0 : i32
    %dma_start3A_641 = tpu.memref_slice %arg4[%squeeze3A_636, %dma_start3A_640] : memref<1000000x64xf32, #tpu.memory_space<hbm>> -> memref<1x64xf32, #tpu.memory_space<hbm>>
    %dma_start3A_642 = arith.constant 23 : i32
    %dma_start3A_643 = arith.constant 0 : i32
    %dma_start3A_644 = tpu.memref_slice %arg11[%dma_start3A_642, %dma_start3A_643] : memref<32x64xf32, #tpu.memory_space<vmem>> -> memref<1x64xf32, #tpu.memory_space<vmem>>
    %dma_start3A_645 = arith.constant 0 : i32
    %dma_start3A_646 = tpu.memref_slice %arg4[%squeeze3A_636, %dma_start3A_645] : memref<1000000x64xf32, #tpu.memory_space<hbm>> -> memref<1x64xf32, #tpu.memory_space<hbm>>
    tpu.enqueue_dma source(%dma_start3A_646 : memref<1x64xf32, #tpu.memory_space<hbm>>) target(%dma_start3A_644 : memref<1x64xf32, #tpu.memory_space<vmem>>) target_semaphore(%arg17 : memref<!tpu.dma_semaphore, #tpu.memory_space<semaphore_mem>>)
    %slice3A_647 = vector.extract_strided_slice %get3A_466 {offsets = [7], sizes = [1], strides = [1]} : vector<16xi32> to vector<1xi32>
    %squeeze3A_648 = vector.extract %slice3A_647[0] : i32 from vector<1xi32>
    %dma_start3A_649 = arith.constant 23 : i32
    %dma_start3A_650 = arith.constant 0 : i32
    %dma_start3A_651 = tpu.memref_slice %arg12[%dma_start3A_649, %dma_start3A_650] : memref<32x64xf32, #tpu.memory_space<vmem>> -> memref<1x64xf32, #tpu.memory_space<vmem>>
    %dma_start3A_652 = arith.constant 0 : i32
    %dma_start3A_653 = tpu.memref_slice %arg5[%squeeze3A_648, %dma_start3A_652] : memref<1000000x64xf32, #tpu.memory_space<hbm>> -> memref<1x64xf32, #tpu.memory_space<hbm>>
    %dma_start3A_654 = arith.constant 23 : i32
    %dma_start3A_655 = arith.constant 0 : i32
    %dma_start3A_656 = tpu.memref_slice %arg12[%dma_start3A_654, %dma_start3A_655] : memref<32x64xf32, #tpu.memory_space<vmem>> -> memref<1x64xf32, #tpu.memory_space<vmem>>
    %dma_start3A_657 = arith.constant 0 : i32
    %dma_start3A_658 = tpu.memref_slice %arg5[%squeeze3A_648, %dma_start3A_657] : memref<1000000x64xf32, #tpu.memory_space<hbm>> -> memref<1x64xf32, #tpu.memory_space<hbm>>
    tpu.enqueue_dma source(%dma_start3A_658 : memref<1x64xf32, #tpu.memory_space<hbm>>) target(%dma_start3A_656 : memref<1x64xf32, #tpu.memory_space<vmem>>) target_semaphore(%arg17 : memref<!tpu.dma_semaphore, #tpu.memory_space<semaphore_mem>>)
    %slice3A_659 = vector.extract_strided_slice %get3A_462 {offsets = [8], sizes = [1], strides = [1]} : vector<16xi32> to vector<1xi32>
    %squeeze3A_660 = vector.extract %slice3A_659[0] : i32 from vector<1xi32>
    %dma_start3A_661 = arith.constant 24 : i32
    %dma_start3A_662 = arith.constant 0 : i32
    %dma_start3A_663 = tpu.memref_slice %arg11[%dma_start3A_661, %dma_start3A_662] : memref<32x64xf32, #tpu.memory_space<vmem>> -> memref<1x64xf32, #tpu.memory_space<vmem>>
    %dma_start3A_664 = arith.constant 0 : i32
    %dma_start3A_665 = tpu.memref_slice %arg4[%squeeze3A_660, %dma_start3A_664] : memref<1000000x64xf32, #tpu.memory_space<hbm>> -> memref<1x64xf32, #tpu.memory_space<hbm>>
    %dma_start3A_666 = arith.constant 24 : i32
    %dma_start3A_667 = arith.constant 0 : i32
    %dma_start3A_668 = tpu.memref_slice %arg11[%dma_start3A_666, %dma_start3A_667] : memref<32x64xf32, #tpu.memory_space<vmem>> -> memref<1x64xf32, #tpu.memory_space<vmem>>
    %dma_start3A_669 = arith.constant 0 : i32
    %dma_start3A_670 = tpu.memref_slice %arg4[%squeeze3A_660, %dma_start3A_669] : memref<1000000x64xf32, #tpu.memory_space<hbm>> -> memref<1x64xf32, #tpu.memory_space<hbm>>
    tpu.enqueue_dma source(%dma_start3A_670 : memref<1x64xf32, #tpu.memory_space<hbm>>) target(%dma_start3A_668 : memref<1x64xf32, #tpu.memory_space<vmem>>) target_semaphore(%arg17 : memref<!tpu.dma_semaphore, #tpu.memory_space<semaphore_mem>>)
    %slice3A_671 = vector.extract_strided_slice %get3A_466 {offsets = [8], sizes = [1], strides = [1]} : vector<16xi32> to vector<1xi32>
    %squeeze3A_672 = vector.extract %slice3A_671[0] : i32 from vector<1xi32>
    %dma_start3A_673 = arith.constant 24 : i32
    %dma_start3A_674 = arith.constant 0 : i32
    %dma_start3A_675 = tpu.memref_slice %arg12[%dma_start3A_673, %dma_start3A_674] : memref<32x64xf32, #tpu.memory_space<vmem>> -> memref<1x64xf32, #tpu.memory_space<vmem>>
    %dma_start3A_676 = arith.constant 0 : i32
    %dma_start3A_677 = tpu.memref_slice %arg5[%squeeze3A_672, %dma_start3A_676] : memref<1000000x64xf32, #tpu.memory_space<hbm>> -> memref<1x64xf32, #tpu.memory_space<hbm>>
    %dma_start3A_678 = arith.constant 24 : i32
    %dma_start3A_679 = arith.constant 0 : i32
    %dma_start3A_680 = tpu.memref_slice %arg12[%dma_start3A_678, %dma_start3A_679] : memref<32x64xf32, #tpu.memory_space<vmem>> -> memref<1x64xf32, #tpu.memory_space<vmem>>
    %dma_start3A_681 = arith.constant 0 : i32
    %dma_start3A_682 = tpu.memref_slice %arg5[%squeeze3A_672, %dma_start3A_681] : memref<1000000x64xf32, #tpu.memory_space<hbm>> -> memref<1x64xf32, #tpu.memory_space<hbm>>
    tpu.enqueue_dma source(%dma_start3A_682 : memref<1x64xf32, #tpu.memory_space<hbm>>) target(%dma_start3A_680 : memref<1x64xf32, #tpu.memory_space<vmem>>) target_semaphore(%arg17 : memref<!tpu.dma_semaphore, #tpu.memory_space<semaphore_mem>>)
    %slice3A_683 = vector.extract_strided_slice %get3A_462 {offsets = [9], sizes = [1], strides = [1]} : vector<16xi32> to vector<1xi32>
    %squeeze3A_684 = vector.extract %slice3A_683[0] : i32 from vector<1xi32>
    %dma_start3A_685 = arith.constant 25 : i32
    %dma_start3A_686 = arith.constant 0 : i32
    %dma_start3A_687 = tpu.memref_slice %arg11[%dma_start3A_685, %dma_start3A_686] : memref<32x64xf32, #tpu.memory_space<vmem>> -> memref<1x64xf32, #tpu.memory_space<vmem>>
    %dma_start3A_688 = arith.constant 0 : i32
    %dma_start3A_689 = tpu.memref_slice %arg4[%squeeze3A_684, %dma_start3A_688] : memref<1000000x64xf32, #tpu.memory_space<hbm>> -> memref<1x64xf32, #tpu.memory_space<hbm>>
    %dma_start3A_690 = arith.constant 25 : i32
    %dma_start3A_691 = arith.constant 0 : i32
    %dma_start3A_692 = tpu.memref_slice %arg11[%dma_start3A_690, %dma_start3A_691] : memref<32x64xf32, #tpu.memory_space<vmem>> -> memref<1x64xf32, #tpu.memory_space<vmem>>
    %dma_start3A_693 = arith.constant 0 : i32
    %dma_start3A_694 = tpu.memref_slice %arg4[%squeeze3A_684, %dma_start3A_693] : memref<1000000x64xf32, #tpu.memory_space<hbm>> -> memref<1x64xf32, #tpu.memory_space<hbm>>
    tpu.enqueue_dma source(%dma_start3A_694 : memref<1x64xf32, #tpu.memory_space<hbm>>) target(%dma_start3A_692 : memref<1x64xf32, #tpu.memory_space<vmem>>) target_semaphore(%arg17 : memref<!tpu.dma_semaphore, #tpu.memory_space<semaphore_mem>>)
    %slice3A_695 = vector.extract_strided_slice %get3A_466 {offsets = [9], sizes = [1], strides = [1]} : vector<16xi32> to vector<1xi32>
    %squeeze3A_696 = vector.extract %slice3A_695[0] : i32 from vector<1xi32>
    %dma_start3A_697 = arith.constant 25 : i32
    %dma_start3A_698 = arith.constant 0 : i32
    %dma_start3A_699 = tpu.memref_slice %arg12[%dma_start3A_697, %dma_start3A_698] : memref<32x64xf32, #tpu.memory_space<vmem>> -> memref<1x64xf32, #tpu.memory_space<vmem>>
    %dma_start3A_700 = arith.constant 0 : i32
    %dma_start3A_701 = tpu.memref_slice %arg5[%squeeze3A_696, %dma_start3A_700] : memref<1000000x64xf32, #tpu.memory_space<hbm>> -> memref<1x64xf32, #tpu.memory_space<hbm>>
    %dma_start3A_702 = arith.constant 25 : i32
    %dma_start3A_703 = arith.constant 0 : i32
    %dma_start3A_704 = tpu.memref_slice %arg12[%dma_start3A_702, %dma_start3A_703] : memref<32x64xf32, #tpu.memory_space<vmem>> -> memref<1x64xf32, #tpu.memory_space<vmem>>
    %dma_start3A_705 = arith.constant 0 : i32
    %dma_start3A_706 = tpu.memref_slice %arg5[%squeeze3A_696, %dma_start3A_705] : memref<1000000x64xf32, #tpu.memory_space<hbm>> -> memref<1x64xf32, #tpu.memory_space<hbm>>
    tpu.enqueue_dma source(%dma_start3A_706 : memref<1x64xf32, #tpu.memory_space<hbm>>) target(%dma_start3A_704 : memref<1x64xf32, #tpu.memory_space<vmem>>) target_semaphore(%arg17 : memref<!tpu.dma_semaphore, #tpu.memory_space<semaphore_mem>>)
    %slice3A_707 = vector.extract_strided_slice %get3A_462 {offsets = [10], sizes = [1], strides = [1]} : vector<16xi32> to vector<1xi32>
    %squeeze3A_708 = vector.extract %slice3A_707[0] : i32 from vector<1xi32>
    %dma_start3A_709 = arith.constant 26 : i32
    %dma_start3A_710 = arith.constant 0 : i32
    %dma_start3A_711 = tpu.memref_slice %arg11[%dma_start3A_709, %dma_start3A_710] : memref<32x64xf32, #tpu.memory_space<vmem>> -> memref<1x64xf32, #tpu.memory_space<vmem>>
    %dma_start3A_712 = arith.constant 0 : i32
    %dma_start3A_713 = tpu.memref_slice %arg4[%squeeze3A_708, %dma_start3A_712] : memref<1000000x64xf32, #tpu.memory_space<hbm>> -> memref<1x64xf32, #tpu.memory_space<hbm>>
    %dma_start3A_714 = arith.constant 26 : i32
    %dma_start3A_715 = arith.constant 0 : i32
    %dma_start3A_716 = tpu.memref_slice %arg11[%dma_start3A_714, %dma_start3A_715] : memref<32x64xf32, #tpu.memory_space<vmem>> -> memref<1x64xf32, #tpu.memory_space<vmem>>
    %dma_start3A_717 = arith.constant 0 : i32
    %dma_start3A_718 = tpu.memref_slice %arg4[%squeeze3A_708, %dma_start3A_717] : memref<1000000x64xf32, #tpu.memory_space<hbm>> -> memref<1x64xf32, #tpu.memory_space<hbm>>
    tpu.enqueue_dma source(%dma_start3A_718 : memref<1x64xf32, #tpu.memory_space<hbm>>) target(%dma_start3A_716 : memref<1x64xf32, #tpu.memory_space<vmem>>) target_semaphore(%arg17 : memref<!tpu.dma_semaphore, #tpu.memory_space<semaphore_mem>>)
    %slice3A_719 = vector.extract_strided_slice %get3A_466 {offsets = [10], sizes = [1], strides = [1]} : vector<16xi32> to vector<1xi32>
    %squeeze3A_720 = vector.extract %slice3A_719[0] : i32 from vector<1xi32>
    %dma_start3A_721 = arith.constant 26 : i32
    %dma_start3A_722 = arith.constant 0 : i32
    %dma_start3A_723 = tpu.memref_slice %arg12[%dma_start3A_721, %dma_start3A_722] : memref<32x64xf32, #tpu.memory_space<vmem>> -> memref<1x64xf32, #tpu.memory_space<vmem>>
    %dma_start3A_724 = arith.constant 0 : i32
    %dma_start3A_725 = tpu.memref_slice %arg5[%squeeze3A_720, %dma_start3A_724] : memref<1000000x64xf32, #tpu.memory_space<hbm>> -> memref<1x64xf32, #tpu.memory_space<hbm>>
    %dma_start3A_726 = arith.constant 26 : i32
    %dma_start3A_727 = arith.constant 0 : i32
    %dma_start3A_728 = tpu.memref_slice %arg12[%dma_start3A_726, %dma_start3A_727] : memref<32x64xf32, #tpu.memory_space<vmem>> -> memref<1x64xf32, #tpu.memory_space<vmem>>
    %dma_start3A_729 = arith.constant 0 : i32
    %dma_start3A_730 = tpu.memref_slice %arg5[%squeeze3A_720, %dma_start3A_729] : memref<1000000x64xf32, #tpu.memory_space<hbm>> -> memref<1x64xf32, #tpu.memory_space<hbm>>
    tpu.enqueue_dma source(%dma_start3A_730 : memref<1x64xf32, #tpu.memory_space<hbm>>) target(%dma_start3A_728 : memref<1x64xf32, #tpu.memory_space<vmem>>) target_semaphore(%arg17 : memref<!tpu.dma_semaphore, #tpu.memory_space<semaphore_mem>>)
    %slice3A_731 = vector.extract_strided_slice %get3A_462 {offsets = [11], sizes = [1], strides = [1]} : vector<16xi32> to vector<1xi32>
    %squeeze3A_732 = vector.extract %slice3A_731[0] : i32 from vector<1xi32>
    %dma_start3A_733 = arith.constant 27 : i32
    %dma_start3A_734 = arith.constant 0 : i32
    %dma_start3A_735 = tpu.memref_slice %arg11[%dma_start3A_733, %dma_start3A_734] : memref<32x64xf32, #tpu.memory_space<vmem>> -> memref<1x64xf32, #tpu.memory_space<vmem>>
    %dma_start3A_736 = arith.constant 0 : i32
    %dma_start3A_737 = tpu.memref_slice %arg4[%squeeze3A_732, %dma_start3A_736] : memref<1000000x64xf32, #tpu.memory_space<hbm>> -> memref<1x64xf32, #tpu.memory_space<hbm>>
    %dma_start3A_738 = arith.constant 27 : i32
    %dma_start3A_739 = arith.constant 0 : i32
    %dma_start3A_740 = tpu.memref_slice %arg11[%dma_start3A_738, %dma_start3A_739] : memref<32x64xf32, #tpu.memory_space<vmem>> -> memref<1x64xf32, #tpu.memory_space<vmem>>
    %dma_start3A_741 = arith.constant 0 : i32
    %dma_start3A_742 = tpu.memref_slice %arg4[%squeeze3A_732, %dma_start3A_741] : memref<1000000x64xf32, #tpu.memory_space<hbm>> -> memref<1x64xf32, #tpu.memory_space<hbm>>
    tpu.enqueue_dma source(%dma_start3A_742 : memref<1x64xf32, #tpu.memory_space<hbm>>) target(%dma_start3A_740 : memref<1x64xf32, #tpu.memory_space<vmem>>) target_semaphore(%arg17 : memref<!tpu.dma_semaphore, #tpu.memory_space<semaphore_mem>>)
    %slice3A_743 = vector.extract_strided_slice %get3A_466 {offsets = [11], sizes = [1], strides = [1]} : vector<16xi32> to vector<1xi32>
    %squeeze3A_744 = vector.extract %slice3A_743[0] : i32 from vector<1xi32>
    %dma_start3A_745 = arith.constant 27 : i32
    %dma_start3A_746 = arith.constant 0 : i32
    %dma_start3A_747 = tpu.memref_slice %arg12[%dma_start3A_745, %dma_start3A_746] : memref<32x64xf32, #tpu.memory_space<vmem>> -> memref<1x64xf32, #tpu.memory_space<vmem>>
    %dma_start3A_748 = arith.constant 0 : i32
    %dma_start3A_749 = tpu.memref_slice %arg5[%squeeze3A_744, %dma_start3A_748] : memref<1000000x64xf32, #tpu.memory_space<hbm>> -> memref<1x64xf32, #tpu.memory_space<hbm>>
    %dma_start3A_750 = arith.constant 27 : i32
    %dma_start3A_751 = arith.constant 0 : i32
    %dma_start3A_752 = tpu.memref_slice %arg12[%dma_start3A_750, %dma_start3A_751] : memref<32x64xf32, #tpu.memory_space<vmem>> -> memref<1x64xf32, #tpu.memory_space<vmem>>
    %dma_start3A_753 = arith.constant 0 : i32
    %dma_start3A_754 = tpu.memref_slice %arg5[%squeeze3A_744, %dma_start3A_753] : memref<1000000x64xf32, #tpu.memory_space<hbm>> -> memref<1x64xf32, #tpu.memory_space<hbm>>
    tpu.enqueue_dma source(%dma_start3A_754 : memref<1x64xf32, #tpu.memory_space<hbm>>) target(%dma_start3A_752 : memref<1x64xf32, #tpu.memory_space<vmem>>) target_semaphore(%arg17 : memref<!tpu.dma_semaphore, #tpu.memory_space<semaphore_mem>>)
    %slice3A_755 = vector.extract_strided_slice %get3A_462 {offsets = [12], sizes = [1], strides = [1]} : vector<16xi32> to vector<1xi32>
    %squeeze3A_756 = vector.extract %slice3A_755[0] : i32 from vector<1xi32>
    %dma_start3A_757 = arith.constant 28 : i32
    %dma_start3A_758 = arith.constant 0 : i32
    %dma_start3A_759 = tpu.memref_slice %arg11[%dma_start3A_757, %dma_start3A_758] : memref<32x64xf32, #tpu.memory_space<vmem>> -> memref<1x64xf32, #tpu.memory_space<vmem>>
    %dma_start3A_760 = arith.constant 0 : i32
    %dma_start3A_761 = tpu.memref_slice %arg4[%squeeze3A_756, %dma_start3A_760] : memref<1000000x64xf32, #tpu.memory_space<hbm>> -> memref<1x64xf32, #tpu.memory_space<hbm>>
    %dma_start3A_762 = arith.constant 28 : i32
    %dma_start3A_763 = arith.constant 0 : i32
    %dma_start3A_764 = tpu.memref_slice %arg11[%dma_start3A_762, %dma_start3A_763] : memref<32x64xf32, #tpu.memory_space<vmem>> -> memref<1x64xf32, #tpu.memory_space<vmem>>
    %dma_start3A_765 = arith.constant 0 : i32
    %dma_start3A_766 = tpu.memref_slice %arg4[%squeeze3A_756, %dma_start3A_765] : memref<1000000x64xf32, #tpu.memory_space<hbm>> -> memref<1x64xf32, #tpu.memory_space<hbm>>
    tpu.enqueue_dma source(%dma_start3A_766 : memref<1x64xf32, #tpu.memory_space<hbm>>) target(%dma_start3A_764 : memref<1x64xf32, #tpu.memory_space<vmem>>) target_semaphore(%arg17 : memref<!tpu.dma_semaphore, #tpu.memory_space<semaphore_mem>>)
    %slice3A_767 = vector.extract_strided_slice %get3A_466 {offsets = [12], sizes = [1], strides = [1]} : vector<16xi32> to vector<1xi32>
    %squeeze3A_768 = vector.extract %slice3A_767[0] : i32 from vector<1xi32>
    %dma_start3A_769 = arith.constant 28 : i32
    %dma_start3A_770 = arith.constant 0 : i32
    %dma_start3A_771 = tpu.memref_slice %arg12[%dma_start3A_769, %dma_start3A_770] : memref<32x64xf32, #tpu.memory_space<vmem>> -> memref<1x64xf32, #tpu.memory_space<vmem>>
    %dma_start3A_772 = arith.constant 0 : i32
    %dma_start3A_773 = tpu.memref_slice %arg5[%squeeze3A_768, %dma_start3A_772] : memref<1000000x64xf32, #tpu.memory_space<hbm>> -> memref<1x64xf32, #tpu.memory_space<hbm>>
    %dma_start3A_774 = arith.constant 28 : i32
    %dma_start3A_775 = arith.constant 0 : i32
    %dma_start3A_776 = tpu.memref_slice %arg12[%dma_start3A_774, %dma_start3A_775] : memref<32x64xf32, #tpu.memory_space<vmem>> -> memref<1x64xf32, #tpu.memory_space<vmem>>
    %dma_start3A_777 = arith.constant 0 : i32
    %dma_start3A_778 = tpu.memref_slice %arg5[%squeeze3A_768, %dma_start3A_777] : memref<1000000x64xf32, #tpu.memory_space<hbm>> -> memref<1x64xf32, #tpu.memory_space<hbm>>
    tpu.enqueue_dma source(%dma_start3A_778 : memref<1x64xf32, #tpu.memory_space<hbm>>) target(%dma_start3A_776 : memref<1x64xf32, #tpu.memory_space<vmem>>) target_semaphore(%arg17 : memref<!tpu.dma_semaphore, #tpu.memory_space<semaphore_mem>>)
    %slice3A_779 = vector.extract_strided_slice %get3A_462 {offsets = [13], sizes = [1], strides = [1]} : vector<16xi32> to vector<1xi32>
    %squeeze3A_780 = vector.extract %slice3A_779[0] : i32 from vector<1xi32>
    %dma_start3A_781 = arith.constant 29 : i32
    %dma_start3A_782 = arith.constant 0 : i32
    %dma_start3A_783 = tpu.memref_slice %arg11[%dma_start3A_781, %dma_start3A_782] : memref<32x64xf32, #tpu.memory_space<vmem>> -> memref<1x64xf32, #tpu.memory_space<vmem>>
    %dma_start3A_784 = arith.constant 0 : i32
    %dma_start3A_785 = tpu.memref_slice %arg4[%squeeze3A_780, %dma_start3A_784] : memref<1000000x64xf32, #tpu.memory_space<hbm>> -> memref<1x64xf32, #tpu.memory_space<hbm>>
    %dma_start3A_786 = arith.constant 29 : i32
    %dma_start3A_787 = arith.constant 0 : i32
    %dma_start3A_788 = tpu.memref_slice %arg11[%dma_start3A_786, %dma_start3A_787] : memref<32x64xf32, #tpu.memory_space<vmem>> -> memref<1x64xf32, #tpu.memory_space<vmem>>
    %dma_start3A_789 = arith.constant 0 : i32
    %dma_start3A_790 = tpu.memref_slice %arg4[%squeeze3A_780, %dma_start3A_789] : memref<1000000x64xf32, #tpu.memory_space<hbm>> -> memref<1x64xf32, #tpu.memory_space<hbm>>
    tpu.enqueue_dma source(%dma_start3A_790 : memref<1x64xf32, #tpu.memory_space<hbm>>) target(%dma_start3A_788 : memref<1x64xf32, #tpu.memory_space<vmem>>) target_semaphore(%arg17 : memref<!tpu.dma_semaphore, #tpu.memory_space<semaphore_mem>>)
    %slice3A_791 = vector.extract_strided_slice %get3A_466 {offsets = [13], sizes = [1], strides = [1]} : vector<16xi32> to vector<1xi32>
    %squeeze3A_792 = vector.extract %slice3A_791[0] : i32 from vector<1xi32>
    %dma_start3A_793 = arith.constant 29 : i32
    %dma_start3A_794 = arith.constant 0 : i32
    %dma_start3A_795 = tpu.memref_slice %arg12[%dma_start3A_793, %dma_start3A_794] : memref<32x64xf32, #tpu.memory_space<vmem>> -> memref<1x64xf32, #tpu.memory_space<vmem>>
    %dma_start3A_796 = arith.constant 0 : i32
    %dma_start3A_797 = tpu.memref_slice %arg5[%squeeze3A_792, %dma_start3A_796] : memref<1000000x64xf32, #tpu.memory_space<hbm>> -> memref<1x64xf32, #tpu.memory_space<hbm>>
    %dma_start3A_798 = arith.constant 29 : i32
    %dma_start3A_799 = arith.constant 0 : i32
    %dma_start3A_800 = tpu.memref_slice %arg12[%dma_start3A_798, %dma_start3A_799] : memref<32x64xf32, #tpu.memory_space<vmem>> -> memref<1x64xf32, #tpu.memory_space<vmem>>
    %dma_start3A_801 = arith.constant 0 : i32
    %dma_start3A_802 = tpu.memref_slice %arg5[%squeeze3A_792, %dma_start3A_801] : memref<1000000x64xf32, #tpu.memory_space<hbm>> -> memref<1x64xf32, #tpu.memory_space<hbm>>
    tpu.enqueue_dma source(%dma_start3A_802 : memref<1x64xf32, #tpu.memory_space<hbm>>) target(%dma_start3A_800 : memref<1x64xf32, #tpu.memory_space<vmem>>) target_semaphore(%arg17 : memref<!tpu.dma_semaphore, #tpu.memory_space<semaphore_mem>>)
    %slice3A_803 = vector.extract_strided_slice %get3A_462 {offsets = [14], sizes = [1], strides = [1]} : vector<16xi32> to vector<1xi32>
    %squeeze3A_804 = vector.extract %slice3A_803[0] : i32 from vector<1xi32>
    %dma_start3A_805 = arith.constant 30 : i32
    %dma_start3A_806 = arith.constant 0 : i32
    %dma_start3A_807 = tpu.memref_slice %arg11[%dma_start3A_805, %dma_start3A_806] : memref<32x64xf32, #tpu.memory_space<vmem>> -> memref<1x64xf32, #tpu.memory_space<vmem>>
    %dma_start3A_808 = arith.constant 0 : i32
    %dma_start3A_809 = tpu.memref_slice %arg4[%squeeze3A_804, %dma_start3A_808] : memref<1000000x64xf32, #tpu.memory_space<hbm>> -> memref<1x64xf32, #tpu.memory_space<hbm>>
    %dma_start3A_810 = arith.constant 30 : i32
    %dma_start3A_811 = arith.constant 0 : i32
    %dma_start3A_812 = tpu.memref_slice %arg11[%dma_start3A_810, %dma_start3A_811] : memref<32x64xf32, #tpu.memory_space<vmem>> -> memref<1x64xf32, #tpu.memory_space<vmem>>
    %dma_start3A_813 = arith.constant 0 : i32
    %dma_start3A_814 = tpu.memref_slice %arg4[%squeeze3A_804, %dma_start3A_813] : memref<1000000x64xf32, #tpu.memory_space<hbm>> -> memref<1x64xf32, #tpu.memory_space<hbm>>
    tpu.enqueue_dma source(%dma_start3A_814 : memref<1x64xf32, #tpu.memory_space<hbm>>) target(%dma_start3A_812 : memref<1x64xf32, #tpu.memory_space<vmem>>) target_semaphore(%arg17 : memref<!tpu.dma_semaphore, #tpu.memory_space<semaphore_mem>>)
    %slice3A_815 = vector.extract_strided_slice %get3A_466 {offsets = [14], sizes = [1], strides = [1]} : vector<16xi32> to vector<1xi32>
    %squeeze3A_816 = vector.extract %slice3A_815[0] : i32 from vector<1xi32>
    %dma_start3A_817 = arith.constant 30 : i32
    %dma_start3A_818 = arith.constant 0 : i32
    %dma_start3A_819 = tpu.memref_slice %arg12[%dma_start3A_817, %dma_start3A_818] : memref<32x64xf32, #tpu.memory_space<vmem>> -> memref<1x64xf32, #tpu.memory_space<vmem>>
    %dma_start3A_820 = arith.constant 0 : i32
    %dma_start3A_821 = tpu.memref_slice %arg5[%squeeze3A_816, %dma_start3A_820] : memref<1000000x64xf32, #tpu.memory_space<hbm>> -> memref<1x64xf32, #tpu.memory_space<hbm>>
    %dma_start3A_822 = arith.constant 30 : i32
    %dma_start3A_823 = arith.constant 0 : i32
    %dma_start3A_824 = tpu.memref_slice %arg12[%dma_start3A_822, %dma_start3A_823] : memref<32x64xf32, #tpu.memory_space<vmem>> -> memref<1x64xf32, #tpu.memory_space<vmem>>
    %dma_start3A_825 = arith.constant 0 : i32
    %dma_start3A_826 = tpu.memref_slice %arg5[%squeeze3A_816, %dma_start3A_825] : memref<1000000x64xf32, #tpu.memory_space<hbm>> -> memref<1x64xf32, #tpu.memory_space<hbm>>
    tpu.enqueue_dma source(%dma_start3A_826 : memref<1x64xf32, #tpu.memory_space<hbm>>) target(%dma_start3A_824 : memref<1x64xf32, #tpu.memory_space<vmem>>) target_semaphore(%arg17 : memref<!tpu.dma_semaphore, #tpu.memory_space<semaphore_mem>>)
    %slice3A_827 = vector.extract_strided_slice %get3A_462 {offsets = [15], sizes = [1], strides = [1]} : vector<16xi32> to vector<1xi32>
    %squeeze3A_828 = vector.extract %slice3A_827[0] : i32 from vector<1xi32>
    %dma_start3A_829 = arith.constant 31 : i32
    %dma_start3A_830 = arith.constant 0 : i32
    %dma_start3A_831 = tpu.memref_slice %arg11[%dma_start3A_829, %dma_start3A_830] : memref<32x64xf32, #tpu.memory_space<vmem>> -> memref<1x64xf32, #tpu.memory_space<vmem>>
    %dma_start3A_832 = arith.constant 0 : i32
    %dma_start3A_833 = tpu.memref_slice %arg4[%squeeze3A_828, %dma_start3A_832] : memref<1000000x64xf32, #tpu.memory_space<hbm>> -> memref<1x64xf32, #tpu.memory_space<hbm>>
    %dma_start3A_834 = arith.constant 31 : i32
    %dma_start3A_835 = arith.constant 0 : i32
    %dma_start3A_836 = tpu.memref_slice %arg11[%dma_start3A_834, %dma_start3A_835] : memref<32x64xf32, #tpu.memory_space<vmem>> -> memref<1x64xf32, #tpu.memory_space<vmem>>
    %dma_start3A_837 = arith.constant 0 : i32
    %dma_start3A_838 = tpu.memref_slice %arg4[%squeeze3A_828, %dma_start3A_837] : memref<1000000x64xf32, #tpu.memory_space<hbm>> -> memref<1x64xf32, #tpu.memory_space<hbm>>
    tpu.enqueue_dma source(%dma_start3A_838 : memref<1x64xf32, #tpu.memory_space<hbm>>) target(%dma_start3A_836 : memref<1x64xf32, #tpu.memory_space<vmem>>) target_semaphore(%arg17 : memref<!tpu.dma_semaphore, #tpu.memory_space<semaphore_mem>>)
    %slice3A_839 = vector.extract_strided_slice %get3A_466 {offsets = [15], sizes = [1], strides = [1]} : vector<16xi32> to vector<1xi32>
    %squeeze3A_840 = vector.extract %slice3A_839[0] : i32 from vector<1xi32>
    %dma_start3A_841 = arith.constant 31 : i32
    %dma_start3A_842 = arith.constant 0 : i32
    %dma_start3A_843 = tpu.memref_slice %arg12[%dma_start3A_841, %dma_start3A_842] : memref<32x64xf32, #tpu.memory_space<vmem>> -> memref<1x64xf32, #tpu.memory_space<vmem>>
    %dma_start3A_844 = arith.constant 0 : i32
    %dma_start3A_845 = tpu.memref_slice %arg5[%squeeze3A_840, %dma_start3A_844] : memref<1000000x64xf32, #tpu.memory_space<hbm>> -> memref<1x64xf32, #tpu.memory_space<hbm>>
    %dma_start3A_846 = arith.constant 31 : i32
    %dma_start3A_847 = arith.constant 0 : i32
    %dma_start3A_848 = tpu.memref_slice %arg12[%dma_start3A_846, %dma_start3A_847] : memref<32x64xf32, #tpu.memory_space<vmem>> -> memref<1x64xf32, #tpu.memory_space<vmem>>
    %dma_start3A_849 = arith.constant 0 : i32
    %dma_start3A_850 = tpu.memref_slice %arg5[%squeeze3A_840, %dma_start3A_849] : memref<1000000x64xf32, #tpu.memory_space<hbm>> -> memref<1x64xf32, #tpu.memory_space<hbm>>
    tpu.enqueue_dma source(%dma_start3A_850 : memref<1x64xf32, #tpu.memory_space<hbm>>) target(%dma_start3A_848 : memref<1x64xf32, #tpu.memory_space<vmem>>) target_semaphore(%arg17 : memref<!tpu.dma_semaphore, #tpu.memory_space<semaphore_mem>>)
    %dma_wait3A = arith.constant 0 : i32
    %dma_wait3A_851 = tpu.memref_slice %arg13[%dma_wait3A] : memref<512xf32, #tpu.memory_space<vmem>> -> memref<128xf32, #tpu.memory_space<vmem>>
    %dma_wait3A_852 = arith.constant 0 : i32
    %dma_wait3A_853 = tpu.memref_slice %arg6[%dma_wait3A_852] : memref<1000000xf32, #tpu.memory_space<hbm>> -> memref<128xf32, #tpu.memory_space<hbm>>
    %dma_wait3A_854 = arith.constant 0 : i32
    %dma_wait3A_855 = tpu.memref_slice %arg13[%dma_wait3A_854] : memref<512xf32, #tpu.memory_space<vmem>> -> memref<128xf32, #tpu.memory_space<vmem>>
    %dma_wait3A_856 = arith.constant 0 : i32
    %dma_wait3A_857 = tpu.memref_slice %arg6[%dma_wait3A_856] : memref<1000000xf32, #tpu.memory_space<hbm>> -> memref<128xf32, #tpu.memory_space<hbm>>
    tpu.wait_dma2 semaphore(%arg18 : memref<!tpu.dma_semaphore, #tpu.memory_space<semaphore_mem>>) src(%dma_wait3A_857 : memref<128xf32, #tpu.memory_space<hbm>>) dst(%dma_wait3A_855 : memref<128xf32, #tpu.memory_space<vmem>>)
    %dma_wait3A_858 = arith.constant 0 : i32
    %dma_wait3A_859 = tpu.memref_slice %arg14[%dma_wait3A_858] : memref<512xf32, #tpu.memory_space<vmem>> -> memref<128xf32, #tpu.memory_space<vmem>>
    %dma_wait3A_860 = arith.constant 0 : i32
    %dma_wait3A_861 = tpu.memref_slice %arg7[%dma_wait3A_860] : memref<1000000xf32, #tpu.memory_space<hbm>> -> memref<128xf32, #tpu.memory_space<hbm>>
    %dma_wait3A_862 = arith.constant 0 : i32
    %dma_wait3A_863 = tpu.memref_slice %arg14[%dma_wait3A_862] : memref<512xf32, #tpu.memory_space<vmem>> -> memref<128xf32, #tpu.memory_space<vmem>>
    %dma_wait3A_864 = arith.constant 0 : i32
    %dma_wait3A_865 = tpu.memref_slice %arg7[%dma_wait3A_864] : memref<1000000xf32, #tpu.memory_space<hbm>> -> memref<128xf32, #tpu.memory_space<hbm>>
    tpu.wait_dma2 semaphore(%arg18 : memref<!tpu.dma_semaphore, #tpu.memory_space<semaphore_mem>>) src(%dma_wait3A_865 : memref<128xf32, #tpu.memory_space<hbm>>) dst(%dma_wait3A_863 : memref<128xf32, #tpu.memory_space<vmem>>)
    %dma_wait3A_866 = arith.constant 128 : i32
    %dma_wait3A_867 = tpu.memref_slice %arg13[%dma_wait3A_866] : memref<512xf32, #tpu.memory_space<vmem>> -> memref<128xf32, #tpu.memory_space<vmem>>
    %dma_wait3A_868 = arith.constant 0 : i32
    %dma_wait3A_869 = tpu.memref_slice %arg6[%dma_wait3A_868] : memref<1000000xf32, #tpu.memory_space<hbm>> -> memref<128xf32, #tpu.memory_space<hbm>>
    %dma_wait3A_870 = arith.constant 128 : i32
    %dma_wait3A_871 = tpu.memref_slice %arg13[%dma_wait3A_870] : memref<512xf32, #tpu.memory_space<vmem>> -> memref<128xf32, #tpu.memory_space<vmem>>
    %dma_wait3A_872 = arith.constant 0 : i32
    %dma_wait3A_873 = tpu.memref_slice %arg6[%dma_wait3A_872] : memref<1000000xf32, #tpu.memory_space<hbm>> -> memref<128xf32, #tpu.memory_space<hbm>>
    tpu.wait_dma2 semaphore(%arg18 : memref<!tpu.dma_semaphore, #tpu.memory_space<semaphore_mem>>) src(%dma_wait3A_873 : memref<128xf32, #tpu.memory_space<hbm>>) dst(%dma_wait3A_871 : memref<128xf32, #tpu.memory_space<vmem>>)
    %dma_wait3A_874 = arith.constant 128 : i32
    %dma_wait3A_875 = tpu.memref_slice %arg14[%dma_wait3A_874] : memref<512xf32, #tpu.memory_space<vmem>> -> memref<128xf32, #tpu.memory_space<vmem>>
    %dma_wait3A_876 = arith.constant 0 : i32
    %dma_wait3A_877 = tpu.memref_slice %arg7[%dma_wait3A_876] : memref<1000000xf32, #tpu.memory_space<hbm>> -> memref<128xf32, #tpu.memory_space<hbm>>
    %dma_wait3A_878 = arith.constant 128 : i32
    %dma_wait3A_879 = tpu.memref_slice %arg14[%dma_wait3A_878] : memref<512xf32, #tpu.memory_space<vmem>> -> memref<128xf32, #tpu.memory_space<vmem>>
    %dma_wait3A_880 = arith.constant 0 : i32
    %dma_wait3A_881 = tpu.memref_slice %arg7[%dma_wait3A_880] : memref<1000000xf32, #tpu.memory_space<hbm>> -> memref<128xf32, #tpu.memory_space<hbm>>
    tpu.wait_dma2 semaphore(%arg18 : memref<!tpu.dma_semaphore, #tpu.memory_space<semaphore_mem>>) src(%dma_wait3A_881 : memref<128xf32, #tpu.memory_space<hbm>>) dst(%dma_wait3A_879 : memref<128xf32, #tpu.memory_space<vmem>>)
    %dma_wait3A_882 = arith.constant 256 : i32
    %dma_wait3A_883 = tpu.memref_slice %arg13[%dma_wait3A_882] : memref<512xf32, #tpu.memory_space<vmem>> -> memref<128xf32, #tpu.memory_space<vmem>>
    %dma_wait3A_884 = arith.constant 0 : i32
    %dma_wait3A_885 = tpu.memref_slice %arg6[%dma_wait3A_884] : memref<1000000xf32, #tpu.memory_space<hbm>> -> memref<128xf32, #tpu.memory_space<hbm>>
    %dma_wait3A_886 = arith.constant 256 : i32
    %dma_wait3A_887 = tpu.memref_slice %arg13[%dma_wait3A_886] : memref<512xf32, #tpu.memory_space<vmem>> -> memref<128xf32, #tpu.memory_space<vmem>>
    %dma_wait3A_888 = arith.constant 0 : i32
    %dma_wait3A_889 = tpu.memref_slice %arg6[%dma_wait3A_888] : memref<1000000xf32, #tpu.memory_space<hbm>> -> memref<128xf32, #tpu.memory_space<hbm>>
    tpu.wait_dma2 semaphore(%arg18 : memref<!tpu.dma_semaphore, #tpu.memory_space<semaphore_mem>>) src(%dma_wait3A_889 : memref<128xf32, #tpu.memory_space<hbm>>) dst(%dma_wait3A_887 : memref<128xf32, #tpu.memory_space<vmem>>)
    %dma_wait3A_890 = arith.constant 256 : i32
    %dma_wait3A_891 = tpu.memref_slice %arg14[%dma_wait3A_890] : memref<512xf32, #tpu.memory_space<vmem>> -> memref<128xf32, #tpu.memory_space<vmem>>
    %dma_wait3A_892 = arith.constant 0 : i32
    %dma_wait3A_893 = tpu.memref_slice %arg7[%dma_wait3A_892] : memref<1000000xf32, #tpu.memory_space<hbm>> -> memref<128xf32, #tpu.memory_space<hbm>>
    %dma_wait3A_894 = arith.constant 256 : i32
    %dma_wait3A_895 = tpu.memref_slice %arg14[%dma_wait3A_894] : memref<512xf32, #tpu.memory_space<vmem>> -> memref<128xf32, #tpu.memory_space<vmem>>
    %dma_wait3A_896 = arith.constant 0 : i32
    %dma_wait3A_897 = tpu.memref_slice %arg7[%dma_wait3A_896] : memref<1000000xf32, #tpu.memory_space<hbm>> -> memref<128xf32, #tpu.memory_space<hbm>>
    tpu.wait_dma2 semaphore(%arg18 : memref<!tpu.dma_semaphore, #tpu.memory_space<semaphore_mem>>) src(%dma_wait3A_897 : memref<128xf32, #tpu.memory_space<hbm>>) dst(%dma_wait3A_895 : memref<128xf32, #tpu.memory_space<vmem>>)
    %dma_wait3A_898 = arith.constant 384 : i32
    %dma_wait3A_899 = tpu.memref_slice %arg13[%dma_wait3A_898] : memref<512xf32, #tpu.memory_space<vmem>> -> memref<128xf32, #tpu.memory_space<vmem>>
    %dma_wait3A_900 = arith.constant 0 : i32
    %dma_wait3A_901 = tpu.memref_slice %arg6[%dma_wait3A_900] : memref<1000000xf32, #tpu.memory_space<hbm>> -> memref<128xf32, #tpu.memory_space<hbm>>
    %dma_wait3A_902 = arith.constant 384 : i32
    %dma_wait3A_903 = tpu.memref_slice %arg13[%dma_wait3A_902] : memref<512xf32, #tpu.memory_space<vmem>> -> memref<128xf32, #tpu.memory_space<vmem>>
    %dma_wait3A_904 = arith.constant 0 : i32
    %dma_wait3A_905 = tpu.memref_slice %arg6[%dma_wait3A_904] : memref<1000000xf32, #tpu.memory_space<hbm>> -> memref<128xf32, #tpu.memory_space<hbm>>
    tpu.wait_dma2 semaphore(%arg18 : memref<!tpu.dma_semaphore, #tpu.memory_space<semaphore_mem>>) src(%dma_wait3A_905 : memref<128xf32, #tpu.memory_space<hbm>>) dst(%dma_wait3A_903 : memref<128xf32, #tpu.memory_space<vmem>>)
    %dma_wait3A_906 = arith.constant 384 : i32
    %dma_wait3A_907 = tpu.memref_slice %arg14[%dma_wait3A_906] : memref<512xf32, #tpu.memory_space<vmem>> -> memref<128xf32, #tpu.memory_space<vmem>>
    %dma_wait3A_908 = arith.constant 0 : i32
    %dma_wait3A_909 = tpu.memref_slice %arg7[%dma_wait3A_908] : memref<1000000xf32, #tpu.memory_space<hbm>> -> memref<128xf32, #tpu.memory_space<hbm>>
    %dma_wait3A_910 = arith.constant 384 : i32
    %dma_wait3A_911 = tpu.memref_slice %arg14[%dma_wait3A_910] : memref<512xf32, #tpu.memory_space<vmem>> -> memref<128xf32, #tpu.memory_space<vmem>>
    %dma_wait3A_912 = arith.constant 0 : i32
    %dma_wait3A_913 = tpu.memref_slice %arg7[%dma_wait3A_912] : memref<1000000xf32, #tpu.memory_space<hbm>> -> memref<128xf32, #tpu.memory_space<hbm>>
    tpu.wait_dma2 semaphore(%arg18 : memref<!tpu.dma_semaphore, #tpu.memory_space<semaphore_mem>>) src(%dma_wait3A_913 : memref<128xf32, #tpu.memory_space<hbm>>) dst(%dma_wait3A_911 : memref<128xf32, #tpu.memory_space<vmem>>)
    %scan3A = arith.constant 0 : i32
    %scan3A_914 = arith.constant 0 : i32
    %scan3A_915 = arith.constant 16 : i32
    %scan3A_916 = arith.addi %scan3A_914, %scan3A_915 : i32
    %scan3A_917 = arith.constant 1 : i32
    scf.for %scan3A_919 = %scan3A_914 to %scan3A_916 step %scan3A_917  : i32 {
      %mul3A_920 = arith.constant 2 : i32
      %mul3A_921 = arith.muli %scan3A_919, %mul3A_920 : i32
      %dma_wait3A_922 = arith.constant 0 : i32
      %dma_wait3A_923 = arith.constant 0 : i32
      %dma_wait3A_924 = tpu.memref_slice %arg11[%dma_wait3A_922, %dma_wait3A_923] : memref<32x64xf32, #tpu.memory_space<vmem>> -> memref<16x64xf32, #tpu.memory_space<vmem>>
      %dma_wait3A_925 = arith.constant 0 : i32
      %dma_wait3A_926 = arith.constant 0 : i32
      %dma_wait3A_927 = tpu.memref_slice %arg4[%dma_wait3A_925, %dma_wait3A_926] : memref<1000000x64xf32, #tpu.memory_space<hbm>> -> memref<16x64xf32, #tpu.memory_space<hbm>>
      %dma_wait3A_928 = arith.constant 0 : i32
      %dma_wait3A_929 = arith.constant 0 : i32
      %dma_wait3A_930 = tpu.memref_slice %arg11[%dma_wait3A_928, %dma_wait3A_929] : memref<32x64xf32, #tpu.memory_space<vmem>> -> memref<16x64xf32, #tpu.memory_space<vmem>>
      %dma_wait3A_931 = arith.constant 0 : i32
      %dma_wait3A_932 = arith.constant 0 : i32
      %dma_wait3A_933 = tpu.memref_slice %arg4[%dma_wait3A_931, %dma_wait3A_932] : memref<1000000x64xf32, #tpu.memory_space<hbm>> -> memref<16x64xf32, #tpu.memory_space<hbm>>
      tpu.wait_dma2 semaphore(%arg16 : memref<!tpu.dma_semaphore, #tpu.memory_space<semaphore_mem>>) src(%dma_wait3A_933 : memref<16x64xf32, #tpu.memory_space<hbm>>) dst(%dma_wait3A_930 : memref<16x64xf32, #tpu.memory_space<vmem>>)
      %dma_wait3A_934 = arith.constant 0 : i32
      %dma_wait3A_935 = arith.constant 0 : i32
      %dma_wait3A_936 = tpu.memref_slice %arg12[%dma_wait3A_934, %dma_wait3A_935] : memref<32x64xf32, #tpu.memory_space<vmem>> -> memref<16x64xf32, #tpu.memory_space<vmem>>
      %dma_wait3A_937 = arith.constant 0 : i32
      %dma_wait3A_938 = arith.constant 0 : i32
      %dma_wait3A_939 = tpu.memref_slice %arg5[%dma_wait3A_937, %dma_wait3A_938] : memref<1000000x64xf32, #tpu.memory_space<hbm>> -> memref<16x64xf32, #tpu.memory_space<hbm>>
      %dma_wait3A_940 = arith.constant 0 : i32
      %dma_wait3A_941 = arith.constant 0 : i32
      %dma_wait3A_942 = tpu.memref_slice %arg12[%dma_wait3A_940, %dma_wait3A_941] : memref<32x64xf32, #tpu.memory_space<vmem>> -> memref<16x64xf32, #tpu.memory_space<vmem>>
      %dma_wait3A_943 = arith.constant 0 : i32
      %dma_wait3A_944 = arith.constant 0 : i32
      %dma_wait3A_945 = tpu.memref_slice %arg5[%dma_wait3A_943, %dma_wait3A_944] : memref<1000000x64xf32, #tpu.memory_space<hbm>> -> memref<16x64xf32, #tpu.memory_space<hbm>>
      tpu.wait_dma2 semaphore(%arg16 : memref<!tpu.dma_semaphore, #tpu.memory_space<semaphore_mem>>) src(%dma_wait3A_945 : memref<16x64xf32, #tpu.memory_space<hbm>>) dst(%dma_wait3A_942 : memref<16x64xf32, #tpu.memory_space<vmem>>)
      %broadcast_in_dim3A = arith.constant 0.000000e+00 : f32
      %broadcast_in_dim3A_946 = vector.broadcast %broadcast_in_dim3A : f32 to vector<16xf32>
      %get3A_947 = arith.constant 0 : i32
      %get3A_948 = arith.index_cast %get3A_947 : i32 to index
      %get3A_949 = arith.constant 0 : index
      %get3A_950 = tpu.vector_load %arg11[%get3A_948, %get3A_949] {strides = array<i32>} : memref<32x64xf32, #tpu.memory_space<vmem>>, vector<16xf32>,
      %get3A_951 = arith.constant 0 : i32
      %get3A_952 = arith.index_cast %get3A_951 : i32 to index
      %get3A_953 = arith.constant 0 : index
      %get3A_954 = tpu.vector_load %arg12[%get3A_952, %get3A_953] {strides = array<i32>} : memref<32x64xf32, #tpu.memory_space<vmem>>, vector<16xf32>,
      %mul3A_955 = arith.mulf %get3A_950, %get3A_954 : vector<16xf32>
      %get3A_956 = arith.constant 0 : i32
      %get3A_957 = arith.index_cast %get3A_956 : i32 to index
      %get3A_958 = arith.constant 16 : index
      %get3A_959 = tpu.vector_load %arg11[%get3A_957, %get3A_958] {strides = array<i32>} : memref<32x64xf32, #tpu.memory_space<vmem>>, vector<16xf32>,
      %get3A_960 = arith.constant 0 : i32
      %get3A_961 = arith.index_cast %get3A_960 : i32 to index
      %get3A_962 = arith.constant 16 : index
      %get3A_963 = tpu.vector_load %arg12[%get3A_961, %get3A_962] {strides = array<i32>} : memref<32x64xf32, #tpu.memory_space<vmem>>, vector<16xf32>,
      %mul3A_964 = arith.mulf %get3A_959, %get3A_963 : vector<16xf32>
      %add3A_965 = arith.addf %mul3A_955, %mul3A_964 : vector<16xf32>
      %get3A_966 = arith.constant 0 : i32
      %get3A_967 = arith.index_cast %get3A_966 : i32 to index
      %get3A_968 = arith.constant 32 : index
      %get3A_969 = tpu.vector_load %arg11[%get3A_967, %get3A_968] {strides = array<i32>} : memref<32x64xf32, #tpu.memory_space<vmem>>, vector<16xf32>,
      %get3A_970 = arith.constant 0 : i32
      %get3A_971 = arith.index_cast %get3A_970 : i32 to index
      %get3A_972 = arith.constant 32 : index
      %get3A_973 = tpu.vector_load %arg12[%get3A_971, %get3A_972] {strides = array<i32>} : memref<32x64xf32, #tpu.memory_space<vmem>>, vector<16xf32>,
      %mul3A_974 = arith.mulf %get3A_969, %get3A_973 : vector<16xf32>
      %add3A_975 = arith.addf %add3A_965, %mul3A_974 : vector<16xf32>
      %get3A_976 = arith.constant 0 : i32
      %get3A_977 = arith.index_cast %get3A_976 : i32 to index
      %get3A_978 = arith.constant 48 : index
      %get3A_979 = tpu.vector_load %arg11[%get3A_977, %get3A_978] {strides = array<i32>} : memref<32x64xf32, #tpu.memory_space<vmem>>, vector<16xf32>,
      %get3A_980 = arith.constant 0 : i32
      %get3A_981 = arith.index_cast %get3A_980 : i32 to index
      %get3A_982 = arith.constant 48 : index
      %get3A_983 = tpu.vector_load %arg12[%get3A_981, %get3A_982] {strides = array<i32>} : memref<32x64xf32, #tpu.memory_space<vmem>>, vector<16xf32>,
      %mul3A_984 = arith.mulf %get3A_979, %get3A_983 : vector<16xf32>
      %add3A_985 = arith.addf %add3A_975, %mul3A_984 : vector<16xf32>
      %reduce_sum3A = arith.constant true
      %reduce_sum3A_986 = vector.broadcast %reduce_sum3A : i1 to vector<16xi1>
      %reduce_sum3A_987 = tpu.scan <sum>, %add3A_985 masked %reduce_sum3A_986 : vector<16xf32>, vector<16xi1> -> vector<16xf32>
      %reduce_sum3A_988 = vector.extract %reduce_sum3A_987[15] : f32 from vector<16xf32>
      %broadcast_in_dim3A_989 = vector.broadcast %reduce_sum3A_988 : f32 to vector<16xf32>
      %eq3A = arith.constant 0 : i32
      %eq3A_990 = vector.broadcast %eq3A : i32 to vector<16xi32>
      %eq3A_991 = arith.cmpi eq, %iota3A, %eq3A_990 : vector<16xi32>
      %select_n3A = arith.select %eq3A_991, %broadcast_in_dim3A_989, %broadcast_in_dim3A_946 : vector<16xi1>, vector<16xf32>
      %get3A_992 = arith.constant 1 : i32
      %get3A_993 = arith.index_cast %get3A_992 : i32 to index
      %get3A_994 = arith.constant 0 : index
      %get3A_995 = tpu.vector_load %arg11[%get3A_993, %get3A_994] {strides = array<i32>} : memref<32x64xf32, #tpu.memory_space<vmem>>, vector<16xf32>,
      %get3A_996 = arith.constant 1 : i32
      %get3A_997 = arith.index_cast %get3A_996 : i32 to index
      %get3A_998 = arith.constant 0 : index
      %get3A_999 = tpu.vector_load %arg12[%get3A_997, %get3A_998] {strides = array<i32>} : memref<32x64xf32, #tpu.memory_space<vmem>>, vector<16xf32>,
      %mul3A_1000 = arith.mulf %get3A_995, %get3A_999 : vector<16xf32>
      %get3A_1001 = arith.constant 1 : i32
      %get3A_1002 = arith.index_cast %get3A_1001 : i32 to index
      %get3A_1003 = arith.constant 16 : index
      %get3A_1004 = tpu.vector_load %arg11[%get3A_1002, %get3A_1003] {strides = array<i32>} : memref<32x64xf32, #tpu.memory_space<vmem>>, vector<16xf32>,
      %get3A_1005 = arith.constant 1 : i32
      %get3A_1006 = arith.index_cast %get3A_1005 : i32 to index
      %get3A_1007 = arith.constant 16 : index
      %get3A_1008 = tpu.vector_load %arg12[%get3A_1006, %get3A_1007] {strides = array<i32>} : memref<32x64xf32, #tpu.memory_space<vmem>>, vector<16xf32>,
      %mul3A_1009 = arith.mulf %get3A_1004, %get3A_1008 : vector<16xf32>
      %add3A_1010 = arith.addf %mul3A_1000, %mul3A_1009 : vector<16xf32>
      %get3A_1011 = arith.constant 1 : i32
      %get3A_1012 = arith.index_cast %get3A_1011 : i32 to index
      %get3A_1013 = arith.constant 32 : index
      %get3A_1014 = tpu.vector_load %arg11[%get3A_1012, %get3A_1013] {strides = array<i32>} : memref<32x64xf32, #tpu.memory_space<vmem>>, vector<16xf32>,
      %get3A_1015 = arith.constant 1 : i32
      %get3A_1016 = arith.index_cast %get3A_1015 : i32 to index
      %get3A_1017 = arith.constant 32 : index
      %get3A_1018 = tpu.vector_load %arg12[%get3A_1016, %get3A_1017] {strides = array<i32>} : memref<32x64xf32, #tpu.memory_space<vmem>>, vector<16xf32>,
      %mul3A_1019 = arith.mulf %get3A_1014, %get3A_1018 : vector<16xf32>
      %add3A_1020 = arith.addf %add3A_1010, %mul3A_1019 : vector<16xf32>
      %get3A_1021 = arith.constant 1 : i32
      %get3A_1022 = arith.index_cast %get3A_1021 : i32 to index
      %get3A_1023 = arith.constant 48 : index
      %get3A_1024 = tpu.vector_load %arg11[%get3A_1022, %get3A_1023] {strides = array<i32>} : memref<32x64xf32, #tpu.memory_space<vmem>>, vector<16xf32>,
      %get3A_1025 = arith.constant 1 : i32
      %get3A_1026 = arith.index_cast %get3A_1025 : i32 to index
      %get3A_1027 = arith.constant 48 : index
      %get3A_1028 = tpu.vector_load %arg12[%get3A_1026, %get3A_1027] {strides = array<i32>} : memref<32x64xf32, #tpu.memory_space<vmem>>, vector<16xf32>,
      %mul3A_1029 = arith.mulf %get3A_1024, %get3A_1028 : vector<16xf32>
      %add3A_1030 = arith.addf %add3A_1020, %mul3A_1029 : vector<16xf32>
      %reduce_sum3A_1031 = arith.constant true
      %reduce_sum3A_1032 = vector.broadcast %reduce_sum3A_1031 : i1 to vector<16xi1>
      %reduce_sum3A_1033 = tpu.scan <sum>, %add3A_1030 masked %reduce_sum3A_1032 : vector<16xf32>, vector<16xi1> -> vector<16xf32>
      %reduce_sum3A_1034 = vector.extract %reduce_sum3A_1033[15] : f32 from vector<16xf32>
      %broadcast_in_dim3A_1035 = vector.broadcast %reduce_sum3A_1034 : f32 to vector<16xf32>
      %eq3A_1036 = arith.constant 1 : i32
      %eq3A_1037 = vector.broadcast %eq3A_1036 : i32 to vector<16xi32>
      %eq3A_1038 = arith.cmpi eq, %iota3A, %eq3A_1037 : vector<16xi32>
      %select_n3A_1039 = arith.select %eq3A_1038, %broadcast_in_dim3A_1035, %select_n3A : vector<16xi1>, vector<16xf32>
      %get3A_1040 = arith.constant 2 : i32
      %get3A_1041 = arith.index_cast %get3A_1040 : i32 to index
      %get3A_1042 = arith.constant 0 : index
      %get3A_1043 = tpu.vector_load %arg11[%get3A_1041, %get3A_1042] {strides = array<i32>} : memref<32x64xf32, #tpu.memory_space<vmem>>, vector<16xf32>,
      %get3A_1044 = arith.constant 2 : i32
      %get3A_1045 = arith.index_cast %get3A_1044 : i32 to index
      %get3A_1046 = arith.constant 0 : index
      %get3A_1047 = tpu.vector_load %arg12[%get3A_1045, %get3A_1046] {strides = array<i32>} : memref<32x64xf32, #tpu.memory_space<vmem>>, vector<16xf32>,
      %mul3A_1048 = arith.mulf %get3A_1043, %get3A_1047 : vector<16xf32>
      %get3A_1049 = arith.constant 2 : i32
      %get3A_1050 = arith.index_cast %get3A_1049 : i32 to index
      %get3A_1051 = arith.constant 16 : index
      %get3A_1052 = tpu.vector_load %arg11[%get3A_1050, %get3A_1051] {strides = array<i32>} : memref<32x64xf32, #tpu.memory_space<vmem>>, vector<16xf32>,
      %get3A_1053 = arith.constant 2 : i32
      %get3A_1054 = arith.index_cast %get3A_1053 : i32 to index
      %get3A_1055 = arith.constant 16 : index
      %get3A_1056 = tpu.vector_load %arg12[%get3A_1054, %get3A_1055] {strides = array<i32>} : memref<32x64xf32, #tpu.memory_space<vmem>>, vector<16xf32>,
      %mul3A_1057 = arith.mulf %get3A_1052, %get3A_1056 : vector<16xf32>
      %add3A_1058 = arith.addf %mul3A_1048, %mul3A_1057 : vector<16xf32>
      %get3A_1059 = arith.constant 2 : i32
      %get3A_1060 = arith.index_cast %get3A_1059 : i32 to index
      %get3A_1061 = arith.constant 32 : index
      %get3A_1062 = tpu.vector_load %arg11[%get3A_1060, %get3A_1061] {strides = array<i32>} : memref<32x64xf32, #tpu.memory_space<vmem>>, vector<16xf32>,
      %get3A_1063 = arith.constant 2 : i32
      %get3A_1064 = arith.index_cast %get3A_1063 : i32 to index
      %get3A_1065 = arith.constant 32 : index
      %get3A_1066 = tpu.vector_load %arg12[%get3A_1064, %get3A_1065] {strides = array<i32>} : memref<32x64xf32, #tpu.memory_space<vmem>>, vector<16xf32>,
      %mul3A_1067 = arith.mulf %get3A_1062, %get3A_1066 : vector<16xf32>
      %add3A_1068 = arith.addf %add3A_1058, %mul3A_1067 : vector<16xf32>
      %get3A_1069 = arith.constant 2 : i32
      %get3A_1070 = arith.index_cast %get3A_1069 : i32 to index
      %get3A_1071 = arith.constant 48 : index
      %get3A_1072 = tpu.vector_load %arg11[%get3A_1070, %get3A_1071] {strides = array<i32>} : memref<32x64xf32, #tpu.memory_space<vmem>>, vector<16xf32>,
      %get3A_1073 = arith.constant 2 : i32
      %get3A_1074 = arith.index_cast %get3A_1073 : i32 to index
      %get3A_1075 = arith.constant 48 : index
      %get3A_1076 = tpu.vector_load %arg12[%get3A_1074, %get3A_1075] {strides = array<i32>} : memref<32x64xf32, #tpu.memory_space<vmem>>, vector<16xf32>,
      %mul3A_1077 = arith.mulf %get3A_1072, %get3A_1076 : vector<16xf32>
      %add3A_1078 = arith.addf %add3A_1068, %mul3A_1077 : vector<16xf32>
      %reduce_sum3A_1079 = arith.constant true
      %reduce_sum3A_1080 = vector.broadcast %reduce_sum3A_1079 : i1 to vector<16xi1>
      %reduce_sum3A_1081 = tpu.scan <sum>, %add3A_1078 masked %reduce_sum3A_1080 : vector<16xf32>, vector<16xi1> -> vector<16xf32>
      %reduce_sum3A_1082 = vector.extract %reduce_sum3A_1081[15] : f32 from vector<16xf32>
      %broadcast_in_dim3A_1083 = vector.broadcast %reduce_sum3A_1082 : f32 to vector<16xf32>
      %eq3A_1084 = arith.constant 2 : i32
      %eq3A_1085 = vector.broadcast %eq3A_1084 : i32 to vector<16xi32>
      %eq3A_1086 = arith.cmpi eq, %iota3A, %eq3A_1085 : vector<16xi32>
      %select_n3A_1087 = arith.select %eq3A_1086, %broadcast_in_dim3A_1083, %select_n3A_1039 : vector<16xi1>, vector<16xf32>
      %get3A_1088 = arith.constant 3 : i32
      %get3A_1089 = arith.index_cast %get3A_1088 : i32 to index
      %get3A_1090 = arith.constant 0 : index
      %get3A_1091 = tpu.vector_load %arg11[%get3A_1089, %get3A_1090] {strides = array<i32>} : memref<32x64xf32, #tpu.memory_space<vmem>>, vector<16xf32>,
      %get3A_1092 = arith.constant 3 : i32
      %get3A_1093 = arith.index_cast %get3A_1092 : i32 to index
      %get3A_1094 = arith.constant 0 : index
      %get3A_1095 = tpu.vector_load %arg12[%get3A_1093, %get3A_1094] {strides = array<i32>} : memref<32x64xf32, #tpu.memory_space<vmem>>, vector<16xf32>,
      %mul3A_1096 = arith.mulf %get3A_1091, %get3A_1095 : vector<16xf32>
      %get3A_1097 = arith.constant 3 : i32
      %get3A_1098 = arith.index_cast %get3A_1097 : i32 to index
      %get3A_1099 = arith.constant 16 : index
      %get3A_1100 = tpu.vector_load %arg11[%get3A_1098, %get3A_1099] {strides = array<i32>} : memref<32x64xf32, #tpu.memory_space<vmem>>, vector<16xf32>,
      %get3A_1101 = arith.constant 3 : i32
      %get3A_1102 = arith.index_cast %get3A_1101 : i32 to index
      %get3A_1103 = arith.constant 16 : index
      %get3A_1104 = tpu.vector_load %arg12[%get3A_1102, %get3A_1103] {strides = array<i32>} : memref<32x64xf32, #tpu.memory_space<vmem>>, vector<16xf32>,
      %mul3A_1105 = arith.mulf %get3A_1100, %get3A_1104 : vector<16xf32>
      %add3A_1106 = arith.addf %mul3A_1096, %mul3A_1105 : vector<16xf32>
      %get3A_1107 = arith.constant 3 : i32
      %get3A_1108 = arith.index_cast %get3A_1107 : i32 to index
      %get3A_1109 = arith.constant 32 : index
      %get3A_1110 = tpu.vector_load %arg11[%get3A_1108, %get3A_1109] {strides = array<i32>} : memref<32x64xf32, #tpu.memory_space<vmem>>, vector<16xf32>,
      %get3A_1111 = arith.constant 3 : i32
      %get3A_1112 = arith.index_cast %get3A_1111 : i32 to index
      %get3A_1113 = arith.constant 32 : index
      %get3A_1114 = tpu.vector_load %arg12[%get3A_1112, %get3A_1113] {strides = array<i32>} : memref<32x64xf32, #tpu.memory_space<vmem>>, vector<16xf32>,
      %mul3A_1115 = arith.mulf %get3A_1110, %get3A_1114 : vector<16xf32>
      %add3A_1116 = arith.addf %add3A_1106, %mul3A_1115 : vector<16xf32>
      %get3A_1117 = arith.constant 3 : i32
      %get3A_1118 = arith.index_cast %get3A_1117 : i32 to index
      %get3A_1119 = arith.constant 48 : index
      %get3A_1120 = tpu.vector_load %arg11[%get3A_1118, %get3A_1119] {strides = array<i32>} : memref<32x64xf32, #tpu.memory_space<vmem>>, vector<16xf32>,
      %get3A_1121 = arith.constant 3 : i32
      %get3A_1122 = arith.index_cast %get3A_1121 : i32 to index
      %get3A_1123 = arith.constant 48 : index
      %get3A_1124 = tpu.vector_load %arg12[%get3A_1122, %get3A_1123] {strides = array<i32>} : memref<32x64xf32, #tpu.memory_space<vmem>>, vector<16xf32>,
      %mul3A_1125 = arith.mulf %get3A_1120, %get3A_1124 : vector<16xf32>
      %add3A_1126 = arith.addf %add3A_1116, %mul3A_1125 : vector<16xf32>
      %reduce_sum3A_1127 = arith.constant true
      %reduce_sum3A_1128 = vector.broadcast %reduce_sum3A_1127 : i1 to vector<16xi1>
      %reduce_sum3A_1129 = tpu.scan <sum>, %add3A_1126 masked %reduce_sum3A_1128 : vector<16xf32>, vector<16xi1> -> vector<16xf32>
      %reduce_sum3A_1130 = vector.extract %reduce_sum3A_1129[15] : f32 from vector<16xf32>
      %broadcast_in_dim3A_1131 = vector.broadcast %reduce_sum3A_1130 : f32 to vector<16xf32>
      %eq3A_1132 = arith.constant 3 : i32
      %eq3A_1133 = vector.broadcast %eq3A_1132 : i32 to vector<16xi32>
      %eq3A_1134 = arith.cmpi eq, %iota3A, %eq3A_1133 : vector<16xi32>
      %select_n3A_1135 = arith.select %eq3A_1134, %broadcast_in_dim3A_1131, %select_n3A_1087 : vector<16xi1>, vector<16xf32>
      %get3A_1136 = arith.constant 4 : i32
      %get3A_1137 = arith.index_cast %get3A_1136 : i32 to index
      %get3A_1138 = arith.constant 0 : index
      %get3A_1139 = tpu.vector_load %arg11[%get3A_1137, %get3A_1138] {strides = array<i32>} : memref<32x64xf32, #tpu.memory_space<vmem>>, vector<16xf32>,
      %get3A_1140 = arith.constant 4 : i32
      %get3A_1141 = arith.index_cast %get3A_1140 : i32 to index
      %get3A_1142 = arith.constant 0 : index
      %get3A_1143 = tpu.vector_load %arg12[%get3A_1141, %get3A_1142] {strides = array<i32>} : memref<32x64xf32, #tpu.memory_space<vmem>>, vector<16xf32>,
      %mul3A_1144 = arith.mulf %get3A_1139, %get3A_1143 : vector<16xf32>
      %get3A_1145 = arith.constant 4 : i32
      %get3A_1146 = arith.index_cast %get3A_1145 : i32 to index
      %get3A_1147 = arith.constant 16 : index
      %get3A_1148 = tpu.vector_load %arg11[%get3A_1146, %get3A_1147] {strides = array<i32>} : memref<32x64xf32, #tpu.memory_space<vmem>>, vector<16xf32>,
      %get3A_1149 = arith.constant 4 : i32
      %get3A_1150 = arith.index_cast %get3A_1149 : i32 to index
      %get3A_1151 = arith.constant 16 : index
      %get3A_1152 = tpu.vector_load %arg12[%get3A_1150, %get3A_1151] {strides = array<i32>} : memref<32x64xf32, #tpu.memory_space<vmem>>, vector<16xf32>,
      %mul3A_1153 = arith.mulf %get3A_1148, %get3A_1152 : vector<16xf32>
      %add3A_1154 = arith.addf %mul3A_1144, %mul3A_1153 : vector<16xf32>
      %get3A_1155 = arith.constant 4 : i32
      %get3A_1156 = arith.index_cast %get3A_1155 : i32 to index
      %get3A_1157 = arith.constant 32 : index
      %get3A_1158 = tpu.vector_load %arg11[%get3A_1156, %get3A_1157] {strides = array<i32>} : memref<32x64xf32, #tpu.memory_space<vmem>>, vector<16xf32>,
      %get3A_1159 = arith.constant 4 : i32
      %get3A_1160 = arith.index_cast %get3A_1159 : i32 to index
      %get3A_1161 = arith.constant 32 : index
      %get3A_1162 = tpu.vector_load %arg12[%get3A_1160, %get3A_1161] {strides = array<i32>} : memref<32x64xf32, #tpu.memory_space<vmem>>, vector<16xf32>,
      %mul3A_1163 = arith.mulf %get3A_1158, %get3A_1162 : vector<16xf32>
      %add3A_1164 = arith.addf %add3A_1154, %mul3A_1163 : vector<16xf32>
      %get3A_1165 = arith.constant 4 : i32
      %get3A_1166 = arith.index_cast %get3A_1165 : i32 to index
      %get3A_1167 = arith.constant 48 : index
      %get3A_1168 = tpu.vector_load %arg11[%get3A_1166, %get3A_1167] {strides = array<i32>} : memref<32x64xf32, #tpu.memory_space<vmem>>, vector<16xf32>,
      %get3A_1169 = arith.constant 4 : i32
      %get3A_1170 = arith.index_cast %get3A_1169 : i32 to index
      %get3A_1171 = arith.constant 48 : index
      %get3A_1172 = tpu.vector_load %arg12[%get3A_1170, %get3A_1171] {strides = array<i32>} : memref<32x64xf32, #tpu.memory_space<vmem>>, vector<16xf32>,
      %mul3A_1173 = arith.mulf %get3A_1168, %get3A_1172 : vector<16xf32>
      %add3A_1174 = arith.addf %add3A_1164, %mul3A_1173 : vector<16xf32>
      %reduce_sum3A_1175 = arith.constant true
      %reduce_sum3A_1176 = vector.broadcast %reduce_sum3A_1175 : i1 to vector<16xi1>
      %reduce_sum3A_1177 = tpu.scan <sum>, %add3A_1174 masked %reduce_sum3A_1176 : vector<16xf32>, vector<16xi1> -> vector<16xf32>
      %reduce_sum3A_1178 = vector.extract %reduce_sum3A_1177[15] : f32 from vector<16xf32>
      %broadcast_in_dim3A_1179 = vector.broadcast %reduce_sum3A_1178 : f32 to vector<16xf32>
      %eq3A_1180 = arith.constant 4 : i32
      %eq3A_1181 = vector.broadcast %eq3A_1180 : i32 to vector<16xi32>
      %eq3A_1182 = arith.cmpi eq, %iota3A, %eq3A_1181 : vector<16xi32>
      %select_n3A_1183 = arith.select %eq3A_1182, %broadcast_in_dim3A_1179, %select_n3A_1135 : vector<16xi1>, vector<16xf32>
      %get3A_1184 = arith.constant 5 : i32
      %get3A_1185 = arith.index_cast %get3A_1184 : i32 to index
      %get3A_1186 = arith.constant 0 : index
      %get3A_1187 = tpu.vector_load %arg11[%get3A_1185, %get3A_1186] {strides = array<i32>} : memref<32x64xf32, #tpu.memory_space<vmem>>, vector<16xf32>,
      %get3A_1188 = arith.constant 5 : i32
      %get3A_1189 = arith.index_cast %get3A_1188 : i32 to index
      %get3A_1190 = arith.constant 0 : index
      %get3A_1191 = tpu.vector_load %arg12[%get3A_1189, %get3A_1190] {strides = array<i32>} : memref<32x64xf32, #tpu.memory_space<vmem>>, vector<16xf32>,
      %mul3A_1192 = arith.mulf %get3A_1187, %get3A_1191 : vector<16xf32>
      %get3A_1193 = arith.constant 5 : i32
      %get3A_1194 = arith.index_cast %get3A_1193 : i32 to index
      %get3A_1195 = arith.constant 16 : index
      %get3A_1196 = tpu.vector_load %arg11[%get3A_1194, %get3A_1195] {strides = array<i32>} : memref<32x64xf32, #tpu.memory_space<vmem>>, vector<16xf32>,
      %get3A_1197 = arith.constant 5 : i32
      %get3A_1198 = arith.index_cast %get3A_1197 : i32 to index
      %get3A_1199 = arith.constant 16 : index
      %get3A_1200 = tpu.vector_load %arg12[%get3A_1198, %get3A_1199] {strides = array<i32>} : memref<32x64xf32, #tpu.memory_space<vmem>>, vector<16xf32>,
      %mul3A_1201 = arith.mulf %get3A_1196, %get3A_1200 : vector<16xf32>
      %add3A_1202 = arith.addf %mul3A_1192, %mul3A_1201 : vector<16xf32>
      %get3A_1203 = arith.constant 5 : i32
      %get3A_1204 = arith.index_cast %get3A_1203 : i32 to index
      %get3A_1205 = arith.constant 32 : index
      %get3A_1206 = tpu.vector_load %arg11[%get3A_1204, %get3A_1205] {strides = array<i32>} : memref<32x64xf32, #tpu.memory_space<vmem>>, vector<16xf32>,
      %get3A_1207 = arith.constant 5 : i32
      %get3A_1208 = arith.index_cast %get3A_1207 : i32 to index
      %get3A_1209 = arith.constant 32 : index
      %get3A_1210 = tpu.vector_load %arg12[%get3A_1208, %get3A_1209] {strides = array<i32>} : memref<32x64xf32, #tpu.memory_space<vmem>>, vector<16xf32>,
      %mul3A_1211 = arith.mulf %get3A_1206, %get3A_1210 : vector<16xf32>
      %add3A_1212 = arith.addf %add3A_1202, %mul3A_1211 : vector<16xf32>
      %get3A_1213 = arith.constant 5 : i32
      %get3A_1214 = arith.index_cast %get3A_1213 : i32 to index
      %get3A_1215 = arith.constant 48 : index
      %get3A_1216 = tpu.vector_load %arg11[%get3A_1214, %get3A_1215] {strides = array<i32>} : memref<32x64xf32, #tpu.memory_space<vmem>>, vector<16xf32>,
      %get3A_1217 = arith.constant 5 : i32
      %get3A_1218 = arith.index_cast %get3A_1217 : i32 to index
      %get3A_1219 = arith.constant 48 : index
      %get3A_1220 = tpu.vector_load %arg12[%get3A_1218, %get3A_1219] {strides = array<i32>} : memref<32x64xf32, #tpu.memory_space<vmem>>, vector<16xf32>,
      %mul3A_1221 = arith.mulf %get3A_1216, %get3A_1220 : vector<16xf32>
      %add3A_1222 = arith.addf %add3A_1212, %mul3A_1221 : vector<16xf32>
      %reduce_sum3A_1223 = arith.constant true
      %reduce_sum3A_1224 = vector.broadcast %reduce_sum3A_1223 : i1 to vector<16xi1>
      %reduce_sum3A_1225 = tpu.scan <sum>, %add3A_1222 masked %reduce_sum3A_1224 : vector<16xf32>, vector<16xi1> -> vector<16xf32>
      %reduce_sum3A_1226 = vector.extract %reduce_sum3A_1225[15] : f32 from vector<16xf32>
      %broadcast_in_dim3A_1227 = vector.broadcast %reduce_sum3A_1226 : f32 to vector<16xf32>
      %eq3A_1228 = arith.constant 5 : i32
      %eq3A_1229 = vector.broadcast %eq3A_1228 : i32 to vector<16xi32>
      %eq3A_1230 = arith.cmpi eq, %iota3A, %eq3A_1229 : vector<16xi32>
      %select_n3A_1231 = arith.select %eq3A_1230, %broadcast_in_dim3A_1227, %select_n3A_1183 : vector<16xi1>, vector<16xf32>
      %get3A_1232 = arith.constant 6 : i32
      %get3A_1233 = arith.index_cast %get3A_1232 : i32 to index
      %get3A_1234 = arith.constant 0 : index
      %get3A_1235 = tpu.vector_load %arg11[%get3A_1233, %get3A_1234] {strides = array<i32>} : memref<32x64xf32, #tpu.memory_space<vmem>>, vector<16xf32>,
      %get3A_1236 = arith.constant 6 : i32
      %get3A_1237 = arith.index_cast %get3A_1236 : i32 to index
      %get3A_1238 = arith.constant 0 : index
      %get3A_1239 = tpu.vector_load %arg12[%get3A_1237, %get3A_1238] {strides = array<i32>} : memref<32x64xf32, #tpu.memory_space<vmem>>, vector<16xf32>,
      %mul3A_1240 = arith.mulf %get3A_1235, %get3A_1239 : vector<16xf32>
      %get3A_1241 = arith.constant 6 : i32
      %get3A_1242 = arith.index_cast %get3A_1241 : i32 to index
      %get3A_1243 = arith.constant 16 : index
      %get3A_1244 = tpu.vector_load %arg11[%get3A_1242, %get3A_1243] {strides = array<i32>} : memref<32x64xf32, #tpu.memory_space<vmem>>, vector<16xf32>,
      %get3A_1245 = arith.constant 6 : i32
      %get3A_1246 = arith.index_cast %get3A_1245 : i32 to index
      %get3A_1247 = arith.constant 16 : index
      %get3A_1248 = tpu.vector_load %arg12[%get3A_1246, %get3A_1247] {strides = array<i32>} : memref<32x64xf32, #tpu.memory_space<vmem>>, vector<16xf32>,
      %mul3A_1249 = arith.mulf %get3A_1244, %get3A_1248 : vector<16xf32>
      %add3A_1250 = arith.addf %mul3A_1240, %mul3A_1249 : vector<16xf32>
      %get3A_1251 = arith.constant 6 : i32
      %get3A_1252 = arith.index_cast %get3A_1251 : i32 to index
      %get3A_1253 = arith.constant 32 : index
      %get3A_1254 = tpu.vector_load %arg11[%get3A_1252, %get3A_1253] {strides = array<i32>} : memref<32x64xf32, #tpu.memory_space<vmem>>, vector<16xf32>,
      %get3A_1255 = arith.constant 6 : i32
      %get3A_1256 = arith.index_cast %get3A_1255 : i32 to index
      %get3A_1257 = arith.constant 32 : index
      %get3A_1258 = tpu.vector_load %arg12[%get3A_1256, %get3A_1257] {strides = array<i32>} : memref<32x64xf32, #tpu.memory_space<vmem>>, vector<16xf32>,
      %mul3A_1259 = arith.mulf %get3A_1254, %get3A_1258 : vector<16xf32>
      %add3A_1260 = arith.addf %add3A_1250, %mul3A_1259 : vector<16xf32>
      %get3A_1261 = arith.constant 6 : i32
      %get3A_1262 = arith.index_cast %get3A_1261 : i32 to index
      %get3A_1263 = arith.constant 48 : index
      %get3A_1264 = tpu.vector_load %arg11[%get3A_1262, %get3A_1263] {strides = array<i32>} : memref<32x64xf32, #tpu.memory_space<vmem>>, vector<16xf32>,
      %get3A_1265 = arith.constant 6 : i32
      %get3A_1266 = arith.index_cast %get3A_1265 : i32 to index
      %get3A_1267 = arith.constant 48 : index
      %get3A_1268 = tpu.vector_load %arg12[%get3A_1266, %get3A_1267] {strides = array<i32>} : memref<32x64xf32, #tpu.memory_space<vmem>>, vector<16xf32>,
      %mul3A_1269 = arith.mulf %get3A_1264, %get3A_1268 : vector<16xf32>
      %add3A_1270 = arith.addf %add3A_1260, %mul3A_1269 : vector<16xf32>
      %reduce_sum3A_1271 = arith.constant true
      %reduce_sum3A_1272 = vector.broadcast %reduce_sum3A_1271 : i1 to vector<16xi1>
      %reduce_sum3A_1273 = tpu.scan <sum>, %add3A_1270 masked %reduce_sum3A_1272 : vector<16xf32>, vector<16xi1> -> vector<16xf32>
      %reduce_sum3A_1274 = vector.extract %reduce_sum3A_1273[15] : f32 from vector<16xf32>
      %broadcast_in_dim3A_1275 = vector.broadcast %reduce_sum3A_1274 : f32 to vector<16xf32>
      %eq3A_1276 = arith.constant 6 : i32
      %eq3A_1277 = vector.broadcast %eq3A_1276 : i32 to vector<16xi32>
      %eq3A_1278 = arith.cmpi eq, %iota3A, %eq3A_1277 : vector<16xi32>
      %select_n3A_1279 = arith.select %eq3A_1278, %broadcast_in_dim3A_1275, %select_n3A_1231 : vector<16xi1>, vector<16xf32>
      %get3A_1280 = arith.constant 7 : i32
      %get3A_1281 = arith.index_cast %get3A_1280 : i32 to index
      %get3A_1282 = arith.constant 0 : index
      %get3A_1283 = tpu.vector_load %arg11[%get3A_1281, %get3A_1282] {strides = array<i32>} : memref<32x64xf32, #tpu.memory_space<vmem>>, vector<16xf32>,
      %get3A_1284 = arith.constant 7 : i32
      %get3A_1285 = arith.index_cast %get3A_1284 : i32 to index
      %get3A_1286 = arith.constant 0 : index
      %get3A_1287 = tpu.vector_load %arg12[%get3A_1285, %get3A_1286] {strides = array<i32>} : memref<32x64xf32, #tpu.memory_space<vmem>>, vector<16xf32>,
      %mul3A_1288 = arith.mulf %get3A_1283, %get3A_1287 : vector<16xf32>
      %get3A_1289 = arith.constant 7 : i32
      %get3A_1290 = arith.index_cast %get3A_1289 : i32 to index
      %get3A_1291 = arith.constant 16 : index
      %get3A_1292 = tpu.vector_load %arg11[%get3A_1290, %get3A_1291] {strides = array<i32>} : memref<32x64xf32, #tpu.memory_space<vmem>>, vector<16xf32>,
      %get3A_1293 = arith.constant 7 : i32
      %get3A_1294 = arith.index_cast %get3A_1293 : i32 to index
      %get3A_1295 = arith.constant 16 : index
      %get3A_1296 = tpu.vector_load %arg12[%get3A_1294, %get3A_1295] {strides = array<i32>} : memref<32x64xf32, #tpu.memory_space<vmem>>, vector<16xf32>,
      %mul3A_1297 = arith.mulf %get3A_1292, %get3A_1296 : vector<16xf32>
      %add3A_1298 = arith.addf %mul3A_1288, %mul3A_1297 : vector<16xf32>
      %get3A_1299 = arith.constant 7 : i32
      %get3A_1300 = arith.index_cast %get3A_1299 : i32 to index
      %get3A_1301 = arith.constant 32 : index
      %get3A_1302 = tpu.vector_load %arg11[%get3A_1300, %get3A_1301] {strides = array<i32>} : memref<32x64xf32, #tpu.memory_space<vmem>>, vector<16xf32>,
      %get3A_1303 = arith.constant 7 : i32
      %get3A_1304 = arith.index_cast %get3A_1303 : i32 to index
      %get3A_1305 = arith.constant 32 : index
      %get3A_1306 = tpu.vector_load %arg12[%get3A_1304, %get3A_1305] {strides = array<i32>} : memref<32x64xf32, #tpu.memory_space<vmem>>, vector<16xf32>,
      %mul3A_1307 = arith.mulf %get3A_1302, %get3A_1306 : vector<16xf32>
      %add3A_1308 = arith.addf %add3A_1298, %mul3A_1307 : vector<16xf32>
      %get3A_1309 = arith.constant 7 : i32
      %get3A_1310 = arith.index_cast %get3A_1309 : i32 to index
      %get3A_1311 = arith.constant 48 : index
      %get3A_1312 = tpu.vector_load %arg11[%get3A_1310, %get3A_1311] {strides = array<i32>} : memref<32x64xf32, #tpu.memory_space<vmem>>, vector<16xf32>,
      %get3A_1313 = arith.constant 7 : i32
      %get3A_1314 = arith.index_cast %get3A_1313 : i32 to index
      %get3A_1315 = arith.constant 48 : index
      %get3A_1316 = tpu.vector_load %arg12[%get3A_1314, %get3A_1315] {strides = array<i32>} : memref<32x64xf32, #tpu.memory_space<vmem>>, vector<16xf32>,
      %mul3A_1317 = arith.mulf %get3A_1312, %get3A_1316 : vector<16xf32>
      %add3A_1318 = arith.addf %add3A_1308, %mul3A_1317 : vector<16xf32>
      %reduce_sum3A_1319 = arith.constant true
      %reduce_sum3A_1320 = vector.broadcast %reduce_sum3A_1319 : i1 to vector<16xi1>
      %reduce_sum3A_1321 = tpu.scan <sum>, %add3A_1318 masked %reduce_sum3A_1320 : vector<16xf32>, vector<16xi1> -> vector<16xf32>
      %reduce_sum3A_1322 = vector.extract %reduce_sum3A_1321[15] : f32 from vector<16xf32>
      %broadcast_in_dim3A_1323 = vector.broadcast %reduce_sum3A_1322 : f32 to vector<16xf32>
      %eq3A_1324 = arith.constant 7 : i32
      %eq3A_1325 = vector.broadcast %eq3A_1324 : i32 to vector<16xi32>
      %eq3A_1326 = arith.cmpi eq, %iota3A, %eq3A_1325 : vector<16xi32>
      %select_n3A_1327 = arith.select %eq3A_1326, %broadcast_in_dim3A_1323, %select_n3A_1279 : vector<16xi1>, vector<16xf32>
      %get3A_1328 = arith.constant 8 : i32
      %get3A_1329 = arith.index_cast %get3A_1328 : i32 to index
      %get3A_1330 = arith.constant 0 : index
      %get3A_1331 = tpu.vector_load %arg11[%get3A_1329, %get3A_1330] {strides = array<i32>} : memref<32x64xf32, #tpu.memory_space<vmem>>, vector<16xf32>,
      %get3A_1332 = arith.constant 8 : i32
      %get3A_1333 = arith.index_cast %get3A_1332 : i32 to index
      %get3A_1334 = arith.constant 0 : index
      %get3A_1335 = tpu.vector_load %arg12[%get3A_1333, %get3A_1334] {strides = array<i32>} : memref<32x64xf32, #tpu.memory_space<vmem>>, vector<16xf32>,
      %mul3A_1336 = arith.mulf %get3A_1331, %get3A_1335 : vector<16xf32>
      %get3A_1337 = arith.constant 8 : i32
      %get3A_1338 = arith.index_cast %get3A_1337 : i32 to index
      %get3A_1339 = arith.constant 16 : index
      %get3A_1340 = tpu.vector_load %arg11[%get3A_1338, %get3A_1339] {strides = array<i32>} : memref<32x64xf32, #tpu.memory_space<vmem>>, vector<16xf32>,
      %get3A_1341 = arith.constant 8 : i32
      %get3A_1342 = arith.index_cast %get3A_1341 : i32 to index
      %get3A_1343 = arith.constant 16 : index
      %get3A_1344 = tpu.vector_load %arg12[%get3A_1342, %get3A_1343] {strides = array<i32>} : memref<32x64xf32, #tpu.memory_space<vmem>>, vector<16xf32>,
      %mul3A_1345 = arith.mulf %get3A_1340, %get3A_1344 : vector<16xf32>
      %add3A_1346 = arith.addf %mul3A_1336, %mul3A_1345 : vector<16xf32>
      %get3A_1347 = arith.constant 8 : i32
      %get3A_1348 = arith.index_cast %get3A_1347 : i32 to index
      %get3A_1349 = arith.constant 32 : index
      %get3A_1350 = tpu.vector_load %arg11[%get3A_1348, %get3A_1349] {strides = array<i32>} : memref<32x64xf32, #tpu.memory_space<vmem>>, vector<16xf32>,
      %get3A_1351 = arith.constant 8 : i32
      %get3A_1352 = arith.index_cast %get3A_1351 : i32 to index
      %get3A_1353 = arith.constant 32 : index
      %get3A_1354 = tpu.vector_load %arg12[%get3A_1352, %get3A_1353] {strides = array<i32>} : memref<32x64xf32, #tpu.memory_space<vmem>>, vector<16xf32>,
      %mul3A_1355 = arith.mulf %get3A_1350, %get3A_1354 : vector<16xf32>
      %add3A_1356 = arith.addf %add3A_1346, %mul3A_1355 : vector<16xf32>
      %get3A_1357 = arith.constant 8 : i32
      %get3A_1358 = arith.index_cast %get3A_1357 : i32 to index
      %get3A_1359 = arith.constant 48 : index
      %get3A_1360 = tpu.vector_load %arg11[%get3A_1358, %get3A_1359] {strides = array<i32>} : memref<32x64xf32, #tpu.memory_space<vmem>>, vector<16xf32>,
      %get3A_1361 = arith.constant 8 : i32
      %get3A_1362 = arith.index_cast %get3A_1361 : i32 to index
      %get3A_1363 = arith.constant 48 : index
      %get3A_1364 = tpu.vector_load %arg12[%get3A_1362, %get3A_1363] {strides = array<i32>} : memref<32x64xf32, #tpu.memory_space<vmem>>, vector<16xf32>,
      %mul3A_1365 = arith.mulf %get3A_1360, %get3A_1364 : vector<16xf32>
      %add3A_1366 = arith.addf %add3A_1356, %mul3A_1365 : vector<16xf32>
      %reduce_sum3A_1367 = arith.constant true
      %reduce_sum3A_1368 = vector.broadcast %reduce_sum3A_1367 : i1 to vector<16xi1>
      %reduce_sum3A_1369 = tpu.scan <sum>, %add3A_1366 masked %reduce_sum3A_1368 : vector<16xf32>, vector<16xi1> -> vector<16xf32>
      %reduce_sum3A_1370 = vector.extract %reduce_sum3A_1369[15] : f32 from vector<16xf32>
      %broadcast_in_dim3A_1371 = vector.broadcast %reduce_sum3A_1370 : f32 to vector<16xf32>
      %eq3A_1372 = arith.constant 8 : i32
      %eq3A_1373 = vector.broadcast %eq3A_1372 : i32 to vector<16xi32>
      %eq3A_1374 = arith.cmpi eq, %iota3A, %eq3A_1373 : vector<16xi32>
      %select_n3A_1375 = arith.select %eq3A_1374, %broadcast_in_dim3A_1371, %select_n3A_1327 : vector<16xi1>, vector<16xf32>
      %get3A_1376 = arith.constant 9 : i32
      %get3A_1377 = arith.index_cast %get3A_1376 : i32 to index
      %get3A_1378 = arith.constant 0 : index
      %get3A_1379 = tpu.vector_load %arg11[%get3A_1377, %get3A_1378] {strides = array<i32>} : memref<32x64xf32, #tpu.memory_space<vmem>>, vector<16xf32>,
      %get3A_1380 = arith.constant 9 : i32
      %get3A_1381 = arith.index_cast %get3A_1380 : i32 to index
      %get3A_1382 = arith.constant 0 : index
      %get3A_1383 = tpu.vector_load %arg12[%get3A_1381, %get3A_1382] {strides = array<i32>} : memref<32x64xf32, #tpu.memory_space<vmem>>, vector<16xf32>,
      %mul3A_1384 = arith.mulf %get3A_1379, %get3A_1383 : vector<16xf32>
      %get3A_1385 = arith.constant 9 : i32
      %get3A_1386 = arith.index_cast %get3A_1385 : i32 to index
      %get3A_1387 = arith.constant 16 : index
      %get3A_1388 = tpu.vector_load %arg11[%get3A_1386, %get3A_1387] {strides = array<i32>} : memref<32x64xf32, #tpu.memory_space<vmem>>, vector<16xf32>,
      %get3A_1389 = arith.constant 9 : i32
      %get3A_1390 = arith.index_cast %get3A_1389 : i32 to index
      %get3A_1391 = arith.constant 16 : index
      %get3A_1392 = tpu.vector_load %arg12[%get3A_1390, %get3A_1391] {strides = array<i32>} : memref<32x64xf32, #tpu.memory_space<vmem>>, vector<16xf32>,
      %mul3A_1393 = arith.mulf %get3A_1388, %get3A_1392 : vector<16xf32>
      %add3A_1394 = arith.addf %mul3A_1384, %mul3A_1393 : vector<16xf32>
      %get3A_1395 = arith.constant 9 : i32
      %get3A_1396 = arith.index_cast %get3A_1395 : i32 to index
      %get3A_1397 = arith.constant 32 : index
      %get3A_1398 = tpu.vector_load %arg11[%get3A_1396, %get3A_1397] {strides = array<i32>} : memref<32x64xf32, #tpu.memory_space<vmem>>, vector<16xf32>,
      %get3A_1399 = arith.constant 9 : i32
      %get3A_1400 = arith.index_cast %get3A_1399 : i32 to index
      %get3A_1401 = arith.constant 32 : index
      %get3A_1402 = tpu.vector_load %arg12[%get3A_1400, %get3A_1401] {strides = array<i32>} : memref<32x64xf32, #tpu.memory_space<vmem>>, vector<16xf32>,
      %mul3A_1403 = arith.mulf %get3A_1398, %get3A_1402 : vector<16xf32>
      %add3A_1404 = arith.addf %add3A_1394, %mul3A_1403 : vector<16xf32>
      %get3A_1405 = arith.constant 9 : i32
      %get3A_1406 = arith.index_cast %get3A_1405 : i32 to index
      %get3A_1407 = arith.constant 48 : index
      %get3A_1408 = tpu.vector_load %arg11[%get3A_1406, %get3A_1407] {strides = array<i32>} : memref<32x64xf32, #tpu.memory_space<vmem>>, vector<16xf32>,
      %get3A_1409 = arith.constant 9 : i32
      %get3A_1410 = arith.index_cast %get3A_1409 : i32 to index
      %get3A_1411 = arith.constant 48 : index
      %get3A_1412 = tpu.vector_load %arg12[%get3A_1410, %get3A_1411] {strides = array<i32>} : memref<32x64xf32, #tpu.memory_space<vmem>>, vector<16xf32>,
      %mul3A_1413 = arith.mulf %get3A_1408, %get3A_1412 : vector<16xf32>
      %add3A_1414 = arith.addf %add3A_1404, %mul3A_1413 : vector<16xf32>
      %reduce_sum3A_1415 = arith.constant true
      %reduce_sum3A_1416 = vector.broadcast %reduce_sum3A_1415 : i1 to vector<16xi1>
      %reduce_sum3A_1417 = tpu.scan <sum>, %add3A_1414 masked %reduce_sum3A_1416 : vector<16xf32>, vector<16xi1> -> vector<16xf32>
      %reduce_sum3A_1418 = vector.extract %reduce_sum3A_1417[15] : f32 from vector<16xf32>
      %broadcast_in_dim3A_1419 = vector.broadcast %reduce_sum3A_1418 : f32 to vector<16xf32>
      %eq3A_1420 = arith.constant 9 : i32
      %eq3A_1421 = vector.broadcast %eq3A_1420 : i32 to vector<16xi32>
      %eq3A_1422 = arith.cmpi eq, %iota3A, %eq3A_1421 : vector<16xi32>
      %select_n3A_1423 = arith.select %eq3A_1422, %broadcast_in_dim3A_1419, %select_n3A_1375 : vector<16xi1>, vector<16xf32>
      %get3A_1424 = arith.constant 10 : i32
      %get3A_1425 = arith.index_cast %get3A_1424 : i32 to index
      %get3A_1426 = arith.constant 0 : index
      %get3A_1427 = tpu.vector_load %arg11[%get3A_1425, %get3A_1426] {strides = array<i32>} : memref<32x64xf32, #tpu.memory_space<vmem>>, vector<16xf32>,
      %get3A_1428 = arith.constant 10 : i32
      %get3A_1429 = arith.index_cast %get3A_1428 : i32 to index
      %get3A_1430 = arith.constant 0 : index
      %get3A_1431 = tpu.vector_load %arg12[%get3A_1429, %get3A_1430] {strides = array<i32>} : memref<32x64xf32, #tpu.memory_space<vmem>>, vector<16xf32>,
      %mul3A_1432 = arith.mulf %get3A_1427, %get3A_1431 : vector<16xf32>
      %get3A_1433 = arith.constant 10 : i32
      %get3A_1434 = arith.index_cast %get3A_1433 : i32 to index
      %get3A_1435 = arith.constant 16 : index
      %get3A_1436 = tpu.vector_load %arg11[%get3A_1434, %get3A_1435] {strides = array<i32>} : memref<32x64xf32, #tpu.memory_space<vmem>>, vector<16xf32>,
      %get3A_1437 = arith.constant 10 : i32
      %get3A_1438 = arith.index_cast %get3A_1437 : i32 to index
      %get3A_1439 = arith.constant 16 : index
      %get3A_1440 = tpu.vector_load %arg12[%get3A_1438, %get3A_1439] {strides = array<i32>} : memref<32x64xf32, #tpu.memory_space<vmem>>, vector<16xf32>,
      %mul3A_1441 = arith.mulf %get3A_1436, %get3A_1440 : vector<16xf32>
      %add3A_1442 = arith.addf %mul3A_1432, %mul3A_1441 : vector<16xf32>
      %get3A_1443 = arith.constant 10 : i32
      %get3A_1444 = arith.index_cast %get3A_1443 : i32 to index
      %get3A_1445 = arith.constant 32 : index
      %get3A_1446 = tpu.vector_load %arg11[%get3A_1444, %get3A_1445] {strides = array<i32>} : memref<32x64xf32, #tpu.memory_space<vmem>>, vector<16xf32>,
      %get3A_1447 = arith.constant 10 : i32
      %get3A_1448 = arith.index_cast %get3A_1447 : i32 to index
      %get3A_1449 = arith.constant 32 : index
      %get3A_1450 = tpu.vector_load %arg12[%get3A_1448, %get3A_1449] {strides = array<i32>} : memref<32x64xf32, #tpu.memory_space<vmem>>, vector<16xf32>,
      %mul3A_1451 = arith.mulf %get3A_1446, %get3A_1450 : vector<16xf32>
      %add3A_1452 = arith.addf %add3A_1442, %mul3A_1451 : vector<16xf32>
      %get3A_1453 = arith.constant 10 : i32
      %get3A_1454 = arith.index_cast %get3A_1453 : i32 to index
      %get3A_1455 = arith.constant 48 : index
      %get3A_1456 = tpu.vector_load %arg11[%get3A_1454, %get3A_1455] {strides = array<i32>} : memref<32x64xf32, #tpu.memory_space<vmem>>, vector<16xf32>,
      %get3A_1457 = arith.constant 10 : i32
      %get3A_1458 = arith.index_cast %get3A_1457 : i32 to index
      %get3A_1459 = arith.constant 48 : index
      %get3A_1460 = tpu.vector_load %arg12[%get3A_1458, %get3A_1459] {strides = array<i32>} : memref<32x64xf32, #tpu.memory_space<vmem>>, vector<16xf32>,
      %mul3A_1461 = arith.mulf %get3A_1456, %get3A_1460 : vector<16xf32>
      %add3A_1462 = arith.addf %add3A_1452, %mul3A_1461 : vector<16xf32>
      %reduce_sum3A_1463 = arith.constant true
      %reduce_sum3A_1464 = vector.broadcast %reduce_sum3A_1463 : i1 to vector<16xi1>
      %reduce_sum3A_1465 = tpu.scan <sum>, %add3A_1462 masked %reduce_sum3A_1464 : vector<16xf32>, vector<16xi1> -> vector<16xf32>
      %reduce_sum3A_1466 = vector.extract %reduce_sum3A_1465[15] : f32 from vector<16xf32>
      %broadcast_in_dim3A_1467 = vector.broadcast %reduce_sum3A_1466 : f32 to vector<16xf32>
      %eq3A_1468 = arith.constant 10 : i32
      %eq3A_1469 = vector.broadcast %eq3A_1468 : i32 to vector<16xi32>
      %eq3A_1470 = arith.cmpi eq, %iota3A, %eq3A_1469 : vector<16xi32>
      %select_n3A_1471 = arith.select %eq3A_1470, %broadcast_in_dim3A_1467, %select_n3A_1423 : vector<16xi1>, vector<16xf32>
      %get3A_1472 = arith.constant 11 : i32
      %get3A_1473 = arith.index_cast %get3A_1472 : i32 to index
      %get3A_1474 = arith.constant 0 : index
      %get3A_1475 = tpu.vector_load %arg11[%get3A_1473, %get3A_1474] {strides = array<i32>} : memref<32x64xf32, #tpu.memory_space<vmem>>, vector<16xf32>,
      %get3A_1476 = arith.constant 11 : i32
      %get3A_1477 = arith.index_cast %get3A_1476 : i32 to index
      %get3A_1478 = arith.constant 0 : index
      %get3A_1479 = tpu.vector_load %arg12[%get3A_1477, %get3A_1478] {strides = array<i32>} : memref<32x64xf32, #tpu.memory_space<vmem>>, vector<16xf32>,
      %mul3A_1480 = arith.mulf %get3A_1475, %get3A_1479 : vector<16xf32>
      %get3A_1481 = arith.constant 11 : i32
      %get3A_1482 = arith.index_cast %get3A_1481 : i32 to index
      %get3A_1483 = arith.constant 16 : index
      %get3A_1484 = tpu.vector_load %arg11[%get3A_1482, %get3A_1483] {strides = array<i32>} : memref<32x64xf32, #tpu.memory_space<vmem>>, vector<16xf32>,
      %get3A_1485 = arith.constant 11 : i32
      %get3A_1486 = arith.index_cast %get3A_1485 : i32 to index
      %get3A_1487 = arith.constant 16 : index
      %get3A_1488 = tpu.vector_load %arg12[%get3A_1486, %get3A_1487] {strides = array<i32>} : memref<32x64xf32, #tpu.memory_space<vmem>>, vector<16xf32>,
      %mul3A_1489 = arith.mulf %get3A_1484, %get3A_1488 : vector<16xf32>
      %add3A_1490 = arith.addf %mul3A_1480, %mul3A_1489 : vector<16xf32>
      %get3A_1491 = arith.constant 11 : i32
      %get3A_1492 = arith.index_cast %get3A_1491 : i32 to index
      %get3A_1493 = arith.constant 32 : index
      %get3A_1494 = tpu.vector_load %arg11[%get3A_1492, %get3A_1493] {strides = array<i32>} : memref<32x64xf32, #tpu.memory_space<vmem>>, vector<16xf32>,
      %get3A_1495 = arith.constant 11 : i32
      %get3A_1496 = arith.index_cast %get3A_1495 : i32 to index
      %get3A_1497 = arith.constant 32 : index
      %get3A_1498 = tpu.vector_load %arg12[%get3A_1496, %get3A_1497] {strides = array<i32>} : memref<32x64xf32, #tpu.memory_space<vmem>>, vector<16xf32>,
      %mul3A_1499 = arith.mulf %get3A_1494, %get3A_1498 : vector<16xf32>
      %add3A_1500 = arith.addf %add3A_1490, %mul3A_1499 : vector<16xf32>
      %get3A_1501 = arith.constant 11 : i32
      %get3A_1502 = arith.index_cast %get3A_1501 : i32 to index
      %get3A_1503 = arith.constant 48 : index
      %get3A_1504 = tpu.vector_load %arg11[%get3A_1502, %get3A_1503] {strides = array<i32>} : memref<32x64xf32, #tpu.memory_space<vmem>>, vector<16xf32>,
      %get3A_1505 = arith.constant 11 : i32
      %get3A_1506 = arith.index_cast %get3A_1505 : i32 to index
      %get3A_1507 = arith.constant 48 : index
      %get3A_1508 = tpu.vector_load %arg12[%get3A_1506, %get3A_1507] {strides = array<i32>} : memref<32x64xf32, #tpu.memory_space<vmem>>, vector<16xf32>,
      %mul3A_1509 = arith.mulf %get3A_1504, %get3A_1508 : vector<16xf32>
      %add3A_1510 = arith.addf %add3A_1500, %mul3A_1509 : vector<16xf32>
      %reduce_sum3A_1511 = arith.constant true
      %reduce_sum3A_1512 = vector.broadcast %reduce_sum3A_1511 : i1 to vector<16xi1>
      %reduce_sum3A_1513 = tpu.scan <sum>, %add3A_1510 masked %reduce_sum3A_1512 : vector<16xf32>, vector<16xi1> -> vector<16xf32>
      %reduce_sum3A_1514 = vector.extract %reduce_sum3A_1513[15] : f32 from vector<16xf32>
      %broadcast_in_dim3A_1515 = vector.broadcast %reduce_sum3A_1514 : f32 to vector<16xf32>
      %eq3A_1516 = arith.constant 11 : i32
      %eq3A_1517 = vector.broadcast %eq3A_1516 : i32 to vector<16xi32>
      %eq3A_1518 = arith.cmpi eq, %iota3A, %eq3A_1517 : vector<16xi32>
      %select_n3A_1519 = arith.select %eq3A_1518, %broadcast_in_dim3A_1515, %select_n3A_1471 : vector<16xi1>, vector<16xf32>
      %get3A_1520 = arith.constant 12 : i32
      %get3A_1521 = arith.index_cast %get3A_1520 : i32 to index
      %get3A_1522 = arith.constant 0 : index
      %get3A_1523 = tpu.vector_load %arg11[%get3A_1521, %get3A_1522] {strides = array<i32>} : memref<32x64xf32, #tpu.memory_space<vmem>>, vector<16xf32>,
      %get3A_1524 = arith.constant 12 : i32
      %get3A_1525 = arith.index_cast %get3A_1524 : i32 to index
      %get3A_1526 = arith.constant 0 : index
      %get3A_1527 = tpu.vector_load %arg12[%get3A_1525, %get3A_1526] {strides = array<i32>} : memref<32x64xf32, #tpu.memory_space<vmem>>, vector<16xf32>,
      %mul3A_1528 = arith.mulf %get3A_1523, %get3A_1527 : vector<16xf32>
      %get3A_1529 = arith.constant 12 : i32
      %get3A_1530 = arith.index_cast %get3A_1529 : i32 to index
      %get3A_1531 = arith.constant 16 : index
      %get3A_1532 = tpu.vector_load %arg11[%get3A_1530, %get3A_1531] {strides = array<i32>} : memref<32x64xf32, #tpu.memory_space<vmem>>, vector<16xf32>,
      %get3A_1533 = arith.constant 12 : i32
      %get3A_1534 = arith.index_cast %get3A_1533 : i32 to index
      %get3A_1535 = arith.constant 16 : index
      %get3A_1536 = tpu.vector_load %arg12[%get3A_1534, %get3A_1535] {strides = array<i32>} : memref<32x64xf32, #tpu.memory_space<vmem>>, vector<16xf32>,
      %mul3A_1537 = arith.mulf %get3A_1532, %get3A_1536 : vector<16xf32>
      %add3A_1538 = arith.addf %mul3A_1528, %mul3A_1537 : vector<16xf32>
      %get3A_1539 = arith.constant 12 : i32
      %get3A_1540 = arith.index_cast %get3A_1539 : i32 to index
      %get3A_1541 = arith.constant 32 : index
      %get3A_1542 = tpu.vector_load %arg11[%get3A_1540, %get3A_1541] {strides = array<i32>} : memref<32x64xf32, #tpu.memory_space<vmem>>, vector<16xf32>,
      %get3A_1543 = arith.constant 12 : i32
      %get3A_1544 = arith.index_cast %get3A_1543 : i32 to index
      %get3A_1545 = arith.constant 32 : index
      %get3A_1546 = tpu.vector_load %arg12[%get3A_1544, %get3A_1545] {strides = array<i32>} : memref<32x64xf32, #tpu.memory_space<vmem>>, vector<16xf32>,
      %mul3A_1547 = arith.mulf %get3A_1542, %get3A_1546 : vector<16xf32>
      %add3A_1548 = arith.addf %add3A_1538, %mul3A_1547 : vector<16xf32>
      %get3A_1549 = arith.constant 12 : i32
      %get3A_1550 = arith.index_cast %get3A_1549 : i32 to index
      %get3A_1551 = arith.constant 48 : index
      %get3A_1552 = tpu.vector_load %arg11[%get3A_1550, %get3A_1551] {strides = array<i32>} : memref<32x64xf32, #tpu.memory_space<vmem>>, vector<16xf32>,
      %get3A_1553 = arith.constant 12 : i32
      %get3A_1554 = arith.index_cast %get3A_1553 : i32 to index
      %get3A_1555 = arith.constant 48 : index
      %get3A_1556 = tpu.vector_load %arg12[%get3A_1554, %get3A_1555] {strides = array<i32>} : memref<32x64xf32, #tpu.memory_space<vmem>>, vector<16xf32>,
      %mul3A_1557 = arith.mulf %get3A_1552, %get3A_1556 : vector<16xf32>
      %add3A_1558 = arith.addf %add3A_1548, %mul3A_1557 : vector<16xf32>
      %reduce_sum3A_1559 = arith.constant true
      %reduce_sum3A_1560 = vector.broadcast %reduce_sum3A_1559 : i1 to vector<16xi1>
      %reduce_sum3A_1561 = tpu.scan <sum>, %add3A_1558 masked %reduce_sum3A_1560 : vector<16xf32>, vector<16xi1> -> vector<16xf32>
      %reduce_sum3A_1562 = vector.extract %reduce_sum3A_1561[15] : f32 from vector<16xf32>
      %broadcast_in_dim3A_1563 = vector.broadcast %reduce_sum3A_1562 : f32 to vector<16xf32>
      %eq3A_1564 = arith.constant 12 : i32
      %eq3A_1565 = vector.broadcast %eq3A_1564 : i32 to vector<16xi32>
      %eq3A_1566 = arith.cmpi eq, %iota3A, %eq3A_1565 : vector<16xi32>
      %select_n3A_1567 = arith.select %eq3A_1566, %broadcast_in_dim3A_1563, %select_n3A_1519 : vector<16xi1>, vector<16xf32>
      %get3A_1568 = arith.constant 13 : i32
      %get3A_1569 = arith.index_cast %get3A_1568 : i32 to index
      %get3A_1570 = arith.constant 0 : index
      %get3A_1571 = tpu.vector_load %arg11[%get3A_1569, %get3A_1570] {strides = array<i32>} : memref<32x64xf32, #tpu.memory_space<vmem>>, vector<16xf32>,
      %get3A_1572 = arith.constant 13 : i32
      %get3A_1573 = arith.index_cast %get3A_1572 : i32 to index
      %get3A_1574 = arith.constant 0 : index
      %get3A_1575 = tpu.vector_load %arg12[%get3A_1573, %get3A_1574] {strides = array<i32>} : memref<32x64xf32, #tpu.memory_space<vmem>>, vector<16xf32>,
      %mul3A_1576 = arith.mulf %get3A_1571, %get3A_1575 : vector<16xf32>
      %get3A_1577 = arith.constant 13 : i32
      %get3A_1578 = arith.index_cast %get3A_1577 : i32 to index
      %get3A_1579 = arith.constant 16 : index
      %get3A_1580 = tpu.vector_load %arg11[%get3A_1578, %get3A_1579] {strides = array<i32>} : memref<32x64xf32, #tpu.memory_space<vmem>>, vector<16xf32>,
      %get3A_1581 = arith.constant 13 : i32
      %get3A_1582 = arith.index_cast %get3A_1581 : i32 to index
      %get3A_1583 = arith.constant 16 : index
      %get3A_1584 = tpu.vector_load %arg12[%get3A_1582, %get3A_1583] {strides = array<i32>} : memref<32x64xf32, #tpu.memory_space<vmem>>, vector<16xf32>,
      %mul3A_1585 = arith.mulf %get3A_1580, %get3A_1584 : vector<16xf32>
      %add3A_1586 = arith.addf %mul3A_1576, %mul3A_1585 : vector<16xf32>
      %get3A_1587 = arith.constant 13 : i32
      %get3A_1588 = arith.index_cast %get3A_1587 : i32 to index
      %get3A_1589 = arith.constant 32 : index
      %get3A_1590 = tpu.vector_load %arg11[%get3A_1588, %get3A_1589] {strides = array<i32>} : memref<32x64xf32, #tpu.memory_space<vmem>>, vector<16xf32>,
      %get3A_1591 = arith.constant 13 : i32
      %get3A_1592 = arith.index_cast %get3A_1591 : i32 to index
      %get3A_1593 = arith.constant 32 : index
      %get3A_1594 = tpu.vector_load %arg12[%get3A_1592, %get3A_1593] {strides = array<i32>} : memref<32x64xf32, #tpu.memory_space<vmem>>, vector<16xf32>,
      %mul3A_1595 = arith.mulf %get3A_1590, %get3A_1594 : vector<16xf32>
      %add3A_1596 = arith.addf %add3A_1586, %mul3A_1595 : vector<16xf32>
      %get3A_1597 = arith.constant 13 : i32
      %get3A_1598 = arith.index_cast %get3A_1597 : i32 to index
      %get3A_1599 = arith.constant 48 : index
      %get3A_1600 = tpu.vector_load %arg11[%get3A_1598, %get3A_1599] {strides = array<i32>} : memref<32x64xf32, #tpu.memory_space<vmem>>, vector<16xf32>,
      %get3A_1601 = arith.constant 13 : i32
      %get3A_1602 = arith.index_cast %get3A_1601 : i32 to index
      %get3A_1603 = arith.constant 48 : index
      %get3A_1604 = tpu.vector_load %arg12[%get3A_1602, %get3A_1603] {strides = array<i32>} : memref<32x64xf32, #tpu.memory_space<vmem>>, vector<16xf32>,
      %mul3A_1605 = arith.mulf %get3A_1600, %get3A_1604 : vector<16xf32>
      %add3A_1606 = arith.addf %add3A_1596, %mul3A_1605 : vector<16xf32>
      %reduce_sum3A_1607 = arith.constant true
      %reduce_sum3A_1608 = vector.broadcast %reduce_sum3A_1607 : i1 to vector<16xi1>
      %reduce_sum3A_1609 = tpu.scan <sum>, %add3A_1606 masked %reduce_sum3A_1608 : vector<16xf32>, vector<16xi1> -> vector<16xf32>
      %reduce_sum3A_1610 = vector.extract %reduce_sum3A_1609[15] : f32 from vector<16xf32>
      %broadcast_in_dim3A_1611 = vector.broadcast %reduce_sum3A_1610 : f32 to vector<16xf32>
      %eq3A_1612 = arith.constant 13 : i32
      %eq3A_1613 = vector.broadcast %eq3A_1612 : i32 to vector<16xi32>
      %eq3A_1614 = arith.cmpi eq, %iota3A, %eq3A_1613 : vector<16xi32>
      %select_n3A_1615 = arith.select %eq3A_1614, %broadcast_in_dim3A_1611, %select_n3A_1567 : vector<16xi1>, vector<16xf32>
      %get3A_1616 = arith.constant 14 : i32
      %get3A_1617 = arith.index_cast %get3A_1616 : i32 to index
      %get3A_1618 = arith.constant 0 : index
      %get3A_1619 = tpu.vector_load %arg11[%get3A_1617, %get3A_1618] {strides = array<i32>} : memref<32x64xf32, #tpu.memory_space<vmem>>, vector<16xf32>,
      %get3A_1620 = arith.constant 14 : i32
      %get3A_1621 = arith.index_cast %get3A_1620 : i32 to index
      %get3A_1622 = arith.constant 0 : index
      %get3A_1623 = tpu.vector_load %arg12[%get3A_1621, %get3A_1622] {strides = array<i32>} : memref<32x64xf32, #tpu.memory_space<vmem>>, vector<16xf32>,
      %mul3A_1624 = arith.mulf %get3A_1619, %get3A_1623 : vector<16xf32>
      %get3A_1625 = arith.constant 14 : i32
      %get3A_1626 = arith.index_cast %get3A_1625 : i32 to index
      %get3A_1627 = arith.constant 16 : index
      %get3A_1628 = tpu.vector_load %arg11[%get3A_1626, %get3A_1627] {strides = array<i32>} : memref<32x64xf32, #tpu.memory_space<vmem>>, vector<16xf32>,
      %get3A_1629 = arith.constant 14 : i32
      %get3A_1630 = arith.index_cast %get3A_1629 : i32 to index
      %get3A_1631 = arith.constant 16 : index
      %get3A_1632 = tpu.vector_load %arg12[%get3A_1630, %get3A_1631] {strides = array<i32>} : memref<32x64xf32, #tpu.memory_space<vmem>>, vector<16xf32>,
      %mul3A_1633 = arith.mulf %get3A_1628, %get3A_1632 : vector<16xf32>
      %add3A_1634 = arith.addf %mul3A_1624, %mul3A_1633 : vector<16xf32>
      %get3A_1635 = arith.constant 14 : i32
      %get3A_1636 = arith.index_cast %get3A_1635 : i32 to index
      %get3A_1637 = arith.constant 32 : index
      %get3A_1638 = tpu.vector_load %arg11[%get3A_1636, %get3A_1637] {strides = array<i32>} : memref<32x64xf32, #tpu.memory_space<vmem>>, vector<16xf32>,
      %get3A_1639 = arith.constant 14 : i32
      %get3A_1640 = arith.index_cast %get3A_1639 : i32 to index
      %get3A_1641 = arith.constant 32 : index
      %get3A_1642 = tpu.vector_load %arg12[%get3A_1640, %get3A_1641] {strides = array<i32>} : memref<32x64xf32, #tpu.memory_space<vmem>>, vector<16xf32>,
      %mul3A_1643 = arith.mulf %get3A_1638, %get3A_1642 : vector<16xf32>
      %add3A_1644 = arith.addf %add3A_1634, %mul3A_1643 : vector<16xf32>
      %get3A_1645 = arith.constant 14 : i32
      %get3A_1646 = arith.index_cast %get3A_1645 : i32 to index
      %get3A_1647 = arith.constant 48 : index
      %get3A_1648 = tpu.vector_load %arg11[%get3A_1646, %get3A_1647] {strides = array<i32>} : memref<32x64xf32, #tpu.memory_space<vmem>>, vector<16xf32>,
      %get3A_1649 = arith.constant 14 : i32
      %get3A_1650 = arith.index_cast %get3A_1649 : i32 to index
      %get3A_1651 = arith.constant 48 : index
      %get3A_1652 = tpu.vector_load %arg12[%get3A_1650, %get3A_1651] {strides = array<i32>} : memref<32x64xf32, #tpu.memory_space<vmem>>, vector<16xf32>,
      %mul3A_1653 = arith.mulf %get3A_1648, %get3A_1652 : vector<16xf32>
      %add3A_1654 = arith.addf %add3A_1644, %mul3A_1653 : vector<16xf32>
      %reduce_sum3A_1655 = arith.constant true
      %reduce_sum3A_1656 = vector.broadcast %reduce_sum3A_1655 : i1 to vector<16xi1>
      %reduce_sum3A_1657 = tpu.scan <sum>, %add3A_1654 masked %reduce_sum3A_1656 : vector<16xf32>, vector<16xi1> -> vector<16xf32>
      %reduce_sum3A_1658 = vector.extract %reduce_sum3A_1657[15] : f32 from vector<16xf32>
      %broadcast_in_dim3A_1659 = vector.broadcast %reduce_sum3A_1658 : f32 to vector<16xf32>
      %eq3A_1660 = arith.constant 14 : i32
      %eq3A_1661 = vector.broadcast %eq3A_1660 : i32 to vector<16xi32>
      %eq3A_1662 = arith.cmpi eq, %iota3A, %eq3A_1661 : vector<16xi32>
      %select_n3A_1663 = arith.select %eq3A_1662, %broadcast_in_dim3A_1659, %select_n3A_1615 : vector<16xi1>, vector<16xf32>
      %get3A_1664 = arith.constant 15 : i32
      %get3A_1665 = arith.index_cast %get3A_1664 : i32 to index
      %get3A_1666 = arith.constant 0 : index
      %get3A_1667 = tpu.vector_load %arg11[%get3A_1665, %get3A_1666] {strides = array<i32>} : memref<32x64xf32, #tpu.memory_space<vmem>>, vector<16xf32>,
      %get3A_1668 = arith.constant 15 : i32
      %get3A_1669 = arith.index_cast %get3A_1668 : i32 to index
      %get3A_1670 = arith.constant 0 : index
      %get3A_1671 = tpu.vector_load %arg12[%get3A_1669, %get3A_1670] {strides = array<i32>} : memref<32x64xf32, #tpu.memory_space<vmem>>, vector<16xf32>,
      %mul3A_1672 = arith.mulf %get3A_1667, %get3A_1671 : vector<16xf32>
      %get3A_1673 = arith.constant 15 : i32
      %get3A_1674 = arith.index_cast %get3A_1673 : i32 to index
      %get3A_1675 = arith.constant 16 : index
      %get3A_1676 = tpu.vector_load %arg11[%get3A_1674, %get3A_1675] {strides = array<i32>} : memref<32x64xf32, #tpu.memory_space<vmem>>, vector<16xf32>,
      %get3A_1677 = arith.constant 15 : i32
      %get3A_1678 = arith.index_cast %get3A_1677 : i32 to index
      %get3A_1679 = arith.constant 16 : index
      %get3A_1680 = tpu.vector_load %arg12[%get3A_1678, %get3A_1679] {strides = array<i32>} : memref<32x64xf32, #tpu.memory_space<vmem>>, vector<16xf32>,
      %mul3A_1681 = arith.mulf %get3A_1676, %get3A_1680 : vector<16xf32>
      %add3A_1682 = arith.addf %mul3A_1672, %mul3A_1681 : vector<16xf32>
      %get3A_1683 = arith.constant 15 : i32
      %get3A_1684 = arith.index_cast %get3A_1683 : i32 to index
      %get3A_1685 = arith.constant 32 : index
      %get3A_1686 = tpu.vector_load %arg11[%get3A_1684, %get3A_1685] {strides = array<i32>} : memref<32x64xf32, #tpu.memory_space<vmem>>, vector<16xf32>,
      %get3A_1687 = arith.constant 15 : i32
      %get3A_1688 = arith.index_cast %get3A_1687 : i32 to index
      %get3A_1689 = arith.constant 32 : index
      %get3A_1690 = tpu.vector_load %arg12[%get3A_1688, %get3A_1689] {strides = array<i32>} : memref<32x64xf32, #tpu.memory_space<vmem>>, vector<16xf32>,
      %mul3A_1691 = arith.mulf %get3A_1686, %get3A_1690 : vector<16xf32>
      %add3A_1692 = arith.addf %add3A_1682, %mul3A_1691 : vector<16xf32>
      %get3A_1693 = arith.constant 15 : i32
      %get3A_1694 = arith.index_cast %get3A_1693 : i32 to index
      %get3A_1695 = arith.constant 48 : index
      %get3A_1696 = tpu.vector_load %arg11[%get3A_1694, %get3A_1695] {strides = array<i32>} : memref<32x64xf32, #tpu.memory_space<vmem>>, vector<16xf32>,
      %get3A_1697 = arith.constant 15 : i32
      %get3A_1698 = arith.index_cast %get3A_1697 : i32 to index
      %get3A_1699 = arith.constant 48 : index
      %get3A_1700 = tpu.vector_load %arg12[%get3A_1698, %get3A_1699] {strides = array<i32>} : memref<32x64xf32, #tpu.memory_space<vmem>>, vector<16xf32>,
      %mul3A_1701 = arith.mulf %get3A_1696, %get3A_1700 : vector<16xf32>
      %add3A_1702 = arith.addf %add3A_1692, %mul3A_1701 : vector<16xf32>
      %reduce_sum3A_1703 = arith.constant true
      %reduce_sum3A_1704 = vector.broadcast %reduce_sum3A_1703 : i1 to vector<16xi1>
      %reduce_sum3A_1705 = tpu.scan <sum>, %add3A_1702 masked %reduce_sum3A_1704 : vector<16xf32>, vector<16xi1> -> vector<16xf32>
      %reduce_sum3A_1706 = vector.extract %reduce_sum3A_1705[15] : f32 from vector<16xf32>
      %broadcast_in_dim3A_1707 = vector.broadcast %reduce_sum3A_1706 : f32 to vector<16xf32>
      %eq3A_1708 = arith.constant 15 : i32
      %eq3A_1709 = vector.broadcast %eq3A_1708 : i32 to vector<16xi32>
      %eq3A_1710 = arith.cmpi eq, %iota3A, %eq3A_1709 : vector<16xi32>
      %select_n3A_1711 = arith.select %eq3A_1710, %broadcast_in_dim3A_1707, %select_n3A_1663 : vector<16xi1>, vector<16xf32>
      %mul3A_1712 = arith.constant 16 : i32
      %mul3A_1713 = arith.muli %mul3A_921, %mul3A_1712 : i32
      %get3A_1714 = arith.index_cast %mul3A_1713 : i32 to index
      %get3A_1715 = tpu.vector_load %arg13[%get3A_1714] {strides = array<i32>} : memref<512xf32, #tpu.memory_space<vmem>>, vector<16xf32>,
      %add3A_1716 = arith.addf %select_n3A_1711, %get3A_1715 : vector<16xf32>
      %get3A_1717 = arith.index_cast %mul3A_1713 : i32 to index
      %get3A_1718 = tpu.vector_load %arg14[%get3A_1717] {strides = array<i32>} : memref<512xf32, #tpu.memory_space<vmem>>, vector<16xf32>,
      %add3A_1719 = arith.addf %add3A_1716, %get3A_1718 : vector<16xf32>
      %swap3A = arith.index_cast %mul3A_1713 : i32 to index
      %swap3A_1720 = tpu.vector_load %arg15[%swap3A] {strides = array<i32>} : memref<512xf32, #tpu.memory_space<vmem>>, vector<16xf32>,
      tpu.vector_store %arg15[%swap3A], %add3A_1719 {strides = array<i32>} : memref<512xf32, #tpu.memory_space<vmem>>, vector<16xf32>,
      %lt3A = arith.constant 15 : i32
      %lt3A_1721 = arith.cmpi slt, %scan3A_919, %lt3A : i32
      %convert_element_type3A = arith.extui %lt3A_1721 : i1 to i32
      %cond3A = arith.constant 0 : i32
      %cond3A_1722 = arith.cmpi ne, %convert_element_type3A, %cond3A : i32
      scf.if %cond3A_1722 {
        %add3A_2534 = arith.constant 2 : i32
        %add3A_2535 = arith.addi %mul3A_921, %add3A_2534 : i32
        %jit3A = arith.constant 8 : i32
        %div3A = arith.divsi %add3A_2535, %jit3A : i32
        %sign3A = arith.constant 0 : i32
        %sign3A_2536 = arith.cmpi sgt, %add3A_2535, %sign3A : i32
        %sign3A_2537 = arith.extui %sign3A_2536 : i1 to i32
        %sign3A_2538 = arith.constant 0 : i32
        %sign3A_2539 = arith.cmpi slt, %add3A_2535, %sign3A_2538 : i32
        %sign3A_2540 = arith.extui %sign3A_2539 : i1 to i32
        %sign3A_2541 = arith.subi %sign3A_2537, %sign3A_2540 : i32
        %sign3A_2542 = arith.constant 0 : i32
        %sign3A_2543 = arith.cmpi sgt, %jit3A, %sign3A_2542 : i32
        %sign3A_2544 = arith.extui %sign3A_2543 : i1 to i32
        %sign3A_2545 = arith.constant 0 : i32
        %sign3A_2546 = arith.cmpi slt, %jit3A, %sign3A_2545 : i32
        %sign3A_2547 = arith.extui %sign3A_2546 : i1 to i32
        %sign3A_2548 = arith.subi %sign3A_2544, %sign3A_2547 : i32
        %ne3A = arith.cmpi ne, %sign3A_2541, %sign3A_2548 : i32
        %rem3A = arith.remsi %add3A_2535, %jit3A : i32
        %ne3A_2549 = arith.constant 0 : i32
        %ne3A_2550 = arith.cmpi ne, %rem3A, %ne3A_2549 : i32
        %and3A = arith.andi %ne3A, %ne3A_2550 : i1
        %sub3A = arith.constant 1 : i32
        %sub3A_2551 = arith.subi %div3A, %sub3A : i32
        %select_n3A_2552 = arith.select %and3A, %sub3A_2551, %div3A : i32
        %jit3A_2553 = arith.constant 8 : i32
        %eq3A_2554 = arith.constant 0 : i32
        %eq3A_2555 = arith.cmpi eq, %jit3A_2553, %eq3A_2554 : i32
        %jit3A_2556 = arith.constant 1 : i32
        %select_n3A_2557 = arith.select %eq3A_2555, %jit3A_2556, %jit3A_2553 : i32
        %rem3A_2558 = arith.remsi %add3A_2535, %select_n3A_2557 : i32
        %ne3A_2559 = arith.constant 0 : i32
        %ne3A_2560 = arith.cmpi ne, %rem3A_2558, %ne3A_2559 : i32
        %lt3A_2561 = arith.constant 0 : i32
        %lt3A_2562 = arith.cmpi slt, %rem3A_2558, %lt3A_2561 : i32
        %lt3A_2563 = arith.constant 0 : i32
        %lt3A_2564 = arith.cmpi slt, %select_n3A_2557, %lt3A_2563 : i32
        %ne3A_2565 = arith.xori %lt3A_2562, %lt3A_2564 : i1
        %and3A_2566 = arith.andi %ne3A_2565, %ne3A_2560 : i1
        %add3A_2567 = arith.addi %rem3A_2558, %select_n3A_2557 : i32
        %select_n3A_2568 = arith.select %and3A_2566, %add3A_2567, %rem3A_2558 : i32
        %mul3A_2569 = arith.constant 16 : i32
        %mul3A_2570 = arith.muli %select_n3A_2568, %mul3A_2569 : i32
        %get3A_2571 = arith.index_cast %select_n3A_2552 : i32 to index
        %get3A_2572 = arith.index_cast %mul3A_2570 : i32 to index
        %get3A_2573 = tpu.vector_load %arg9[%get3A_2571, %get3A_2572] {strides = array<i32>} : memref<4x128xi32, #tpu.memory_space<vmem>>, vector<16xi32>,
        %jit3A_2574 = arith.constant 8 : i32
        %div3A_2575 = arith.divsi %add3A_2535, %jit3A_2574 : i32
        %sign3A_2576 = arith.constant 0 : i32
        %sign3A_2577 = arith.cmpi sgt, %add3A_2535, %sign3A_2576 : i32
        %sign3A_2578 = arith.extui %sign3A_2577 : i1 to i32
        %sign3A_2579 = arith.constant 0 : i32
        %sign3A_2580 = arith.cmpi slt, %add3A_2535, %sign3A_2579 : i32
        %sign3A_2581 = arith.extui %sign3A_2580 : i1 to i32
        %sign3A_2582 = arith.subi %sign3A_2578, %sign3A_2581 : i32
        %sign3A_2583 = arith.constant 0 : i32
        %sign3A_2584 = arith.cmpi sgt, %jit3A_2574, %sign3A_2583 : i32
        %sign3A_2585 = arith.extui %sign3A_2584 : i1 to i32
        %sign3A_2586 = arith.constant 0 : i32
        %sign3A_2587 = arith.cmpi slt, %jit3A_2574, %sign3A_2586 : i32
        %sign3A_2588 = arith.extui %sign3A_2587 : i1 to i32
        %sign3A_2589 = arith.subi %sign3A_2585, %sign3A_2588 : i32
        %ne3A_2590 = arith.cmpi ne, %sign3A_2582, %sign3A_2589 : i32
        %rem3A_2591 = arith.remsi %add3A_2535, %jit3A_2574 : i32
        %ne3A_2592 = arith.constant 0 : i32
        %ne3A_2593 = arith.cmpi ne, %rem3A_2591, %ne3A_2592 : i32
        %and3A_2594 = arith.andi %ne3A_2590, %ne3A_2593 : i1
        %sub3A_2595 = arith.constant 1 : i32
        %sub3A_2596 = arith.subi %div3A_2575, %sub3A_2595 : i32
        %select_n3A_2597 = arith.select %and3A_2594, %sub3A_2596, %div3A_2575 : i32
        %jit3A_2598 = arith.constant 8 : i32
        %eq3A_2599 = arith.constant 0 : i32
        %eq3A_2600 = arith.cmpi eq, %jit3A_2598, %eq3A_2599 : i32
        %jit3A_2601 = arith.constant 1 : i32
        %select_n3A_2602 = arith.select %eq3A_2600, %jit3A_2601, %jit3A_2598 : i32
        %rem3A_2603 = arith.remsi %add3A_2535, %select_n3A_2602 : i32
        %ne3A_2604 = arith.constant 0 : i32
        %ne3A_2605 = arith.cmpi ne, %rem3A_2603, %ne3A_2604 : i32
        %lt3A_2606 = arith.constant 0 : i32
        %lt3A_2607 = arith.cmpi slt, %rem3A_2603, %lt3A_2606 : i32
        %lt3A_2608 = arith.constant 0 : i32
        %lt3A_2609 = arith.cmpi slt, %select_n3A_2602, %lt3A_2608 : i32
        %ne3A_2610 = arith.xori %lt3A_2607, %lt3A_2609 : i1
        %and3A_2611 = arith.andi %ne3A_2610, %ne3A_2605 : i1
        %add3A_2612 = arith.addi %rem3A_2603, %select_n3A_2602 : i32
        %select_n3A_2613 = arith.select %and3A_2611, %add3A_2612, %rem3A_2603 : i32
        %mul3A_2614 = arith.constant 16 : i32
        %mul3A_2615 = arith.muli %select_n3A_2613, %mul3A_2614 : i32
        %get3A_2616 = arith.index_cast %select_n3A_2597 : i32 to index
        %get3A_2617 = arith.index_cast %mul3A_2615 : i32 to index
        %get3A_2618 = tpu.vector_load %arg10[%get3A_2616, %get3A_2617] {strides = array<i32>} : memref<4x128xi32, #tpu.memory_space<vmem>>, vector<16xi32>,
        %slice3A_2619 = vector.extract_strided_slice %get3A_2573 {offsets = [0], sizes = [1], strides = [1]} : vector<16xi32> to vector<1xi32>
        %squeeze3A_2620 = vector.extract %slice3A_2619[0] : i32 from vector<1xi32>
        %dma_start3A_2621 = arith.constant 0 : i32
        %dma_start3A_2622 = arith.constant 0 : i32
        %dma_start3A_2623 = tpu.memref_slice %arg11[%dma_start3A_2621, %dma_start3A_2622] : memref<32x64xf32, #tpu.memory_space<vmem>> -> memref<1x64xf32, #tpu.memory_space<vmem>>
        %dma_start3A_2624 = arith.constant 0 : i32
        %dma_start3A_2625 = tpu.memref_slice %arg4[%squeeze3A_2620, %dma_start3A_2624] : memref<1000000x64xf32, #tpu.memory_space<hbm>> -> memref<1x64xf32, #tpu.memory_space<hbm>>
        %dma_start3A_2626 = arith.constant 0 : i32
        %dma_start3A_2627 = arith.constant 0 : i32
        %dma_start3A_2628 = tpu.memref_slice %arg11[%dma_start3A_2626, %dma_start3A_2627] : memref<32x64xf32, #tpu.memory_space<vmem>> -> memref<1x64xf32, #tpu.memory_space<vmem>>
        %dma_start3A_2629 = arith.constant 0 : i32
        %dma_start3A_2630 = tpu.memref_slice %arg4[%squeeze3A_2620, %dma_start3A_2629] : memref<1000000x64xf32, #tpu.memory_space<hbm>> -> memref<1x64xf32, #tpu.memory_space<hbm>>
        tpu.enqueue_dma source(%dma_start3A_2630 : memref<1x64xf32, #tpu.memory_space<hbm>>) target(%dma_start3A_2628 : memref<1x64xf32, #tpu.memory_space<vmem>>) target_semaphore(%arg16 : memref<!tpu.dma_semaphore, #tpu.memory_space<semaphore_mem>>)
        %slice3A_2631 = vector.extract_strided_slice %get3A_2618 {offsets = [0], sizes = [1], strides = [1]} : vector<16xi32> to vector<1xi32>
        %squeeze3A_2632 = vector.extract %slice3A_2631[0] : i32 from vector<1xi32>
        %dma_start3A_2633 = arith.constant 0 : i32
        %dma_start3A_2634 = arith.constant 0 : i32
        %dma_start3A_2635 = tpu.memref_slice %arg12[%dma_start3A_2633, %dma_start3A_2634] : memref<32x64xf32, #tpu.memory_space<vmem>> -> memref<1x64xf32, #tpu.memory_space<vmem>>
        %dma_start3A_2636 = arith.constant 0 : i32
        %dma_start3A_2637 = tpu.memref_slice %arg5[%squeeze3A_2632, %dma_start3A_2636] : memref<1000000x64xf32, #tpu.memory_space<hbm>> -> memref<1x64xf32, #tpu.memory_space<hbm>>
        %dma_start3A_2638 = arith.constant 0 : i32
        %dma_start3A_2639 = arith.constant 0 : i32
        %dma_start3A_2640 = tpu.memref_slice %arg12[%dma_start3A_2638, %dma_start3A_2639] : memref<32x64xf32, #tpu.memory_space<vmem>> -> memref<1x64xf32, #tpu.memory_space<vmem>>
        %dma_start3A_2641 = arith.constant 0 : i32
        %dma_start3A_2642 = tpu.memref_slice %arg5[%squeeze3A_2632, %dma_start3A_2641] : memref<1000000x64xf32, #tpu.memory_space<hbm>> -> memref<1x64xf32, #tpu.memory_space<hbm>>
        tpu.enqueue_dma source(%dma_start3A_2642 : memref<1x64xf32, #tpu.memory_space<hbm>>) target(%dma_start3A_2640 : memref<1x64xf32, #tpu.memory_space<vmem>>) target_semaphore(%arg16 : memref<!tpu.dma_semaphore, #tpu.memory_space<semaphore_mem>>)
        %slice3A_2643 = vector.extract_strided_slice %get3A_2573 {offsets = [1], sizes = [1], strides = [1]} : vector<16xi32> to vector<1xi32>
        %squeeze3A_2644 = vector.extract %slice3A_2643[0] : i32 from vector<1xi32>
        %dma_start3A_2645 = arith.constant 1 : i32
        %dma_start3A_2646 = arith.constant 0 : i32
        %dma_start3A_2647 = tpu.memref_slice %arg11[%dma_start3A_2645, %dma_start3A_2646] : memref<32x64xf32, #tpu.memory_space<vmem>> -> memref<1x64xf32, #tpu.memory_space<vmem>>
        %dma_start3A_2648 = arith.constant 0 : i32
        %dma_start3A_2649 = tpu.memref_slice %arg4[%squeeze3A_2644, %dma_start3A_2648] : memref<1000000x64xf32, #tpu.memory_space<hbm>> -> memref<1x64xf32, #tpu.memory_space<hbm>>
        %dma_start3A_2650 = arith.constant 1 : i32
        %dma_start3A_2651 = arith.constant 0 : i32
        %dma_start3A_2652 = tpu.memref_slice %arg11[%dma_start3A_2650, %dma_start3A_2651] : memref<32x64xf32, #tpu.memory_space<vmem>> -> memref<1x64xf32, #tpu.memory_space<vmem>>
        %dma_start3A_2653 = arith.constant 0 : i32
        %dma_start3A_2654 = tpu.memref_slice %arg4[%squeeze3A_2644, %dma_start3A_2653] : memref<1000000x64xf32, #tpu.memory_space<hbm>> -> memref<1x64xf32, #tpu.memory_space<hbm>>
        tpu.enqueue_dma source(%dma_start3A_2654 : memref<1x64xf32, #tpu.memory_space<hbm>>) target(%dma_start3A_2652 : memref<1x64xf32, #tpu.memory_space<vmem>>) target_semaphore(%arg16 : memref<!tpu.dma_semaphore, #tpu.memory_space<semaphore_mem>>)
        %slice3A_2655 = vector.extract_strided_slice %get3A_2618 {offsets = [1], sizes = [1], strides = [1]} : vector<16xi32> to vector<1xi32>
        %squeeze3A_2656 = vector.extract %slice3A_2655[0] : i32 from vector<1xi32>
        %dma_start3A_2657 = arith.constant 1 : i32
        %dma_start3A_2658 = arith.constant 0 : i32
        %dma_start3A_2659 = tpu.memref_slice %arg12[%dma_start3A_2657, %dma_start3A_2658] : memref<32x64xf32, #tpu.memory_space<vmem>> -> memref<1x64xf32, #tpu.memory_space<vmem>>
        %dma_start3A_2660 = arith.constant 0 : i32
        %dma_start3A_2661 = tpu.memref_slice %arg5[%squeeze3A_2656, %dma_start3A_2660] : memref<1000000x64xf32, #tpu.memory_space<hbm>> -> memref<1x64xf32, #tpu.memory_space<hbm>>
        %dma_start3A_2662 = arith.constant 1 : i32
        %dma_start3A_2663 = arith.constant 0 : i32
        %dma_start3A_2664 = tpu.memref_slice %arg12[%dma_start3A_2662, %dma_start3A_2663] : memref<32x64xf32, #tpu.memory_space<vmem>> -> memref<1x64xf32, #tpu.memory_space<vmem>>
        %dma_start3A_2665 = arith.constant 0 : i32
        %dma_start3A_2666 = tpu.memref_slice %arg5[%squeeze3A_2656, %dma_start3A_2665] : memref<1000000x64xf32, #tpu.memory_space<hbm>> -> memref<1x64xf32, #tpu.memory_space<hbm>>
        tpu.enqueue_dma source(%dma_start3A_2666 : memref<1x64xf32, #tpu.memory_space<hbm>>) target(%dma_start3A_2664 : memref<1x64xf32, #tpu.memory_space<vmem>>) target_semaphore(%arg16 : memref<!tpu.dma_semaphore, #tpu.memory_space<semaphore_mem>>)
        %slice3A_2667 = vector.extract_strided_slice %get3A_2573 {offsets = [2], sizes = [1], strides = [1]} : vector<16xi32> to vector<1xi32>
        %squeeze3A_2668 = vector.extract %slice3A_2667[0] : i32 from vector<1xi32>
        %dma_start3A_2669 = arith.constant 2 : i32
        %dma_start3A_2670 = arith.constant 0 : i32
        %dma_start3A_2671 = tpu.memref_slice %arg11[%dma_start3A_2669, %dma_start3A_2670] : memref<32x64xf32, #tpu.memory_space<vmem>> -> memref<1x64xf32, #tpu.memory_space<vmem>>
        %dma_start3A_2672 = arith.constant 0 : i32
        %dma_start3A_2673 = tpu.memref_slice %arg4[%squeeze3A_2668, %dma_start3A_2672] : memref<1000000x64xf32, #tpu.memory_space<hbm>> -> memref<1x64xf32, #tpu.memory_space<hbm>>
        %dma_start3A_2674 = arith.constant 2 : i32
        %dma_start3A_2675 = arith.constant 0 : i32
        %dma_start3A_2676 = tpu.memref_slice %arg11[%dma_start3A_2674, %dma_start3A_2675] : memref<32x64xf32, #tpu.memory_space<vmem>> -> memref<1x64xf32, #tpu.memory_space<vmem>>
        %dma_start3A_2677 = arith.constant 0 : i32
        %dma_start3A_2678 = tpu.memref_slice %arg4[%squeeze3A_2668, %dma_start3A_2677] : memref<1000000x64xf32, #tpu.memory_space<hbm>> -> memref<1x64xf32, #tpu.memory_space<hbm>>
        tpu.enqueue_dma source(%dma_start3A_2678 : memref<1x64xf32, #tpu.memory_space<hbm>>) target(%dma_start3A_2676 : memref<1x64xf32, #tpu.memory_space<vmem>>) target_semaphore(%arg16 : memref<!tpu.dma_semaphore, #tpu.memory_space<semaphore_mem>>)
        %slice3A_2679 = vector.extract_strided_slice %get3A_2618 {offsets = [2], sizes = [1], strides = [1]} : vector<16xi32> to vector<1xi32>
        %squeeze3A_2680 = vector.extract %slice3A_2679[0] : i32 from vector<1xi32>
        %dma_start3A_2681 = arith.constant 2 : i32
        %dma_start3A_2682 = arith.constant 0 : i32
        %dma_start3A_2683 = tpu.memref_slice %arg12[%dma_start3A_2681, %dma_start3A_2682] : memref<32x64xf32, #tpu.memory_space<vmem>> -> memref<1x64xf32, #tpu.memory_space<vmem>>
        %dma_start3A_2684 = arith.constant 0 : i32
        %dma_start3A_2685 = tpu.memref_slice %arg5[%squeeze3A_2680, %dma_start3A_2684] : memref<1000000x64xf32, #tpu.memory_space<hbm>> -> memref<1x64xf32, #tpu.memory_space<hbm>>
        %dma_start3A_2686 = arith.constant 2 : i32
        %dma_start3A_2687 = arith.constant 0 : i32
        %dma_start3A_2688 = tpu.memref_slice %arg12[%dma_start3A_2686, %dma_start3A_2687] : memref<32x64xf32, #tpu.memory_space<vmem>> -> memref<1x64xf32, #tpu.memory_space<vmem>>
        %dma_start3A_2689 = arith.constant 0 : i32
        %dma_start3A_2690 = tpu.memref_slice %arg5[%squeeze3A_2680, %dma_start3A_2689] : memref<1000000x64xf32, #tpu.memory_space<hbm>> -> memref<1x64xf32, #tpu.memory_space<hbm>>
        tpu.enqueue_dma source(%dma_start3A_2690 : memref<1x64xf32, #tpu.memory_space<hbm>>) target(%dma_start3A_2688 : memref<1x64xf32, #tpu.memory_space<vmem>>) target_semaphore(%arg16 : memref<!tpu.dma_semaphore, #tpu.memory_space<semaphore_mem>>)
        %slice3A_2691 = vector.extract_strided_slice %get3A_2573 {offsets = [3], sizes = [1], strides = [1]} : vector<16xi32> to vector<1xi32>
        %squeeze3A_2692 = vector.extract %slice3A_2691[0] : i32 from vector<1xi32>
        %dma_start3A_2693 = arith.constant 3 : i32
        %dma_start3A_2694 = arith.constant 0 : i32
        %dma_start3A_2695 = tpu.memref_slice %arg11[%dma_start3A_2693, %dma_start3A_2694] : memref<32x64xf32, #tpu.memory_space<vmem>> -> memref<1x64xf32, #tpu.memory_space<vmem>>
        %dma_start3A_2696 = arith.constant 0 : i32
        %dma_start3A_2697 = tpu.memref_slice %arg4[%squeeze3A_2692, %dma_start3A_2696] : memref<1000000x64xf32, #tpu.memory_space<hbm>> -> memref<1x64xf32, #tpu.memory_space<hbm>>
        %dma_start3A_2698 = arith.constant 3 : i32
        %dma_start3A_2699 = arith.constant 0 : i32
        %dma_start3A_2700 = tpu.memref_slice %arg11[%dma_start3A_2698, %dma_start3A_2699] : memref<32x64xf32, #tpu.memory_space<vmem>> -> memref<1x64xf32, #tpu.memory_space<vmem>>
        %dma_start3A_2701 = arith.constant 0 : i32
        %dma_start3A_2702 = tpu.memref_slice %arg4[%squeeze3A_2692, %dma_start3A_2701] : memref<1000000x64xf32, #tpu.memory_space<hbm>> -> memref<1x64xf32, #tpu.memory_space<hbm>>
        tpu.enqueue_dma source(%dma_start3A_2702 : memref<1x64xf32, #tpu.memory_space<hbm>>) target(%dma_start3A_2700 : memref<1x64xf32, #tpu.memory_space<vmem>>) target_semaphore(%arg16 : memref<!tpu.dma_semaphore, #tpu.memory_space<semaphore_mem>>)
        %slice3A_2703 = vector.extract_strided_slice %get3A_2618 {offsets = [3], sizes = [1], strides = [1]} : vector<16xi32> to vector<1xi32>
        %squeeze3A_2704 = vector.extract %slice3A_2703[0] : i32 from vector<1xi32>
        %dma_start3A_2705 = arith.constant 3 : i32
        %dma_start3A_2706 = arith.constant 0 : i32
        %dma_start3A_2707 = tpu.memref_slice %arg12[%dma_start3A_2705, %dma_start3A_2706] : memref<32x64xf32, #tpu.memory_space<vmem>> -> memref<1x64xf32, #tpu.memory_space<vmem>>
        %dma_start3A_2708 = arith.constant 0 : i32
        %dma_start3A_2709 = tpu.memref_slice %arg5[%squeeze3A_2704, %dma_start3A_2708] : memref<1000000x64xf32, #tpu.memory_space<hbm>> -> memref<1x64xf32, #tpu.memory_space<hbm>>
        %dma_start3A_2710 = arith.constant 3 : i32
        %dma_start3A_2711 = arith.constant 0 : i32
        %dma_start3A_2712 = tpu.memref_slice %arg12[%dma_start3A_2710, %dma_start3A_2711] : memref<32x64xf32, #tpu.memory_space<vmem>> -> memref<1x64xf32, #tpu.memory_space<vmem>>
        %dma_start3A_2713 = arith.constant 0 : i32
        %dma_start3A_2714 = tpu.memref_slice %arg5[%squeeze3A_2704, %dma_start3A_2713] : memref<1000000x64xf32, #tpu.memory_space<hbm>> -> memref<1x64xf32, #tpu.memory_space<hbm>>
        tpu.enqueue_dma source(%dma_start3A_2714 : memref<1x64xf32, #tpu.memory_space<hbm>>) target(%dma_start3A_2712 : memref<1x64xf32, #tpu.memory_space<vmem>>) target_semaphore(%arg16 : memref<!tpu.dma_semaphore, #tpu.memory_space<semaphore_mem>>)
        %slice3A_2715 = vector.extract_strided_slice %get3A_2573 {offsets = [4], sizes = [1], strides = [1]} : vector<16xi32> to vector<1xi32>
        %squeeze3A_2716 = vector.extract %slice3A_2715[0] : i32 from vector<1xi32>
        %dma_start3A_2717 = arith.constant 4 : i32
        %dma_start3A_2718 = arith.constant 0 : i32
        %dma_start3A_2719 = tpu.memref_slice %arg11[%dma_start3A_2717, %dma_start3A_2718] : memref<32x64xf32, #tpu.memory_space<vmem>> -> memref<1x64xf32, #tpu.memory_space<vmem>>
        %dma_start3A_2720 = arith.constant 0 : i32
        %dma_start3A_2721 = tpu.memref_slice %arg4[%squeeze3A_2716, %dma_start3A_2720] : memref<1000000x64xf32, #tpu.memory_space<hbm>> -> memref<1x64xf32, #tpu.memory_space<hbm>>
        %dma_start3A_2722 = arith.constant 4 : i32
        %dma_start3A_2723 = arith.constant 0 : i32
        %dma_start3A_2724 = tpu.memref_slice %arg11[%dma_start3A_2722, %dma_start3A_2723] : memref<32x64xf32, #tpu.memory_space<vmem>> -> memref<1x64xf32, #tpu.memory_space<vmem>>
        %dma_start3A_2725 = arith.constant 0 : i32
        %dma_start3A_2726 = tpu.memref_slice %arg4[%squeeze3A_2716, %dma_start3A_2725] : memref<1000000x64xf32, #tpu.memory_space<hbm>> -> memref<1x64xf32, #tpu.memory_space<hbm>>
        tpu.enqueue_dma source(%dma_start3A_2726 : memref<1x64xf32, #tpu.memory_space<hbm>>) target(%dma_start3A_2724 : memref<1x64xf32, #tpu.memory_space<vmem>>) target_semaphore(%arg16 : memref<!tpu.dma_semaphore, #tpu.memory_space<semaphore_mem>>)
        %slice3A_2727 = vector.extract_strided_slice %get3A_2618 {offsets = [4], sizes = [1], strides = [1]} : vector<16xi32> to vector<1xi32>
        %squeeze3A_2728 = vector.extract %slice3A_2727[0] : i32 from vector<1xi32>
        %dma_start3A_2729 = arith.constant 4 : i32
        %dma_start3A_2730 = arith.constant 0 : i32
        %dma_start3A_2731 = tpu.memref_slice %arg12[%dma_start3A_2729, %dma_start3A_2730] : memref<32x64xf32, #tpu.memory_space<vmem>> -> memref<1x64xf32, #tpu.memory_space<vmem>>
        %dma_start3A_2732 = arith.constant 0 : i32
        %dma_start3A_2733 = tpu.memref_slice %arg5[%squeeze3A_2728, %dma_start3A_2732] : memref<1000000x64xf32, #tpu.memory_space<hbm>> -> memref<1x64xf32, #tpu.memory_space<hbm>>
        %dma_start3A_2734 = arith.constant 4 : i32
        %dma_start3A_2735 = arith.constant 0 : i32
        %dma_start3A_2736 = tpu.memref_slice %arg12[%dma_start3A_2734, %dma_start3A_2735] : memref<32x64xf32, #tpu.memory_space<vmem>> -> memref<1x64xf32, #tpu.memory_space<vmem>>
        %dma_start3A_2737 = arith.constant 0 : i32
        %dma_start3A_2738 = tpu.memref_slice %arg5[%squeeze3A_2728, %dma_start3A_2737] : memref<1000000x64xf32, #tpu.memory_space<hbm>> -> memref<1x64xf32, #tpu.memory_space<hbm>>
        tpu.enqueue_dma source(%dma_start3A_2738 : memref<1x64xf32, #tpu.memory_space<hbm>>) target(%dma_start3A_2736 : memref<1x64xf32, #tpu.memory_space<vmem>>) target_semaphore(%arg16 : memref<!tpu.dma_semaphore, #tpu.memory_space<semaphore_mem>>)
        %slice3A_2739 = vector.extract_strided_slice %get3A_2573 {offsets = [5], sizes = [1], strides = [1]} : vector<16xi32> to vector<1xi32>
        %squeeze3A_2740 = vector.extract %slice3A_2739[0] : i32 from vector<1xi32>
        %dma_start3A_2741 = arith.constant 5 : i32
        %dma_start3A_2742 = arith.constant 0 : i32
        %dma_start3A_2743 = tpu.memref_slice %arg11[%dma_start3A_2741, %dma_start3A_2742] : memref<32x64xf32, #tpu.memory_space<vmem>> -> memref<1x64xf32, #tpu.memory_space<vmem>>
        %dma_start3A_2744 = arith.constant 0 : i32
        %dma_start3A_2745 = tpu.memref_slice %arg4[%squeeze3A_2740, %dma_start3A_2744] : memref<1000000x64xf32, #tpu.memory_space<hbm>> -> memref<1x64xf32, #tpu.memory_space<hbm>>
        %dma_start3A_2746 = arith.constant 5 : i32
        %dma_start3A_2747 = arith.constant 0 : i32
        %dma_start3A_2748 = tpu.memref_slice %arg11[%dma_start3A_2746, %dma_start3A_2747] : memref<32x64xf32, #tpu.memory_space<vmem>> -> memref<1x64xf32, #tpu.memory_space<vmem>>
        %dma_start3A_2749 = arith.constant 0 : i32
        %dma_start3A_2750 = tpu.memref_slice %arg4[%squeeze3A_2740, %dma_start3A_2749] : memref<1000000x64xf32, #tpu.memory_space<hbm>> -> memref<1x64xf32, #tpu.memory_space<hbm>>
        tpu.enqueue_dma source(%dma_start3A_2750 : memref<1x64xf32, #tpu.memory_space<hbm>>) target(%dma_start3A_2748 : memref<1x64xf32, #tpu.memory_space<vmem>>) target_semaphore(%arg16 : memref<!tpu.dma_semaphore, #tpu.memory_space<semaphore_mem>>)
        %slice3A_2751 = vector.extract_strided_slice %get3A_2618 {offsets = [5], sizes = [1], strides = [1]} : vector<16xi32> to vector<1xi32>
        %squeeze3A_2752 = vector.extract %slice3A_2751[0] : i32 from vector<1xi32>
        %dma_start3A_2753 = arith.constant 5 : i32
        %dma_start3A_2754 = arith.constant 0 : i32
        %dma_start3A_2755 = tpu.memref_slice %arg12[%dma_start3A_2753, %dma_start3A_2754] : memref<32x64xf32, #tpu.memory_space<vmem>> -> memref<1x64xf32, #tpu.memory_space<vmem>>
        %dma_start3A_2756 = arith.constant 0 : i32
        %dma_start3A_2757 = tpu.memref_slice %arg5[%squeeze3A_2752, %dma_start3A_2756] : memref<1000000x64xf32, #tpu.memory_space<hbm>> -> memref<1x64xf32, #tpu.memory_space<hbm>>
        %dma_start3A_2758 = arith.constant 5 : i32
        %dma_start3A_2759 = arith.constant 0 : i32
        %dma_start3A_2760 = tpu.memref_slice %arg12[%dma_start3A_2758, %dma_start3A_2759] : memref<32x64xf32, #tpu.memory_space<vmem>> -> memref<1x64xf32, #tpu.memory_space<vmem>>
        %dma_start3A_2761 = arith.constant 0 : i32
        %dma_start3A_2762 = tpu.memref_slice %arg5[%squeeze3A_2752, %dma_start3A_2761] : memref<1000000x64xf32, #tpu.memory_space<hbm>> -> memref<1x64xf32, #tpu.memory_space<hbm>>
        tpu.enqueue_dma source(%dma_start3A_2762 : memref<1x64xf32, #tpu.memory_space<hbm>>) target(%dma_start3A_2760 : memref<1x64xf32, #tpu.memory_space<vmem>>) target_semaphore(%arg16 : memref<!tpu.dma_semaphore, #tpu.memory_space<semaphore_mem>>)
        %slice3A_2763 = vector.extract_strided_slice %get3A_2573 {offsets = [6], sizes = [1], strides = [1]} : vector<16xi32> to vector<1xi32>
        %squeeze3A_2764 = vector.extract %slice3A_2763[0] : i32 from vector<1xi32>
        %dma_start3A_2765 = arith.constant 6 : i32
        %dma_start3A_2766 = arith.constant 0 : i32
        %dma_start3A_2767 = tpu.memref_slice %arg11[%dma_start3A_2765, %dma_start3A_2766] : memref<32x64xf32, #tpu.memory_space<vmem>> -> memref<1x64xf32, #tpu.memory_space<vmem>>
        %dma_start3A_2768 = arith.constant 0 : i32
        %dma_start3A_2769 = tpu.memref_slice %arg4[%squeeze3A_2764, %dma_start3A_2768] : memref<1000000x64xf32, #tpu.memory_space<hbm>> -> memref<1x64xf32, #tpu.memory_space<hbm>>
        %dma_start3A_2770 = arith.constant 6 : i32
        %dma_start3A_2771 = arith.constant 0 : i32
        %dma_start3A_2772 = tpu.memref_slice %arg11[%dma_start3A_2770, %dma_start3A_2771] : memref<32x64xf32, #tpu.memory_space<vmem>> -> memref<1x64xf32, #tpu.memory_space<vmem>>
        %dma_start3A_2773 = arith.constant 0 : i32
        %dma_start3A_2774 = tpu.memref_slice %arg4[%squeeze3A_2764, %dma_start3A_2773] : memref<1000000x64xf32, #tpu.memory_space<hbm>> -> memref<1x64xf32, #tpu.memory_space<hbm>>
        tpu.enqueue_dma source(%dma_start3A_2774 : memref<1x64xf32, #tpu.memory_space<hbm>>) target(%dma_start3A_2772 : memref<1x64xf32, #tpu.memory_space<vmem>>) target_semaphore(%arg16 : memref<!tpu.dma_semaphore, #tpu.memory_space<semaphore_mem>>)
        %slice3A_2775 = vector.extract_strided_slice %get3A_2618 {offsets = [6], sizes = [1], strides = [1]} : vector<16xi32> to vector<1xi32>
        %squeeze3A_2776 = vector.extract %slice3A_2775[0] : i32 from vector<1xi32>
        %dma_start3A_2777 = arith.constant 6 : i32
        %dma_start3A_2778 = arith.constant 0 : i32
        %dma_start3A_2779 = tpu.memref_slice %arg12[%dma_start3A_2777, %dma_start3A_2778] : memref<32x64xf32, #tpu.memory_space<vmem>> -> memref<1x64xf32, #tpu.memory_space<vmem>>
        %dma_start3A_2780 = arith.constant 0 : i32
        %dma_start3A_2781 = tpu.memref_slice %arg5[%squeeze3A_2776, %dma_start3A_2780] : memref<1000000x64xf32, #tpu.memory_space<hbm>> -> memref<1x64xf32, #tpu.memory_space<hbm>>
        %dma_start3A_2782 = arith.constant 6 : i32
        %dma_start3A_2783 = arith.constant 0 : i32
        %dma_start3A_2784 = tpu.memref_slice %arg12[%dma_start3A_2782, %dma_start3A_2783] : memref<32x64xf32, #tpu.memory_space<vmem>> -> memref<1x64xf32, #tpu.memory_space<vmem>>
        %dma_start3A_2785 = arith.constant 0 : i32
        %dma_start3A_2786 = tpu.memref_slice %arg5[%squeeze3A_2776, %dma_start3A_2785] : memref<1000000x64xf32, #tpu.memory_space<hbm>> -> memref<1x64xf32, #tpu.memory_space<hbm>>
        tpu.enqueue_dma source(%dma_start3A_2786 : memref<1x64xf32, #tpu.memory_space<hbm>>) target(%dma_start3A_2784 : memref<1x64xf32, #tpu.memory_space<vmem>>) target_semaphore(%arg16 : memref<!tpu.dma_semaphore, #tpu.memory_space<semaphore_mem>>)
        %slice3A_2787 = vector.extract_strided_slice %get3A_2573 {offsets = [7], sizes = [1], strides = [1]} : vector<16xi32> to vector<1xi32>
        %squeeze3A_2788 = vector.extract %slice3A_2787[0] : i32 from vector<1xi32>
        %dma_start3A_2789 = arith.constant 7 : i32
        %dma_start3A_2790 = arith.constant 0 : i32
        %dma_start3A_2791 = tpu.memref_slice %arg11[%dma_start3A_2789, %dma_start3A_2790] : memref<32x64xf32, #tpu.memory_space<vmem>> -> memref<1x64xf32, #tpu.memory_space<vmem>>
        %dma_start3A_2792 = arith.constant 0 : i32
        %dma_start3A_2793 = tpu.memref_slice %arg4[%squeeze3A_2788, %dma_start3A_2792] : memref<1000000x64xf32, #tpu.memory_space<hbm>> -> memref<1x64xf32, #tpu.memory_space<hbm>>
        %dma_start3A_2794 = arith.constant 7 : i32
        %dma_start3A_2795 = arith.constant 0 : i32
        %dma_start3A_2796 = tpu.memref_slice %arg11[%dma_start3A_2794, %dma_start3A_2795] : memref<32x64xf32, #tpu.memory_space<vmem>> -> memref<1x64xf32, #tpu.memory_space<vmem>>
        %dma_start3A_2797 = arith.constant 0 : i32
        %dma_start3A_2798 = tpu.memref_slice %arg4[%squeeze3A_2788, %dma_start3A_2797] : memref<1000000x64xf32, #tpu.memory_space<hbm>> -> memref<1x64xf32, #tpu.memory_space<hbm>>
        tpu.enqueue_dma source(%dma_start3A_2798 : memref<1x64xf32, #tpu.memory_space<hbm>>) target(%dma_start3A_2796 : memref<1x64xf32, #tpu.memory_space<vmem>>) target_semaphore(%arg16 : memref<!tpu.dma_semaphore, #tpu.memory_space<semaphore_mem>>)
        %slice3A_2799 = vector.extract_strided_slice %get3A_2618 {offsets = [7], sizes = [1], strides = [1]} : vector<16xi32> to vector<1xi32>
        %squeeze3A_2800 = vector.extract %slice3A_2799[0] : i32 from vector<1xi32>
        %dma_start3A_2801 = arith.constant 7 : i32
        %dma_start3A_2802 = arith.constant 0 : i32
        %dma_start3A_2803 = tpu.memref_slice %arg12[%dma_start3A_2801, %dma_start3A_2802] : memref<32x64xf32, #tpu.memory_space<vmem>> -> memref<1x64xf32, #tpu.memory_space<vmem>>
        %dma_start3A_2804 = arith.constant 0 : i32
        %dma_start3A_2805 = tpu.memref_slice %arg5[%squeeze3A_2800, %dma_start3A_2804] : memref<1000000x64xf32, #tpu.memory_space<hbm>> -> memref<1x64xf32, #tpu.memory_space<hbm>>
        %dma_start3A_2806 = arith.constant 7 : i32
        %dma_start3A_2807 = arith.constant 0 : i32
        %dma_start3A_2808 = tpu.memref_slice %arg12[%dma_start3A_2806, %dma_start3A_2807] : memref<32x64xf32, #tpu.memory_space<vmem>> -> memref<1x64xf32, #tpu.memory_space<vmem>>
        %dma_start3A_2809 = arith.constant 0 : i32
        %dma_start3A_2810 = tpu.memref_slice %arg5[%squeeze3A_2800, %dma_start3A_2809] : memref<1000000x64xf32, #tpu.memory_space<hbm>> -> memref<1x64xf32, #tpu.memory_space<hbm>>
        tpu.enqueue_dma source(%dma_start3A_2810 : memref<1x64xf32, #tpu.memory_space<hbm>>) target(%dma_start3A_2808 : memref<1x64xf32, #tpu.memory_space<vmem>>) target_semaphore(%arg16 : memref<!tpu.dma_semaphore, #tpu.memory_space<semaphore_mem>>)
        %slice3A_2811 = vector.extract_strided_slice %get3A_2573 {offsets = [8], sizes = [1], strides = [1]} : vector<16xi32> to vector<1xi32>
        %squeeze3A_2812 = vector.extract %slice3A_2811[0] : i32 from vector<1xi32>
        %dma_start3A_2813 = arith.constant 8 : i32
        %dma_start3A_2814 = arith.constant 0 : i32
        %dma_start3A_2815 = tpu.memref_slice %arg11[%dma_start3A_2813, %dma_start3A_2814] : memref<32x64xf32, #tpu.memory_space<vmem>> -> memref<1x64xf32, #tpu.memory_space<vmem>>
        %dma_start3A_2816 = arith.constant 0 : i32
        %dma_start3A_2817 = tpu.memref_slice %arg4[%squeeze3A_2812, %dma_start3A_2816] : memref<1000000x64xf32, #tpu.memory_space<hbm>> -> memref<1x64xf32, #tpu.memory_space<hbm>>
        %dma_start3A_2818 = arith.constant 8 : i32
        %dma_start3A_2819 = arith.constant 0 : i32
        %dma_start3A_2820 = tpu.memref_slice %arg11[%dma_start3A_2818, %dma_start3A_2819] : memref<32x64xf32, #tpu.memory_space<vmem>> -> memref<1x64xf32, #tpu.memory_space<vmem>>
        %dma_start3A_2821 = arith.constant 0 : i32
        %dma_start3A_2822 = tpu.memref_slice %arg4[%squeeze3A_2812, %dma_start3A_2821] : memref<1000000x64xf32, #tpu.memory_space<hbm>> -> memref<1x64xf32, #tpu.memory_space<hbm>>
        tpu.enqueue_dma source(%dma_start3A_2822 : memref<1x64xf32, #tpu.memory_space<hbm>>) target(%dma_start3A_2820 : memref<1x64xf32, #tpu.memory_space<vmem>>) target_semaphore(%arg16 : memref<!tpu.dma_semaphore, #tpu.memory_space<semaphore_mem>>)
        %slice3A_2823 = vector.extract_strided_slice %get3A_2618 {offsets = [8], sizes = [1], strides = [1]} : vector<16xi32> to vector<1xi32>
        %squeeze3A_2824 = vector.extract %slice3A_2823[0] : i32 from vector<1xi32>
        %dma_start3A_2825 = arith.constant 8 : i32
        %dma_start3A_2826 = arith.constant 0 : i32
        %dma_start3A_2827 = tpu.memref_slice %arg12[%dma_start3A_2825, %dma_start3A_2826] : memref<32x64xf32, #tpu.memory_space<vmem>> -> memref<1x64xf32, #tpu.memory_space<vmem>>
        %dma_start3A_2828 = arith.constant 0 : i32
        %dma_start3A_2829 = tpu.memref_slice %arg5[%squeeze3A_2824, %dma_start3A_2828] : memref<1000000x64xf32, #tpu.memory_space<hbm>> -> memref<1x64xf32, #tpu.memory_space<hbm>>
        %dma_start3A_2830 = arith.constant 8 : i32
        %dma_start3A_2831 = arith.constant 0 : i32
        %dma_start3A_2832 = tpu.memref_slice %arg12[%dma_start3A_2830, %dma_start3A_2831] : memref<32x64xf32, #tpu.memory_space<vmem>> -> memref<1x64xf32, #tpu.memory_space<vmem>>
        %dma_start3A_2833 = arith.constant 0 : i32
        %dma_start3A_2834 = tpu.memref_slice %arg5[%squeeze3A_2824, %dma_start3A_2833] : memref<1000000x64xf32, #tpu.memory_space<hbm>> -> memref<1x64xf32, #tpu.memory_space<hbm>>
        tpu.enqueue_dma source(%dma_start3A_2834 : memref<1x64xf32, #tpu.memory_space<hbm>>) target(%dma_start3A_2832 : memref<1x64xf32, #tpu.memory_space<vmem>>) target_semaphore(%arg16 : memref<!tpu.dma_semaphore, #tpu.memory_space<semaphore_mem>>)
        %slice3A_2835 = vector.extract_strided_slice %get3A_2573 {offsets = [9], sizes = [1], strides = [1]} : vector<16xi32> to vector<1xi32>
        %squeeze3A_2836 = vector.extract %slice3A_2835[0] : i32 from vector<1xi32>
        %dma_start3A_2837 = arith.constant 9 : i32
        %dma_start3A_2838 = arith.constant 0 : i32
        %dma_start3A_2839 = tpu.memref_slice %arg11[%dma_start3A_2837, %dma_start3A_2838] : memref<32x64xf32, #tpu.memory_space<vmem>> -> memref<1x64xf32, #tpu.memory_space<vmem>>
        %dma_start3A_2840 = arith.constant 0 : i32
        %dma_start3A_2841 = tpu.memref_slice %arg4[%squeeze3A_2836, %dma_start3A_2840] : memref<1000000x64xf32, #tpu.memory_space<hbm>> -> memref<1x64xf32, #tpu.memory_space<hbm>>
        %dma_start3A_2842 = arith.constant 9 : i32
        %dma_start3A_2843 = arith.constant 0 : i32
        %dma_start3A_2844 = tpu.memref_slice %arg11[%dma_start3A_2842, %dma_start3A_2843] : memref<32x64xf32, #tpu.memory_space<vmem>> -> memref<1x64xf32, #tpu.memory_space<vmem>>
        %dma_start3A_2845 = arith.constant 0 : i32
        %dma_start3A_2846 = tpu.memref_slice %arg4[%squeeze3A_2836, %dma_start3A_2845] : memref<1000000x64xf32, #tpu.memory_space<hbm>> -> memref<1x64xf32, #tpu.memory_space<hbm>>
        tpu.enqueue_dma source(%dma_start3A_2846 : memref<1x64xf32, #tpu.memory_space<hbm>>) target(%dma_start3A_2844 : memref<1x64xf32, #tpu.memory_space<vmem>>) target_semaphore(%arg16 : memref<!tpu.dma_semaphore, #tpu.memory_space<semaphore_mem>>)
        %slice3A_2847 = vector.extract_strided_slice %get3A_2618 {offsets = [9], sizes = [1], strides = [1]} : vector<16xi32> to vector<1xi32>
        %squeeze3A_2848 = vector.extract %slice3A_2847[0] : i32 from vector<1xi32>
        %dma_start3A_2849 = arith.constant 9 : i32
        %dma_start3A_2850 = arith.constant 0 : i32
        %dma_start3A_2851 = tpu.memref_slice %arg12[%dma_start3A_2849, %dma_start3A_2850] : memref<32x64xf32, #tpu.memory_space<vmem>> -> memref<1x64xf32, #tpu.memory_space<vmem>>
        %dma_start3A_2852 = arith.constant 0 : i32
        %dma_start3A_2853 = tpu.memref_slice %arg5[%squeeze3A_2848, %dma_start3A_2852] : memref<1000000x64xf32, #tpu.memory_space<hbm>> -> memref<1x64xf32, #tpu.memory_space<hbm>>
        %dma_start3A_2854 = arith.constant 9 : i32
        %dma_start3A_2855 = arith.constant 0 : i32
        %dma_start3A_2856 = tpu.memref_slice %arg12[%dma_start3A_2854, %dma_start3A_2855] : memref<32x64xf32, #tpu.memory_space<vmem>> -> memref<1x64xf32, #tpu.memory_space<vmem>>
        %dma_start3A_2857 = arith.constant 0 : i32
        %dma_start3A_2858 = tpu.memref_slice %arg5[%squeeze3A_2848, %dma_start3A_2857] : memref<1000000x64xf32, #tpu.memory_space<hbm>> -> memref<1x64xf32, #tpu.memory_space<hbm>>
        tpu.enqueue_dma source(%dma_start3A_2858 : memref<1x64xf32, #tpu.memory_space<hbm>>) target(%dma_start3A_2856 : memref<1x64xf32, #tpu.memory_space<vmem>>) target_semaphore(%arg16 : memref<!tpu.dma_semaphore, #tpu.memory_space<semaphore_mem>>)
        %slice3A_2859 = vector.extract_strided_slice %get3A_2573 {offsets = [10], sizes = [1], strides = [1]} : vector<16xi32> to vector<1xi32>
        %squeeze3A_2860 = vector.extract %slice3A_2859[0] : i32 from vector<1xi32>
        %dma_start3A_2861 = arith.constant 10 : i32
        %dma_start3A_2862 = arith.constant 0 : i32
        %dma_start3A_2863 = tpu.memref_slice %arg11[%dma_start3A_2861, %dma_start3A_2862] : memref<32x64xf32, #tpu.memory_space<vmem>> -> memref<1x64xf32, #tpu.memory_space<vmem>>
        %dma_start3A_2864 = arith.constant 0 : i32
        %dma_start3A_2865 = tpu.memref_slice %arg4[%squeeze3A_2860, %dma_start3A_2864] : memref<1000000x64xf32, #tpu.memory_space<hbm>> -> memref<1x64xf32, #tpu.memory_space<hbm>>
        %dma_start3A_2866 = arith.constant 10 : i32
        %dma_start3A_2867 = arith.constant 0 : i32
        %dma_start3A_2868 = tpu.memref_slice %arg11[%dma_start3A_2866, %dma_start3A_2867] : memref<32x64xf32, #tpu.memory_space<vmem>> -> memref<1x64xf32, #tpu.memory_space<vmem>>
        %dma_start3A_2869 = arith.constant 0 : i32
        %dma_start3A_2870 = tpu.memref_slice %arg4[%squeeze3A_2860, %dma_start3A_2869] : memref<1000000x64xf32, #tpu.memory_space<hbm>> -> memref<1x64xf32, #tpu.memory_space<hbm>>
        tpu.enqueue_dma source(%dma_start3A_2870 : memref<1x64xf32, #tpu.memory_space<hbm>>) target(%dma_start3A_2868 : memref<1x64xf32, #tpu.memory_space<vmem>>) target_semaphore(%arg16 : memref<!tpu.dma_semaphore, #tpu.memory_space<semaphore_mem>>)
        %slice3A_2871 = vector.extract_strided_slice %get3A_2618 {offsets = [10], sizes = [1], strides = [1]} : vector<16xi32> to vector<1xi32>
        %squeeze3A_2872 = vector.extract %slice3A_2871[0] : i32 from vector<1xi32>
        %dma_start3A_2873 = arith.constant 10 : i32
        %dma_start3A_2874 = arith.constant 0 : i32
        %dma_start3A_2875 = tpu.memref_slice %arg12[%dma_start3A_2873, %dma_start3A_2874] : memref<32x64xf32, #tpu.memory_space<vmem>> -> memref<1x64xf32, #tpu.memory_space<vmem>>
        %dma_start3A_2876 = arith.constant 0 : i32
        %dma_start3A_2877 = tpu.memref_slice %arg5[%squeeze3A_2872, %dma_start3A_2876] : memref<1000000x64xf32, #tpu.memory_space<hbm>> -> memref<1x64xf32, #tpu.memory_space<hbm>>
        %dma_start3A_2878 = arith.constant 10 : i32
        %dma_start3A_2879 = arith.constant 0 : i32
        %dma_start3A_2880 = tpu.memref_slice %arg12[%dma_start3A_2878, %dma_start3A_2879] : memref<32x64xf32, #tpu.memory_space<vmem>> -> memref<1x64xf32, #tpu.memory_space<vmem>>
        %dma_start3A_2881 = arith.constant 0 : i32
        %dma_start3A_2882 = tpu.memref_slice %arg5[%squeeze3A_2872, %dma_start3A_2881] : memref<1000000x64xf32, #tpu.memory_space<hbm>> -> memref<1x64xf32, #tpu.memory_space<hbm>>
        tpu.enqueue_dma source(%dma_start3A_2882 : memref<1x64xf32, #tpu.memory_space<hbm>>) target(%dma_start3A_2880 : memref<1x64xf32, #tpu.memory_space<vmem>>) target_semaphore(%arg16 : memref<!tpu.dma_semaphore, #tpu.memory_space<semaphore_mem>>)
        %slice3A_2883 = vector.extract_strided_slice %get3A_2573 {offsets = [11], sizes = [1], strides = [1]} : vector<16xi32> to vector<1xi32>
        %squeeze3A_2884 = vector.extract %slice3A_2883[0] : i32 from vector<1xi32>
        %dma_start3A_2885 = arith.constant 11 : i32
        %dma_start3A_2886 = arith.constant 0 : i32
        %dma_start3A_2887 = tpu.memref_slice %arg11[%dma_start3A_2885, %dma_start3A_2886] : memref<32x64xf32, #tpu.memory_space<vmem>> -> memref<1x64xf32, #tpu.memory_space<vmem>>
        %dma_start3A_2888 = arith.constant 0 : i32
        %dma_start3A_2889 = tpu.memref_slice %arg4[%squeeze3A_2884, %dma_start3A_2888] : memref<1000000x64xf32, #tpu.memory_space<hbm>> -> memref<1x64xf32, #tpu.memory_space<hbm>>
        %dma_start3A_2890 = arith.constant 11 : i32
        %dma_start3A_2891 = arith.constant 0 : i32
        %dma_start3A_2892 = tpu.memref_slice %arg11[%dma_start3A_2890, %dma_start3A_2891] : memref<32x64xf32, #tpu.memory_space<vmem>> -> memref<1x64xf32, #tpu.memory_space<vmem>>
        %dma_start3A_2893 = arith.constant 0 : i32
        %dma_start3A_2894 = tpu.memref_slice %arg4[%squeeze3A_2884, %dma_start3A_2893] : memref<1000000x64xf32, #tpu.memory_space<hbm>> -> memref<1x64xf32, #tpu.memory_space<hbm>>
        tpu.enqueue_dma source(%dma_start3A_2894 : memref<1x64xf32, #tpu.memory_space<hbm>>) target(%dma_start3A_2892 : memref<1x64xf32, #tpu.memory_space<vmem>>) target_semaphore(%arg16 : memref<!tpu.dma_semaphore, #tpu.memory_space<semaphore_mem>>)
        %slice3A_2895 = vector.extract_strided_slice %get3A_2618 {offsets = [11], sizes = [1], strides = [1]} : vector<16xi32> to vector<1xi32>
        %squeeze3A_2896 = vector.extract %slice3A_2895[0] : i32 from vector<1xi32>
        %dma_start3A_2897 = arith.constant 11 : i32
        %dma_start3A_2898 = arith.constant 0 : i32
        %dma_start3A_2899 = tpu.memref_slice %arg12[%dma_start3A_2897, %dma_start3A_2898] : memref<32x64xf32, #tpu.memory_space<vmem>> -> memref<1x64xf32, #tpu.memory_space<vmem>>
        %dma_start3A_2900 = arith.constant 0 : i32
        %dma_start3A_2901 = tpu.memref_slice %arg5[%squeeze3A_2896, %dma_start3A_2900] : memref<1000000x64xf32, #tpu.memory_space<hbm>> -> memref<1x64xf32, #tpu.memory_space<hbm>>
        %dma_start3A_2902 = arith.constant 11 : i32
        %dma_start3A_2903 = arith.constant 0 : i32
        %dma_start3A_2904 = tpu.memref_slice %arg12[%dma_start3A_2902, %dma_start3A_2903] : memref<32x64xf32, #tpu.memory_space<vmem>> -> memref<1x64xf32, #tpu.memory_space<vmem>>
        %dma_start3A_2905 = arith.constant 0 : i32
        %dma_start3A_2906 = tpu.memref_slice %arg5[%squeeze3A_2896, %dma_start3A_2905] : memref<1000000x64xf32, #tpu.memory_space<hbm>> -> memref<1x64xf32, #tpu.memory_space<hbm>>
        tpu.enqueue_dma source(%dma_start3A_2906 : memref<1x64xf32, #tpu.memory_space<hbm>>) target(%dma_start3A_2904 : memref<1x64xf32, #tpu.memory_space<vmem>>) target_semaphore(%arg16 : memref<!tpu.dma_semaphore, #tpu.memory_space<semaphore_mem>>)
        %slice3A_2907 = vector.extract_strided_slice %get3A_2573 {offsets = [12], sizes = [1], strides = [1]} : vector<16xi32> to vector<1xi32>
        %squeeze3A_2908 = vector.extract %slice3A_2907[0] : i32 from vector<1xi32>
        %dma_start3A_2909 = arith.constant 12 : i32
        %dma_start3A_2910 = arith.constant 0 : i32
        %dma_start3A_2911 = tpu.memref_slice %arg11[%dma_start3A_2909, %dma_start3A_2910] : memref<32x64xf32, #tpu.memory_space<vmem>> -> memref<1x64xf32, #tpu.memory_space<vmem>>
        %dma_start3A_2912 = arith.constant 0 : i32
        %dma_start3A_2913 = tpu.memref_slice %arg4[%squeeze3A_2908, %dma_start3A_2912] : memref<1000000x64xf32, #tpu.memory_space<hbm>> -> memref<1x64xf32, #tpu.memory_space<hbm>>
        %dma_start3A_2914 = arith.constant 12 : i32
        %dma_start3A_2915 = arith.constant 0 : i32
        %dma_start3A_2916 = tpu.memref_slice %arg11[%dma_start3A_2914, %dma_start3A_2915] : memref<32x64xf32, #tpu.memory_space<vmem>> -> memref<1x64xf32, #tpu.memory_space<vmem>>
        %dma_start3A_2917 = arith.constant 0 : i32
        %dma_start3A_2918 = tpu.memref_slice %arg4[%squeeze3A_2908, %dma_start3A_2917] : memref<1000000x64xf32, #tpu.memory_space<hbm>> -> memref<1x64xf32, #tpu.memory_space<hbm>>
        tpu.enqueue_dma source(%dma_start3A_2918 : memref<1x64xf32, #tpu.memory_space<hbm>>) target(%dma_start3A_2916 : memref<1x64xf32, #tpu.memory_space<vmem>>) target_semaphore(%arg16 : memref<!tpu.dma_semaphore, #tpu.memory_space<semaphore_mem>>)
        %slice3A_2919 = vector.extract_strided_slice %get3A_2618 {offsets = [12], sizes = [1], strides = [1]} : vector<16xi32> to vector<1xi32>
        %squeeze3A_2920 = vector.extract %slice3A_2919[0] : i32 from vector<1xi32>
        %dma_start3A_2921 = arith.constant 12 : i32
        %dma_start3A_2922 = arith.constant 0 : i32
        %dma_start3A_2923 = tpu.memref_slice %arg12[%dma_start3A_2921, %dma_start3A_2922] : memref<32x64xf32, #tpu.memory_space<vmem>> -> memref<1x64xf32, #tpu.memory_space<vmem>>
        %dma_start3A_2924 = arith.constant 0 : i32
        %dma_start3A_2925 = tpu.memref_slice %arg5[%squeeze3A_2920, %dma_start3A_2924] : memref<1000000x64xf32, #tpu.memory_space<hbm>> -> memref<1x64xf32, #tpu.memory_space<hbm>>
        %dma_start3A_2926 = arith.constant 12 : i32
        %dma_start3A_2927 = arith.constant 0 : i32
        %dma_start3A_2928 = tpu.memref_slice %arg12[%dma_start3A_2926, %dma_start3A_2927] : memref<32x64xf32, #tpu.memory_space<vmem>> -> memref<1x64xf32, #tpu.memory_space<vmem>>
        %dma_start3A_2929 = arith.constant 0 : i32
        %dma_start3A_2930 = tpu.memref_slice %arg5[%squeeze3A_2920, %dma_start3A_2929] : memref<1000000x64xf32, #tpu.memory_space<hbm>> -> memref<1x64xf32, #tpu.memory_space<hbm>>
        tpu.enqueue_dma source(%dma_start3A_2930 : memref<1x64xf32, #tpu.memory_space<hbm>>) target(%dma_start3A_2928 : memref<1x64xf32, #tpu.memory_space<vmem>>) target_semaphore(%arg16 : memref<!tpu.dma_semaphore, #tpu.memory_space<semaphore_mem>>)
        %slice3A_2931 = vector.extract_strided_slice %get3A_2573 {offsets = [13], sizes = [1], strides = [1]} : vector<16xi32> to vector<1xi32>
        %squeeze3A_2932 = vector.extract %slice3A_2931[0] : i32 from vector<1xi32>
        %dma_start3A_2933 = arith.constant 13 : i32
        %dma_start3A_2934 = arith.constant 0 : i32
        %dma_start3A_2935 = tpu.memref_slice %arg11[%dma_start3A_2933, %dma_start3A_2934] : memref<32x64xf32, #tpu.memory_space<vmem>> -> memref<1x64xf32, #tpu.memory_space<vmem>>
        %dma_start3A_2936 = arith.constant 0 : i32
        %dma_start3A_2937 = tpu.memref_slice %arg4[%squeeze3A_2932, %dma_start3A_2936] : memref<1000000x64xf32, #tpu.memory_space<hbm>> -> memref<1x64xf32, #tpu.memory_space<hbm>>
        %dma_start3A_2938 = arith.constant 13 : i32
        %dma_start3A_2939 = arith.constant 0 : i32
        %dma_start3A_2940 = tpu.memref_slice %arg11[%dma_start3A_2938, %dma_start3A_2939] : memref<32x64xf32, #tpu.memory_space<vmem>> -> memref<1x64xf32, #tpu.memory_space<vmem>>
        %dma_start3A_2941 = arith.constant 0 : i32
        %dma_start3A_2942 = tpu.memref_slice %arg4[%squeeze3A_2932, %dma_start3A_2941] : memref<1000000x64xf32, #tpu.memory_space<hbm>> -> memref<1x64xf32, #tpu.memory_space<hbm>>
        tpu.enqueue_dma source(%dma_start3A_2942 : memref<1x64xf32, #tpu.memory_space<hbm>>) target(%dma_start3A_2940 : memref<1x64xf32, #tpu.memory_space<vmem>>) target_semaphore(%arg16 : memref<!tpu.dma_semaphore, #tpu.memory_space<semaphore_mem>>)
        %slice3A_2943 = vector.extract_strided_slice %get3A_2618 {offsets = [13], sizes = [1], strides = [1]} : vector<16xi32> to vector<1xi32>
        %squeeze3A_2944 = vector.extract %slice3A_2943[0] : i32 from vector<1xi32>
        %dma_start3A_2945 = arith.constant 13 : i32
        %dma_start3A_2946 = arith.constant 0 : i32
        %dma_start3A_2947 = tpu.memref_slice %arg12[%dma_start3A_2945, %dma_start3A_2946] : memref<32x64xf32, #tpu.memory_space<vmem>> -> memref<1x64xf32, #tpu.memory_space<vmem>>
        %dma_start3A_2948 = arith.constant 0 : i32
        %dma_start3A_2949 = tpu.memref_slice %arg5[%squeeze3A_2944, %dma_start3A_2948] : memref<1000000x64xf32, #tpu.memory_space<hbm>> -> memref<1x64xf32, #tpu.memory_space<hbm>>
        %dma_start3A_2950 = arith.constant 13 : i32
        %dma_start3A_2951 = arith.constant 0 : i32
        %dma_start3A_2952 = tpu.memref_slice %arg12[%dma_start3A_2950, %dma_start3A_2951] : memref<32x64xf32, #tpu.memory_space<vmem>> -> memref<1x64xf32, #tpu.memory_space<vmem>>
        %dma_start3A_2953 = arith.constant 0 : i32
        %dma_start3A_2954 = tpu.memref_slice %arg5[%squeeze3A_2944, %dma_start3A_2953] : memref<1000000x64xf32, #tpu.memory_space<hbm>> -> memref<1x64xf32, #tpu.memory_space<hbm>>
        tpu.enqueue_dma source(%dma_start3A_2954 : memref<1x64xf32, #tpu.memory_space<hbm>>) target(%dma_start3A_2952 : memref<1x64xf32, #tpu.memory_space<vmem>>) target_semaphore(%arg16 : memref<!tpu.dma_semaphore, #tpu.memory_space<semaphore_mem>>)
        %slice3A_2955 = vector.extract_strided_slice %get3A_2573 {offsets = [14], sizes = [1], strides = [1]} : vector<16xi32> to vector<1xi32>
        %squeeze3A_2956 = vector.extract %slice3A_2955[0] : i32 from vector<1xi32>
        %dma_start3A_2957 = arith.constant 14 : i32
        %dma_start3A_2958 = arith.constant 0 : i32
        %dma_start3A_2959 = tpu.memref_slice %arg11[%dma_start3A_2957, %dma_start3A_2958] : memref<32x64xf32, #tpu.memory_space<vmem>> -> memref<1x64xf32, #tpu.memory_space<vmem>>
        %dma_start3A_2960 = arith.constant 0 : i32
        %dma_start3A_2961 = tpu.memref_slice %arg4[%squeeze3A_2956, %dma_start3A_2960] : memref<1000000x64xf32, #tpu.memory_space<hbm>> -> memref<1x64xf32, #tpu.memory_space<hbm>>
        %dma_start3A_2962 = arith.constant 14 : i32
        %dma_start3A_2963 = arith.constant 0 : i32
        %dma_start3A_2964 = tpu.memref_slice %arg11[%dma_start3A_2962, %dma_start3A_2963] : memref<32x64xf32, #tpu.memory_space<vmem>> -> memref<1x64xf32, #tpu.memory_space<vmem>>
        %dma_start3A_2965 = arith.constant 0 : i32
        %dma_start3A_2966 = tpu.memref_slice %arg4[%squeeze3A_2956, %dma_start3A_2965] : memref<1000000x64xf32, #tpu.memory_space<hbm>> -> memref<1x64xf32, #tpu.memory_space<hbm>>
        tpu.enqueue_dma source(%dma_start3A_2966 : memref<1x64xf32, #tpu.memory_space<hbm>>) target(%dma_start3A_2964 : memref<1x64xf32, #tpu.memory_space<vmem>>) target_semaphore(%arg16 : memref<!tpu.dma_semaphore, #tpu.memory_space<semaphore_mem>>)
        %slice3A_2967 = vector.extract_strided_slice %get3A_2618 {offsets = [14], sizes = [1], strides = [1]} : vector<16xi32> to vector<1xi32>
        %squeeze3A_2968 = vector.extract %slice3A_2967[0] : i32 from vector<1xi32>
        %dma_start3A_2969 = arith.constant 14 : i32
        %dma_start3A_2970 = arith.constant 0 : i32
        %dma_start3A_2971 = tpu.memref_slice %arg12[%dma_start3A_2969, %dma_start3A_2970] : memref<32x64xf32, #tpu.memory_space<vmem>> -> memref<1x64xf32, #tpu.memory_space<vmem>>
        %dma_start3A_2972 = arith.constant 0 : i32
        %dma_start3A_2973 = tpu.memref_slice %arg5[%squeeze3A_2968, %dma_start3A_2972] : memref<1000000x64xf32, #tpu.memory_space<hbm>> -> memref<1x64xf32, #tpu.memory_space<hbm>>
        %dma_start3A_2974 = arith.constant 14 : i32
        %dma_start3A_2975 = arith.constant 0 : i32
        %dma_start3A_2976 = tpu.memref_slice %arg12[%dma_start3A_2974, %dma_start3A_2975] : memref<32x64xf32, #tpu.memory_space<vmem>> -> memref<1x64xf32, #tpu.memory_space<vmem>>
        %dma_start3A_2977 = arith.constant 0 : i32
        %dma_start3A_2978 = tpu.memref_slice %arg5[%squeeze3A_2968, %dma_start3A_2977] : memref<1000000x64xf32, #tpu.memory_space<hbm>> -> memref<1x64xf32, #tpu.memory_space<hbm>>
        tpu.enqueue_dma source(%dma_start3A_2978 : memref<1x64xf32, #tpu.memory_space<hbm>>) target(%dma_start3A_2976 : memref<1x64xf32, #tpu.memory_space<vmem>>) target_semaphore(%arg16 : memref<!tpu.dma_semaphore, #tpu.memory_space<semaphore_mem>>)
        %slice3A_2979 = vector.extract_strided_slice %get3A_2573 {offsets = [15], sizes = [1], strides = [1]} : vector<16xi32> to vector<1xi32>
        %squeeze3A_2980 = vector.extract %slice3A_2979[0] : i32 from vector<1xi32>
        %dma_start3A_2981 = arith.constant 15 : i32
        %dma_start3A_2982 = arith.constant 0 : i32
        %dma_start3A_2983 = tpu.memref_slice %arg11[%dma_start3A_2981, %dma_start3A_2982] : memref<32x64xf32, #tpu.memory_space<vmem>> -> memref<1x64xf32, #tpu.memory_space<vmem>>
        %dma_start3A_2984 = arith.constant 0 : i32
        %dma_start3A_2985 = tpu.memref_slice %arg4[%squeeze3A_2980, %dma_start3A_2984] : memref<1000000x64xf32, #tpu.memory_space<hbm>> -> memref<1x64xf32, #tpu.memory_space<hbm>>
        %dma_start3A_2986 = arith.constant 15 : i32
        %dma_start3A_2987 = arith.constant 0 : i32
        %dma_start3A_2988 = tpu.memref_slice %arg11[%dma_start3A_2986, %dma_start3A_2987] : memref<32x64xf32, #tpu.memory_space<vmem>> -> memref<1x64xf32, #tpu.memory_space<vmem>>
        %dma_start3A_2989 = arith.constant 0 : i32
        %dma_start3A_2990 = tpu.memref_slice %arg4[%squeeze3A_2980, %dma_start3A_2989] : memref<1000000x64xf32, #tpu.memory_space<hbm>> -> memref<1x64xf32, #tpu.memory_space<hbm>>
        tpu.enqueue_dma source(%dma_start3A_2990 : memref<1x64xf32, #tpu.memory_space<hbm>>) target(%dma_start3A_2988 : memref<1x64xf32, #tpu.memory_space<vmem>>) target_semaphore(%arg16 : memref<!tpu.dma_semaphore, #tpu.memory_space<semaphore_mem>>)
        %slice3A_2991 = vector.extract_strided_slice %get3A_2618 {offsets = [15], sizes = [1], strides = [1]} : vector<16xi32> to vector<1xi32>
        %squeeze3A_2992 = vector.extract %slice3A_2991[0] : i32 from vector<1xi32>
        %dma_start3A_2993 = arith.constant 15 : i32
        %dma_start3A_2994 = arith.constant 0 : i32
        %dma_start3A_2995 = tpu.memref_slice %arg12[%dma_start3A_2993, %dma_start3A_2994] : memref<32x64xf32, #tpu.memory_space<vmem>> -> memref<1x64xf32, #tpu.memory_space<vmem>>
        %dma_start3A_2996 = arith.constant 0 : i32
        %dma_start3A_2997 = tpu.memref_slice %arg5[%squeeze3A_2992, %dma_start3A_2996] : memref<1000000x64xf32, #tpu.memory_space<hbm>> -> memref<1x64xf32, #tpu.memory_space<hbm>>
        %dma_start3A_2998 = arith.constant 15 : i32
        %dma_start3A_2999 = arith.constant 0 : i32
        %dma_start3A_3000 = tpu.memref_slice %arg12[%dma_start3A_2998, %dma_start3A_2999] : memref<32x64xf32, #tpu.memory_space<vmem>> -> memref<1x64xf32, #tpu.memory_space<vmem>>
        %dma_start3A_3001 = arith.constant 0 : i32
        %dma_start3A_3002 = tpu.memref_slice %arg5[%squeeze3A_2992, %dma_start3A_3001] : memref<1000000x64xf32, #tpu.memory_space<hbm>> -> memref<1x64xf32, #tpu.memory_space<hbm>>
        tpu.enqueue_dma source(%dma_start3A_3002 : memref<1x64xf32, #tpu.memory_space<hbm>>) target(%dma_start3A_3000 : memref<1x64xf32, #tpu.memory_space<vmem>>) target_semaphore(%arg16 : memref<!tpu.dma_semaphore, #tpu.memory_space<semaphore_mem>>)
      } else {
      }
      %dma_wait3A_1723 = arith.constant 16 : i32
      %dma_wait3A_1724 = arith.constant 0 : i32
      %dma_wait3A_1725 = tpu.memref_slice %arg11[%dma_wait3A_1723, %dma_wait3A_1724] : memref<32x64xf32, #tpu.memory_space<vmem>> -> memref<16x64xf32, #tpu.memory_space<vmem>>
      %dma_wait3A_1726 = arith.constant 0 : i32
      %dma_wait3A_1727 = arith.constant 0 : i32
      %dma_wait3A_1728 = tpu.memref_slice %arg4[%dma_wait3A_1726, %dma_wait3A_1727] : memref<1000000x64xf32, #tpu.memory_space<hbm>> -> memref<16x64xf32, #tpu.memory_space<hbm>>
      %dma_wait3A_1729 = arith.constant 16 : i32
      %dma_wait3A_1730 = arith.constant 0 : i32
      %dma_wait3A_1731 = tpu.memref_slice %arg11[%dma_wait3A_1729, %dma_wait3A_1730] : memref<32x64xf32, #tpu.memory_space<vmem>> -> memref<16x64xf32, #tpu.memory_space<vmem>>
      %dma_wait3A_1732 = arith.constant 0 : i32
      %dma_wait3A_1733 = arith.constant 0 : i32
      %dma_wait3A_1734 = tpu.memref_slice %arg4[%dma_wait3A_1732, %dma_wait3A_1733] : memref<1000000x64xf32, #tpu.memory_space<hbm>> -> memref<16x64xf32, #tpu.memory_space<hbm>>
      tpu.wait_dma2 semaphore(%arg17 : memref<!tpu.dma_semaphore, #tpu.memory_space<semaphore_mem>>) src(%dma_wait3A_1734 : memref<16x64xf32, #tpu.memory_space<hbm>>) dst(%dma_wait3A_1731 : memref<16x64xf32, #tpu.memory_space<vmem>>)
      %dma_wait3A_1735 = arith.constant 16 : i32
      %dma_wait3A_1736 = arith.constant 0 : i32
      %dma_wait3A_1737 = tpu.memref_slice %arg12[%dma_wait3A_1735, %dma_wait3A_1736] : memref<32x64xf32, #tpu.memory_space<vmem>> -> memref<16x64xf32, #tpu.memory_space<vmem>>
      %dma_wait3A_1738 = arith.constant 0 : i32
      %dma_wait3A_1739 = arith.constant 0 : i32
      %dma_wait3A_1740 = tpu.memref_slice %arg5[%dma_wait3A_1738, %dma_wait3A_1739] : memref<1000000x64xf32, #tpu.memory_space<hbm>> -> memref<16x64xf32, #tpu.memory_space<hbm>>
      %dma_wait3A_1741 = arith.constant 16 : i32
      %dma_wait3A_1742 = arith.constant 0 : i32
      %dma_wait3A_1743 = tpu.memref_slice %arg12[%dma_wait3A_1741, %dma_wait3A_1742] : memref<32x64xf32, #tpu.memory_space<vmem>> -> memref<16x64xf32, #tpu.memory_space<vmem>>
      %dma_wait3A_1744 = arith.constant 0 : i32
      %dma_wait3A_1745 = arith.constant 0 : i32
      %dma_wait3A_1746 = tpu.memref_slice %arg5[%dma_wait3A_1744, %dma_wait3A_1745] : memref<1000000x64xf32, #tpu.memory_space<hbm>> -> memref<16x64xf32, #tpu.memory_space<hbm>>
      tpu.wait_dma2 semaphore(%arg17 : memref<!tpu.dma_semaphore, #tpu.memory_space<semaphore_mem>>) src(%dma_wait3A_1746 : memref<16x64xf32, #tpu.memory_space<hbm>>) dst(%dma_wait3A_1743 : memref<16x64xf32, #tpu.memory_space<vmem>>)
      %add3A_1747 = arith.constant 1 : i32
      %add3A_1748 = arith.addi %mul3A_921, %add3A_1747 : i32
      %broadcast_in_dim3A_1749 = arith.constant 0.000000e+00 : f32
      %broadcast_in_dim3A_1750 = vector.broadcast %broadcast_in_dim3A_1749 : f32 to vector<16xf32>
      %get3A_1751 = arith.constant 16 : i32
      %get3A_1752 = arith.index_cast %get3A_1751 : i32 to index
      %get3A_1753 = arith.constant 0 : index
      %get3A_1754 = tpu.vector_load %arg11[%get3A_1752, %get3A_1753] {strides = array<i32>} : memref<32x64xf32, #tpu.memory_space<vmem>>, vector<16xf32>,
      %get3A_1755 = arith.constant 16 : i32
      %get3A_1756 = arith.index_cast %get3A_1755 : i32 to index
      %get3A_1757 = arith.constant 0 : index
      %get3A_1758 = tpu.vector_load %arg12[%get3A_1756, %get3A_1757] {strides = array<i32>} : memref<32x64xf32, #tpu.memory_space<vmem>>, vector<16xf32>,
      %mul3A_1759 = arith.mulf %get3A_1754, %get3A_1758 : vector<16xf32>
      %get3A_1760 = arith.constant 16 : i32
      %get3A_1761 = arith.index_cast %get3A_1760 : i32 to index
      %get3A_1762 = arith.constant 16 : index
      %get3A_1763 = tpu.vector_load %arg11[%get3A_1761, %get3A_1762] {strides = array<i32>} : memref<32x64xf32, #tpu.memory_space<vmem>>, vector<16xf32>,
      %get3A_1764 = arith.constant 16 : i32
      %get3A_1765 = arith.index_cast %get3A_1764 : i32 to index
      %get3A_1766 = arith.constant 16 : index
      %get3A_1767 = tpu.vector_load %arg12[%get3A_1765, %get3A_1766] {strides = array<i32>} : memref<32x64xf32, #tpu.memory_space<vmem>>, vector<16xf32>,
      %mul3A_1768 = arith.mulf %get3A_1763, %get3A_1767 : vector<16xf32>
      %add3A_1769 = arith.addf %mul3A_1759, %mul3A_1768 : vector<16xf32>
      %get3A_1770 = arith.constant 16 : i32
      %get3A_1771 = arith.index_cast %get3A_1770 : i32 to index
      %get3A_1772 = arith.constant 32 : index
      %get3A_1773 = tpu.vector_load %arg11[%get3A_1771, %get3A_1772] {strides = array<i32>} : memref<32x64xf32, #tpu.memory_space<vmem>>, vector<16xf32>,
      %get3A_1774 = arith.constant 16 : i32
      %get3A_1775 = arith.index_cast %get3A_1774 : i32 to index
      %get3A_1776 = arith.constant 32 : index
      %get3A_1777 = tpu.vector_load %arg12[%get3A_1775, %get3A_1776] {strides = array<i32>} : memref<32x64xf32, #tpu.memory_space<vmem>>, vector<16xf32>,
      %mul3A_1778 = arith.mulf %get3A_1773, %get3A_1777 : vector<16xf32>
      %add3A_1779 = arith.addf %add3A_1769, %mul3A_1778 : vector<16xf32>
      %get3A_1780 = arith.constant 16 : i32
      %get3A_1781 = arith.index_cast %get3A_1780 : i32 to index
      %get3A_1782 = arith.constant 48 : index
      %get3A_1783 = tpu.vector_load %arg11[%get3A_1781, %get3A_1782] {strides = array<i32>} : memref<32x64xf32, #tpu.memory_space<vmem>>, vector<16xf32>,
      %get3A_1784 = arith.constant 16 : i32
      %get3A_1785 = arith.index_cast %get3A_1784 : i32 to index
      %get3A_1786 = arith.constant 48 : index
      %get3A_1787 = tpu.vector_load %arg12[%get3A_1785, %get3A_1786] {strides = array<i32>} : memref<32x64xf32, #tpu.memory_space<vmem>>, vector<16xf32>,
      %mul3A_1788 = arith.mulf %get3A_1783, %get3A_1787 : vector<16xf32>
      %add3A_1789 = arith.addf %add3A_1779, %mul3A_1788 : vector<16xf32>
      %reduce_sum3A_1790 = arith.constant true
      %reduce_sum3A_1791 = vector.broadcast %reduce_sum3A_1790 : i1 to vector<16xi1>
      %reduce_sum3A_1792 = tpu.scan <sum>, %add3A_1789 masked %reduce_sum3A_1791 : vector<16xf32>, vector<16xi1> -> vector<16xf32>
      %reduce_sum3A_1793 = vector.extract %reduce_sum3A_1792[15] : f32 from vector<16xf32>
      %broadcast_in_dim3A_1794 = vector.broadcast %reduce_sum3A_1793 : f32 to vector<16xf32>
      %eq3A_1795 = arith.constant 0 : i32
      %eq3A_1796 = vector.broadcast %eq3A_1795 : i32 to vector<16xi32>
      %eq3A_1797 = arith.cmpi eq, %iota3A, %eq3A_1796 : vector<16xi32>
      %select_n3A_1798 = arith.select %eq3A_1797, %broadcast_in_dim3A_1794, %broadcast_in_dim3A_1750 : vector<16xi1>, vector<16xf32>
      %get3A_1799 = arith.constant 17 : i32
      %get3A_1800 = arith.index_cast %get3A_1799 : i32 to index
      %get3A_1801 = arith.constant 0 : index
      %get3A_1802 = tpu.vector_load %arg11[%get3A_1800, %get3A_1801] {strides = array<i32>} : memref<32x64xf32, #tpu.memory_space<vmem>>, vector<16xf32>,
      %get3A_1803 = arith.constant 17 : i32
      %get3A_1804 = arith.index_cast %get3A_1803 : i32 to index
      %get3A_1805 = arith.constant 0 : index
      %get3A_1806 = tpu.vector_load %arg12[%get3A_1804, %get3A_1805] {strides = array<i32>} : memref<32x64xf32, #tpu.memory_space<vmem>>, vector<16xf32>,
      %mul3A_1807 = arith.mulf %get3A_1802, %get3A_1806 : vector<16xf32>
      %get3A_1808 = arith.constant 17 : i32
      %get3A_1809 = arith.index_cast %get3A_1808 : i32 to index
      %get3A_1810 = arith.constant 16 : index
      %get3A_1811 = tpu.vector_load %arg11[%get3A_1809, %get3A_1810] {strides = array<i32>} : memref<32x64xf32, #tpu.memory_space<vmem>>, vector<16xf32>,
      %get3A_1812 = arith.constant 17 : i32
      %get3A_1813 = arith.index_cast %get3A_1812 : i32 to index
      %get3A_1814 = arith.constant 16 : index
      %get3A_1815 = tpu.vector_load %arg12[%get3A_1813, %get3A_1814] {strides = array<i32>} : memref<32x64xf32, #tpu.memory_space<vmem>>, vector<16xf32>,
      %mul3A_1816 = arith.mulf %get3A_1811, %get3A_1815 : vector<16xf32>
      %add3A_1817 = arith.addf %mul3A_1807, %mul3A_1816 : vector<16xf32>
      %get3A_1818 = arith.constant 17 : i32
      %get3A_1819 = arith.index_cast %get3A_1818 : i32 to index
      %get3A_1820 = arith.constant 32 : index
      %get3A_1821 = tpu.vector_load %arg11[%get3A_1819, %get3A_1820] {strides = array<i32>} : memref<32x64xf32, #tpu.memory_space<vmem>>, vector<16xf32>,
      %get3A_1822 = arith.constant 17 : i32
      %get3A_1823 = arith.index_cast %get3A_1822 : i32 to index
      %get3A_1824 = arith.constant 32 : index
      %get3A_1825 = tpu.vector_load %arg12[%get3A_1823, %get3A_1824] {strides = array<i32>} : memref<32x64xf32, #tpu.memory_space<vmem>>, vector<16xf32>,
      %mul3A_1826 = arith.mulf %get3A_1821, %get3A_1825 : vector<16xf32>
      %add3A_1827 = arith.addf %add3A_1817, %mul3A_1826 : vector<16xf32>
      %get3A_1828 = arith.constant 17 : i32
      %get3A_1829 = arith.index_cast %get3A_1828 : i32 to index
      %get3A_1830 = arith.constant 48 : index
      %get3A_1831 = tpu.vector_load %arg11[%get3A_1829, %get3A_1830] {strides = array<i32>} : memref<32x64xf32, #tpu.memory_space<vmem>>, vector<16xf32>,
      %get3A_1832 = arith.constant 17 : i32
      %get3A_1833 = arith.index_cast %get3A_1832 : i32 to index
      %get3A_1834 = arith.constant 48 : index
      %get3A_1835 = tpu.vector_load %arg12[%get3A_1833, %get3A_1834] {strides = array<i32>} : memref<32x64xf32, #tpu.memory_space<vmem>>, vector<16xf32>,
      %mul3A_1836 = arith.mulf %get3A_1831, %get3A_1835 : vector<16xf32>
      %add3A_1837 = arith.addf %add3A_1827, %mul3A_1836 : vector<16xf32>
      %reduce_sum3A_1838 = arith.constant true
      %reduce_sum3A_1839 = vector.broadcast %reduce_sum3A_1838 : i1 to vector<16xi1>
      %reduce_sum3A_1840 = tpu.scan <sum>, %add3A_1837 masked %reduce_sum3A_1839 : vector<16xf32>, vector<16xi1> -> vector<16xf32>
      %reduce_sum3A_1841 = vector.extract %reduce_sum3A_1840[15] : f32 from vector<16xf32>
      %broadcast_in_dim3A_1842 = vector.broadcast %reduce_sum3A_1841 : f32 to vector<16xf32>
      %eq3A_1843 = arith.constant 1 : i32
      %eq3A_1844 = vector.broadcast %eq3A_1843 : i32 to vector<16xi32>
      %eq3A_1845 = arith.cmpi eq, %iota3A, %eq3A_1844 : vector<16xi32>
      %select_n3A_1846 = arith.select %eq3A_1845, %broadcast_in_dim3A_1842, %select_n3A_1798 : vector<16xi1>, vector<16xf32>
      %get3A_1847 = arith.constant 18 : i32
      %get3A_1848 = arith.index_cast %get3A_1847 : i32 to index
      %get3A_1849 = arith.constant 0 : index
      %get3A_1850 = tpu.vector_load %arg11[%get3A_1848, %get3A_1849] {strides = array<i32>} : memref<32x64xf32, #tpu.memory_space<vmem>>, vector<16xf32>,
      %get3A_1851 = arith.constant 18 : i32
      %get3A_1852 = arith.index_cast %get3A_1851 : i32 to index
      %get3A_1853 = arith.constant 0 : index
      %get3A_1854 = tpu.vector_load %arg12[%get3A_1852, %get3A_1853] {strides = array<i32>} : memref<32x64xf32, #tpu.memory_space<vmem>>, vector<16xf32>,
      %mul3A_1855 = arith.mulf %get3A_1850, %get3A_1854 : vector<16xf32>
      %get3A_1856 = arith.constant 18 : i32
      %get3A_1857 = arith.index_cast %get3A_1856 : i32 to index
      %get3A_1858 = arith.constant 16 : index
      %get3A_1859 = tpu.vector_load %arg11[%get3A_1857, %get3A_1858] {strides = array<i32>} : memref<32x64xf32, #tpu.memory_space<vmem>>, vector<16xf32>,
      %get3A_1860 = arith.constant 18 : i32
      %get3A_1861 = arith.index_cast %get3A_1860 : i32 to index
      %get3A_1862 = arith.constant 16 : index
      %get3A_1863 = tpu.vector_load %arg12[%get3A_1861, %get3A_1862] {strides = array<i32>} : memref<32x64xf32, #tpu.memory_space<vmem>>, vector<16xf32>,
      %mul3A_1864 = arith.mulf %get3A_1859, %get3A_1863 : vector<16xf32>
      %add3A_1865 = arith.addf %mul3A_1855, %mul3A_1864 : vector<16xf32>
      %get3A_1866 = arith.constant 18 : i32
      %get3A_1867 = arith.index_cast %get3A_1866 : i32 to index
      %get3A_1868 = arith.constant 32 : index
      %get3A_1869 = tpu.vector_load %arg11[%get3A_1867, %get3A_1868] {strides = array<i32>} : memref<32x64xf32, #tpu.memory_space<vmem>>, vector<16xf32>,
      %get3A_1870 = arith.constant 18 : i32
      %get3A_1871 = arith.index_cast %get3A_1870 : i32 to index
      %get3A_1872 = arith.constant 32 : index
      %get3A_1873 = tpu.vector_load %arg12[%get3A_1871, %get3A_1872] {strides = array<i32>} : memref<32x64xf32, #tpu.memory_space<vmem>>, vector<16xf32>,
      %mul3A_1874 = arith.mulf %get3A_1869, %get3A_1873 : vector<16xf32>
      %add3A_1875 = arith.addf %add3A_1865, %mul3A_1874 : vector<16xf32>
      %get3A_1876 = arith.constant 18 : i32
      %get3A_1877 = arith.index_cast %get3A_1876 : i32 to index
      %get3A_1878 = arith.constant 48 : index
      %get3A_1879 = tpu.vector_load %arg11[%get3A_1877, %get3A_1878] {strides = array<i32>} : memref<32x64xf32, #tpu.memory_space<vmem>>, vector<16xf32>,
      %get3A_1880 = arith.constant 18 : i32
      %get3A_1881 = arith.index_cast %get3A_1880 : i32 to index
      %get3A_1882 = arith.constant 48 : index
      %get3A_1883 = tpu.vector_load %arg12[%get3A_1881, %get3A_1882] {strides = array<i32>} : memref<32x64xf32, #tpu.memory_space<vmem>>, vector<16xf32>,
      %mul3A_1884 = arith.mulf %get3A_1879, %get3A_1883 : vector<16xf32>
      %add3A_1885 = arith.addf %add3A_1875, %mul3A_1884 : vector<16xf32>
      %reduce_sum3A_1886 = arith.constant true
      %reduce_sum3A_1887 = vector.broadcast %reduce_sum3A_1886 : i1 to vector<16xi1>
      %reduce_sum3A_1888 = tpu.scan <sum>, %add3A_1885 masked %reduce_sum3A_1887 : vector<16xf32>, vector<16xi1> -> vector<16xf32>
      %reduce_sum3A_1889 = vector.extract %reduce_sum3A_1888[15] : f32 from vector<16xf32>
      %broadcast_in_dim3A_1890 = vector.broadcast %reduce_sum3A_1889 : f32 to vector<16xf32>
      %eq3A_1891 = arith.constant 2 : i32
      %eq3A_1892 = vector.broadcast %eq3A_1891 : i32 to vector<16xi32>
      %eq3A_1893 = arith.cmpi eq, %iota3A, %eq3A_1892 : vector<16xi32>
      %select_n3A_1894 = arith.select %eq3A_1893, %broadcast_in_dim3A_1890, %select_n3A_1846 : vector<16xi1>, vector<16xf32>
      %get3A_1895 = arith.constant 19 : i32
      %get3A_1896 = arith.index_cast %get3A_1895 : i32 to index
      %get3A_1897 = arith.constant 0 : index
      %get3A_1898 = tpu.vector_load %arg11[%get3A_1896, %get3A_1897] {strides = array<i32>} : memref<32x64xf32, #tpu.memory_space<vmem>>, vector<16xf32>,
      %get3A_1899 = arith.constant 19 : i32
      %get3A_1900 = arith.index_cast %get3A_1899 : i32 to index
      %get3A_1901 = arith.constant 0 : index
      %get3A_1902 = tpu.vector_load %arg12[%get3A_1900, %get3A_1901] {strides = array<i32>} : memref<32x64xf32, #tpu.memory_space<vmem>>, vector<16xf32>,
      %mul3A_1903 = arith.mulf %get3A_1898, %get3A_1902 : vector<16xf32>
      %get3A_1904 = arith.constant 19 : i32
      %get3A_1905 = arith.index_cast %get3A_1904 : i32 to index
      %get3A_1906 = arith.constant 16 : index
      %get3A_1907 = tpu.vector_load %arg11[%get3A_1905, %get3A_1906] {strides = array<i32>} : memref<32x64xf32, #tpu.memory_space<vmem>>, vector<16xf32>,
      %get3A_1908 = arith.constant 19 : i32
      %get3A_1909 = arith.index_cast %get3A_1908 : i32 to index
      %get3A_1910 = arith.constant 16 : index
      %get3A_1911 = tpu.vector_load %arg12[%get3A_1909, %get3A_1910] {strides = array<i32>} : memref<32x64xf32, #tpu.memory_space<vmem>>, vector<16xf32>,
      %mul3A_1912 = arith.mulf %get3A_1907, %get3A_1911 : vector<16xf32>
      %add3A_1913 = arith.addf %mul3A_1903, %mul3A_1912 : vector<16xf32>
      %get3A_1914 = arith.constant 19 : i32
      %get3A_1915 = arith.index_cast %get3A_1914 : i32 to index
      %get3A_1916 = arith.constant 32 : index
      %get3A_1917 = tpu.vector_load %arg11[%get3A_1915, %get3A_1916] {strides = array<i32>} : memref<32x64xf32, #tpu.memory_space<vmem>>, vector<16xf32>,
      %get3A_1918 = arith.constant 19 : i32
      %get3A_1919 = arith.index_cast %get3A_1918 : i32 to index
      %get3A_1920 = arith.constant 32 : index
      %get3A_1921 = tpu.vector_load %arg12[%get3A_1919, %get3A_1920] {strides = array<i32>} : memref<32x64xf32, #tpu.memory_space<vmem>>, vector<16xf32>,
      %mul3A_1922 = arith.mulf %get3A_1917, %get3A_1921 : vector<16xf32>
      %add3A_1923 = arith.addf %add3A_1913, %mul3A_1922 : vector<16xf32>
      %get3A_1924 = arith.constant 19 : i32
      %get3A_1925 = arith.index_cast %get3A_1924 : i32 to index
      %get3A_1926 = arith.constant 48 : index
      %get3A_1927 = tpu.vector_load %arg11[%get3A_1925, %get3A_1926] {strides = array<i32>} : memref<32x64xf32, #tpu.memory_space<vmem>>, vector<16xf32>,
      %get3A_1928 = arith.constant 19 : i32
      %get3A_1929 = arith.index_cast %get3A_1928 : i32 to index
      %get3A_1930 = arith.constant 48 : index
      %get3A_1931 = tpu.vector_load %arg12[%get3A_1929, %get3A_1930] {strides = array<i32>} : memref<32x64xf32, #tpu.memory_space<vmem>>, vector<16xf32>,
      %mul3A_1932 = arith.mulf %get3A_1927, %get3A_1931 : vector<16xf32>
      %add3A_1933 = arith.addf %add3A_1923, %mul3A_1932 : vector<16xf32>
      %reduce_sum3A_1934 = arith.constant true
      %reduce_sum3A_1935 = vector.broadcast %reduce_sum3A_1934 : i1 to vector<16xi1>
      %reduce_sum3A_1936 = tpu.scan <sum>, %add3A_1933 masked %reduce_sum3A_1935 : vector<16xf32>, vector<16xi1> -> vector<16xf32>
      %reduce_sum3A_1937 = vector.extract %reduce_sum3A_1936[15] : f32 from vector<16xf32>
      %broadcast_in_dim3A_1938 = vector.broadcast %reduce_sum3A_1937 : f32 to vector<16xf32>
      %eq3A_1939 = arith.constant 3 : i32
      %eq3A_1940 = vector.broadcast %eq3A_1939 : i32 to vector<16xi32>
      %eq3A_1941 = arith.cmpi eq, %iota3A, %eq3A_1940 : vector<16xi32>
      %select_n3A_1942 = arith.select %eq3A_1941, %broadcast_in_dim3A_1938, %select_n3A_1894 : vector<16xi1>, vector<16xf32>
      %get3A_1943 = arith.constant 20 : i32
      %get3A_1944 = arith.index_cast %get3A_1943 : i32 to index
      %get3A_1945 = arith.constant 0 : index
      %get3A_1946 = tpu.vector_load %arg11[%get3A_1944, %get3A_1945] {strides = array<i32>} : memref<32x64xf32, #tpu.memory_space<vmem>>, vector<16xf32>,
      %get3A_1947 = arith.constant 20 : i32
      %get3A_1948 = arith.index_cast %get3A_1947 : i32 to index
      %get3A_1949 = arith.constant 0 : index
      %get3A_1950 = tpu.vector_load %arg12[%get3A_1948, %get3A_1949] {strides = array<i32>} : memref<32x64xf32, #tpu.memory_space<vmem>>, vector<16xf32>,
      %mul3A_1951 = arith.mulf %get3A_1946, %get3A_1950 : vector<16xf32>
      %get3A_1952 = arith.constant 20 : i32
      %get3A_1953 = arith.index_cast %get3A_1952 : i32 to index
      %get3A_1954 = arith.constant 16 : index
      %get3A_1955 = tpu.vector_load %arg11[%get3A_1953, %get3A_1954] {strides = array<i32>} : memref<32x64xf32, #tpu.memory_space<vmem>>, vector<16xf32>,
      %get3A_1956 = arith.constant 20 : i32
      %get3A_1957 = arith.index_cast %get3A_1956 : i32 to index
      %get3A_1958 = arith.constant 16 : index
      %get3A_1959 = tpu.vector_load %arg12[%get3A_1957, %get3A_1958] {strides = array<i32>} : memref<32x64xf32, #tpu.memory_space<vmem>>, vector<16xf32>,
      %mul3A_1960 = arith.mulf %get3A_1955, %get3A_1959 : vector<16xf32>
      %add3A_1961 = arith.addf %mul3A_1951, %mul3A_1960 : vector<16xf32>
      %get3A_1962 = arith.constant 20 : i32
      %get3A_1963 = arith.index_cast %get3A_1962 : i32 to index
      %get3A_1964 = arith.constant 32 : index
      %get3A_1965 = tpu.vector_load %arg11[%get3A_1963, %get3A_1964] {strides = array<i32>} : memref<32x64xf32, #tpu.memory_space<vmem>>, vector<16xf32>,
      %get3A_1966 = arith.constant 20 : i32
      %get3A_1967 = arith.index_cast %get3A_1966 : i32 to index
      %get3A_1968 = arith.constant 32 : index
      %get3A_1969 = tpu.vector_load %arg12[%get3A_1967, %get3A_1968] {strides = array<i32>} : memref<32x64xf32, #tpu.memory_space<vmem>>, vector<16xf32>,
      %mul3A_1970 = arith.mulf %get3A_1965, %get3A_1969 : vector<16xf32>
      %add3A_1971 = arith.addf %add3A_1961, %mul3A_1970 : vector<16xf32>
      %get3A_1972 = arith.constant 20 : i32
      %get3A_1973 = arith.index_cast %get3A_1972 : i32 to index
      %get3A_1974 = arith.constant 48 : index
      %get3A_1975 = tpu.vector_load %arg11[%get3A_1973, %get3A_1974] {strides = array<i32>} : memref<32x64xf32, #tpu.memory_space<vmem>>, vector<16xf32>,
      %get3A_1976 = arith.constant 20 : i32
      %get3A_1977 = arith.index_cast %get3A_1976 : i32 to index
      %get3A_1978 = arith.constant 48 : index
      %get3A_1979 = tpu.vector_load %arg12[%get3A_1977, %get3A_1978] {strides = array<i32>} : memref<32x64xf32, #tpu.memory_space<vmem>>, vector<16xf32>,
      %mul3A_1980 = arith.mulf %get3A_1975, %get3A_1979 : vector<16xf32>
      %add3A_1981 = arith.addf %add3A_1971, %mul3A_1980 : vector<16xf32>
      %reduce_sum3A_1982 = arith.constant true
      %reduce_sum3A_1983 = vector.broadcast %reduce_sum3A_1982 : i1 to vector<16xi1>
      %reduce_sum3A_1984 = tpu.scan <sum>, %add3A_1981 masked %reduce_sum3A_1983 : vector<16xf32>, vector<16xi1> -> vector<16xf32>
      %reduce_sum3A_1985 = vector.extract %reduce_sum3A_1984[15] : f32 from vector<16xf32>
      %broadcast_in_dim3A_1986 = vector.broadcast %reduce_sum3A_1985 : f32 to vector<16xf32>
      %eq3A_1987 = arith.constant 4 : i32
      %eq3A_1988 = vector.broadcast %eq3A_1987 : i32 to vector<16xi32>
      %eq3A_1989 = arith.cmpi eq, %iota3A, %eq3A_1988 : vector<16xi32>
      %select_n3A_1990 = arith.select %eq3A_1989, %broadcast_in_dim3A_1986, %select_n3A_1942 : vector<16xi1>, vector<16xf32>
      %get3A_1991 = arith.constant 21 : i32
      %get3A_1992 = arith.index_cast %get3A_1991 : i32 to index
      %get3A_1993 = arith.constant 0 : index
      %get3A_1994 = tpu.vector_load %arg11[%get3A_1992, %get3A_1993] {strides = array<i32>} : memref<32x64xf32, #tpu.memory_space<vmem>>, vector<16xf32>,
      %get3A_1995 = arith.constant 21 : i32
      %get3A_1996 = arith.index_cast %get3A_1995 : i32 to index
      %get3A_1997 = arith.constant 0 : index
      %get3A_1998 = tpu.vector_load %arg12[%get3A_1996, %get3A_1997] {strides = array<i32>} : memref<32x64xf32, #tpu.memory_space<vmem>>, vector<16xf32>,
      %mul3A_1999 = arith.mulf %get3A_1994, %get3A_1998 : vector<16xf32>
      %get3A_2000 = arith.constant 21 : i32
      %get3A_2001 = arith.index_cast %get3A_2000 : i32 to index
      %get3A_2002 = arith.constant 16 : index
      %get3A_2003 = tpu.vector_load %arg11[%get3A_2001, %get3A_2002] {strides = array<i32>} : memref<32x64xf32, #tpu.memory_space<vmem>>, vector<16xf32>,
      %get3A_2004 = arith.constant 21 : i32
      %get3A_2005 = arith.index_cast %get3A_2004 : i32 to index
      %get3A_2006 = arith.constant 16 : index
      %get3A_2007 = tpu.vector_load %arg12[%get3A_2005, %get3A_2006] {strides = array<i32>} : memref<32x64xf32, #tpu.memory_space<vmem>>, vector<16xf32>,
      %mul3A_2008 = arith.mulf %get3A_2003, %get3A_2007 : vector<16xf32>
      %add3A_2009 = arith.addf %mul3A_1999, %mul3A_2008 : vector<16xf32>
      %get3A_2010 = arith.constant 21 : i32
      %get3A_2011 = arith.index_cast %get3A_2010 : i32 to index
      %get3A_2012 = arith.constant 32 : index
      %get3A_2013 = tpu.vector_load %arg11[%get3A_2011, %get3A_2012] {strides = array<i32>} : memref<32x64xf32, #tpu.memory_space<vmem>>, vector<16xf32>,
      %get3A_2014 = arith.constant 21 : i32
      %get3A_2015 = arith.index_cast %get3A_2014 : i32 to index
      %get3A_2016 = arith.constant 32 : index
      %get3A_2017 = tpu.vector_load %arg12[%get3A_2015, %get3A_2016] {strides = array<i32>} : memref<32x64xf32, #tpu.memory_space<vmem>>, vector<16xf32>,
      %mul3A_2018 = arith.mulf %get3A_2013, %get3A_2017 : vector<16xf32>
      %add3A_2019 = arith.addf %add3A_2009, %mul3A_2018 : vector<16xf32>
      %get3A_2020 = arith.constant 21 : i32
      %get3A_2021 = arith.index_cast %get3A_2020 : i32 to index
      %get3A_2022 = arith.constant 48 : index
      %get3A_2023 = tpu.vector_load %arg11[%get3A_2021, %get3A_2022] {strides = array<i32>} : memref<32x64xf32, #tpu.memory_space<vmem>>, vector<16xf32>,
      %get3A_2024 = arith.constant 21 : i32
      %get3A_2025 = arith.index_cast %get3A_2024 : i32 to index
      %get3A_2026 = arith.constant 48 : index
      %get3A_2027 = tpu.vector_load %arg12[%get3A_2025, %get3A_2026] {strides = array<i32>} : memref<32x64xf32, #tpu.memory_space<vmem>>, vector<16xf32>,
      %mul3A_2028 = arith.mulf %get3A_2023, %get3A_2027 : vector<16xf32>
      %add3A_2029 = arith.addf %add3A_2019, %mul3A_2028 : vector<16xf32>
      %reduce_sum3A_2030 = arith.constant true
      %reduce_sum3A_2031 = vector.broadcast %reduce_sum3A_2030 : i1 to vector<16xi1>
      %reduce_sum3A_2032 = tpu.scan <sum>, %add3A_2029 masked %reduce_sum3A_2031 : vector<16xf32>, vector<16xi1> -> vector<16xf32>
      %reduce_sum3A_2033 = vector.extract %reduce_sum3A_2032[15] : f32 from vector<16xf32>
      %broadcast_in_dim3A_2034 = vector.broadcast %reduce_sum3A_2033 : f32 to vector<16xf32>
      %eq3A_2035 = arith.constant 5 : i32
      %eq3A_2036 = vector.broadcast %eq3A_2035 : i32 to vector<16xi32>
      %eq3A_2037 = arith.cmpi eq, %iota3A, %eq3A_2036 : vector<16xi32>
      %select_n3A_2038 = arith.select %eq3A_2037, %broadcast_in_dim3A_2034, %select_n3A_1990 : vector<16xi1>, vector<16xf32>
      %get3A_2039 = arith.constant 22 : i32
      %get3A_2040 = arith.index_cast %get3A_2039 : i32 to index
      %get3A_2041 = arith.constant 0 : index
      %get3A_2042 = tpu.vector_load %arg11[%get3A_2040, %get3A_2041] {strides = array<i32>} : memref<32x64xf32, #tpu.memory_space<vmem>>, vector<16xf32>,
      %get3A_2043 = arith.constant 22 : i32
      %get3A_2044 = arith.index_cast %get3A_2043 : i32 to index
      %get3A_2045 = arith.constant 0 : index
      %get3A_2046 = tpu.vector_load %arg12[%get3A_2044, %get3A_2045] {strides = array<i32>} : memref<32x64xf32, #tpu.memory_space<vmem>>, vector<16xf32>,
      %mul3A_2047 = arith.mulf %get3A_2042, %get3A_2046 : vector<16xf32>
      %get3A_2048 = arith.constant 22 : i32
      %get3A_2049 = arith.index_cast %get3A_2048 : i32 to index
      %get3A_2050 = arith.constant 16 : index
      %get3A_2051 = tpu.vector_load %arg11[%get3A_2049, %get3A_2050] {strides = array<i32>} : memref<32x64xf32, #tpu.memory_space<vmem>>, vector<16xf32>,
      %get3A_2052 = arith.constant 22 : i32
      %get3A_2053 = arith.index_cast %get3A_2052 : i32 to index
      %get3A_2054 = arith.constant 16 : index
      %get3A_2055 = tpu.vector_load %arg12[%get3A_2053, %get3A_2054] {strides = array<i32>} : memref<32x64xf32, #tpu.memory_space<vmem>>, vector<16xf32>,
      %mul3A_2056 = arith.mulf %get3A_2051, %get3A_2055 : vector<16xf32>
      %add3A_2057 = arith.addf %mul3A_2047, %mul3A_2056 : vector<16xf32>
      %get3A_2058 = arith.constant 22 : i32
      %get3A_2059 = arith.index_cast %get3A_2058 : i32 to index
      %get3A_2060 = arith.constant 32 : index
      %get3A_2061 = tpu.vector_load %arg11[%get3A_2059, %get3A_2060] {strides = array<i32>} : memref<32x64xf32, #tpu.memory_space<vmem>>, vector<16xf32>,
      %get3A_2062 = arith.constant 22 : i32
      %get3A_2063 = arith.index_cast %get3A_2062 : i32 to index
      %get3A_2064 = arith.constant 32 : index
      %get3A_2065 = tpu.vector_load %arg12[%get3A_2063, %get3A_2064] {strides = array<i32>} : memref<32x64xf32, #tpu.memory_space<vmem>>, vector<16xf32>,
      %mul3A_2066 = arith.mulf %get3A_2061, %get3A_2065 : vector<16xf32>
      %add3A_2067 = arith.addf %add3A_2057, %mul3A_2066 : vector<16xf32>
      %get3A_2068 = arith.constant 22 : i32
      %get3A_2069 = arith.index_cast %get3A_2068 : i32 to index
      %get3A_2070 = arith.constant 48 : index
      %get3A_2071 = tpu.vector_load %arg11[%get3A_2069, %get3A_2070] {strides = array<i32>} : memref<32x64xf32, #tpu.memory_space<vmem>>, vector<16xf32>,
      %get3A_2072 = arith.constant 22 : i32
      %get3A_2073 = arith.index_cast %get3A_2072 : i32 to index
      %get3A_2074 = arith.constant 48 : index
      %get3A_2075 = tpu.vector_load %arg12[%get3A_2073, %get3A_2074] {strides = array<i32>} : memref<32x64xf32, #tpu.memory_space<vmem>>, vector<16xf32>,
      %mul3A_2076 = arith.mulf %get3A_2071, %get3A_2075 : vector<16xf32>
      %add3A_2077 = arith.addf %add3A_2067, %mul3A_2076 : vector<16xf32>
      %reduce_sum3A_2078 = arith.constant true
      %reduce_sum3A_2079 = vector.broadcast %reduce_sum3A_2078 : i1 to vector<16xi1>
      %reduce_sum3A_2080 = tpu.scan <sum>, %add3A_2077 masked %reduce_sum3A_2079 : vector<16xf32>, vector<16xi1> -> vector<16xf32>
      %reduce_sum3A_2081 = vector.extract %reduce_sum3A_2080[15] : f32 from vector<16xf32>
      %broadcast_in_dim3A_2082 = vector.broadcast %reduce_sum3A_2081 : f32 to vector<16xf32>
      %eq3A_2083 = arith.constant 6 : i32
      %eq3A_2084 = vector.broadcast %eq3A_2083 : i32 to vector<16xi32>
      %eq3A_2085 = arith.cmpi eq, %iota3A, %eq3A_2084 : vector<16xi32>
      %select_n3A_2086 = arith.select %eq3A_2085, %broadcast_in_dim3A_2082, %select_n3A_2038 : vector<16xi1>, vector<16xf32>
      %get3A_2087 = arith.constant 23 : i32
      %get3A_2088 = arith.index_cast %get3A_2087 : i32 to index
      %get3A_2089 = arith.constant 0 : index
      %get3A_2090 = tpu.vector_load %arg11[%get3A_2088, %get3A_2089] {strides = array<i32>} : memref<32x64xf32, #tpu.memory_space<vmem>>, vector<16xf32>,
      %get3A_2091 = arith.constant 23 : i32
      %get3A_2092 = arith.index_cast %get3A_2091 : i32 to index
      %get3A_2093 = arith.constant 0 : index
      %get3A_2094 = tpu.vector_load %arg12[%get3A_2092, %get3A_2093] {strides = array<i32>} : memref<32x64xf32, #tpu.memory_space<vmem>>, vector<16xf32>,
      %mul3A_2095 = arith.mulf %get3A_2090, %get3A_2094 : vector<16xf32>
      %get3A_2096 = arith.constant 23 : i32
      %get3A_2097 = arith.index_cast %get3A_2096 : i32 to index
      %get3A_2098 = arith.constant 16 : index
      %get3A_2099 = tpu.vector_load %arg11[%get3A_2097, %get3A_2098] {strides = array<i32>} : memref<32x64xf32, #tpu.memory_space<vmem>>, vector<16xf32>,
      %get3A_2100 = arith.constant 23 : i32
      %get3A_2101 = arith.index_cast %get3A_2100 : i32 to index
      %get3A_2102 = arith.constant 16 : index
      %get3A_2103 = tpu.vector_load %arg12[%get3A_2101, %get3A_2102] {strides = array<i32>} : memref<32x64xf32, #tpu.memory_space<vmem>>, vector<16xf32>,
      %mul3A_2104 = arith.mulf %get3A_2099, %get3A_2103 : vector<16xf32>
      %add3A_2105 = arith.addf %mul3A_2095, %mul3A_2104 : vector<16xf32>
      %get3A_2106 = arith.constant 23 : i32
      %get3A_2107 = arith.index_cast %get3A_2106 : i32 to index
      %get3A_2108 = arith.constant 32 : index
      %get3A_2109 = tpu.vector_load %arg11[%get3A_2107, %get3A_2108] {strides = array<i32>} : memref<32x64xf32, #tpu.memory_space<vmem>>, vector<16xf32>,
      %get3A_2110 = arith.constant 23 : i32
      %get3A_2111 = arith.index_cast %get3A_2110 : i32 to index
      %get3A_2112 = arith.constant 32 : index
      %get3A_2113 = tpu.vector_load %arg12[%get3A_2111, %get3A_2112] {strides = array<i32>} : memref<32x64xf32, #tpu.memory_space<vmem>>, vector<16xf32>,
      %mul3A_2114 = arith.mulf %get3A_2109, %get3A_2113 : vector<16xf32>
      %add3A_2115 = arith.addf %add3A_2105, %mul3A_2114 : vector<16xf32>
      %get3A_2116 = arith.constant 23 : i32
      %get3A_2117 = arith.index_cast %get3A_2116 : i32 to index
      %get3A_2118 = arith.constant 48 : index
      %get3A_2119 = tpu.vector_load %arg11[%get3A_2117, %get3A_2118] {strides = array<i32>} : memref<32x64xf32, #tpu.memory_space<vmem>>, vector<16xf32>,
      %get3A_2120 = arith.constant 23 : i32
      %get3A_2121 = arith.index_cast %get3A_2120 : i32 to index
      %get3A_2122 = arith.constant 48 : index
      %get3A_2123 = tpu.vector_load %arg12[%get3A_2121, %get3A_2122] {strides = array<i32>} : memref<32x64xf32, #tpu.memory_space<vmem>>, vector<16xf32>,
      %mul3A_2124 = arith.mulf %get3A_2119, %get3A_2123 : vector<16xf32>
      %add3A_2125 = arith.addf %add3A_2115, %mul3A_2124 : vector<16xf32>
      %reduce_sum3A_2126 = arith.constant true
      %reduce_sum3A_2127 = vector.broadcast %reduce_sum3A_2126 : i1 to vector<16xi1>
      %reduce_sum3A_2128 = tpu.scan <sum>, %add3A_2125 masked %reduce_sum3A_2127 : vector<16xf32>, vector<16xi1> -> vector<16xf32>
      %reduce_sum3A_2129 = vector.extract %reduce_sum3A_2128[15] : f32 from vector<16xf32>
      %broadcast_in_dim3A_2130 = vector.broadcast %reduce_sum3A_2129 : f32 to vector<16xf32>
      %eq3A_2131 = arith.constant 7 : i32
      %eq3A_2132 = vector.broadcast %eq3A_2131 : i32 to vector<16xi32>
      %eq3A_2133 = arith.cmpi eq, %iota3A, %eq3A_2132 : vector<16xi32>
      %select_n3A_2134 = arith.select %eq3A_2133, %broadcast_in_dim3A_2130, %select_n3A_2086 : vector<16xi1>, vector<16xf32>
      %get3A_2135 = arith.constant 24 : i32
      %get3A_2136 = arith.index_cast %get3A_2135 : i32 to index
      %get3A_2137 = arith.constant 0 : index
      %get3A_2138 = tpu.vector_load %arg11[%get3A_2136, %get3A_2137] {strides = array<i32>} : memref<32x64xf32, #tpu.memory_space<vmem>>, vector<16xf32>,
      %get3A_2139 = arith.constant 24 : i32
      %get3A_2140 = arith.index_cast %get3A_2139 : i32 to index
      %get3A_2141 = arith.constant 0 : index
      %get3A_2142 = tpu.vector_load %arg12[%get3A_2140, %get3A_2141] {strides = array<i32>} : memref<32x64xf32, #tpu.memory_space<vmem>>, vector<16xf32>,
      %mul3A_2143 = arith.mulf %get3A_2138, %get3A_2142 : vector<16xf32>
      %get3A_2144 = arith.constant 24 : i32
      %get3A_2145 = arith.index_cast %get3A_2144 : i32 to index
      %get3A_2146 = arith.constant 16 : index
      %get3A_2147 = tpu.vector_load %arg11[%get3A_2145, %get3A_2146] {strides = array<i32>} : memref<32x64xf32, #tpu.memory_space<vmem>>, vector<16xf32>,
      %get3A_2148 = arith.constant 24 : i32
      %get3A_2149 = arith.index_cast %get3A_2148 : i32 to index
      %get3A_2150 = arith.constant 16 : index
      %get3A_2151 = tpu.vector_load %arg12[%get3A_2149, %get3A_2150] {strides = array<i32>} : memref<32x64xf32, #tpu.memory_space<vmem>>, vector<16xf32>,
      %mul3A_2152 = arith.mulf %get3A_2147, %get3A_2151 : vector<16xf32>
      %add3A_2153 = arith.addf %mul3A_2143, %mul3A_2152 : vector<16xf32>
      %get3A_2154 = arith.constant 24 : i32
      %get3A_2155 = arith.index_cast %get3A_2154 : i32 to index
      %get3A_2156 = arith.constant 32 : index
      %get3A_2157 = tpu.vector_load %arg11[%get3A_2155, %get3A_2156] {strides = array<i32>} : memref<32x64xf32, #tpu.memory_space<vmem>>, vector<16xf32>,
      %get3A_2158 = arith.constant 24 : i32
      %get3A_2159 = arith.index_cast %get3A_2158 : i32 to index
      %get3A_2160 = arith.constant 32 : index
      %get3A_2161 = tpu.vector_load %arg12[%get3A_2159, %get3A_2160] {strides = array<i32>} : memref<32x64xf32, #tpu.memory_space<vmem>>, vector<16xf32>,
      %mul3A_2162 = arith.mulf %get3A_2157, %get3A_2161 : vector<16xf32>
      %add3A_2163 = arith.addf %add3A_2153, %mul3A_2162 : vector<16xf32>
      %get3A_2164 = arith.constant 24 : i32
      %get3A_2165 = arith.index_cast %get3A_2164 : i32 to index
      %get3A_2166 = arith.constant 48 : index
      %get3A_2167 = tpu.vector_load %arg11[%get3A_2165, %get3A_2166] {strides = array<i32>} : memref<32x64xf32, #tpu.memory_space<vmem>>, vector<16xf32>,
      %get3A_2168 = arith.constant 24 : i32
      %get3A_2169 = arith.index_cast %get3A_2168 : i32 to index
      %get3A_2170 = arith.constant 48 : index
      %get3A_2171 = tpu.vector_load %arg12[%get3A_2169, %get3A_2170] {strides = array<i32>} : memref<32x64xf32, #tpu.memory_space<vmem>>, vector<16xf32>,
      %mul3A_2172 = arith.mulf %get3A_2167, %get3A_2171 : vector<16xf32>
      %add3A_2173 = arith.addf %add3A_2163, %mul3A_2172 : vector<16xf32>
      %reduce_sum3A_2174 = arith.constant true
      %reduce_sum3A_2175 = vector.broadcast %reduce_sum3A_2174 : i1 to vector<16xi1>
      %reduce_sum3A_2176 = tpu.scan <sum>, %add3A_2173 masked %reduce_sum3A_2175 : vector<16xf32>, vector<16xi1> -> vector<16xf32>
      %reduce_sum3A_2177 = vector.extract %reduce_sum3A_2176[15] : f32 from vector<16xf32>
      %broadcast_in_dim3A_2178 = vector.broadcast %reduce_sum3A_2177 : f32 to vector<16xf32>
      %eq3A_2179 = arith.constant 8 : i32
      %eq3A_2180 = vector.broadcast %eq3A_2179 : i32 to vector<16xi32>
      %eq3A_2181 = arith.cmpi eq, %iota3A, %eq3A_2180 : vector<16xi32>
      %select_n3A_2182 = arith.select %eq3A_2181, %broadcast_in_dim3A_2178, %select_n3A_2134 : vector<16xi1>, vector<16xf32>
      %get3A_2183 = arith.constant 25 : i32
      %get3A_2184 = arith.index_cast %get3A_2183 : i32 to index
      %get3A_2185 = arith.constant 0 : index
      %get3A_2186 = tpu.vector_load %arg11[%get3A_2184, %get3A_2185] {strides = array<i32>} : memref<32x64xf32, #tpu.memory_space<vmem>>, vector<16xf32>,
      %get3A_2187 = arith.constant 25 : i32
      %get3A_2188 = arith.index_cast %get3A_2187 : i32 to index
      %get3A_2189 = arith.constant 0 : index
      %get3A_2190 = tpu.vector_load %arg12[%get3A_2188, %get3A_2189] {strides = array<i32>} : memref<32x64xf32, #tpu.memory_space<vmem>>, vector<16xf32>,
      %mul3A_2191 = arith.mulf %get3A_2186, %get3A_2190 : vector<16xf32>
      %get3A_2192 = arith.constant 25 : i32
      %get3A_2193 = arith.index_cast %get3A_2192 : i32 to index
      %get3A_2194 = arith.constant 16 : index
      %get3A_2195 = tpu.vector_load %arg11[%get3A_2193, %get3A_2194] {strides = array<i32>} : memref<32x64xf32, #tpu.memory_space<vmem>>, vector<16xf32>,
      %get3A_2196 = arith.constant 25 : i32
      %get3A_2197 = arith.index_cast %get3A_2196 : i32 to index
      %get3A_2198 = arith.constant 16 : index
      %get3A_2199 = tpu.vector_load %arg12[%get3A_2197, %get3A_2198] {strides = array<i32>} : memref<32x64xf32, #tpu.memory_space<vmem>>, vector<16xf32>,
      %mul3A_2200 = arith.mulf %get3A_2195, %get3A_2199 : vector<16xf32>
      %add3A_2201 = arith.addf %mul3A_2191, %mul3A_2200 : vector<16xf32>
      %get3A_2202 = arith.constant 25 : i32
      %get3A_2203 = arith.index_cast %get3A_2202 : i32 to index
      %get3A_2204 = arith.constant 32 : index
      %get3A_2205 = tpu.vector_load %arg11[%get3A_2203, %get3A_2204] {strides = array<i32>} : memref<32x64xf32, #tpu.memory_space<vmem>>, vector<16xf32>,
      %get3A_2206 = arith.constant 25 : i32
      %get3A_2207 = arith.index_cast %get3A_2206 : i32 to index
      %get3A_2208 = arith.constant 32 : index
      %get3A_2209 = tpu.vector_load %arg12[%get3A_2207, %get3A_2208] {strides = array<i32>} : memref<32x64xf32, #tpu.memory_space<vmem>>, vector<16xf32>,
      %mul3A_2210 = arith.mulf %get3A_2205, %get3A_2209 : vector<16xf32>
      %add3A_2211 = arith.addf %add3A_2201, %mul3A_2210 : vector<16xf32>
      %get3A_2212 = arith.constant 25 : i32
      %get3A_2213 = arith.index_cast %get3A_2212 : i32 to index
      %get3A_2214 = arith.constant 48 : index
      %get3A_2215 = tpu.vector_load %arg11[%get3A_2213, %get3A_2214] {strides = array<i32>} : memref<32x64xf32, #tpu.memory_space<vmem>>, vector<16xf32>,
      %get3A_2216 = arith.constant 25 : i32
      %get3A_2217 = arith.index_cast %get3A_2216 : i32 to index
      %get3A_2218 = arith.constant 48 : index
      %get3A_2219 = tpu.vector_load %arg12[%get3A_2217, %get3A_2218] {strides = array<i32>} : memref<32x64xf32, #tpu.memory_space<vmem>>, vector<16xf32>,
      %mul3A_2220 = arith.mulf %get3A_2215, %get3A_2219 : vector<16xf32>
      %add3A_2221 = arith.addf %add3A_2211, %mul3A_2220 : vector<16xf32>
      %reduce_sum3A_2222 = arith.constant true
      %reduce_sum3A_2223 = vector.broadcast %reduce_sum3A_2222 : i1 to vector<16xi1>
      %reduce_sum3A_2224 = tpu.scan <sum>, %add3A_2221 masked %reduce_sum3A_2223 : vector<16xf32>, vector<16xi1> -> vector<16xf32>
      %reduce_sum3A_2225 = vector.extract %reduce_sum3A_2224[15] : f32 from vector<16xf32>
      %broadcast_in_dim3A_2226 = vector.broadcast %reduce_sum3A_2225 : f32 to vector<16xf32>
      %eq3A_2227 = arith.constant 9 : i32
      %eq3A_2228 = vector.broadcast %eq3A_2227 : i32 to vector<16xi32>
      %eq3A_2229 = arith.cmpi eq, %iota3A, %eq3A_2228 : vector<16xi32>
      %select_n3A_2230 = arith.select %eq3A_2229, %broadcast_in_dim3A_2226, %select_n3A_2182 : vector<16xi1>, vector<16xf32>
      %get3A_2231 = arith.constant 26 : i32
      %get3A_2232 = arith.index_cast %get3A_2231 : i32 to index
      %get3A_2233 = arith.constant 0 : index
      %get3A_2234 = tpu.vector_load %arg11[%get3A_2232, %get3A_2233] {strides = array<i32>} : memref<32x64xf32, #tpu.memory_space<vmem>>, vector<16xf32>,
      %get3A_2235 = arith.constant 26 : i32
      %get3A_2236 = arith.index_cast %get3A_2235 : i32 to index
      %get3A_2237 = arith.constant 0 : index
      %get3A_2238 = tpu.vector_load %arg12[%get3A_2236, %get3A_2237] {strides = array<i32>} : memref<32x64xf32, #tpu.memory_space<vmem>>, vector<16xf32>,
      %mul3A_2239 = arith.mulf %get3A_2234, %get3A_2238 : vector<16xf32>
      %get3A_2240 = arith.constant 26 : i32
      %get3A_2241 = arith.index_cast %get3A_2240 : i32 to index
      %get3A_2242 = arith.constant 16 : index
      %get3A_2243 = tpu.vector_load %arg11[%get3A_2241, %get3A_2242] {strides = array<i32>} : memref<32x64xf32, #tpu.memory_space<vmem>>, vector<16xf32>,
      %get3A_2244 = arith.constant 26 : i32
      %get3A_2245 = arith.index_cast %get3A_2244 : i32 to index
      %get3A_2246 = arith.constant 16 : index
      %get3A_2247 = tpu.vector_load %arg12[%get3A_2245, %get3A_2246] {strides = array<i32>} : memref<32x64xf32, #tpu.memory_space<vmem>>, vector<16xf32>,
      %mul3A_2248 = arith.mulf %get3A_2243, %get3A_2247 : vector<16xf32>
      %add3A_2249 = arith.addf %mul3A_2239, %mul3A_2248 : vector<16xf32>
      %get3A_2250 = arith.constant 26 : i32
      %get3A_2251 = arith.index_cast %get3A_2250 : i32 to index
      %get3A_2252 = arith.constant 32 : index
      %get3A_2253 = tpu.vector_load %arg11[%get3A_2251, %get3A_2252] {strides = array<i32>} : memref<32x64xf32, #tpu.memory_space<vmem>>, vector<16xf32>,
      %get3A_2254 = arith.constant 26 : i32
      %get3A_2255 = arith.index_cast %get3A_2254 : i32 to index
      %get3A_2256 = arith.constant 32 : index
      %get3A_2257 = tpu.vector_load %arg12[%get3A_2255, %get3A_2256] {strides = array<i32>} : memref<32x64xf32, #tpu.memory_space<vmem>>, vector<16xf32>,
      %mul3A_2258 = arith.mulf %get3A_2253, %get3A_2257 : vector<16xf32>
      %add3A_2259 = arith.addf %add3A_2249, %mul3A_2258 : vector<16xf32>
      %get3A_2260 = arith.constant 26 : i32
      %get3A_2261 = arith.index_cast %get3A_2260 : i32 to index
      %get3A_2262 = arith.constant 48 : index
      %get3A_2263 = tpu.vector_load %arg11[%get3A_2261, %get3A_2262] {strides = array<i32>} : memref<32x64xf32, #tpu.memory_space<vmem>>, vector<16xf32>,
      %get3A_2264 = arith.constant 26 : i32
      %get3A_2265 = arith.index_cast %get3A_2264 : i32 to index
      %get3A_2266 = arith.constant 48 : index
      %get3A_2267 = tpu.vector_load %arg12[%get3A_2265, %get3A_2266] {strides = array<i32>} : memref<32x64xf32, #tpu.memory_space<vmem>>, vector<16xf32>,
      %mul3A_2268 = arith.mulf %get3A_2263, %get3A_2267 : vector<16xf32>
      %add3A_2269 = arith.addf %add3A_2259, %mul3A_2268 : vector<16xf32>
      %reduce_sum3A_2270 = arith.constant true
      %reduce_sum3A_2271 = vector.broadcast %reduce_sum3A_2270 : i1 to vector<16xi1>
      %reduce_sum3A_2272 = tpu.scan <sum>, %add3A_2269 masked %reduce_sum3A_2271 : vector<16xf32>, vector<16xi1> -> vector<16xf32>
      %reduce_sum3A_2273 = vector.extract %reduce_sum3A_2272[15] : f32 from vector<16xf32>
      %broadcast_in_dim3A_2274 = vector.broadcast %reduce_sum3A_2273 : f32 to vector<16xf32>
      %eq3A_2275 = arith.constant 10 : i32
      %eq3A_2276 = vector.broadcast %eq3A_2275 : i32 to vector<16xi32>
      %eq3A_2277 = arith.cmpi eq, %iota3A, %eq3A_2276 : vector<16xi32>
      %select_n3A_2278 = arith.select %eq3A_2277, %broadcast_in_dim3A_2274, %select_n3A_2230 : vector<16xi1>, vector<16xf32>
      %get3A_2279 = arith.constant 27 : i32
      %get3A_2280 = arith.index_cast %get3A_2279 : i32 to index
      %get3A_2281 = arith.constant 0 : index
      %get3A_2282 = tpu.vector_load %arg11[%get3A_2280, %get3A_2281] {strides = array<i32>} : memref<32x64xf32, #tpu.memory_space<vmem>>, vector<16xf32>,
      %get3A_2283 = arith.constant 27 : i32
      %get3A_2284 = arith.index_cast %get3A_2283 : i32 to index
      %get3A_2285 = arith.constant 0 : index
      %get3A_2286 = tpu.vector_load %arg12[%get3A_2284, %get3A_2285] {strides = array<i32>} : memref<32x64xf32, #tpu.memory_space<vmem>>, vector<16xf32>,
      %mul3A_2287 = arith.mulf %get3A_2282, %get3A_2286 : vector<16xf32>
      %get3A_2288 = arith.constant 27 : i32
      %get3A_2289 = arith.index_cast %get3A_2288 : i32 to index
      %get3A_2290 = arith.constant 16 : index
      %get3A_2291 = tpu.vector_load %arg11[%get3A_2289, %get3A_2290] {strides = array<i32>} : memref<32x64xf32, #tpu.memory_space<vmem>>, vector<16xf32>,
      %get3A_2292 = arith.constant 27 : i32
      %get3A_2293 = arith.index_cast %get3A_2292 : i32 to index
      %get3A_2294 = arith.constant 16 : index
      %get3A_2295 = tpu.vector_load %arg12[%get3A_2293, %get3A_2294] {strides = array<i32>} : memref<32x64xf32, #tpu.memory_space<vmem>>, vector<16xf32>,
      %mul3A_2296 = arith.mulf %get3A_2291, %get3A_2295 : vector<16xf32>
      %add3A_2297 = arith.addf %mul3A_2287, %mul3A_2296 : vector<16xf32>
      %get3A_2298 = arith.constant 27 : i32
      %get3A_2299 = arith.index_cast %get3A_2298 : i32 to index
      %get3A_2300 = arith.constant 32 : index
      %get3A_2301 = tpu.vector_load %arg11[%get3A_2299, %get3A_2300] {strides = array<i32>} : memref<32x64xf32, #tpu.memory_space<vmem>>, vector<16xf32>,
      %get3A_2302 = arith.constant 27 : i32
      %get3A_2303 = arith.index_cast %get3A_2302 : i32 to index
      %get3A_2304 = arith.constant 32 : index
      %get3A_2305 = tpu.vector_load %arg12[%get3A_2303, %get3A_2304] {strides = array<i32>} : memref<32x64xf32, #tpu.memory_space<vmem>>, vector<16xf32>,
      %mul3A_2306 = arith.mulf %get3A_2301, %get3A_2305 : vector<16xf32>
      %add3A_2307 = arith.addf %add3A_2297, %mul3A_2306 : vector<16xf32>
      %get3A_2308 = arith.constant 27 : i32
      %get3A_2309 = arith.index_cast %get3A_2308 : i32 to index
      %get3A_2310 = arith.constant 48 : index
      %get3A_2311 = tpu.vector_load %arg11[%get3A_2309, %get3A_2310] {strides = array<i32>} : memref<32x64xf32, #tpu.memory_space<vmem>>, vector<16xf32>,
      %get3A_2312 = arith.constant 27 : i32
      %get3A_2313 = arith.index_cast %get3A_2312 : i32 to index
      %get3A_2314 = arith.constant 48 : index
      %get3A_2315 = tpu.vector_load %arg12[%get3A_2313, %get3A_2314] {strides = array<i32>} : memref<32x64xf32, #tpu.memory_space<vmem>>, vector<16xf32>,
      %mul3A_2316 = arith.mulf %get3A_2311, %get3A_2315 : vector<16xf32>
      %add3A_2317 = arith.addf %add3A_2307, %mul3A_2316 : vector<16xf32>
      %reduce_sum3A_2318 = arith.constant true
      %reduce_sum3A_2319 = vector.broadcast %reduce_sum3A_2318 : i1 to vector<16xi1>
      %reduce_sum3A_2320 = tpu.scan <sum>, %add3A_2317 masked %reduce_sum3A_2319 : vector<16xf32>, vector<16xi1> -> vector<16xf32>
      %reduce_sum3A_2321 = vector.extract %reduce_sum3A_2320[15] : f32 from vector<16xf32>
      %broadcast_in_dim3A_2322 = vector.broadcast %reduce_sum3A_2321 : f32 to vector<16xf32>
      %eq3A_2323 = arith.constant 11 : i32
      %eq3A_2324 = vector.broadcast %eq3A_2323 : i32 to vector<16xi32>
      %eq3A_2325 = arith.cmpi eq, %iota3A, %eq3A_2324 : vector<16xi32>
      %select_n3A_2326 = arith.select %eq3A_2325, %broadcast_in_dim3A_2322, %select_n3A_2278 : vector<16xi1>, vector<16xf32>
      %get3A_2327 = arith.constant 28 : i32
      %get3A_2328 = arith.index_cast %get3A_2327 : i32 to index
      %get3A_2329 = arith.constant 0 : index
      %get3A_2330 = tpu.vector_load %arg11[%get3A_2328, %get3A_2329] {strides = array<i32>} : memref<32x64xf32, #tpu.memory_space<vmem>>, vector<16xf32>,
      %get3A_2331 = arith.constant 28 : i32
      %get3A_2332 = arith.index_cast %get3A_2331 : i32 to index
      %get3A_2333 = arith.constant 0 : index
      %get3A_2334 = tpu.vector_load %arg12[%get3A_2332, %get3A_2333] {strides = array<i32>} : memref<32x64xf32, #tpu.memory_space<vmem>>, vector<16xf32>,
      %mul3A_2335 = arith.mulf %get3A_2330, %get3A_2334 : vector<16xf32>
      %get3A_2336 = arith.constant 28 : i32
      %get3A_2337 = arith.index_cast %get3A_2336 : i32 to index
      %get3A_2338 = arith.constant 16 : index
      %get3A_2339 = tpu.vector_load %arg11[%get3A_2337, %get3A_2338] {strides = array<i32>} : memref<32x64xf32, #tpu.memory_space<vmem>>, vector<16xf32>,
      %get3A_2340 = arith.constant 28 : i32
      %get3A_2341 = arith.index_cast %get3A_2340 : i32 to index
      %get3A_2342 = arith.constant 16 : index
      %get3A_2343 = tpu.vector_load %arg12[%get3A_2341, %get3A_2342] {strides = array<i32>} : memref<32x64xf32, #tpu.memory_space<vmem>>, vector<16xf32>,
      %mul3A_2344 = arith.mulf %get3A_2339, %get3A_2343 : vector<16xf32>
      %add3A_2345 = arith.addf %mul3A_2335, %mul3A_2344 : vector<16xf32>
      %get3A_2346 = arith.constant 28 : i32
      %get3A_2347 = arith.index_cast %get3A_2346 : i32 to index
      %get3A_2348 = arith.constant 32 : index
      %get3A_2349 = tpu.vector_load %arg11[%get3A_2347, %get3A_2348] {strides = array<i32>} : memref<32x64xf32, #tpu.memory_space<vmem>>, vector<16xf32>,
      %get3A_2350 = arith.constant 28 : i32
      %get3A_2351 = arith.index_cast %get3A_2350 : i32 to index
      %get3A_2352 = arith.constant 32 : index
      %get3A_2353 = tpu.vector_load %arg12[%get3A_2351, %get3A_2352] {strides = array<i32>} : memref<32x64xf32, #tpu.memory_space<vmem>>, vector<16xf32>,
      %mul3A_2354 = arith.mulf %get3A_2349, %get3A_2353 : vector<16xf32>
      %add3A_2355 = arith.addf %add3A_2345, %mul3A_2354 : vector<16xf32>
      %get3A_2356 = arith.constant 28 : i32
      %get3A_2357 = arith.index_cast %get3A_2356 : i32 to index
      %get3A_2358 = arith.constant 48 : index
      %get3A_2359 = tpu.vector_load %arg11[%get3A_2357, %get3A_2358] {strides = array<i32>} : memref<32x64xf32, #tpu.memory_space<vmem>>, vector<16xf32>,
      %get3A_2360 = arith.constant 28 : i32
      %get3A_2361 = arith.index_cast %get3A_2360 : i32 to index
      %get3A_2362 = arith.constant 48 : index
      %get3A_2363 = tpu.vector_load %arg12[%get3A_2361, %get3A_2362] {strides = array<i32>} : memref<32x64xf32, #tpu.memory_space<vmem>>, vector<16xf32>,
      %mul3A_2364 = arith.mulf %get3A_2359, %get3A_2363 : vector<16xf32>
      %add3A_2365 = arith.addf %add3A_2355, %mul3A_2364 : vector<16xf32>
      %reduce_sum3A_2366 = arith.constant true
      %reduce_sum3A_2367 = vector.broadcast %reduce_sum3A_2366 : i1 to vector<16xi1>
      %reduce_sum3A_2368 = tpu.scan <sum>, %add3A_2365 masked %reduce_sum3A_2367 : vector<16xf32>, vector<16xi1> -> vector<16xf32>
      %reduce_sum3A_2369 = vector.extract %reduce_sum3A_2368[15] : f32 from vector<16xf32>
      %broadcast_in_dim3A_2370 = vector.broadcast %reduce_sum3A_2369 : f32 to vector<16xf32>
      %eq3A_2371 = arith.constant 12 : i32
      %eq3A_2372 = vector.broadcast %eq3A_2371 : i32 to vector<16xi32>
      %eq3A_2373 = arith.cmpi eq, %iota3A, %eq3A_2372 : vector<16xi32>
      %select_n3A_2374 = arith.select %eq3A_2373, %broadcast_in_dim3A_2370, %select_n3A_2326 : vector<16xi1>, vector<16xf32>
      %get3A_2375 = arith.constant 29 : i32
      %get3A_2376 = arith.index_cast %get3A_2375 : i32 to index
      %get3A_2377 = arith.constant 0 : index
      %get3A_2378 = tpu.vector_load %arg11[%get3A_2376, %get3A_2377] {strides = array<i32>} : memref<32x64xf32, #tpu.memory_space<vmem>>, vector<16xf32>,
      %get3A_2379 = arith.constant 29 : i32
      %get3A_2380 = arith.index_cast %get3A_2379 : i32 to index
      %get3A_2381 = arith.constant 0 : index
      %get3A_2382 = tpu.vector_load %arg12[%get3A_2380, %get3A_2381] {strides = array<i32>} : memref<32x64xf32, #tpu.memory_space<vmem>>, vector<16xf32>,
      %mul3A_2383 = arith.mulf %get3A_2378, %get3A_2382 : vector<16xf32>
      %get3A_2384 = arith.constant 29 : i32
      %get3A_2385 = arith.index_cast %get3A_2384 : i32 to index
      %get3A_2386 = arith.constant 16 : index
      %get3A_2387 = tpu.vector_load %arg11[%get3A_2385, %get3A_2386] {strides = array<i32>} : memref<32x64xf32, #tpu.memory_space<vmem>>, vector<16xf32>,
      %get3A_2388 = arith.constant 29 : i32
      %get3A_2389 = arith.index_cast %get3A_2388 : i32 to index
      %get3A_2390 = arith.constant 16 : index
      %get3A_2391 = tpu.vector_load %arg12[%get3A_2389, %get3A_2390] {strides = array<i32>} : memref<32x64xf32, #tpu.memory_space<vmem>>, vector<16xf32>,
      %mul3A_2392 = arith.mulf %get3A_2387, %get3A_2391 : vector<16xf32>
      %add3A_2393 = arith.addf %mul3A_2383, %mul3A_2392 : vector<16xf32>
      %get3A_2394 = arith.constant 29 : i32
      %get3A_2395 = arith.index_cast %get3A_2394 : i32 to index
      %get3A_2396 = arith.constant 32 : index
      %get3A_2397 = tpu.vector_load %arg11[%get3A_2395, %get3A_2396] {strides = array<i32>} : memref<32x64xf32, #tpu.memory_space<vmem>>, vector<16xf32>,
      %get3A_2398 = arith.constant 29 : i32
      %get3A_2399 = arith.index_cast %get3A_2398 : i32 to index
      %get3A_2400 = arith.constant 32 : index
      %get3A_2401 = tpu.vector_load %arg12[%get3A_2399, %get3A_2400] {strides = array<i32>} : memref<32x64xf32, #tpu.memory_space<vmem>>, vector<16xf32>,
      %mul3A_2402 = arith.mulf %get3A_2397, %get3A_2401 : vector<16xf32>
      %add3A_2403 = arith.addf %add3A_2393, %mul3A_2402 : vector<16xf32>
      %get3A_2404 = arith.constant 29 : i32
      %get3A_2405 = arith.index_cast %get3A_2404 : i32 to index
      %get3A_2406 = arith.constant 48 : index
      %get3A_2407 = tpu.vector_load %arg11[%get3A_2405, %get3A_2406] {strides = array<i32>} : memref<32x64xf32, #tpu.memory_space<vmem>>, vector<16xf32>,
      %get3A_2408 = arith.constant 29 : i32
      %get3A_2409 = arith.index_cast %get3A_2408 : i32 to index
      %get3A_2410 = arith.constant 48 : index
      %get3A_2411 = tpu.vector_load %arg12[%get3A_2409, %get3A_2410] {strides = array<i32>} : memref<32x64xf32, #tpu.memory_space<vmem>>, vector<16xf32>,
      %mul3A_2412 = arith.mulf %get3A_2407, %get3A_2411 : vector<16xf32>
      %add3A_2413 = arith.addf %add3A_2403, %mul3A_2412 : vector<16xf32>
      %reduce_sum3A_2414 = arith.constant true
      %reduce_sum3A_2415 = vector.broadcast %reduce_sum3A_2414 : i1 to vector<16xi1>
      %reduce_sum3A_2416 = tpu.scan <sum>, %add3A_2413 masked %reduce_sum3A_2415 : vector<16xf32>, vector<16xi1> -> vector<16xf32>
      %reduce_sum3A_2417 = vector.extract %reduce_sum3A_2416[15] : f32 from vector<16xf32>
      %broadcast_in_dim3A_2418 = vector.broadcast %reduce_sum3A_2417 : f32 to vector<16xf32>
      %eq3A_2419 = arith.constant 13 : i32
      %eq3A_2420 = vector.broadcast %eq3A_2419 : i32 to vector<16xi32>
      %eq3A_2421 = arith.cmpi eq, %iota3A, %eq3A_2420 : vector<16xi32>
      %select_n3A_2422 = arith.select %eq3A_2421, %broadcast_in_dim3A_2418, %select_n3A_2374 : vector<16xi1>, vector<16xf32>
      %get3A_2423 = arith.constant 30 : i32
      %get3A_2424 = arith.index_cast %get3A_2423 : i32 to index
      %get3A_2425 = arith.constant 0 : index
      %get3A_2426 = tpu.vector_load %arg11[%get3A_2424, %get3A_2425] {strides = array<i32>} : memref<32x64xf32, #tpu.memory_space<vmem>>, vector<16xf32>,
      %get3A_2427 = arith.constant 30 : i32
      %get3A_2428 = arith.index_cast %get3A_2427 : i32 to index
      %get3A_2429 = arith.constant 0 : index
      %get3A_2430 = tpu.vector_load %arg12[%get3A_2428, %get3A_2429] {strides = array<i32>} : memref<32x64xf32, #tpu.memory_space<vmem>>, vector<16xf32>,
      %mul3A_2431 = arith.mulf %get3A_2426, %get3A_2430 : vector<16xf32>
      %get3A_2432 = arith.constant 30 : i32
      %get3A_2433 = arith.index_cast %get3A_2432 : i32 to index
      %get3A_2434 = arith.constant 16 : index
      %get3A_2435 = tpu.vector_load %arg11[%get3A_2433, %get3A_2434] {strides = array<i32>} : memref<32x64xf32, #tpu.memory_space<vmem>>, vector<16xf32>,
      %get3A_2436 = arith.constant 30 : i32
      %get3A_2437 = arith.index_cast %get3A_2436 : i32 to index
      %get3A_2438 = arith.constant 16 : index
      %get3A_2439 = tpu.vector_load %arg12[%get3A_2437, %get3A_2438] {strides = array<i32>} : memref<32x64xf32, #tpu.memory_space<vmem>>, vector<16xf32>,
      %mul3A_2440 = arith.mulf %get3A_2435, %get3A_2439 : vector<16xf32>
      %add3A_2441 = arith.addf %mul3A_2431, %mul3A_2440 : vector<16xf32>
      %get3A_2442 = arith.constant 30 : i32
      %get3A_2443 = arith.index_cast %get3A_2442 : i32 to index
      %get3A_2444 = arith.constant 32 : index
      %get3A_2445 = tpu.vector_load %arg11[%get3A_2443, %get3A_2444] {strides = array<i32>} : memref<32x64xf32, #tpu.memory_space<vmem>>, vector<16xf32>,
      %get3A_2446 = arith.constant 30 : i32
      %get3A_2447 = arith.index_cast %get3A_2446 : i32 to index
      %get3A_2448 = arith.constant 32 : index
      %get3A_2449 = tpu.vector_load %arg12[%get3A_2447, %get3A_2448] {strides = array<i32>} : memref<32x64xf32, #tpu.memory_space<vmem>>, vector<16xf32>,
      %mul3A_2450 = arith.mulf %get3A_2445, %get3A_2449 : vector<16xf32>
      %add3A_2451 = arith.addf %add3A_2441, %mul3A_2450 : vector<16xf32>
      %get3A_2452 = arith.constant 30 : i32
      %get3A_2453 = arith.index_cast %get3A_2452 : i32 to index
      %get3A_2454 = arith.constant 48 : index
      %get3A_2455 = tpu.vector_load %arg11[%get3A_2453, %get3A_2454] {strides = array<i32>} : memref<32x64xf32, #tpu.memory_space<vmem>>, vector<16xf32>,
      %get3A_2456 = arith.constant 30 : i32
      %get3A_2457 = arith.index_cast %get3A_2456 : i32 to index
      %get3A_2458 = arith.constant 48 : index
      %get3A_2459 = tpu.vector_load %arg12[%get3A_2457, %get3A_2458] {strides = array<i32>} : memref<32x64xf32, #tpu.memory_space<vmem>>, vector<16xf32>,
      %mul3A_2460 = arith.mulf %get3A_2455, %get3A_2459 : vector<16xf32>
      %add3A_2461 = arith.addf %add3A_2451, %mul3A_2460 : vector<16xf32>
      %reduce_sum3A_2462 = arith.constant true
      %reduce_sum3A_2463 = vector.broadcast %reduce_sum3A_2462 : i1 to vector<16xi1>
      %reduce_sum3A_2464 = tpu.scan <sum>, %add3A_2461 masked %reduce_sum3A_2463 : vector<16xf32>, vector<16xi1> -> vector<16xf32>
      %reduce_sum3A_2465 = vector.extract %reduce_sum3A_2464[15] : f32 from vector<16xf32>
      %broadcast_in_dim3A_2466 = vector.broadcast %reduce_sum3A_2465 : f32 to vector<16xf32>
      %eq3A_2467 = arith.constant 14 : i32
      %eq3A_2468 = vector.broadcast %eq3A_2467 : i32 to vector<16xi32>
      %eq3A_2469 = arith.cmpi eq, %iota3A, %eq3A_2468 : vector<16xi32>
      %select_n3A_2470 = arith.select %eq3A_2469, %broadcast_in_dim3A_2466, %select_n3A_2422 : vector<16xi1>, vector<16xf32>
      %get3A_2471 = arith.constant 31 : i32
      %get3A_2472 = arith.index_cast %get3A_2471 : i32 to index
      %get3A_2473 = arith.constant 0 : index
      %get3A_2474 = tpu.vector_load %arg11[%get3A_2472, %get3A_2473] {strides = array<i32>} : memref<32x64xf32, #tpu.memory_space<vmem>>, vector<16xf32>,
      %get3A_2475 = arith.constant 31 : i32
      %get3A_2476 = arith.index_cast %get3A_2475 : i32 to index
      %get3A_2477 = arith.constant 0 : index
      %get3A_2478 = tpu.vector_load %arg12[%get3A_2476, %get3A_2477] {strides = array<i32>} : memref<32x64xf32, #tpu.memory_space<vmem>>, vector<16xf32>,
      %mul3A_2479 = arith.mulf %get3A_2474, %get3A_2478 : vector<16xf32>
      %get3A_2480 = arith.constant 31 : i32
      %get3A_2481 = arith.index_cast %get3A_2480 : i32 to index
      %get3A_2482 = arith.constant 16 : index
      %get3A_2483 = tpu.vector_load %arg11[%get3A_2481, %get3A_2482] {strides = array<i32>} : memref<32x64xf32, #tpu.memory_space<vmem>>, vector<16xf32>,
      %get3A_2484 = arith.constant 31 : i32
      %get3A_2485 = arith.index_cast %get3A_2484 : i32 to index
      %get3A_2486 = arith.constant 16 : index
      %get3A_2487 = tpu.vector_load %arg12[%get3A_2485, %get3A_2486] {strides = array<i32>} : memref<32x64xf32, #tpu.memory_space<vmem>>, vector<16xf32>,
      %mul3A_2488 = arith.mulf %get3A_2483, %get3A_2487 : vector<16xf32>
      %add3A_2489 = arith.addf %mul3A_2479, %mul3A_2488 : vector<16xf32>
      %get3A_2490 = arith.constant 31 : i32
      %get3A_2491 = arith.index_cast %get3A_2490 : i32 to index
      %get3A_2492 = arith.constant 32 : index
      %get3A_2493 = tpu.vector_load %arg11[%get3A_2491, %get3A_2492] {strides = array<i32>} : memref<32x64xf32, #tpu.memory_space<vmem>>, vector<16xf32>,
      %get3A_2494 = arith.constant 31 : i32
      %get3A_2495 = arith.index_cast %get3A_2494 : i32 to index
      %get3A_2496 = arith.constant 32 : index
      %get3A_2497 = tpu.vector_load %arg12[%get3A_2495, %get3A_2496] {strides = array<i32>} : memref<32x64xf32, #tpu.memory_space<vmem>>, vector<16xf32>,
      %mul3A_2498 = arith.mulf %get3A_2493, %get3A_2497 : vector<16xf32>
      %add3A_2499 = arith.addf %add3A_2489, %mul3A_2498 : vector<16xf32>
      %get3A_2500 = arith.constant 31 : i32
      %get3A_2501 = arith.index_cast %get3A_2500 : i32 to index
      %get3A_2502 = arith.constant 48 : index
      %get3A_2503 = tpu.vector_load %arg11[%get3A_2501, %get3A_2502] {strides = array<i32>} : memref<32x64xf32, #tpu.memory_space<vmem>>, vector<16xf32>,
      %get3A_2504 = arith.constant 31 : i32
      %get3A_2505 = arith.index_cast %get3A_2504 : i32 to index
      %get3A_2506 = arith.constant 48 : index
      %get3A_2507 = tpu.vector_load %arg12[%get3A_2505, %get3A_2506] {strides = array<i32>} : memref<32x64xf32, #tpu.memory_space<vmem>>, vector<16xf32>,
      %mul3A_2508 = arith.mulf %get3A_2503, %get3A_2507 : vector<16xf32>
      %add3A_2509 = arith.addf %add3A_2499, %mul3A_2508 : vector<16xf32>
      %reduce_sum3A_2510 = arith.constant true
      %reduce_sum3A_2511 = vector.broadcast %reduce_sum3A_2510 : i1 to vector<16xi1>
      %reduce_sum3A_2512 = tpu.scan <sum>, %add3A_2509 masked %reduce_sum3A_2511 : vector<16xf32>, vector<16xi1> -> vector<16xf32>
      %reduce_sum3A_2513 = vector.extract %reduce_sum3A_2512[15] : f32 from vector<16xf32>
      %broadcast_in_dim3A_2514 = vector.broadcast %reduce_sum3A_2513 : f32 to vector<16xf32>
      %eq3A_2515 = arith.constant 15 : i32
      %eq3A_2516 = vector.broadcast %eq3A_2515 : i32 to vector<16xi32>
      %eq3A_2517 = arith.cmpi eq, %iota3A, %eq3A_2516 : vector<16xi32>
      %select_n3A_2518 = arith.select %eq3A_2517, %broadcast_in_dim3A_2514, %select_n3A_2470 : vector<16xi1>, vector<16xf32>
      %mul3A_2519 = arith.constant 16 : i32
      %mul3A_2520 = arith.muli %add3A_1748, %mul3A_2519 : i32
      %get3A_2521 = arith.index_cast %mul3A_2520 : i32 to index
      %get3A_2522 = tpu.vector_load %arg13[%get3A_2521] {strides = array<i32>} : memref<512xf32, #tpu.memory_space<vmem>>, vector<16xf32>,
      %add3A_2523 = arith.addf %select_n3A_2518, %get3A_2522 : vector<16xf32>
      %get3A_2524 = arith.index_cast %mul3A_2520 : i32 to index
      %get3A_2525 = tpu.vector_load %arg14[%get3A_2524] {strides = array<i32>} : memref<512xf32, #tpu.memory_space<vmem>>, vector<16xf32>,
      %add3A_2526 = arith.addf %add3A_2523, %get3A_2525 : vector<16xf32>
      %swap3A_2527 = arith.index_cast %mul3A_2520 : i32 to index
      %swap3A_2528 = tpu.vector_load %arg15[%swap3A_2527] {strides = array<i32>} : memref<512xf32, #tpu.memory_space<vmem>>, vector<16xf32>,
      tpu.vector_store %arg15[%swap3A_2527], %add3A_2526 {strides = array<i32>} : memref<512xf32, #tpu.memory_space<vmem>>, vector<16xf32>,
      %lt3A_2529 = arith.constant 15 : i32
      %lt3A_2530 = arith.cmpi slt, %scan3A_919, %lt3A_2529 : i32
      %convert_element_type3A_2531 = arith.extui %lt3A_2530 : i1 to i32
      %cond3A_2532 = arith.constant 0 : i32
      %cond3A_2533 = arith.cmpi ne, %convert_element_type3A_2531, %cond3A_2532 : i32
      scf.if %cond3A_2533 {
        %add3A_2534 = arith.constant 3 : i32
        %add3A_2535 = arith.addi %mul3A_921, %add3A_2534 : i32
        %jit3A = arith.constant 8 : i32
        %div3A = arith.divsi %add3A_2535, %jit3A : i32
        %sign3A = arith.constant 0 : i32
        %sign3A_2536 = arith.cmpi sgt, %add3A_2535, %sign3A : i32
        %sign3A_2537 = arith.extui %sign3A_2536 : i1 to i32
        %sign3A_2538 = arith.constant 0 : i32
        %sign3A_2539 = arith.cmpi slt, %add3A_2535, %sign3A_2538 : i32
        %sign3A_2540 = arith.extui %sign3A_2539 : i1 to i32
        %sign3A_2541 = arith.subi %sign3A_2537, %sign3A_2540 : i32
        %sign3A_2542 = arith.constant 0 : i32
        %sign3A_2543 = arith.cmpi sgt, %jit3A, %sign3A_2542 : i32
        %sign3A_2544 = arith.extui %sign3A_2543 : i1 to i32
        %sign3A_2545 = arith.constant 0 : i32
        %sign3A_2546 = arith.cmpi slt, %jit3A, %sign3A_2545 : i32
        %sign3A_2547 = arith.extui %sign3A_2546 : i1 to i32
        %sign3A_2548 = arith.subi %sign3A_2544, %sign3A_2547 : i32
        %ne3A = arith.cmpi ne, %sign3A_2541, %sign3A_2548 : i32
        %rem3A = arith.remsi %add3A_2535, %jit3A : i32
        %ne3A_2549 = arith.constant 0 : i32
        %ne3A_2550 = arith.cmpi ne, %rem3A, %ne3A_2549 : i32
        %and3A = arith.andi %ne3A, %ne3A_2550 : i1
        %sub3A = arith.constant 1 : i32
        %sub3A_2551 = arith.subi %div3A, %sub3A : i32
        %select_n3A_2552 = arith.select %and3A, %sub3A_2551, %div3A : i32
        %jit3A_2553 = arith.constant 8 : i32
        %eq3A_2554 = arith.constant 0 : i32
        %eq3A_2555 = arith.cmpi eq, %jit3A_2553, %eq3A_2554 : i32
        %jit3A_2556 = arith.constant 1 : i32
        %select_n3A_2557 = arith.select %eq3A_2555, %jit3A_2556, %jit3A_2553 : i32
        %rem3A_2558 = arith.remsi %add3A_2535, %select_n3A_2557 : i32
        %ne3A_2559 = arith.constant 0 : i32
        %ne3A_2560 = arith.cmpi ne, %rem3A_2558, %ne3A_2559 : i32
        %lt3A_2561 = arith.constant 0 : i32
        %lt3A_2562 = arith.cmpi slt, %rem3A_2558, %lt3A_2561 : i32
        %lt3A_2563 = arith.constant 0 : i32
        %lt3A_2564 = arith.cmpi slt, %select_n3A_2557, %lt3A_2563 : i32
        %ne3A_2565 = arith.xori %lt3A_2562, %lt3A_2564 : i1
        %and3A_2566 = arith.andi %ne3A_2565, %ne3A_2560 : i1
        %add3A_2567 = arith.addi %rem3A_2558, %select_n3A_2557 : i32
        %select_n3A_2568 = arith.select %and3A_2566, %add3A_2567, %rem3A_2558 : i32
        %mul3A_2569 = arith.constant 16 : i32
        %mul3A_2570 = arith.muli %select_n3A_2568, %mul3A_2569 : i32
        %get3A_2571 = arith.index_cast %select_n3A_2552 : i32 to index
        %get3A_2572 = arith.index_cast %mul3A_2570 : i32 to index
        %get3A_2573 = tpu.vector_load %arg9[%get3A_2571, %get3A_2572] {strides = array<i32>} : memref<4x128xi32, #tpu.memory_space<vmem>>, vector<16xi32>,
        %jit3A_2574 = arith.constant 8 : i32
        %div3A_2575 = arith.divsi %add3A_2535, %jit3A_2574 : i32
        %sign3A_2576 = arith.constant 0 : i32
        %sign3A_2577 = arith.cmpi sgt, %add3A_2535, %sign3A_2576 : i32
        %sign3A_2578 = arith.extui %sign3A_2577 : i1 to i32
        %sign3A_2579 = arith.constant 0 : i32
        %sign3A_2580 = arith.cmpi slt, %add3A_2535, %sign3A_2579 : i32
        %sign3A_2581 = arith.extui %sign3A_2580 : i1 to i32
        %sign3A_2582 = arith.subi %sign3A_2578, %sign3A_2581 : i32
        %sign3A_2583 = arith.constant 0 : i32
        %sign3A_2584 = arith.cmpi sgt, %jit3A_2574, %sign3A_2583 : i32
        %sign3A_2585 = arith.extui %sign3A_2584 : i1 to i32
        %sign3A_2586 = arith.constant 0 : i32
        %sign3A_2587 = arith.cmpi slt, %jit3A_2574, %sign3A_2586 : i32
        %sign3A_2588 = arith.extui %sign3A_2587 : i1 to i32
        %sign3A_2589 = arith.subi %sign3A_2585, %sign3A_2588 : i32
        %ne3A_2590 = arith.cmpi ne, %sign3A_2582, %sign3A_2589 : i32
        %rem3A_2591 = arith.remsi %add3A_2535, %jit3A_2574 : i32
        %ne3A_2592 = arith.constant 0 : i32
        %ne3A_2593 = arith.cmpi ne, %rem3A_2591, %ne3A_2592 : i32
        %and3A_2594 = arith.andi %ne3A_2590, %ne3A_2593 : i1
        %sub3A_2595 = arith.constant 1 : i32
        %sub3A_2596 = arith.subi %div3A_2575, %sub3A_2595 : i32
        %select_n3A_2597 = arith.select %and3A_2594, %sub3A_2596, %div3A_2575 : i32
        %jit3A_2598 = arith.constant 8 : i32
        %eq3A_2599 = arith.constant 0 : i32
        %eq3A_2600 = arith.cmpi eq, %jit3A_2598, %eq3A_2599 : i32
        %jit3A_2601 = arith.constant 1 : i32
        %select_n3A_2602 = arith.select %eq3A_2600, %jit3A_2601, %jit3A_2598 : i32
        %rem3A_2603 = arith.remsi %add3A_2535, %select_n3A_2602 : i32
        %ne3A_2604 = arith.constant 0 : i32
        %ne3A_2605 = arith.cmpi ne, %rem3A_2603, %ne3A_2604 : i32
        %lt3A_2606 = arith.constant 0 : i32
        %lt3A_2607 = arith.cmpi slt, %rem3A_2603, %lt3A_2606 : i32
        %lt3A_2608 = arith.constant 0 : i32
        %lt3A_2609 = arith.cmpi slt, %select_n3A_2602, %lt3A_2608 : i32
        %ne3A_2610 = arith.xori %lt3A_2607, %lt3A_2609 : i1
        %and3A_2611 = arith.andi %ne3A_2610, %ne3A_2605 : i1
        %add3A_2612 = arith.addi %rem3A_2603, %select_n3A_2602 : i32
        %select_n3A_2613 = arith.select %and3A_2611, %add3A_2612, %rem3A_2603 : i32
        %mul3A_2614 = arith.constant 16 : i32
        %mul3A_2615 = arith.muli %select_n3A_2613, %mul3A_2614 : i32
        %get3A_2616 = arith.index_cast %select_n3A_2597 : i32 to index
        %get3A_2617 = arith.index_cast %mul3A_2615 : i32 to index
        %get3A_2618 = tpu.vector_load %arg10[%get3A_2616, %get3A_2617] {strides = array<i32>} : memref<4x128xi32, #tpu.memory_space<vmem>>, vector<16xi32>,
        %slice3A_2619 = vector.extract_strided_slice %get3A_2573 {offsets = [0], sizes = [1], strides = [1]} : vector<16xi32> to vector<1xi32>
        %squeeze3A_2620 = vector.extract %slice3A_2619[0] : i32 from vector<1xi32>
        %dma_start3A_2621 = arith.constant 16 : i32
        %dma_start3A_2622 = arith.constant 0 : i32
        %dma_start3A_2623 = tpu.memref_slice %arg11[%dma_start3A_2621, %dma_start3A_2622] : memref<32x64xf32, #tpu.memory_space<vmem>> -> memref<1x64xf32, #tpu.memory_space<vmem>>
        %dma_start3A_2624 = arith.constant 0 : i32
        %dma_start3A_2625 = tpu.memref_slice %arg4[%squeeze3A_2620, %dma_start3A_2624] : memref<1000000x64xf32, #tpu.memory_space<hbm>> -> memref<1x64xf32, #tpu.memory_space<hbm>>
        %dma_start3A_2626 = arith.constant 16 : i32
        %dma_start3A_2627 = arith.constant 0 : i32
        %dma_start3A_2628 = tpu.memref_slice %arg11[%dma_start3A_2626, %dma_start3A_2627] : memref<32x64xf32, #tpu.memory_space<vmem>> -> memref<1x64xf32, #tpu.memory_space<vmem>>
        %dma_start3A_2629 = arith.constant 0 : i32
        %dma_start3A_2630 = tpu.memref_slice %arg4[%squeeze3A_2620, %dma_start3A_2629] : memref<1000000x64xf32, #tpu.memory_space<hbm>> -> memref<1x64xf32, #tpu.memory_space<hbm>>
        tpu.enqueue_dma source(%dma_start3A_2630 : memref<1x64xf32, #tpu.memory_space<hbm>>) target(%dma_start3A_2628 : memref<1x64xf32, #tpu.memory_space<vmem>>) target_semaphore(%arg17 : memref<!tpu.dma_semaphore, #tpu.memory_space<semaphore_mem>>)
        %slice3A_2631 = vector.extract_strided_slice %get3A_2618 {offsets = [0], sizes = [1], strides = [1]} : vector<16xi32> to vector<1xi32>
        %squeeze3A_2632 = vector.extract %slice3A_2631[0] : i32 from vector<1xi32>
        %dma_start3A_2633 = arith.constant 16 : i32
        %dma_start3A_2634 = arith.constant 0 : i32
        %dma_start3A_2635 = tpu.memref_slice %arg12[%dma_start3A_2633, %dma_start3A_2634] : memref<32x64xf32, #tpu.memory_space<vmem>> -> memref<1x64xf32, #tpu.memory_space<vmem>>
        %dma_start3A_2636 = arith.constant 0 : i32
        %dma_start3A_2637 = tpu.memref_slice %arg5[%squeeze3A_2632, %dma_start3A_2636] : memref<1000000x64xf32, #tpu.memory_space<hbm>> -> memref<1x64xf32, #tpu.memory_space<hbm>>
        %dma_start3A_2638 = arith.constant 16 : i32
        %dma_start3A_2639 = arith.constant 0 : i32
        %dma_start3A_2640 = tpu.memref_slice %arg12[%dma_start3A_2638, %dma_start3A_2639] : memref<32x64xf32, #tpu.memory_space<vmem>> -> memref<1x64xf32, #tpu.memory_space<vmem>>
        %dma_start3A_2641 = arith.constant 0 : i32
        %dma_start3A_2642 = tpu.memref_slice %arg5[%squeeze3A_2632, %dma_start3A_2641] : memref<1000000x64xf32, #tpu.memory_space<hbm>> -> memref<1x64xf32, #tpu.memory_space<hbm>>
        tpu.enqueue_dma source(%dma_start3A_2642 : memref<1x64xf32, #tpu.memory_space<hbm>>) target(%dma_start3A_2640 : memref<1x64xf32, #tpu.memory_space<vmem>>) target_semaphore(%arg17 : memref<!tpu.dma_semaphore, #tpu.memory_space<semaphore_mem>>)
        %slice3A_2643 = vector.extract_strided_slice %get3A_2573 {offsets = [1], sizes = [1], strides = [1]} : vector<16xi32> to vector<1xi32>
        %squeeze3A_2644 = vector.extract %slice3A_2643[0] : i32 from vector<1xi32>
        %dma_start3A_2645 = arith.constant 17 : i32
        %dma_start3A_2646 = arith.constant 0 : i32
        %dma_start3A_2647 = tpu.memref_slice %arg11[%dma_start3A_2645, %dma_start3A_2646] : memref<32x64xf32, #tpu.memory_space<vmem>> -> memref<1x64xf32, #tpu.memory_space<vmem>>
        %dma_start3A_2648 = arith.constant 0 : i32
        %dma_start3A_2649 = tpu.memref_slice %arg4[%squeeze3A_2644, %dma_start3A_2648] : memref<1000000x64xf32, #tpu.memory_space<hbm>> -> memref<1x64xf32, #tpu.memory_space<hbm>>
        %dma_start3A_2650 = arith.constant 17 : i32
        %dma_start3A_2651 = arith.constant 0 : i32
        %dma_start3A_2652 = tpu.memref_slice %arg11[%dma_start3A_2650, %dma_start3A_2651] : memref<32x64xf32, #tpu.memory_space<vmem>> -> memref<1x64xf32, #tpu.memory_space<vmem>>
        %dma_start3A_2653 = arith.constant 0 : i32
        %dma_start3A_2654 = tpu.memref_slice %arg4[%squeeze3A_2644, %dma_start3A_2653] : memref<1000000x64xf32, #tpu.memory_space<hbm>> -> memref<1x64xf32, #tpu.memory_space<hbm>>
        tpu.enqueue_dma source(%dma_start3A_2654 : memref<1x64xf32, #tpu.memory_space<hbm>>) target(%dma_start3A_2652 : memref<1x64xf32, #tpu.memory_space<vmem>>) target_semaphore(%arg17 : memref<!tpu.dma_semaphore, #tpu.memory_space<semaphore_mem>>)
        %slice3A_2655 = vector.extract_strided_slice %get3A_2618 {offsets = [1], sizes = [1], strides = [1]} : vector<16xi32> to vector<1xi32>
        %squeeze3A_2656 = vector.extract %slice3A_2655[0] : i32 from vector<1xi32>
        %dma_start3A_2657 = arith.constant 17 : i32
        %dma_start3A_2658 = arith.constant 0 : i32
        %dma_start3A_2659 = tpu.memref_slice %arg12[%dma_start3A_2657, %dma_start3A_2658] : memref<32x64xf32, #tpu.memory_space<vmem>> -> memref<1x64xf32, #tpu.memory_space<vmem>>
        %dma_start3A_2660 = arith.constant 0 : i32
        %dma_start3A_2661 = tpu.memref_slice %arg5[%squeeze3A_2656, %dma_start3A_2660] : memref<1000000x64xf32, #tpu.memory_space<hbm>> -> memref<1x64xf32, #tpu.memory_space<hbm>>
        %dma_start3A_2662 = arith.constant 17 : i32
        %dma_start3A_2663 = arith.constant 0 : i32
        %dma_start3A_2664 = tpu.memref_slice %arg12[%dma_start3A_2662, %dma_start3A_2663] : memref<32x64xf32, #tpu.memory_space<vmem>> -> memref<1x64xf32, #tpu.memory_space<vmem>>
        %dma_start3A_2665 = arith.constant 0 : i32
        %dma_start3A_2666 = tpu.memref_slice %arg5[%squeeze3A_2656, %dma_start3A_2665] : memref<1000000x64xf32, #tpu.memory_space<hbm>> -> memref<1x64xf32, #tpu.memory_space<hbm>>
        tpu.enqueue_dma source(%dma_start3A_2666 : memref<1x64xf32, #tpu.memory_space<hbm>>) target(%dma_start3A_2664 : memref<1x64xf32, #tpu.memory_space<vmem>>) target_semaphore(%arg17 : memref<!tpu.dma_semaphore, #tpu.memory_space<semaphore_mem>>)
        %slice3A_2667 = vector.extract_strided_slice %get3A_2573 {offsets = [2], sizes = [1], strides = [1]} : vector<16xi32> to vector<1xi32>
        %squeeze3A_2668 = vector.extract %slice3A_2667[0] : i32 from vector<1xi32>
        %dma_start3A_2669 = arith.constant 18 : i32
        %dma_start3A_2670 = arith.constant 0 : i32
        %dma_start3A_2671 = tpu.memref_slice %arg11[%dma_start3A_2669, %dma_start3A_2670] : memref<32x64xf32, #tpu.memory_space<vmem>> -> memref<1x64xf32, #tpu.memory_space<vmem>>
        %dma_start3A_2672 = arith.constant 0 : i32
        %dma_start3A_2673 = tpu.memref_slice %arg4[%squeeze3A_2668, %dma_start3A_2672] : memref<1000000x64xf32, #tpu.memory_space<hbm>> -> memref<1x64xf32, #tpu.memory_space<hbm>>
        %dma_start3A_2674 = arith.constant 18 : i32
        %dma_start3A_2675 = arith.constant 0 : i32
        %dma_start3A_2676 = tpu.memref_slice %arg11[%dma_start3A_2674, %dma_start3A_2675] : memref<32x64xf32, #tpu.memory_space<vmem>> -> memref<1x64xf32, #tpu.memory_space<vmem>>
        %dma_start3A_2677 = arith.constant 0 : i32
        %dma_start3A_2678 = tpu.memref_slice %arg4[%squeeze3A_2668, %dma_start3A_2677] : memref<1000000x64xf32, #tpu.memory_space<hbm>> -> memref<1x64xf32, #tpu.memory_space<hbm>>
        tpu.enqueue_dma source(%dma_start3A_2678 : memref<1x64xf32, #tpu.memory_space<hbm>>) target(%dma_start3A_2676 : memref<1x64xf32, #tpu.memory_space<vmem>>) target_semaphore(%arg17 : memref<!tpu.dma_semaphore, #tpu.memory_space<semaphore_mem>>)
        %slice3A_2679 = vector.extract_strided_slice %get3A_2618 {offsets = [2], sizes = [1], strides = [1]} : vector<16xi32> to vector<1xi32>
        %squeeze3A_2680 = vector.extract %slice3A_2679[0] : i32 from vector<1xi32>
        %dma_start3A_2681 = arith.constant 18 : i32
        %dma_start3A_2682 = arith.constant 0 : i32
        %dma_start3A_2683 = tpu.memref_slice %arg12[%dma_start3A_2681, %dma_start3A_2682] : memref<32x64xf32, #tpu.memory_space<vmem>> -> memref<1x64xf32, #tpu.memory_space<vmem>>
        %dma_start3A_2684 = arith.constant 0 : i32
        %dma_start3A_2685 = tpu.memref_slice %arg5[%squeeze3A_2680, %dma_start3A_2684] : memref<1000000x64xf32, #tpu.memory_space<hbm>> -> memref<1x64xf32, #tpu.memory_space<hbm>>
        %dma_start3A_2686 = arith.constant 18 : i32
        %dma_start3A_2687 = arith.constant 0 : i32
        %dma_start3A_2688 = tpu.memref_slice %arg12[%dma_start3A_2686, %dma_start3A_2687] : memref<32x64xf32, #tpu.memory_space<vmem>> -> memref<1x64xf32, #tpu.memory_space<vmem>>
        %dma_start3A_2689 = arith.constant 0 : i32
        %dma_start3A_2690 = tpu.memref_slice %arg5[%squeeze3A_2680, %dma_start3A_2689] : memref<1000000x64xf32, #tpu.memory_space<hbm>> -> memref<1x64xf32, #tpu.memory_space<hbm>>
        tpu.enqueue_dma source(%dma_start3A_2690 : memref<1x64xf32, #tpu.memory_space<hbm>>) target(%dma_start3A_2688 : memref<1x64xf32, #tpu.memory_space<vmem>>) target_semaphore(%arg17 : memref<!tpu.dma_semaphore, #tpu.memory_space<semaphore_mem>>)
        %slice3A_2691 = vector.extract_strided_slice %get3A_2573 {offsets = [3], sizes = [1], strides = [1]} : vector<16xi32> to vector<1xi32>
        %squeeze3A_2692 = vector.extract %slice3A_2691[0] : i32 from vector<1xi32>
        %dma_start3A_2693 = arith.constant 19 : i32
        %dma_start3A_2694 = arith.constant 0 : i32
        %dma_start3A_2695 = tpu.memref_slice %arg11[%dma_start3A_2693, %dma_start3A_2694] : memref<32x64xf32, #tpu.memory_space<vmem>> -> memref<1x64xf32, #tpu.memory_space<vmem>>
        %dma_start3A_2696 = arith.constant 0 : i32
        %dma_start3A_2697 = tpu.memref_slice %arg4[%squeeze3A_2692, %dma_start3A_2696] : memref<1000000x64xf32, #tpu.memory_space<hbm>> -> memref<1x64xf32, #tpu.memory_space<hbm>>
        %dma_start3A_2698 = arith.constant 19 : i32
        %dma_start3A_2699 = arith.constant 0 : i32
        %dma_start3A_2700 = tpu.memref_slice %arg11[%dma_start3A_2698, %dma_start3A_2699] : memref<32x64xf32, #tpu.memory_space<vmem>> -> memref<1x64xf32, #tpu.memory_space<vmem>>
        %dma_start3A_2701 = arith.constant 0 : i32
        %dma_start3A_2702 = tpu.memref_slice %arg4[%squeeze3A_2692, %dma_start3A_2701] : memref<1000000x64xf32, #tpu.memory_space<hbm>> -> memref<1x64xf32, #tpu.memory_space<hbm>>
        tpu.enqueue_dma source(%dma_start3A_2702 : memref<1x64xf32, #tpu.memory_space<hbm>>) target(%dma_start3A_2700 : memref<1x64xf32, #tpu.memory_space<vmem>>) target_semaphore(%arg17 : memref<!tpu.dma_semaphore, #tpu.memory_space<semaphore_mem>>)
        %slice3A_2703 = vector.extract_strided_slice %get3A_2618 {offsets = [3], sizes = [1], strides = [1]} : vector<16xi32> to vector<1xi32>
        %squeeze3A_2704 = vector.extract %slice3A_2703[0] : i32 from vector<1xi32>
        %dma_start3A_2705 = arith.constant 19 : i32
        %dma_start3A_2706 = arith.constant 0 : i32
        %dma_start3A_2707 = tpu.memref_slice %arg12[%dma_start3A_2705, %dma_start3A_2706] : memref<32x64xf32, #tpu.memory_space<vmem>> -> memref<1x64xf32, #tpu.memory_space<vmem>>
        %dma_start3A_2708 = arith.constant 0 : i32
        %dma_start3A_2709 = tpu.memref_slice %arg5[%squeeze3A_2704, %dma_start3A_2708] : memref<1000000x64xf32, #tpu.memory_space<hbm>> -> memref<1x64xf32, #tpu.memory_space<hbm>>
        %dma_start3A_2710 = arith.constant 19 : i32
        %dma_start3A_2711 = arith.constant 0 : i32
        %dma_start3A_2712 = tpu.memref_slice %arg12[%dma_start3A_2710, %dma_start3A_2711] : memref<32x64xf32, #tpu.memory_space<vmem>> -> memref<1x64xf32, #tpu.memory_space<vmem>>
        %dma_start3A_2713 = arith.constant 0 : i32
        %dma_start3A_2714 = tpu.memref_slice %arg5[%squeeze3A_2704, %dma_start3A_2713] : memref<1000000x64xf32, #tpu.memory_space<hbm>> -> memref<1x64xf32, #tpu.memory_space<hbm>>
        tpu.enqueue_dma source(%dma_start3A_2714 : memref<1x64xf32, #tpu.memory_space<hbm>>) target(%dma_start3A_2712 : memref<1x64xf32, #tpu.memory_space<vmem>>) target_semaphore(%arg17 : memref<!tpu.dma_semaphore, #tpu.memory_space<semaphore_mem>>)
        %slice3A_2715 = vector.extract_strided_slice %get3A_2573 {offsets = [4], sizes = [1], strides = [1]} : vector<16xi32> to vector<1xi32>
        %squeeze3A_2716 = vector.extract %slice3A_2715[0] : i32 from vector<1xi32>
        %dma_start3A_2717 = arith.constant 20 : i32
        %dma_start3A_2718 = arith.constant 0 : i32
        %dma_start3A_2719 = tpu.memref_slice %arg11[%dma_start3A_2717, %dma_start3A_2718] : memref<32x64xf32, #tpu.memory_space<vmem>> -> memref<1x64xf32, #tpu.memory_space<vmem>>
        %dma_start3A_2720 = arith.constant 0 : i32
        %dma_start3A_2721 = tpu.memref_slice %arg4[%squeeze3A_2716, %dma_start3A_2720] : memref<1000000x64xf32, #tpu.memory_space<hbm>> -> memref<1x64xf32, #tpu.memory_space<hbm>>
        %dma_start3A_2722 = arith.constant 20 : i32
        %dma_start3A_2723 = arith.constant 0 : i32
        %dma_start3A_2724 = tpu.memref_slice %arg11[%dma_start3A_2722, %dma_start3A_2723] : memref<32x64xf32, #tpu.memory_space<vmem>> -> memref<1x64xf32, #tpu.memory_space<vmem>>
        %dma_start3A_2725 = arith.constant 0 : i32
        %dma_start3A_2726 = tpu.memref_slice %arg4[%squeeze3A_2716, %dma_start3A_2725] : memref<1000000x64xf32, #tpu.memory_space<hbm>> -> memref<1x64xf32, #tpu.memory_space<hbm>>
        tpu.enqueue_dma source(%dma_start3A_2726 : memref<1x64xf32, #tpu.memory_space<hbm>>) target(%dma_start3A_2724 : memref<1x64xf32, #tpu.memory_space<vmem>>) target_semaphore(%arg17 : memref<!tpu.dma_semaphore, #tpu.memory_space<semaphore_mem>>)
        %slice3A_2727 = vector.extract_strided_slice %get3A_2618 {offsets = [4], sizes = [1], strides = [1]} : vector<16xi32> to vector<1xi32>
        %squeeze3A_2728 = vector.extract %slice3A_2727[0] : i32 from vector<1xi32>
        %dma_start3A_2729 = arith.constant 20 : i32
        %dma_start3A_2730 = arith.constant 0 : i32
        %dma_start3A_2731 = tpu.memref_slice %arg12[%dma_start3A_2729, %dma_start3A_2730] : memref<32x64xf32, #tpu.memory_space<vmem>> -> memref<1x64xf32, #tpu.memory_space<vmem>>
        %dma_start3A_2732 = arith.constant 0 : i32
        %dma_start3A_2733 = tpu.memref_slice %arg5[%squeeze3A_2728, %dma_start3A_2732] : memref<1000000x64xf32, #tpu.memory_space<hbm>> -> memref<1x64xf32, #tpu.memory_space<hbm>>
        %dma_start3A_2734 = arith.constant 20 : i32
        %dma_start3A_2735 = arith.constant 0 : i32
        %dma_start3A_2736 = tpu.memref_slice %arg12[%dma_start3A_2734, %dma_start3A_2735] : memref<32x64xf32, #tpu.memory_space<vmem>> -> memref<1x64xf32, #tpu.memory_space<vmem>>
        %dma_start3A_2737 = arith.constant 0 : i32
        %dma_start3A_2738 = tpu.memref_slice %arg5[%squeeze3A_2728, %dma_start3A_2737] : memref<1000000x64xf32, #tpu.memory_space<hbm>> -> memref<1x64xf32, #tpu.memory_space<hbm>>
        tpu.enqueue_dma source(%dma_start3A_2738 : memref<1x64xf32, #tpu.memory_space<hbm>>) target(%dma_start3A_2736 : memref<1x64xf32, #tpu.memory_space<vmem>>) target_semaphore(%arg17 : memref<!tpu.dma_semaphore, #tpu.memory_space<semaphore_mem>>)
        %slice3A_2739 = vector.extract_strided_slice %get3A_2573 {offsets = [5], sizes = [1], strides = [1]} : vector<16xi32> to vector<1xi32>
        %squeeze3A_2740 = vector.extract %slice3A_2739[0] : i32 from vector<1xi32>
        %dma_start3A_2741 = arith.constant 21 : i32
        %dma_start3A_2742 = arith.constant 0 : i32
        %dma_start3A_2743 = tpu.memref_slice %arg11[%dma_start3A_2741, %dma_start3A_2742] : memref<32x64xf32, #tpu.memory_space<vmem>> -> memref<1x64xf32, #tpu.memory_space<vmem>>
        %dma_start3A_2744 = arith.constant 0 : i32
        %dma_start3A_2745 = tpu.memref_slice %arg4[%squeeze3A_2740, %dma_start3A_2744] : memref<1000000x64xf32, #tpu.memory_space<hbm>> -> memref<1x64xf32, #tpu.memory_space<hbm>>
        %dma_start3A_2746 = arith.constant 21 : i32
        %dma_start3A_2747 = arith.constant 0 : i32
        %dma_start3A_2748 = tpu.memref_slice %arg11[%dma_start3A_2746, %dma_start3A_2747] : memref<32x64xf32, #tpu.memory_space<vmem>> -> memref<1x64xf32, #tpu.memory_space<vmem>>
        %dma_start3A_2749 = arith.constant 0 : i32
        %dma_start3A_2750 = tpu.memref_slice %arg4[%squeeze3A_2740, %dma_start3A_2749] : memref<1000000x64xf32, #tpu.memory_space<hbm>> -> memref<1x64xf32, #tpu.memory_space<hbm>>
        tpu.enqueue_dma source(%dma_start3A_2750 : memref<1x64xf32, #tpu.memory_space<hbm>>) target(%dma_start3A_2748 : memref<1x64xf32, #tpu.memory_space<vmem>>) target_semaphore(%arg17 : memref<!tpu.dma_semaphore, #tpu.memory_space<semaphore_mem>>)
        %slice3A_2751 = vector.extract_strided_slice %get3A_2618 {offsets = [5], sizes = [1], strides = [1]} : vector<16xi32> to vector<1xi32>
        %squeeze3A_2752 = vector.extract %slice3A_2751[0] : i32 from vector<1xi32>
        %dma_start3A_2753 = arith.constant 21 : i32
        %dma_start3A_2754 = arith.constant 0 : i32
        %dma_start3A_2755 = tpu.memref_slice %arg12[%dma_start3A_2753, %dma_start3A_2754] : memref<32x64xf32, #tpu.memory_space<vmem>> -> memref<1x64xf32, #tpu.memory_space<vmem>>
        %dma_start3A_2756 = arith.constant 0 : i32
        %dma_start3A_2757 = tpu.memref_slice %arg5[%squeeze3A_2752, %dma_start3A_2756] : memref<1000000x64xf32, #tpu.memory_space<hbm>> -> memref<1x64xf32, #tpu.memory_space<hbm>>
        %dma_start3A_2758 = arith.constant 21 : i32
        %dma_start3A_2759 = arith.constant 0 : i32
        %dma_start3A_2760 = tpu.memref_slice %arg12[%dma_start3A_2758, %dma_start3A_2759] : memref<32x64xf32, #tpu.memory_space<vmem>> -> memref<1x64xf32, #tpu.memory_space<vmem>>
        %dma_start3A_2761 = arith.constant 0 : i32
        %dma_start3A_2762 = tpu.memref_slice %arg5[%squeeze3A_2752, %dma_start3A_2761] : memref<1000000x64xf32, #tpu.memory_space<hbm>> -> memref<1x64xf32, #tpu.memory_space<hbm>>
        tpu.enqueue_dma source(%dma_start3A_2762 : memref<1x64xf32, #tpu.memory_space<hbm>>) target(%dma_start3A_2760 : memref<1x64xf32, #tpu.memory_space<vmem>>) target_semaphore(%arg17 : memref<!tpu.dma_semaphore, #tpu.memory_space<semaphore_mem>>)
        %slice3A_2763 = vector.extract_strided_slice %get3A_2573 {offsets = [6], sizes = [1], strides = [1]} : vector<16xi32> to vector<1xi32>
        %squeeze3A_2764 = vector.extract %slice3A_2763[0] : i32 from vector<1xi32>
        %dma_start3A_2765 = arith.constant 22 : i32
        %dma_start3A_2766 = arith.constant 0 : i32
        %dma_start3A_2767 = tpu.memref_slice %arg11[%dma_start3A_2765, %dma_start3A_2766] : memref<32x64xf32, #tpu.memory_space<vmem>> -> memref<1x64xf32, #tpu.memory_space<vmem>>
        %dma_start3A_2768 = arith.constant 0 : i32
        %dma_start3A_2769 = tpu.memref_slice %arg4[%squeeze3A_2764, %dma_start3A_2768] : memref<1000000x64xf32, #tpu.memory_space<hbm>> -> memref<1x64xf32, #tpu.memory_space<hbm>>
        %dma_start3A_2770 = arith.constant 22 : i32
        %dma_start3A_2771 = arith.constant 0 : i32
        %dma_start3A_2772 = tpu.memref_slice %arg11[%dma_start3A_2770, %dma_start3A_2771] : memref<32x64xf32, #tpu.memory_space<vmem>> -> memref<1x64xf32, #tpu.memory_space<vmem>>
        %dma_start3A_2773 = arith.constant 0 : i32
        %dma_start3A_2774 = tpu.memref_slice %arg4[%squeeze3A_2764, %dma_start3A_2773] : memref<1000000x64xf32, #tpu.memory_space<hbm>> -> memref<1x64xf32, #tpu.memory_space<hbm>>
        tpu.enqueue_dma source(%dma_start3A_2774 : memref<1x64xf32, #tpu.memory_space<hbm>>) target(%dma_start3A_2772 : memref<1x64xf32, #tpu.memory_space<vmem>>) target_semaphore(%arg17 : memref<!tpu.dma_semaphore, #tpu.memory_space<semaphore_mem>>)
        %slice3A_2775 = vector.extract_strided_slice %get3A_2618 {offsets = [6], sizes = [1], strides = [1]} : vector<16xi32> to vector<1xi32>
        %squeeze3A_2776 = vector.extract %slice3A_2775[0] : i32 from vector<1xi32>
        %dma_start3A_2777 = arith.constant 22 : i32
        %dma_start3A_2778 = arith.constant 0 : i32
        %dma_start3A_2779 = tpu.memref_slice %arg12[%dma_start3A_2777, %dma_start3A_2778] : memref<32x64xf32, #tpu.memory_space<vmem>> -> memref<1x64xf32, #tpu.memory_space<vmem>>
        %dma_start3A_2780 = arith.constant 0 : i32
        %dma_start3A_2781 = tpu.memref_slice %arg5[%squeeze3A_2776, %dma_start3A_2780] : memref<1000000x64xf32, #tpu.memory_space<hbm>> -> memref<1x64xf32, #tpu.memory_space<hbm>>
        %dma_start3A_2782 = arith.constant 22 : i32
        %dma_start3A_2783 = arith.constant 0 : i32
        %dma_start3A_2784 = tpu.memref_slice %arg12[%dma_start3A_2782, %dma_start3A_2783] : memref<32x64xf32, #tpu.memory_space<vmem>> -> memref<1x64xf32, #tpu.memory_space<vmem>>
        %dma_start3A_2785 = arith.constant 0 : i32
        %dma_start3A_2786 = tpu.memref_slice %arg5[%squeeze3A_2776, %dma_start3A_2785] : memref<1000000x64xf32, #tpu.memory_space<hbm>> -> memref<1x64xf32, #tpu.memory_space<hbm>>
        tpu.enqueue_dma source(%dma_start3A_2786 : memref<1x64xf32, #tpu.memory_space<hbm>>) target(%dma_start3A_2784 : memref<1x64xf32, #tpu.memory_space<vmem>>) target_semaphore(%arg17 : memref<!tpu.dma_semaphore, #tpu.memory_space<semaphore_mem>>)
        %slice3A_2787 = vector.extract_strided_slice %get3A_2573 {offsets = [7], sizes = [1], strides = [1]} : vector<16xi32> to vector<1xi32>
        %squeeze3A_2788 = vector.extract %slice3A_2787[0] : i32 from vector<1xi32>
        %dma_start3A_2789 = arith.constant 23 : i32
        %dma_start3A_2790 = arith.constant 0 : i32
        %dma_start3A_2791 = tpu.memref_slice %arg11[%dma_start3A_2789, %dma_start3A_2790] : memref<32x64xf32, #tpu.memory_space<vmem>> -> memref<1x64xf32, #tpu.memory_space<vmem>>
        %dma_start3A_2792 = arith.constant 0 : i32
        %dma_start3A_2793 = tpu.memref_slice %arg4[%squeeze3A_2788, %dma_start3A_2792] : memref<1000000x64xf32, #tpu.memory_space<hbm>> -> memref<1x64xf32, #tpu.memory_space<hbm>>
        %dma_start3A_2794 = arith.constant 23 : i32
        %dma_start3A_2795 = arith.constant 0 : i32
        %dma_start3A_2796 = tpu.memref_slice %arg11[%dma_start3A_2794, %dma_start3A_2795] : memref<32x64xf32, #tpu.memory_space<vmem>> -> memref<1x64xf32, #tpu.memory_space<vmem>>
        %dma_start3A_2797 = arith.constant 0 : i32
        %dma_start3A_2798 = tpu.memref_slice %arg4[%squeeze3A_2788, %dma_start3A_2797] : memref<1000000x64xf32, #tpu.memory_space<hbm>> -> memref<1x64xf32, #tpu.memory_space<hbm>>
        tpu.enqueue_dma source(%dma_start3A_2798 : memref<1x64xf32, #tpu.memory_space<hbm>>) target(%dma_start3A_2796 : memref<1x64xf32, #tpu.memory_space<vmem>>) target_semaphore(%arg17 : memref<!tpu.dma_semaphore, #tpu.memory_space<semaphore_mem>>)
        %slice3A_2799 = vector.extract_strided_slice %get3A_2618 {offsets = [7], sizes = [1], strides = [1]} : vector<16xi32> to vector<1xi32>
        %squeeze3A_2800 = vector.extract %slice3A_2799[0] : i32 from vector<1xi32>
        %dma_start3A_2801 = arith.constant 23 : i32
        %dma_start3A_2802 = arith.constant 0 : i32
        %dma_start3A_2803 = tpu.memref_slice %arg12[%dma_start3A_2801, %dma_start3A_2802] : memref<32x64xf32, #tpu.memory_space<vmem>> -> memref<1x64xf32, #tpu.memory_space<vmem>>
        %dma_start3A_2804 = arith.constant 0 : i32
        %dma_start3A_2805 = tpu.memref_slice %arg5[%squeeze3A_2800, %dma_start3A_2804] : memref<1000000x64xf32, #tpu.memory_space<hbm>> -> memref<1x64xf32, #tpu.memory_space<hbm>>
        %dma_start3A_2806 = arith.constant 23 : i32
        %dma_start3A_2807 = arith.constant 0 : i32
        %dma_start3A_2808 = tpu.memref_slice %arg12[%dma_start3A_2806, %dma_start3A_2807] : memref<32x64xf32, #tpu.memory_space<vmem>> -> memref<1x64xf32, #tpu.memory_space<vmem>>
        %dma_start3A_2809 = arith.constant 0 : i32
        %dma_start3A_2810 = tpu.memref_slice %arg5[%squeeze3A_2800, %dma_start3A_2809] : memref<1000000x64xf32, #tpu.memory_space<hbm>> -> memref<1x64xf32, #tpu.memory_space<hbm>>
        tpu.enqueue_dma source(%dma_start3A_2810 : memref<1x64xf32, #tpu.memory_space<hbm>>) target(%dma_start3A_2808 : memref<1x64xf32, #tpu.memory_space<vmem>>) target_semaphore(%arg17 : memref<!tpu.dma_semaphore, #tpu.memory_space<semaphore_mem>>)
        %slice3A_2811 = vector.extract_strided_slice %get3A_2573 {offsets = [8], sizes = [1], strides = [1]} : vector<16xi32> to vector<1xi32>
        %squeeze3A_2812 = vector.extract %slice3A_2811[0] : i32 from vector<1xi32>
        %dma_start3A_2813 = arith.constant 24 : i32
        %dma_start3A_2814 = arith.constant 0 : i32
        %dma_start3A_2815 = tpu.memref_slice %arg11[%dma_start3A_2813, %dma_start3A_2814] : memref<32x64xf32, #tpu.memory_space<vmem>> -> memref<1x64xf32, #tpu.memory_space<vmem>>
        %dma_start3A_2816 = arith.constant 0 : i32
        %dma_start3A_2817 = tpu.memref_slice %arg4[%squeeze3A_2812, %dma_start3A_2816] : memref<1000000x64xf32, #tpu.memory_space<hbm>> -> memref<1x64xf32, #tpu.memory_space<hbm>>
        %dma_start3A_2818 = arith.constant 24 : i32
        %dma_start3A_2819 = arith.constant 0 : i32
        %dma_start3A_2820 = tpu.memref_slice %arg11[%dma_start3A_2818, %dma_start3A_2819] : memref<32x64xf32, #tpu.memory_space<vmem>> -> memref<1x64xf32, #tpu.memory_space<vmem>>
        %dma_start3A_2821 = arith.constant 0 : i32
        %dma_start3A_2822 = tpu.memref_slice %arg4[%squeeze3A_2812, %dma_start3A_2821] : memref<1000000x64xf32, #tpu.memory_space<hbm>> -> memref<1x64xf32, #tpu.memory_space<hbm>>
        tpu.enqueue_dma source(%dma_start3A_2822 : memref<1x64xf32, #tpu.memory_space<hbm>>) target(%dma_start3A_2820 : memref<1x64xf32, #tpu.memory_space<vmem>>) target_semaphore(%arg17 : memref<!tpu.dma_semaphore, #tpu.memory_space<semaphore_mem>>)
        %slice3A_2823 = vector.extract_strided_slice %get3A_2618 {offsets = [8], sizes = [1], strides = [1]} : vector<16xi32> to vector<1xi32>
        %squeeze3A_2824 = vector.extract %slice3A_2823[0] : i32 from vector<1xi32>
        %dma_start3A_2825 = arith.constant 24 : i32
        %dma_start3A_2826 = arith.constant 0 : i32
        %dma_start3A_2827 = tpu.memref_slice %arg12[%dma_start3A_2825, %dma_start3A_2826] : memref<32x64xf32, #tpu.memory_space<vmem>> -> memref<1x64xf32, #tpu.memory_space<vmem>>
        %dma_start3A_2828 = arith.constant 0 : i32
        %dma_start3A_2829 = tpu.memref_slice %arg5[%squeeze3A_2824, %dma_start3A_2828] : memref<1000000x64xf32, #tpu.memory_space<hbm>> -> memref<1x64xf32, #tpu.memory_space<hbm>>
        %dma_start3A_2830 = arith.constant 24 : i32
        %dma_start3A_2831 = arith.constant 0 : i32
        %dma_start3A_2832 = tpu.memref_slice %arg12[%dma_start3A_2830, %dma_start3A_2831] : memref<32x64xf32, #tpu.memory_space<vmem>> -> memref<1x64xf32, #tpu.memory_space<vmem>>
        %dma_start3A_2833 = arith.constant 0 : i32
        %dma_start3A_2834 = tpu.memref_slice %arg5[%squeeze3A_2824, %dma_start3A_2833] : memref<1000000x64xf32, #tpu.memory_space<hbm>> -> memref<1x64xf32, #tpu.memory_space<hbm>>
        tpu.enqueue_dma source(%dma_start3A_2834 : memref<1x64xf32, #tpu.memory_space<hbm>>) target(%dma_start3A_2832 : memref<1x64xf32, #tpu.memory_space<vmem>>) target_semaphore(%arg17 : memref<!tpu.dma_semaphore, #tpu.memory_space<semaphore_mem>>)
        %slice3A_2835 = vector.extract_strided_slice %get3A_2573 {offsets = [9], sizes = [1], strides = [1]} : vector<16xi32> to vector<1xi32>
        %squeeze3A_2836 = vector.extract %slice3A_2835[0] : i32 from vector<1xi32>
        %dma_start3A_2837 = arith.constant 25 : i32
        %dma_start3A_2838 = arith.constant 0 : i32
        %dma_start3A_2839 = tpu.memref_slice %arg11[%dma_start3A_2837, %dma_start3A_2838] : memref<32x64xf32, #tpu.memory_space<vmem>> -> memref<1x64xf32, #tpu.memory_space<vmem>>
        %dma_start3A_2840 = arith.constant 0 : i32
        %dma_start3A_2841 = tpu.memref_slice %arg4[%squeeze3A_2836, %dma_start3A_2840] : memref<1000000x64xf32, #tpu.memory_space<hbm>> -> memref<1x64xf32, #tpu.memory_space<hbm>>
        %dma_start3A_2842 = arith.constant 25 : i32
        %dma_start3A_2843 = arith.constant 0 : i32
        %dma_start3A_2844 = tpu.memref_slice %arg11[%dma_start3A_2842, %dma_start3A_2843] : memref<32x64xf32, #tpu.memory_space<vmem>> -> memref<1x64xf32, #tpu.memory_space<vmem>>
        %dma_start3A_2845 = arith.constant 0 : i32
        %dma_start3A_2846 = tpu.memref_slice %arg4[%squeeze3A_2836, %dma_start3A_2845] : memref<1000000x64xf32, #tpu.memory_space<hbm>> -> memref<1x64xf32, #tpu.memory_space<hbm>>
        tpu.enqueue_dma source(%dma_start3A_2846 : memref<1x64xf32, #tpu.memory_space<hbm>>) target(%dma_start3A_2844 : memref<1x64xf32, #tpu.memory_space<vmem>>) target_semaphore(%arg17 : memref<!tpu.dma_semaphore, #tpu.memory_space<semaphore_mem>>)
        %slice3A_2847 = vector.extract_strided_slice %get3A_2618 {offsets = [9], sizes = [1], strides = [1]} : vector<16xi32> to vector<1xi32>
        %squeeze3A_2848 = vector.extract %slice3A_2847[0] : i32 from vector<1xi32>
        %dma_start3A_2849 = arith.constant 25 : i32
        %dma_start3A_2850 = arith.constant 0 : i32
        %dma_start3A_2851 = tpu.memref_slice %arg12[%dma_start3A_2849, %dma_start3A_2850] : memref<32x64xf32, #tpu.memory_space<vmem>> -> memref<1x64xf32, #tpu.memory_space<vmem>>
        %dma_start3A_2852 = arith.constant 0 : i32
        %dma_start3A_2853 = tpu.memref_slice %arg5[%squeeze3A_2848, %dma_start3A_2852] : memref<1000000x64xf32, #tpu.memory_space<hbm>> -> memref<1x64xf32, #tpu.memory_space<hbm>>
        %dma_start3A_2854 = arith.constant 25 : i32
        %dma_start3A_2855 = arith.constant 0 : i32
        %dma_start3A_2856 = tpu.memref_slice %arg12[%dma_start3A_2854, %dma_start3A_2855] : memref<32x64xf32, #tpu.memory_space<vmem>> -> memref<1x64xf32, #tpu.memory_space<vmem>>
        %dma_start3A_2857 = arith.constant 0 : i32
        %dma_start3A_2858 = tpu.memref_slice %arg5[%squeeze3A_2848, %dma_start3A_2857] : memref<1000000x64xf32, #tpu.memory_space<hbm>> -> memref<1x64xf32, #tpu.memory_space<hbm>>
        tpu.enqueue_dma source(%dma_start3A_2858 : memref<1x64xf32, #tpu.memory_space<hbm>>) target(%dma_start3A_2856 : memref<1x64xf32, #tpu.memory_space<vmem>>) target_semaphore(%arg17 : memref<!tpu.dma_semaphore, #tpu.memory_space<semaphore_mem>>)
        %slice3A_2859 = vector.extract_strided_slice %get3A_2573 {offsets = [10], sizes = [1], strides = [1]} : vector<16xi32> to vector<1xi32>
        %squeeze3A_2860 = vector.extract %slice3A_2859[0] : i32 from vector<1xi32>
        %dma_start3A_2861 = arith.constant 26 : i32
        %dma_start3A_2862 = arith.constant 0 : i32
        %dma_start3A_2863 = tpu.memref_slice %arg11[%dma_start3A_2861, %dma_start3A_2862] : memref<32x64xf32, #tpu.memory_space<vmem>> -> memref<1x64xf32, #tpu.memory_space<vmem>>
        %dma_start3A_2864 = arith.constant 0 : i32
        %dma_start3A_2865 = tpu.memref_slice %arg4[%squeeze3A_2860, %dma_start3A_2864] : memref<1000000x64xf32, #tpu.memory_space<hbm>> -> memref<1x64xf32, #tpu.memory_space<hbm>>
        %dma_start3A_2866 = arith.constant 26 : i32
        %dma_start3A_2867 = arith.constant 0 : i32
        %dma_start3A_2868 = tpu.memref_slice %arg11[%dma_start3A_2866, %dma_start3A_2867] : memref<32x64xf32, #tpu.memory_space<vmem>> -> memref<1x64xf32, #tpu.memory_space<vmem>>
        %dma_start3A_2869 = arith.constant 0 : i32
        %dma_start3A_2870 = tpu.memref_slice %arg4[%squeeze3A_2860, %dma_start3A_2869] : memref<1000000x64xf32, #tpu.memory_space<hbm>> -> memref<1x64xf32, #tpu.memory_space<hbm>>
        tpu.enqueue_dma source(%dma_start3A_2870 : memref<1x64xf32, #tpu.memory_space<hbm>>) target(%dma_start3A_2868 : memref<1x64xf32, #tpu.memory_space<vmem>>) target_semaphore(%arg17 : memref<!tpu.dma_semaphore, #tpu.memory_space<semaphore_mem>>)
        %slice3A_2871 = vector.extract_strided_slice %get3A_2618 {offsets = [10], sizes = [1], strides = [1]} : vector<16xi32> to vector<1xi32>
        %squeeze3A_2872 = vector.extract %slice3A_2871[0] : i32 from vector<1xi32>
        %dma_start3A_2873 = arith.constant 26 : i32
        %dma_start3A_2874 = arith.constant 0 : i32
        %dma_start3A_2875 = tpu.memref_slice %arg12[%dma_start3A_2873, %dma_start3A_2874] : memref<32x64xf32, #tpu.memory_space<vmem>> -> memref<1x64xf32, #tpu.memory_space<vmem>>
        %dma_start3A_2876 = arith.constant 0 : i32
        %dma_start3A_2877 = tpu.memref_slice %arg5[%squeeze3A_2872, %dma_start3A_2876] : memref<1000000x64xf32, #tpu.memory_space<hbm>> -> memref<1x64xf32, #tpu.memory_space<hbm>>
        %dma_start3A_2878 = arith.constant 26 : i32
        %dma_start3A_2879 = arith.constant 0 : i32
        %dma_start3A_2880 = tpu.memref_slice %arg12[%dma_start3A_2878, %dma_start3A_2879] : memref<32x64xf32, #tpu.memory_space<vmem>> -> memref<1x64xf32, #tpu.memory_space<vmem>>
        %dma_start3A_2881 = arith.constant 0 : i32
        %dma_start3A_2882 = tpu.memref_slice %arg5[%squeeze3A_2872, %dma_start3A_2881] : memref<1000000x64xf32, #tpu.memory_space<hbm>> -> memref<1x64xf32, #tpu.memory_space<hbm>>
        tpu.enqueue_dma source(%dma_start3A_2882 : memref<1x64xf32, #tpu.memory_space<hbm>>) target(%dma_start3A_2880 : memref<1x64xf32, #tpu.memory_space<vmem>>) target_semaphore(%arg17 : memref<!tpu.dma_semaphore, #tpu.memory_space<semaphore_mem>>)
        %slice3A_2883 = vector.extract_strided_slice %get3A_2573 {offsets = [11], sizes = [1], strides = [1]} : vector<16xi32> to vector<1xi32>
        %squeeze3A_2884 = vector.extract %slice3A_2883[0] : i32 from vector<1xi32>
        %dma_start3A_2885 = arith.constant 27 : i32
        %dma_start3A_2886 = arith.constant 0 : i32
        %dma_start3A_2887 = tpu.memref_slice %arg11[%dma_start3A_2885, %dma_start3A_2886] : memref<32x64xf32, #tpu.memory_space<vmem>> -> memref<1x64xf32, #tpu.memory_space<vmem>>
        %dma_start3A_2888 = arith.constant 0 : i32
        %dma_start3A_2889 = tpu.memref_slice %arg4[%squeeze3A_2884, %dma_start3A_2888] : memref<1000000x64xf32, #tpu.memory_space<hbm>> -> memref<1x64xf32, #tpu.memory_space<hbm>>
        %dma_start3A_2890 = arith.constant 27 : i32
        %dma_start3A_2891 = arith.constant 0 : i32
        %dma_start3A_2892 = tpu.memref_slice %arg11[%dma_start3A_2890, %dma_start3A_2891] : memref<32x64xf32, #tpu.memory_space<vmem>> -> memref<1x64xf32, #tpu.memory_space<vmem>>
        %dma_start3A_2893 = arith.constant 0 : i32
        %dma_start3A_2894 = tpu.memref_slice %arg4[%squeeze3A_2884, %dma_start3A_2893] : memref<1000000x64xf32, #tpu.memory_space<hbm>> -> memref<1x64xf32, #tpu.memory_space<hbm>>
        tpu.enqueue_dma source(%dma_start3A_2894 : memref<1x64xf32, #tpu.memory_space<hbm>>) target(%dma_start3A_2892 : memref<1x64xf32, #tpu.memory_space<vmem>>) target_semaphore(%arg17 : memref<!tpu.dma_semaphore, #tpu.memory_space<semaphore_mem>>)
        %slice3A_2895 = vector.extract_strided_slice %get3A_2618 {offsets = [11], sizes = [1], strides = [1]} : vector<16xi32> to vector<1xi32>
        %squeeze3A_2896 = vector.extract %slice3A_2895[0] : i32 from vector<1xi32>
        %dma_start3A_2897 = arith.constant 27 : i32
        %dma_start3A_2898 = arith.constant 0 : i32
        %dma_start3A_2899 = tpu.memref_slice %arg12[%dma_start3A_2897, %dma_start3A_2898] : memref<32x64xf32, #tpu.memory_space<vmem>> -> memref<1x64xf32, #tpu.memory_space<vmem>>
        %dma_start3A_2900 = arith.constant 0 : i32
        %dma_start3A_2901 = tpu.memref_slice %arg5[%squeeze3A_2896, %dma_start3A_2900] : memref<1000000x64xf32, #tpu.memory_space<hbm>> -> memref<1x64xf32, #tpu.memory_space<hbm>>
        %dma_start3A_2902 = arith.constant 27 : i32
        %dma_start3A_2903 = arith.constant 0 : i32
        %dma_start3A_2904 = tpu.memref_slice %arg12[%dma_start3A_2902, %dma_start3A_2903] : memref<32x64xf32, #tpu.memory_space<vmem>> -> memref<1x64xf32, #tpu.memory_space<vmem>>
        %dma_start3A_2905 = arith.constant 0 : i32
        %dma_start3A_2906 = tpu.memref_slice %arg5[%squeeze3A_2896, %dma_start3A_2905] : memref<1000000x64xf32, #tpu.memory_space<hbm>> -> memref<1x64xf32, #tpu.memory_space<hbm>>
        tpu.enqueue_dma source(%dma_start3A_2906 : memref<1x64xf32, #tpu.memory_space<hbm>>) target(%dma_start3A_2904 : memref<1x64xf32, #tpu.memory_space<vmem>>) target_semaphore(%arg17 : memref<!tpu.dma_semaphore, #tpu.memory_space<semaphore_mem>>)
        %slice3A_2907 = vector.extract_strided_slice %get3A_2573 {offsets = [12], sizes = [1], strides = [1]} : vector<16xi32> to vector<1xi32>
        %squeeze3A_2908 = vector.extract %slice3A_2907[0] : i32 from vector<1xi32>
        %dma_start3A_2909 = arith.constant 28 : i32
        %dma_start3A_2910 = arith.constant 0 : i32
        %dma_start3A_2911 = tpu.memref_slice %arg11[%dma_start3A_2909, %dma_start3A_2910] : memref<32x64xf32, #tpu.memory_space<vmem>> -> memref<1x64xf32, #tpu.memory_space<vmem>>
        %dma_start3A_2912 = arith.constant 0 : i32
        %dma_start3A_2913 = tpu.memref_slice %arg4[%squeeze3A_2908, %dma_start3A_2912] : memref<1000000x64xf32, #tpu.memory_space<hbm>> -> memref<1x64xf32, #tpu.memory_space<hbm>>
        %dma_start3A_2914 = arith.constant 28 : i32
        %dma_start3A_2915 = arith.constant 0 : i32
        %dma_start3A_2916 = tpu.memref_slice %arg11[%dma_start3A_2914, %dma_start3A_2915] : memref<32x64xf32, #tpu.memory_space<vmem>> -> memref<1x64xf32, #tpu.memory_space<vmem>>
        %dma_start3A_2917 = arith.constant 0 : i32
        %dma_start3A_2918 = tpu.memref_slice %arg4[%squeeze3A_2908, %dma_start3A_2917] : memref<1000000x64xf32, #tpu.memory_space<hbm>> -> memref<1x64xf32, #tpu.memory_space<hbm>>
        tpu.enqueue_dma source(%dma_start3A_2918 : memref<1x64xf32, #tpu.memory_space<hbm>>) target(%dma_start3A_2916 : memref<1x64xf32, #tpu.memory_space<vmem>>) target_semaphore(%arg17 : memref<!tpu.dma_semaphore, #tpu.memory_space<semaphore_mem>>)
        %slice3A_2919 = vector.extract_strided_slice %get3A_2618 {offsets = [12], sizes = [1], strides = [1]} : vector<16xi32> to vector<1xi32>
        %squeeze3A_2920 = vector.extract %slice3A_2919[0] : i32 from vector<1xi32>
        %dma_start3A_2921 = arith.constant 28 : i32
        %dma_start3A_2922 = arith.constant 0 : i32
        %dma_start3A_2923 = tpu.memref_slice %arg12[%dma_start3A_2921, %dma_start3A_2922] : memref<32x64xf32, #tpu.memory_space<vmem>> -> memref<1x64xf32, #tpu.memory_space<vmem>>
        %dma_start3A_2924 = arith.constant 0 : i32
        %dma_start3A_2925 = tpu.memref_slice %arg5[%squeeze3A_2920, %dma_start3A_2924] : memref<1000000x64xf32, #tpu.memory_space<hbm>> -> memref<1x64xf32, #tpu.memory_space<hbm>>
        %dma_start3A_2926 = arith.constant 28 : i32
        %dma_start3A_2927 = arith.constant 0 : i32
        %dma_start3A_2928 = tpu.memref_slice %arg12[%dma_start3A_2926, %dma_start3A_2927] : memref<32x64xf32, #tpu.memory_space<vmem>> -> memref<1x64xf32, #tpu.memory_space<vmem>>
        %dma_start3A_2929 = arith.constant 0 : i32
        %dma_start3A_2930 = tpu.memref_slice %arg5[%squeeze3A_2920, %dma_start3A_2929] : memref<1000000x64xf32, #tpu.memory_space<hbm>> -> memref<1x64xf32, #tpu.memory_space<hbm>>
        tpu.enqueue_dma source(%dma_start3A_2930 : memref<1x64xf32, #tpu.memory_space<hbm>>) target(%dma_start3A_2928 : memref<1x64xf32, #tpu.memory_space<vmem>>) target_semaphore(%arg17 : memref<!tpu.dma_semaphore, #tpu.memory_space<semaphore_mem>>)
        %slice3A_2931 = vector.extract_strided_slice %get3A_2573 {offsets = [13], sizes = [1], strides = [1]} : vector<16xi32> to vector<1xi32>
        %squeeze3A_2932 = vector.extract %slice3A_2931[0] : i32 from vector<1xi32>
        %dma_start3A_2933 = arith.constant 29 : i32
        %dma_start3A_2934 = arith.constant 0 : i32
        %dma_start3A_2935 = tpu.memref_slice %arg11[%dma_start3A_2933, %dma_start3A_2934] : memref<32x64xf32, #tpu.memory_space<vmem>> -> memref<1x64xf32, #tpu.memory_space<vmem>>
        %dma_start3A_2936 = arith.constant 0 : i32
        %dma_start3A_2937 = tpu.memref_slice %arg4[%squeeze3A_2932, %dma_start3A_2936] : memref<1000000x64xf32, #tpu.memory_space<hbm>> -> memref<1x64xf32, #tpu.memory_space<hbm>>
        %dma_start3A_2938 = arith.constant 29 : i32
        %dma_start3A_2939 = arith.constant 0 : i32
        %dma_start3A_2940 = tpu.memref_slice %arg11[%dma_start3A_2938, %dma_start3A_2939] : memref<32x64xf32, #tpu.memory_space<vmem>> -> memref<1x64xf32, #tpu.memory_space<vmem>>
        %dma_start3A_2941 = arith.constant 0 : i32
        %dma_start3A_2942 = tpu.memref_slice %arg4[%squeeze3A_2932, %dma_start3A_2941] : memref<1000000x64xf32, #tpu.memory_space<hbm>> -> memref<1x64xf32, #tpu.memory_space<hbm>>
        tpu.enqueue_dma source(%dma_start3A_2942 : memref<1x64xf32, #tpu.memory_space<hbm>>) target(%dma_start3A_2940 : memref<1x64xf32, #tpu.memory_space<vmem>>) target_semaphore(%arg17 : memref<!tpu.dma_semaphore, #tpu.memory_space<semaphore_mem>>)
        %slice3A_2943 = vector.extract_strided_slice %get3A_2618 {offsets = [13], sizes = [1], strides = [1]} : vector<16xi32> to vector<1xi32>
        %squeeze3A_2944 = vector.extract %slice3A_2943[0] : i32 from vector<1xi32>
        %dma_start3A_2945 = arith.constant 29 : i32
        %dma_start3A_2946 = arith.constant 0 : i32
        %dma_start3A_2947 = tpu.memref_slice %arg12[%dma_start3A_2945, %dma_start3A_2946] : memref<32x64xf32, #tpu.memory_space<vmem>> -> memref<1x64xf32, #tpu.memory_space<vmem>>
        %dma_start3A_2948 = arith.constant 0 : i32
        %dma_start3A_2949 = tpu.memref_slice %arg5[%squeeze3A_2944, %dma_start3A_2948] : memref<1000000x64xf32, #tpu.memory_space<hbm>> -> memref<1x64xf32, #tpu.memory_space<hbm>>
        %dma_start3A_2950 = arith.constant 29 : i32
        %dma_start3A_2951 = arith.constant 0 : i32
        %dma_start3A_2952 = tpu.memref_slice %arg12[%dma_start3A_2950, %dma_start3A_2951] : memref<32x64xf32, #tpu.memory_space<vmem>> -> memref<1x64xf32, #tpu.memory_space<vmem>>
        %dma_start3A_2953 = arith.constant 0 : i32
        %dma_start3A_2954 = tpu.memref_slice %arg5[%squeeze3A_2944, %dma_start3A_2953] : memref<1000000x64xf32, #tpu.memory_space<hbm>> -> memref<1x64xf32, #tpu.memory_space<hbm>>
        tpu.enqueue_dma source(%dma_start3A_2954 : memref<1x64xf32, #tpu.memory_space<hbm>>) target(%dma_start3A_2952 : memref<1x64xf32, #tpu.memory_space<vmem>>) target_semaphore(%arg17 : memref<!tpu.dma_semaphore, #tpu.memory_space<semaphore_mem>>)
        %slice3A_2955 = vector.extract_strided_slice %get3A_2573 {offsets = [14], sizes = [1], strides = [1]} : vector<16xi32> to vector<1xi32>
        %squeeze3A_2956 = vector.extract %slice3A_2955[0] : i32 from vector<1xi32>
        %dma_start3A_2957 = arith.constant 30 : i32
        %dma_start3A_2958 = arith.constant 0 : i32
        %dma_start3A_2959 = tpu.memref_slice %arg11[%dma_start3A_2957, %dma_start3A_2958] : memref<32x64xf32, #tpu.memory_space<vmem>> -> memref<1x64xf32, #tpu.memory_space<vmem>>
        %dma_start3A_2960 = arith.constant 0 : i32
        %dma_start3A_2961 = tpu.memref_slice %arg4[%squeeze3A_2956, %dma_start3A_2960] : memref<1000000x64xf32, #tpu.memory_space<hbm>> -> memref<1x64xf32, #tpu.memory_space<hbm>>
        %dma_start3A_2962 = arith.constant 30 : i32
        %dma_start3A_2963 = arith.constant 0 : i32
        %dma_start3A_2964 = tpu.memref_slice %arg11[%dma_start3A_2962, %dma_start3A_2963] : memref<32x64xf32, #tpu.memory_space<vmem>> -> memref<1x64xf32, #tpu.memory_space<vmem>>
        %dma_start3A_2965 = arith.constant 0 : i32
        %dma_start3A_2966 = tpu.memref_slice %arg4[%squeeze3A_2956, %dma_start3A_2965] : memref<1000000x64xf32, #tpu.memory_space<hbm>> -> memref<1x64xf32, #tpu.memory_space<hbm>>
        tpu.enqueue_dma source(%dma_start3A_2966 : memref<1x64xf32, #tpu.memory_space<hbm>>) target(%dma_start3A_2964 : memref<1x64xf32, #tpu.memory_space<vmem>>) target_semaphore(%arg17 : memref<!tpu.dma_semaphore, #tpu.memory_space<semaphore_mem>>)
        %slice3A_2967 = vector.extract_strided_slice %get3A_2618 {offsets = [14], sizes = [1], strides = [1]} : vector<16xi32> to vector<1xi32>
        %squeeze3A_2968 = vector.extract %slice3A_2967[0] : i32 from vector<1xi32>
        %dma_start3A_2969 = arith.constant 30 : i32
        %dma_start3A_2970 = arith.constant 0 : i32
        %dma_start3A_2971 = tpu.memref_slice %arg12[%dma_start3A_2969, %dma_start3A_2970] : memref<32x64xf32, #tpu.memory_space<vmem>> -> memref<1x64xf32, #tpu.memory_space<vmem>>
        %dma_start3A_2972 = arith.constant 0 : i32
        %dma_start3A_2973 = tpu.memref_slice %arg5[%squeeze3A_2968, %dma_start3A_2972] : memref<1000000x64xf32, #tpu.memory_space<hbm>> -> memref<1x64xf32, #tpu.memory_space<hbm>>
        %dma_start3A_2974 = arith.constant 30 : i32
        %dma_start3A_2975 = arith.constant 0 : i32
        %dma_start3A_2976 = tpu.memref_slice %arg12[%dma_start3A_2974, %dma_start3A_2975] : memref<32x64xf32, #tpu.memory_space<vmem>> -> memref<1x64xf32, #tpu.memory_space<vmem>>
        %dma_start3A_2977 = arith.constant 0 : i32
        %dma_start3A_2978 = tpu.memref_slice %arg5[%squeeze3A_2968, %dma_start3A_2977] : memref<1000000x64xf32, #tpu.memory_space<hbm>> -> memref<1x64xf32, #tpu.memory_space<hbm>>
        tpu.enqueue_dma source(%dma_start3A_2978 : memref<1x64xf32, #tpu.memory_space<hbm>>) target(%dma_start3A_2976 : memref<1x64xf32, #tpu.memory_space<vmem>>) target_semaphore(%arg17 : memref<!tpu.dma_semaphore, #tpu.memory_space<semaphore_mem>>)
        %slice3A_2979 = vector.extract_strided_slice %get3A_2573 {offsets = [15], sizes = [1], strides = [1]} : vector<16xi32> to vector<1xi32>
        %squeeze3A_2980 = vector.extract %slice3A_2979[0] : i32 from vector<1xi32>
        %dma_start3A_2981 = arith.constant 31 : i32
        %dma_start3A_2982 = arith.constant 0 : i32
        %dma_start3A_2983 = tpu.memref_slice %arg11[%dma_start3A_2981, %dma_start3A_2982] : memref<32x64xf32, #tpu.memory_space<vmem>> -> memref<1x64xf32, #tpu.memory_space<vmem>>
        %dma_start3A_2984 = arith.constant 0 : i32
        %dma_start3A_2985 = tpu.memref_slice %arg4[%squeeze3A_2980, %dma_start3A_2984] : memref<1000000x64xf32, #tpu.memory_space<hbm>> -> memref<1x64xf32, #tpu.memory_space<hbm>>
        %dma_start3A_2986 = arith.constant 31 : i32
        %dma_start3A_2987 = arith.constant 0 : i32
        %dma_start3A_2988 = tpu.memref_slice %arg11[%dma_start3A_2986, %dma_start3A_2987] : memref<32x64xf32, #tpu.memory_space<vmem>> -> memref<1x64xf32, #tpu.memory_space<vmem>>
        %dma_start3A_2989 = arith.constant 0 : i32
        %dma_start3A_2990 = tpu.memref_slice %arg4[%squeeze3A_2980, %dma_start3A_2989] : memref<1000000x64xf32, #tpu.memory_space<hbm>> -> memref<1x64xf32, #tpu.memory_space<hbm>>
        tpu.enqueue_dma source(%dma_start3A_2990 : memref<1x64xf32, #tpu.memory_space<hbm>>) target(%dma_start3A_2988 : memref<1x64xf32, #tpu.memory_space<vmem>>) target_semaphore(%arg17 : memref<!tpu.dma_semaphore, #tpu.memory_space<semaphore_mem>>)
        %slice3A_2991 = vector.extract_strided_slice %get3A_2618 {offsets = [15], sizes = [1], strides = [1]} : vector<16xi32> to vector<1xi32>
        %squeeze3A_2992 = vector.extract %slice3A_2991[0] : i32 from vector<1xi32>
        %dma_start3A_2993 = arith.constant 31 : i32
        %dma_start3A_2994 = arith.constant 0 : i32
        %dma_start3A_2995 = tpu.memref_slice %arg12[%dma_start3A_2993, %dma_start3A_2994] : memref<32x64xf32, #tpu.memory_space<vmem>> -> memref<1x64xf32, #tpu.memory_space<vmem>>
        %dma_start3A_2996 = arith.constant 0 : i32
        %dma_start3A_2997 = tpu.memref_slice %arg5[%squeeze3A_2992, %dma_start3A_2996] : memref<1000000x64xf32, #tpu.memory_space<hbm>> -> memref<1x64xf32, #tpu.memory_space<hbm>>
        %dma_start3A_2998 = arith.constant 31 : i32
        %dma_start3A_2999 = arith.constant 0 : i32
        %dma_start3A_3000 = tpu.memref_slice %arg12[%dma_start3A_2998, %dma_start3A_2999] : memref<32x64xf32, #tpu.memory_space<vmem>> -> memref<1x64xf32, #tpu.memory_space<vmem>>
        %dma_start3A_3001 = arith.constant 0 : i32
        %dma_start3A_3002 = tpu.memref_slice %arg5[%squeeze3A_2992, %dma_start3A_3001] : memref<1000000x64xf32, #tpu.memory_space<hbm>> -> memref<1x64xf32, #tpu.memory_space<hbm>>
        tpu.enqueue_dma source(%dma_start3A_3002 : memref<1x64xf32, #tpu.memory_space<hbm>>) target(%dma_start3A_3000 : memref<1x64xf32, #tpu.memory_space<vmem>>) target_semaphore(%arg17 : memref<!tpu.dma_semaphore, #tpu.memory_space<semaphore_mem>>)
      } else {
      }
    }
    %scan3A_918 = arith.constant 16 : i32
    "tpu.region"() ({
      %run_scoped3A = tpu.sem_alloc : memref<!tpu.dma_semaphore, #tpu.memory_space<semaphore_mem>>
      %dma_start3A_919 = tpu.memref_slice %arg8[%mul3A_2] : memref<16384xf32, #tpu.memory_space<hbm>> -> memref<512xf32, #tpu.memory_space<hbm>>
      %dma_start3A_920 = tpu.memref_slice %arg8[%mul3A_2] : memref<16384xf32, #tpu.memory_space<hbm>> -> memref<512xf32, #tpu.memory_space<hbm>>
      tpu.enqueue_dma source(%arg15 : memref<512xf32, #tpu.memory_space<vmem>>) target(%dma_start3A_920 : memref<512xf32, #tpu.memory_space<hbm>>) target_semaphore(%run_scoped3A : memref<!tpu.dma_semaphore, #tpu.memory_space<semaphore_mem>>)
      %dma_wait3A_921 = tpu.memref_slice %arg8[%mul3A_2] : memref<16384xf32, #tpu.memory_space<hbm>> -> memref<512xf32, #tpu.memory_space<hbm>>
      %dma_wait3A_922 = tpu.memref_slice %arg8[%mul3A_2] : memref<16384xf32, #tpu.memory_space<hbm>> -> memref<512xf32, #tpu.memory_space<hbm>>
      tpu.wait_dma2 semaphore(%run_scoped3A : memref<!tpu.dma_semaphore, #tpu.memory_space<semaphore_mem>>) src(%arg15 : memref<512xf32, #tpu.memory_space<vmem>>) dst(%dma_wait3A_922 : memref<512xf32, #tpu.memory_space<hbm>>)
      tpu.yield
    }) : () -> ()
    return
  }
}

</mosaic_0001>

<sc_bundles>
// kernel: _glove_sc.3.cloned.1.call-start
scs
__scs_entry_jumppad:
0x0: {  	(pc) =	sbr.rel $0x88, $3  }
0x1: {  	(tag) =	ssettag $0x0;
	lr =	simm.s32 $0x1  }
0x2: {  	[smem:$0x3F9B] =	sst lr;
	_ =	strace $0xD0000000  }
0x3: {  	_ = 	snop  }
0x4: {  	_ = 	snop  }
0x5: {  	_ = 	snop  }
0x6: {  	_ = 	snop  }
0x7: {  	_ = 	snop  }
__scs_overlays_trampoline_lowered:
0x8: {  	[smem:$0x3FAA] =	sst s0  }
0x9: {  	[smem:$0x3FAB] =	sst s1  }
0xa: {  	[smem:$0x3FAC] =	sst s2  }
0xb: {  	[smem:$0x3FAD] =	sst s3  }
0xc: {  	[smem:$0x3FAE] =	sst s4  }
0xd: {  	[smem:$0x3FAF] =	sst s5  }
0xe: {  	[smem:$0x3FB0] =	sst s6  }
0xf: {  	[smem:$0x3FB1] =	sst s7  }
0x10: {  	[smem:$0x3FB2] =	sst s8  }
0x11: {  	[smem:$0x3FB3] =	sst s9;
	s0 =	simm.s32 @!p0 $0x0  }
0x12: {  	s1 =	sld [smem:$0x3F99];
	s0 =	simm.s32 @p0 $0x1  }
0x13: {  	[smem:$0x3FB4] =	sst s0;
	s0 =	simm.s32 @!p1 $0x0  }
0x14: {  	s2 =	sld [smem:$0x3F98];
	s0 =	simm.s32 @p1 $0x1  }
0x15: {  	[smem:$0x3FB5] =	sst s0;
	s0 =	simm.s32 @!p2 $0x0  }
0x16: {  	s3 =	sld [smem:$0x3FDB];
	s0 =	simm.s32 @p2 $0x1  }
0x17: {  	s4 =	simm.s32 $0x1BF5;
	[smem:$0x3FB7] =	sst s0  }
0x18: {  	s0 =	sld [smem:$0x3F9A];
	_ =	swait.ge [sflag:s4], $0x0  }
0x19: {  	s7 =	sld [smem:$0x3F9B]  }
0x1a: {  	s8 =	sadd.s32 $0xFFFFE003, lr  }
0x1b: {  	s9 =	sadd.s32 $0xFFFFFEF7, lr;
	s5 =	simm.s32 $0xFFFFFFFF;
	p2 =	slt.u32 s8, $0xFFFFF086  }
0x1c: {  	p1 =	slt.u32 s9, $0xF7A;
	s5 =	simm.s32 @!p2 $0x0  }
0x1d: {  	s5 =	simm.s32 @p1 $0x1;
	p0 =	seq.s32 s7, s2  }
0x1e: {  	s7 =	smul.u32 @!p0 $0xF7A, s2;
	p2 =	seq.s32 @!p0 s5, $0x0  }
0x1f: {  	s9 =	smul.u32 $0xF7A, s1;
	s8 =	simm.s32 @!p0 $0x1BF5;
	p2 =	por !p2, p0  }
0x20: {  	[sflag:s8] =	ssyncset.s32 @!p0 $0xFFFFF086;
	s6 =	sadd.s32 @!p0 s3, s7;
	s7 =	simm.s32 @!p0 $0x108  }
0x21: {  	s3 =	sadd.s32 s3, s9;
	s6 =	sadd.s32 @!p0 $0x88, s6;
	s7 =	simm.s32 @p2 $0x1082  }
0x22: {  	[simem:s7], [sflag:s8] =	dma.local @!p0 [hbm:s6], $0xF7A  }
0x23: {  	s9 =	sor.u32 $0xD0000000, s2;
	s6 =	simm.s32 $0x108;
	_ =	swait.ge @!p0 [sflag:s8], $0x0  }
0x24: {  	s3 =	sadd.s32 $0x88, s3;
	s6 =	simm.s32 @!p1 $0x1082;
	[sflag:s4] =	ssyncset.s32 $0xFFFFF086  }
0x25: {  	[simem:s6], [sflag:s4] =	dma.local [hbm:s3], $0xF7A  }
0x26: {  	[smem:$0x3F9B] =	sst s1;
	(tag) =	ssettag s2;
	_ =	strace s9  }
0x27: {  	s1 =	sld [smem:$0x3FAB]  }
0x28: {  	s2 =	sld [smem:$0x3FAC]  }
0x29: {  	s4 =	sld [smem:$0x3FAE]  }
0x2a: {  	p0 =	seq.s32 s5, $0x0;
	s5 =	sld [smem:$0x3FAF]  }
0x2b: {  	s6 =	sld [smem:$0x3FB0]  }
0x2c: {  	s7 =	sld [smem:$0x3FB1]  }
0x2d: {  	s3 =	simm.s32 $0x108;
	s8 =	sld [smem:$0x3FB2]  }
0x2e: {  	s3 =	simm.s32 @!p0 $0x1082;
	s9 =	sld [smem:$0x3FB3]  }
0x2f: {  	lr =	sadd.s32 s0, s3;
	s0 =	sld [smem:$0x3FAA]  }
0x30: {  	s3 =	sld [smem:$0x3FAD]  }
0x31: {  	[smem:$0x3FB6] =	sst s10  }
0x32: {  	s10 =	sld [smem:$0x3FB4];
	_ =	sdelay $0x3  }
0x33: {  	p0 =	seq.s32 s10, $0x1;
	s10 =	sld [smem:$0x3FB6];
	_ =	sdelay $0x3  }
0x34: {  	[smem:$0x3FB6] =	sst s10  }
0x35: {  	s10 =	sld [smem:$0x3FB5];
	_ =	sdelay $0x3  }
0x36: {  	p1 =	seq.s32 s10, $0x1;
	s10 =	sld [smem:$0x3FB6];
	_ =	sdelay $0x3  }
0x37: {  	[smem:$0x3FB6] =	sst s10  }
0x38: {  	s10 =	sld [smem:$0x3FB7]  }
0x39: {  	_ = 	snop;
	(pc) =	sbr.ind lr, $3  }
0x3a: {  	_ = 	snop  }
0x3b: {  	_ = 	snop  }
0x3c: {  	p2 =	seq.s32 s10, $0x1;
	s10 =	sld [smem:$0x3FB6]  }
0x3d: {  	_ =	shalt  }
0x3e: {  	_ =	shalt  }
0x3f: {  	_ =	shalt  }
0x40: {  	_ =	shalt  }
0x41: {  	_ =	shalt  }
0x42: {  	_ =	shalt  }
0x43: {  	_ =	shalt  }
0x44: {  	_ =	shalt  }
0x45: {  	_ =	shalt  }
0x46: {  	_ =	shalt  }
0x47: {  	_ =	shalt  }
0x48: {  	_ =	shalt  }
0x49: {  	_ =	shalt  }
0x4a: {  	_ =	shalt  }
0x4b: {  	_ =	shalt  }
0x4c: {  	_ =	shalt  }
0x4d: {  	_ =	shalt  }
0x4e: {  	_ =	shalt  }
0x4f: {  	_ =	shalt  }
0x50: {  	_ =	shalt  }
0x51: {  	_ =	shalt  }
0x52: {  	_ =	shalt  }
0x53: {  	_ =	shalt  }
0x54: {  	_ =	shalt  }
0x55: {  	_ =	shalt  }
0x56: {  	_ =	shalt  }
0x57: {  	_ =	shalt  }
0x58: {  	_ =	shalt  }
0x59: {  	_ =	shalt  }
0x5a: {  	_ =	shalt  }
0x5b: {  	_ =	shalt  }
0x5c: {  	_ =	shalt  }
0x5d: {  	_ =	shalt  }
0x5e: {  	_ =	shalt  }
0x5f: {  	_ =	shalt  }
0x60: {  	_ =	shalt  }
0x61: {  	_ =	shalt  }
0x62: {  	_ =	shalt  }
0x63: {  	_ =	shalt  }
0x64: {  	_ =	shalt  }
0x65: {  	_ =	shalt  }
0x66: {  	_ =	shalt  }
0x67: {  	_ =	shalt  }
0x68: {  	_ =	shalt  }
0x69: {  	_ =	shalt  }
0x6a: {  	_ =	shalt  }
0x6b: {  	_ =	shalt  }
0x6c: {  	_ =	shalt  }
0x6d: {  	_ =	shalt  }
0x6e: {  	_ =	shalt  }
0x6f: {  	_ =	shalt  }
0x70: {  	_ =	shalt  }
0x71: {  	_ =	shalt  }
0x72: {  	_ =	shalt  }
0x73: {  	_ =	shalt  }
0x74: {  	_ =	shalt  }
0x75: {  	_ =	shalt  }
0x76: {  	_ =	shalt  }
0x77: {  	_ =	shalt  }
0x78: {  	_ =	shalt  }
0x79: {  	_ =	shalt  }
0x7a: {  	_ =	shalt  }
0x7b: {  	_ =	shalt  }
0x7c: {  	_ =	shalt  }
0x7d: {  	_ =	shalt  }
0x7e: {  	_ =	shalt  }
0x7f: {  	_ =	shalt  }
0x80: {  	_ =	shalt  }
0x81: {  	_ =	shalt  }
0x82: {  	_ =	shalt  }
0x83: {  	_ =	shalt  }
0x84: {  	_ =	shalt  }
0x85: {  	_ =	shalt  }
0x86: {  	_ =	shalt  }
0x87: {  	_ =	shalt  }
.Lfunc_end0:
.L_simem_size_0:
called_computation_lowered:
.L_overlay_start_0:
0x88: {  	s2 =	sld [smem:$0x3FD9]  }
0x89: {  	s3 =	sld [smem:$0x3FFE];
	_ =	sdelay $0x1  }
0x8a: {  	s1 =	srdreg.scid  }
0x8b: {  	s0 =	sand.u32 $0x1, s1  }
0x8c: {  	s17 =	sshll.u32 s0, $0xA;
	s2 =	sadd.s32 s3, s2  }
0x8d: {  	s2 =	sadd.s32 s2, s17  }
0x8e: {  	[smem:$0x3FC2] =	sst s2  }
0x8f: {  	_ = 	snop  }
0x90: {  	s2 =	sld [smem:$0x3FC9]  }
0x91: {  	s18 =	sld [smem:$0x3FC8]  }
0x92: {  	s4 =	sld [smem:$0x3FC5]  }
0x93: {  	s5 =	sld [smem:$0x3FC4]  }
0x94: {  	s6 =	sld [smem:$0x3FD0];
	(tm) =	ssettm $0x1  }
0x95: {  	s7 =	sld [smem:$0x3FFB];
	_ =	sdelay $0x3  }
0x96: {  	_ =	strace s7  }
0x97: {  	s7 =	sld [smem:$0x3FFC];
	_ =	sdelay $0x3  }
0x98: {  	_ =	strace s7  }
0x99: {  	s7 =	sld [smem:$0x3FFD];
	_ =	sdelay $0x3  }
0x9a: {  	_ =	strace s7  }
0x9b: {  	_ =	strace $0x8FFFFFFF  }
0x9c: {  	s19 =	sld [smem:$0x3FDB];
	_ =	sdelay $0x1  }
0x9d: {  	s8 =	simm.s32 $_scs_section_size  }
0x9e: {  	s9 =	simm.s32 $_size__tile_overlayer_lowered;
	s10 =	simm.s32 $_tile_overlayer_lowered  }
0x9f: {  	s22 =	simm.s32 $0x1BFF;
	s21 =	sshll.u32 s10, $0x1;
	s7 =	sadd.s32 s8, s19  }
0xa0: {  	s11 =	simm.s32 $0x0;
	s20 =	sshll.u32 s9, $0x1;
	s9 =	sadd.s32 s21, s7  }
0xa1: {  	[timem:s11], [sflag:s22] =	dma.local [hbm:s9], s20  }
0xa2: {  	_ =	swait.ge [sflag:s22], s20  }
0xa3: {  	s8 =	ssub.s32 $0x0, s20;
	[sflag:s22] =	ssyncset.done $0x0  }
0xa4: {  	[sflag:s22] =	ssyncadd.s32 s8;
	_ =	sdelay $0x1  }
0xa5: {  	s23 =	simm.s32 $0x1B8B  }
0xa6: {  	_ =	swait.ge [sflag:s23], $0x1  }
0xa7: {  	[sflag:s23] =	ssyncset.done $0x0  }
0xa8: {  	s25 =	simm.s32 $0x1B8E;
	s24 =	sld [smem:$0x3FFE];
	[sflag:s23] =	ssyncadd.s32 $0xFFFFFFFF  }
0xa9: {  	s26 =	simm.s32 $execute0_lowered;
	[smem:$0x3FD2] =	sst s25  }
0xaa: {  	s9 =	sshll.u32 s26, $0x1;
	_ =	strace $0x80000046;
	[dreg:$0x1] =	wrdreg $0xFFFFFFFF  }
0xab: {  	s28 =	simm.s32 $_size_execute0_lowered;
	s7 =	sadd.s32 s7, s9;
	[dreg:$0x0] =	wrdreg $0x0  }
0xac: {  	s9 =	sshll.u32 s28, $0x1;
	[dreg:$0x2] =	wrdreg s7  }
0xad: {  	[dreg:$0x3] =	wrdreg s9  }
0xae: {  	[dreg:$0x4] =	wrdreg $0xC0  }
0xaf: {  	_ =	task [dreg:s11], $0x5FFFF  }
0xb0: {  	[dreg:$0x1] =	wrdreg $0xFFFFFFFF  }
0xb1: {  	[dreg:$0x0] =	wrdreg $0x60  }
0xb2: {  	[dreg:$0x2] =	wrdreg s2  }
0xb3: {  	[dreg:$0x3] =	wrdreg s18  }
0xb4: {  	[dreg:$0x4] =	wrdreg s24  }
0xb5: {  	[dreg:$0x5] =	wrdreg s4  }
0xb6: {  	[dreg:$0x6] =	wrdreg s5  }
0xb7: {  	[dreg:$0x7] =	wrdreg s6  }
0xb8: {  	[dreg:$0x8] =	wrdreg $0x9  }
0xb9: {  	_ =	task.clear_ibuf [dreg:s11], $0x9FFFF;
	_ =	strace $0x90000046  }
0xba: {  	s29 =	simm.s32 $0x9;
	_ =	strace $0x80000048  }
0xbb: {  	_ =	swait.ge [sflag:s29], $0x1  }
0xbc: {  	[sflag:s29] =	ssyncadd.s32 $0xFFFFFFFF  }
0xbd: {  	_ =	strace $0x90000048  }
0xbe: {  	_ =	sfence  }
0xbf: {  	s30 =	sld [smem:$0x0];
	_ =	sdelay $0x2  }
0xc0: {  	s31 =	sshll.u32 s1, $0xD;
	s1 =	sshrl.u32 s1, $0x2  }
0xc1: {  	s3 =	sand.u32 $0x4000, s31;
	s1 =	sadd.s32 s1, s30  }
0xc2: {  	s0 =	sor.u32 s3, s0;
	s1 =	sshll.u32 s1, $0x11  }
0xc3: {  	s0 =	sor.u32 s1, s0  }
0xc4: {  	s0 =	sadd.s32 $0x8F2B, s0  }
0xc5: {  	[sflag:s0] =	ssyncadd.remote.s32 $0x1  }
0xc6: {  	_ =	sfence.sel $0xFFFF  }
0xc7: {  	[dreg:$0x0] =	wrdreg $0xFFFFFFFF;
	(pc) =	sbr.abs _section_cstart, $3  }
0xc8: {  	[dreg:$0x1] =	wrdreg $0xFFFFFFFF  }
0xc9: {  	_ =	task.clear_ibuf [dreg:s11], $0x2FFFF;
	_ =	strace $0x9FFFFFFF  }
0xca: {  	(tm) =	ssettm $0x7FFFFFFF  }
0xcb: {  	_ =	shalt  }
tec
execute0_lowered:
.L_overlay_start_1:
0x0: {  	(tag) =	ssettag $0x1  }
0x1: {  	s0 =	rddreg [dreg:$0x0]  }
0x2: {  	s1 =	rddreg [dreg:$0x1]  }
0x3: {  	s2 =	rddreg [dreg:$0x2]  }
0x4: {  	s4 =	rddreg [dreg:$0x5];
	s3 =	simm.s32 $0x0  }
0x5: {  	s5 =	srdreg.scid;
	s9 =	stileid.u32;
	s19 =	simm.s32 $0x4  }
0x6: {  	s12 =	simm.s32 $0x1F80;
	s13 =	simm.s32 $0x1180;
	s11 =	simm.s32 $0x2180  }
0x7: {  	s28 =	simm.s32 $0x1200;
	s29 =	simm.s32 $0x2200;
	s30 =	simm.s32 $0x1280  }
0x8: {  	s31 =	simm.s32 $0x2280;
	s14 =	simm.s32 $0x1380;
	s15 =	simm.s32 $0x2380  }
0x9: {  	s16 =	simm.s32 $0x1;
	s17 =	simm.s32 $0x2;
	s20 =	simm.s32 $0x0  }
0xa: {  	[smem:$0x7FF] =	sst s3;
	s6 =	sand.u32 $0x1, s5;
	s5 =	sadd.s32 $0x400, s2  }
0xb: {  	s9 =	sshll.u32 s9, $0x7;
	_ =	strace $0x80000047;
	s7 =	ssub.s32 $0x2, s6  }
0xc: {  	s10 =	sshll.u32 s6, $0x6;
	s6 =	sadd.s32 $0xF42800, s2;
	s2 =	simm.s32 $0x2100  }
0xd: {  	s8 =	sshrl.u32 s7, $0x1;
	s23 =	sor.u32 s10, s9;
	s25 =	sadd.s32 s4, s10  }
0xe: {  	s10 =	simm.s32 $0x2080;
	s4 =	simm.s32 $0x2300;
	s22 =	ssub.s32 s7, s8  }
0xf: {  	s0 =	sadd.s32 s0, s23;
	s24 =	sadd.s32 s1, s23;
	s23 =	simm.s32 $0x1E80  }
.Ltmp0:
0x10: {  	vm0 =	vmmov $0x1;
	vm1 =	vmmov $0x3;
	vm2 =	vmmov $0x7;
	s7 =	simm.s32 $0x1000;
	[dreg:$0x7] =	wrdreg s0;
	(pc) =	sbr.rel .LBB2_1-.Ltmp0, $4  }
0x11: {  	vm3 =	vmmov $0xf;
	vm4 =	vmmov $0x1f;
	vm5 =	vmmov $0x3f;
	s8 =	simm.s32 $0x2000;
	s1 =	simm.s32 $0x1100;
	[dreg:$0x8] =	wrdreg s24  }
0x12: {  	vm6 =	vmmov $0x7f;
	vm7 =	vmmov $0xff;
	vm8 =	vmmov $0x1ff;
	s0 =	sadd.s32 s9, s25;
	s26 =	smax.u32 s22, $0x1;
	s24 =	simm.s32 $0xF00  }
0x13: {  	vm9 =	vmmov $0x3ff;
	vm10 =	vmmov $0x7ff;
	vm11 =	vmmov $0xfff;
	s25 =	simm.s32 $0x1F00;
	s9 =	simm.s32 $0x1080;
	[dreg:$0x9] =	wrdreg s0  }
0x14: {  	vm12 =	vmmov $0x1fff;
	vm13 =	vmmov $0x3fff;
	vm14 =	vmmov $0x7fff;
	[dreg:$0xa] =	wrdreg s26;
	s26 =	simm.s32 $0xF80;
	s0 =	simm.s32 $0x1300  }
.LBB2_6:
0x15: {  	s18 =	rddreg [dreg:$0x9];
	s19 =	simm.s32 $0x2800  }
0x16: {  	[hbm4b:s18+s3] =	stream.linear.scatter [tilespmem:s19], [sflag:$0x4], $0x200, $0x38;
	[tilespmem:$0x2A00] =	vst v63  }
0x17: {  	s19 =	simm.s32 $0x4  }
0x18: {  	_ =	swait.ge [sflag:s19], $0x200  }
0x19: {  	s20 =	rddreg [dreg:$0xb]  }
0x1a: {  	s22 =	rddreg [dreg:$0xa];
	s20 =	sadd.s32 $0x1, s20  }
0x1b: {  	p0 =	sne.s32 s20, s22  }
.Ltmp1:
0x1c: {  	_ = 	snop;
	(pc) =	sbr.rel @!p0 .LBB2_7-.Ltmp1, $3  }
0x1d: {  	_ =	sdelay $0x1  }
0x1e: {  	[sflag:s19] =	ssyncset.done $0x0  }
0x1f: {  	[sflag:s19] =	ssyncadd.s32 $0xFFFFFE00  }
.LBB2_1:
0x20: {  	[dreg:$0xb] =	wrdreg s20  }
0x21: {  	s18 =	rddreg [dreg:$0x7]  }
0x22: {  	[tilespmem:s3], [sflag:$0x4] =	stream.linear.gather [hbm4b:s18+s3], $0x200, $0x38;
	[tilespmem:$0x2A00] =	vst v63  }
0x23: {  	_ =	swait.ge [sflag:s19], $0x200  }
0x24: {  	[sflag:s19] =	ssyncset.done $0x0  }
0x25: {  	s20 =	simm.s32 $0x200;
	s21 =	rddreg [dreg:$0x8];
	[sflag:s19] =	ssyncadd.s32 $0xFFFFFE00  }
0x26: {  	[tilespmem:s20], [sflag:$0x4] =	stream.linear.gather [hbm4b:s21+s3], $0x200, $0x38;
	[tilespmem:$0x2A00] =	vst v63  }
0x27: {  	_ =	swait.ge [sflag:s19], $0x200  }
0x28: {  	[sflag:s19] =	ssyncset.done $0x0  }
0x29: {  	[sflag:s19] =	ssyncadd.s32 $0xFFFFFE00  }
0x2a: {  	s22 =	simm.s32 $0x2400;
	s21 =	simm.s32 $0x80;
	s18 =	rddreg [dreg:$0x3]  }
0x2b: {  	[tilespmem:s22], [sflag:$0x3] =	stream.indirect.gather [hbm4b:s18+s21], $0x1, s3, s21, $0xb8;
	[tilespmem:$0x2A00] =	vst v63  }
0x2c: {  	s19 =	rddreg [dreg:$0x4];
	s22 =	simm.s32 $0x2600  }
0x2d: {  	[tilespmem:s22], [sflag:$0x3] =	stream.indirect.gather [hbm4b:s19+s21], $0x1, s20, s21, $0xb8;
	[tilespmem:$0x2A00] =	vst v63  }
0x2e: {  	s22 =	simm.s32 $0x2480  }
0x2f: {  	[tilespmem:s22], [sflag:$0x3] =	stream.indirect.gather [hbm4b:s18+s21], $0x1, s21, s21, $0xb8;
	[tilespmem:$0x2A00] =	vst v63  }
0x30: {  	s20 =	simm.s32 $0x280;
	s22 =	simm.s32 $0x2680  }
0x31: {  	[tilespmem:s22], [sflag:$0x3] =	stream.indirect.gather [hbm4b:s19+s21], $0x1, s20, s21, $0xb8;
	[tilespmem:$0x2A00] =	vst v63  }
0x32: {  	s20 =	simm.s32 $0x100;
	s22 =	simm.s32 $0x2500  }
0x33: {  	[tilespmem:s22], [sflag:$0x3] =	stream.indirect.gather [hbm4b:s18+s21], $0x1, s20, s21, $0xb8;
	[tilespmem:$0x2A00] =	vst v63  }
0x34: {  	s20 =	simm.s32 $0x300;
	s22 =	simm.s32 $0x2700  }
0x35: {  	[tilespmem:s22], [sflag:$0x3] =	stream.indirect.gather [hbm4b:s19+s21], $0x1, s20, s21, $0xb8;
	[tilespmem:$0x2A00] =	vst v63  }
0x36: {  	s20 =	simm.s32 $0x180;
	s22 =	simm.s32 $0x2580  }
0x37: {  	[tilespmem:s22], [sflag:$0x3] =	stream.indirect.gather [hbm4b:s18+s21], $0x1, s20, s21, $0xb8;
	[tilespmem:$0x2A00] =	vst v63  }
0x38: {  	s18 =	simm.s32 $0x380;
	s20 =	simm.s32 $0x2780  }
0x39: {  	[tilespmem:s20], [sflag:$0x3] =	stream.indirect.gather [hbm4b:s19+s21], $0x1, s18, s21, $0xb8;
	[tilespmem:$0x2A00] =	vst v63  }
0x3a: {  	v0 =	vld [tilespmem:$0x0];
	_ =	sdelay $0x1  }
0x3b: {  	v2 =	vld [tilespmem:$0x200];
	_ =	sdelay $0x2  }
0x3c: {  	v1 =	vshll.u32 v0, $0x4  }
0x3d: {  	(v2sf) =	vpush v1, $0x0  }
0x3e: {  	v59 =	vshll.u32 v2, $0x4  }
0x3f: {  	(v2sf) =	vpush v59, $0x0;
	_ =	sdelay $0x2  }
0x40: {  	(v2sf) =	vpush v1, $0x1;
	_ =	sdelay $0x2  }
0x41: {  	(v2sf) =	vpush v59, $0x1;
	_ =	sdelay $0x6  }
0x42: {  	s20 =	spop (v2sf);
	(v2sf) =	vpush v1, $0x2;
	_ =	sdelay $0x1  }
0x43: {  	s18 =	sand.u32 $0x1FFFFFF0, s20;
	s19 =	spop (v2sf);
	(v2sf) =	vpush v59, $0x2  }
0x44: {  	s21 =	simm.s32 $0x400;
	s18 =	sadd.s32 s5, s18  }
0x45: {  	[tilespmem:s21], [sflag:$0x1] =	stream.linear.gather [hbm4b:s18+s3], $0x80, $0x38;
	[tilespmem:$0x2A00] =	vst v63  }
0x46: {  	s20 =	spop (v2sf);
	(v2sf) =	vpush v1, $0x3;
	s18 =	sand.u32 $0x1FFFFFF0, s19  }
0x47: {  	s22 =	simm.s32 $0x1400;
	s18 =	sadd.s32 s6, s18  }
0x48: {  	[tilespmem:s22], [sflag:$0x1] =	stream.linear.gather [hbm4b:s18+s3], $0x80, $0x38;
	[tilespmem:$0x2A00] =	vst v63  }
0x49: {  	s18 =	sand.u32 $0x1FFFFFF0, s20;
	s20 =	spop (v2sf);
	(v2sf) =	vpush v59, $0x3;
	_ =	sdelay $0x3  }
0x4a: {  	s22 =	simm.s32 $0x480;
	s18 =	sadd.s32 s5, s18  }
0x4b: {  	[tilespmem:s22], [sflag:$0x1] =	stream.linear.gather [hbm4b:s18+s3], $0x80, $0x38;
	[tilespmem:$0x2A00] =	vst v63  }
0x4c: {  	s18 =	sand.u32 $0x1FFFFFF0, s20  }
0x4d: {  	s22 =	simm.s32 $0x1480;
	s18 =	sadd.s32 s6, s18;
	s20 =	spop (v2sf);
	(v2sf) =	vpush v1, $0x4  }
0x4e: {  	[tilespmem:s22], [sflag:$0x1] =	stream.linear.gather [hbm4b:s18+s3], $0x80, $0x38;
	[tilespmem:$0x2A00] =	vst v63  }
0x4f: {  	s18 =	sand.u32 $0x1FFFFFF0, s20;
	s20 =	spop (v2sf);
	(v2sf) =	vpush v59, $0x4  }
0x50: {  	s22 =	simm.s32 $0x500;
	s18 =	sadd.s32 s5, s18  }
0x51: {  	[tilespmem:s22], [sflag:$0x1] =	stream.linear.gather [hbm4b:s18+s3], $0x80, $0x38;
	[tilespmem:$0x2A00] =	vst v63  }
0x52: {  	s18 =	sand.u32 $0x1FFFFFF0, s20;
	s20 =	spop (v2sf);
	(v2sf) =	vpush v1, $0x5  }
0x53: {  	s22 =	simm.s32 $0x1500;
	s18 =	sadd.s32 s6, s18  }
0x54: {  	[tilespmem:s22], [sflag:$0x1] =	stream.linear.gather [hbm4b:s18+s3], $0x80, $0x38;
	[tilespmem:$0x2A00] =	vst v63  }
0x55: {  	s18 =	sand.u32 $0x1FFFFFF0, s20;
	s20 =	spop (v2sf);
	(v2sf) =	vpush v59, $0x5;
	_ =	sdelay $0x3  }
0x56: {  	s22 =	simm.s32 $0x580;
	s18 =	sadd.s32 s5, s18  }
0x57: {  	[tilespmem:s22], [sflag:$0x1] =	stream.linear.gather [hbm4b:s18+s3], $0x80, $0x38;
	[tilespmem:$0x2A00] =	vst v63  }
0x58: {  	s18 =	sand.u32 $0x1FFFFFF0, s20  }
0x59: {  	s22 =	simm.s32 $0x1580;
	s18 =	sadd.s32 s6, s18;
	s20 =	spop (v2sf);
	(v2sf) =	vpush v1, $0x6  }
0x5a: {  	[tilespmem:s22], [sflag:$0x1] =	stream.linear.gather [hbm4b:s18+s3], $0x80, $0x38;
	[tilespmem:$0x2A00] =	vst v63  }
0x5b: {  	s18 =	sand.u32 $0x1FFFFFF0, s20;
	s20 =	spop (v2sf);
	(v2sf) =	vpush v59, $0x6  }
0x5c: {  	s22 =	simm.s32 $0x600;
	s18 =	sadd.s32 s5, s18  }
0x5d: {  	[tilespmem:s22], [sflag:$0x1] =	stream.linear.gather [hbm4b:s18+s3], $0x80, $0x38;
	[tilespmem:$0x2A00] =	vst v63  }
0x5e: {  	s18 =	sand.u32 $0x1FFFFFF0, s20;
	s20 =	spop (v2sf);
	(v2sf) =	vpush v1, $0x7  }
0x5f: {  	s22 =	simm.s32 $0x1600;
	s18 =	sadd.s32 s6, s18  }
0x60: {  	[tilespmem:s22], [sflag:$0x1] =	stream.linear.gather [hbm4b:s18+s3], $0x80, $0x38;
	[tilespmem:$0x2A00] =	vst v63  }
0x61: {  	s18 =	sand.u32 $0x1FFFFFF0, s20;
	s20 =	spop (v2sf);
	(v2sf) =	vpush v59, $0x7;
	_ =	sdelay $0x3  }
0x62: {  	s22 =	simm.s32 $0x680;
	s18 =	sadd.s32 s5, s18  }
0x63: {  	[tilespmem:s22], [sflag:$0x1] =	stream.linear.gather [hbm4b:s18+s3], $0x80, $0x38;
	[tilespmem:$0x2A00] =	vst v63  }
0x64: {  	s18 =	sand.u32 $0x1FFFFFF0, s20  }
0x65: {  	s22 =	simm.s32 $0x1680;
	s18 =	sadd.s32 s6, s18;
	s20 =	spop (v2sf);
	(v2sf) =	vpush v1, $0x8  }
0x66: {  	[tilespmem:s22], [sflag:$0x1] =	stream.linear.gather [hbm4b:s18+s3], $0x80, $0x38;
	[tilespmem:$0x2A00] =	vst v63  }
0x67: {  	s18 =	sand.u32 $0x1FFFFFF0, s20;
	s20 =	spop (v2sf);
	(v2sf) =	vpush v59, $0x8  }
0x68: {  	s22 =	simm.s32 $0x700;
	s18 =	sadd.s32 s5, s18  }
0x69: {  	[tilespmem:s22], [sflag:$0x1] =	stream.linear.gather [hbm4b:s18+s3], $0x80, $0x38;
	[tilespmem:$0x2A00] =	vst v63  }
0x6a: {  	s18 =	sand.u32 $0x1FFFFFF0, s20;
	s20 =	spop (v2sf);
	(v2sf) =	vpush v1, $0x9  }
0x6b: {  	s22 =	simm.s32 $0x1700;
	s18 =	sadd.s32 s6, s18  }
0x6c: {  	[tilespmem:s22], [sflag:$0x1] =	stream.linear.gather [hbm4b:s18+s3], $0x80, $0x38;
	[tilespmem:$0x2A00] =	vst v63  }
0x6d: {  	s18 =	sand.u32 $0x1FFFFFF0, s20;
	s20 =	spop (v2sf);
	(v2sf) =	vpush v59, $0x9;
	_ =	sdelay $0x3  }
0x6e: {  	s22 =	simm.s32 $0x780;
	s18 =	sadd.s32 s5, s18  }
0x6f: {  	[tilespmem:s22], [sflag:$0x1] =	stream.linear.gather [hbm4b:s18+s3], $0x80, $0x38;
	[tilespmem:$0x2A00] =	vst v63  }
0x70: {  	s18 =	sand.u32 $0x1FFFFFF0, s20  }
0x71: {  	s22 =	simm.s32 $0x1780;
	s18 =	sadd.s32 s6, s18;
	s20 =	spop (v2sf);
	(v2sf) =	vpush v1, $0xA  }
0x72: {  	[tilespmem:s22], [sflag:$0x1] =	stream.linear.gather [hbm4b:s18+s3], $0x80, $0x38;
	[tilespmem:$0x2A00] =	vst v63  }
0x73: {  	s18 =	sand.u32 $0x1FFFFFF0, s20;
	s20 =	spop (v2sf);
	(v2sf) =	vpush v59, $0xA  }
0x74: {  	s22 =	simm.s32 $0x800;
	s18 =	sadd.s32 s5, s18  }
0x75: {  	[tilespmem:s22], [sflag:$0x1] =	stream.linear.gather [hbm4b:s18+s3], $0x80, $0x38;
	[tilespmem:$0x2A00] =	vst v63  }
0x76: {  	s18 =	sand.u32 $0x1FFFFFF0, s20;
	s20 =	spop (v2sf);
	(v2sf) =	vpush v1, $0xB  }
0x77: {  	s22 =	simm.s32 $0x1800;
	s18 =	sadd.s32 s6, s18  }
0x78: {  	[tilespmem:s22], [sflag:$0x1] =	stream.linear.gather [hbm4b:s18+s3], $0x80, $0x38;
	[tilespmem:$0x2A00] =	vst v63  }
0x79: {  	s18 =	sand.u32 $0x1FFFFFF0, s20;
	s20 =	spop (v2sf);
	(v2sf) =	vpush v59, $0xB;
	_ =	sdelay $0x3  }
0x7a: {  	s22 =	simm.s32 $0x880;
	s18 =	sadd.s32 s5, s18  }
0x7b: {  	[tilespmem:s22], [sflag:$0x1] =	stream.linear.gather [hbm4b:s18+s3], $0x80, $0x38;
	[tilespmem:$0x2A00] =	vst v63  }
0x7c: {  	s18 =	sand.u32 $0x1FFFFFF0, s20  }
0x7d: {  	s22 =	simm.s32 $0x1880;
	s18 =	sadd.s32 s6, s18;
	s20 =	spop (v2sf);
	(v2sf) =	vpush v1, $0xC  }
0x7e: {  	[tilespmem:s22], [sflag:$0x1] =	stream.linear.gather [hbm4b:s18+s3], $0x80, $0x38;
	[tilespmem:$0x2A00] =	vst v63  }
0x7f: {  	s18 =	sand.u32 $0x1FFFFFF0, s20;
	s20 =	spop (v2sf);
	(v2sf) =	vpush v59, $0xC  }
0x80: {  	s22 =	simm.s32 $0x900;
	s18 =	sadd.s32 s5, s18  }
0x81: {  	[tilespmem:s22], [sflag:$0x1] =	stream.linear.gather [hbm4b:s18+s3], $0x80, $0x38;
	[tilespmem:$0x2A00] =	vst v63  }
0x82: {  	s18 =	sand.u32 $0x1FFFFFF0, s20;
	s20 =	spop (v2sf);
	(v2sf) =	vpush v1, $0xD  }
0x83: {  	s22 =	simm.s32 $0x1900;
	s18 =	sadd.s32 s6, s18  }
0x84: {  	[tilespmem:s22], [sflag:$0x1] =	stream.linear.gather [hbm4b:s18+s3], $0x80, $0x38;
	[tilespmem:$0x2A00] =	vst v63  }
0x85: {  	s18 =	sand.u32 $0x1FFFFFF0, s20;
	s20 =	spop (v2sf);
	(v2sf) =	vpush v59, $0xD;
	_ =	sdelay $0x3  }
0x86: {  	s22 =	simm.s32 $0x980;
	s18 =	sadd.s32 s5, s18  }
0x87: {  	[tilespmem:s22], [sflag:$0x1] =	stream.linear.gather [hbm4b:s18+s3], $0x80, $0x38;
	[tilespmem:$0x2A00] =	vst v63  }
0x88: {  	s18 =	sand.u32 $0x1FFFFFF0, s20  }
0x89: {  	s22 =	simm.s32 $0x1980;
	s18 =	sadd.s32 s6, s18;
	s20 =	spop (v2sf);
	(v2sf) =	vpush v1, $0xE  }
0x8a: {  	[tilespmem:s22], [sflag:$0x1] =	stream.linear.gather [hbm4b:s18+s3], $0x80, $0x38;
	[tilespmem:$0x2A00] =	vst v63  }
0x8b: {  	s18 =	sand.u32 $0x1FFFFFF0, s20;
	s20 =	spop (v2sf);
	(v2sf) =	vpush v59, $0xE  }
0x8c: {  	s22 =	simm.s32 $0xA00;
	s18 =	sadd.s32 s5, s18  }
0x8d: {  	[tilespmem:s22], [sflag:$0x1] =	stream.linear.gather [hbm4b:s18+s3], $0x80, $0x38;
	[tilespmem:$0x2A00] =	vst v63  }
0x8e: {  	s18 =	sand.u32 $0x1FFFFFF0, s20;
	s20 =	spop (v2sf);
	(v2sf) =	vpush v1, $0xF  }
0x8f: {  	s22 =	simm.s32 $0x1A00;
	s18 =	sadd.s32 s6, s18  }
0x90: {  	[tilespmem:s22], [sflag:$0x1] =	stream.linear.gather [hbm4b:s18+s3], $0x80, $0x38;
	[tilespmem:$0x2A00] =	vst v63  }
0x91: {  	s18 =	sand.u32 $0x1FFFFFF0, s20;
	s20 =	spop (v2sf);
	(v2sf) =	vpush v59, $0xF;
	_ =	sdelay $0x1  }
0x92: {  	s22 =	simm.s32 $0xA80;
	s18 =	sadd.s32 s5, s18  }
0x93: {  	[tilespmem:s22], [sflag:$0x1] =	stream.linear.gather [hbm4b:s18+s3], $0x80, $0x38;
	[tilespmem:$0x2A00] =	vst v63  }
0x94: {  	s18 =	sand.u32 $0x1FFFFFF0, s20  }
0x95: {  	s22 =	simm.s32 $0x1A80;
	s18 =	sadd.s32 s6, s18  }
0x96: {  	[tilespmem:s22], [sflag:$0x1] =	stream.linear.gather [hbm4b:s18+s3], $0x80, $0x38;
	[tilespmem:$0x2A00] =	vst v63  }
0x97: {  	s20 =	spop (v2sf)  }
0x98: {  	s18 =	sand.u32 $0x1FFFFFF0, s20  }
0x99: {  	s22 =	simm.s32 $0xB00;
	s20 =	spop (v2sf);
	s18 =	sadd.s32 s5, s18  }
0x9a: {  	[tilespmem:s22], [sflag:$0x1] =	stream.linear.gather [hbm4b:s18+s3], $0x80, $0x38;
	[tilespmem:$0x2A00] =	vst v63  }
0x9b: {  	s18 =	sand.u32 $0x1FFFFFF0, s20  }
0x9c: {  	s22 =	simm.s32 $0x1B00;
	s20 =	spop (v2sf);
	s18 =	sadd.s32 s6, s18  }
0x9d: {  	[tilespmem:s22], [sflag:$0x1] =	stream.linear.gather [hbm4b:s18+s3], $0x80, $0x38;
	[tilespmem:$0x2A00] =	vst v63  }
0x9e: {  	s18 =	sand.u32 $0x1FFFFFF0, s20  }
0x9f: {  	s22 =	simm.s32 $0xB80;
	s20 =	spop (v2sf);
	s18 =	sadd.s32 s5, s18  }
0xa0: {  	[tilespmem:s22], [sflag:$0x1] =	stream.linear.gather [hbm4b:s18+s3], $0x80, $0x38;
	[tilespmem:$0x2A00] =	vst v63  }
0xa1: {  	s18 =	sand.u32 $0x1FFFFFF0, s20  }
0xa2: {  	s22 =	simm.s32 $0x1B80;
	s18 =	sadd.s32 s6, s18  }
0xa3: {  	[tilespmem:s22], [sflag:$0x1] =	stream.linear.gather [hbm4b:s18+s3], $0x80, $0x38;
	[tilespmem:$0x2A00] =	vst v63  }
0xa4: {  	v60 =	vld [tilespmem:$0x10];
	_ =	sdelay $0x1  }
0xa5: {  	v61 =	vld [tilespmem:$0x210];
	_ =	sdelay $0x2  }
0xa6: {  	v62 =	vshll.u32 v60, $0x4  }
0xa7: {  	(v2sf) =	vpush v62, $0x0  }
0xa8: {  	v63 =	vshll.u32 v61, $0x4  }
0xa9: {  	(v2sf) =	vpush v63, $0x0;
	_ =	sdelay $0x2  }
0xaa: {  	(v2sf) =	vpush v62, $0x1;
	_ =	sdelay $0x2  }
0xab: {  	(v2sf) =	vpush v63, $0x1;
	_ =	sdelay $0x6  }
0xac: {  	s20 =	spop (v2sf);
	(v2sf) =	vpush v62, $0x2;
	_ =	sdelay $0x1  }
0xad: {  	s18 =	sand.u32 $0x1FFFFFF0, s20;
	s20 =	spop (v2sf);
	(v2sf) =	vpush v63, $0x2  }
0xae: {  	s22 =	simm.s32 $0xC00;
	s18 =	sadd.s32 s5, s18  }
0xaf: {  	[tilespmem:s22], [sflag:$0x2] =	stream.linear.gather [hbm4b:s18+s3], $0x80, $0x38;
	[tilespmem:$0x2A00] =	vst v63  }
0xb0: {  	s18 =	sand.u32 $0x1FFFFFF0, s20;
	s20 =	spop (v2sf);
	(v2sf) =	vpush v62, $0x3  }
0xb1: {  	s22 =	simm.s32 $0x1C00;
	s18 =	sadd.s32 s6, s18  }
0xb2: {  	[tilespmem:s22], [sflag:$0x2] =	stream.linear.gather [hbm4b:s18+s3], $0x80, $0x38;
	[tilespmem:$0x2A00] =	vst v63  }
0xb3: {  	s18 =	sand.u32 $0x1FFFFFF0, s20;
	s20 =	spop (v2sf);
	(v2sf) =	vpush v63, $0x3;
	_ =	sdelay $0x3  }
0xb4: {  	s22 =	simm.s32 $0xC80;
	s18 =	sadd.s32 s5, s18  }
0xb5: {  	[tilespmem:s22], [sflag:$0x2] =	stream.linear.gather [hbm4b:s18+s3], $0x80, $0x38;
	[tilespmem:$0x2A00] =	vst v63  }
0xb6: {  	s18 =	sand.u32 $0x1FFFFFF0, s20  }
0xb7: {  	s22 =	simm.s32 $0x1C80;
	s18 =	sadd.s32 s6, s18;
	s20 =	spop (v2sf);
	(v2sf) =	vpush v62, $0x4  }
0xb8: {  	[tilespmem:s22], [sflag:$0x2] =	stream.linear.gather [hbm4b:s18+s3], $0x80, $0x38;
	[tilespmem:$0x2A00] =	vst v63  }
0xb9: {  	s18 =	sand.u32 $0x1FFFFFF0, s20;
	s20 =	spop (v2sf);
	(v2sf) =	vpush v63, $0x4  }
0xba: {  	s22 =	simm.s32 $0xD00;
	s18 =	sadd.s32 s5, s18  }
0xbb: {  	[tilespmem:s22], [sflag:$0x2] =	stream.linear.gather [hbm4b:s18+s3], $0x80, $0x38;
	[tilespmem:$0x2A00] =	vst v63  }
0xbc: {  	s18 =	sand.u32 $0x1FFFFFF0, s20;
	s20 =	spop (v2sf);
	(v2sf) =	vpush v62, $0x5  }
0xbd: {  	s22 =	simm.s32 $0x1D00;
	s18 =	sadd.s32 s6, s18  }
0xbe: {  	[tilespmem:s22], [sflag:$0x2] =	stream.linear.gather [hbm4b:s18+s3], $0x80, $0x38;
	[tilespmem:$0x2A00] =	vst v63  }
0xbf: {  	s18 =	sand.u32 $0x1FFFFFF0, s20;
	s20 =	spop (v2sf);
	(v2sf) =	vpush v63, $0x5;
	_ =	sdelay $0x3  }
0xc0: {  	s22 =	simm.s32 $0xD80;
	s18 =	sadd.s32 s5, s18  }
0xc1: {  	[tilespmem:s22], [sflag:$0x2] =	stream.linear.gather [hbm4b:s18+s3], $0x80, $0x38;
	[tilespmem:$0x2A00] =	vst v63  }
0xc2: {  	s18 =	sand.u32 $0x1FFFFFF0, s20  }
0xc3: {  	s22 =	simm.s32 $0x1D80;
	s18 =	sadd.s32 s6, s18;
	s20 =	spop (v2sf);
	(v2sf) =	vpush v62, $0x6  }
0xc4: {  	[tilespmem:s22], [sflag:$0x2] =	stream.linear.gather [hbm4b:s18+s3], $0x80, $0x38;
	[tilespmem:$0x2A00] =	vst v63  }
0xc5: {  	s18 =	sand.u32 $0x1FFFFFF0, s20;
	s20 =	spop (v2sf);
	(v2sf) =	vpush v63, $0x6  }
0xc6: {  	s22 =	simm.s32 $0xE00;
	s18 =	sadd.s32 s5, s18  }
0xc7: {  	[tilespmem:s22], [sflag:$0x2] =	stream.linear.gather [hbm4b:s18+s3], $0x80, $0x38;
	[tilespmem:$0x2A00] =	vst v63  }
0xc8: {  	s18 =	sand.u32 $0x1FFFFFF0, s20;
	s19 =	spop (v2sf);
	(v2sf) =	vpush v62, $0x7  }
0xc9: {  	s22 =	simm.s32 $0x1E00;
	s18 =	sadd.s32 s6, s18  }
0xca: {  	[tilespmem:s22], [sflag:$0x2] =	stream.linear.gather [hbm4b:s18+s3], $0x80, $0x38;
	[tilespmem:$0x2A00] =	vst v63  }
0xcb: {  	s22 =	spop (v2sf);
	(v2sf) =	vpush v63, $0x7;
	_ =	sdelay $0x5  }
0xcc: {  	s18 =	sand.u32 $0x1FFFFFF0, s19  }
0xcd: {  	s20 =	simm.s32 $0xE80;
	s18 =	sadd.s32 s5, s18;
	s19 =	spop (v2sf);
	(v2sf) =	vpush v62, $0x8  }
0xce: {  	[tilespmem:s20], [sflag:$0x2] =	stream.linear.gather [hbm4b:s18+s3], $0x80, $0x38;
	[tilespmem:$0x2A00] =	vst v63  }
0xcf: {  	s20 =	spop (v2sf);
	(v2sf) =	vpush v63, $0x8;
	_ =	sdelay $0x2  }
0xd0: {  	s18 =	sand.u32 $0x1FFFFFF0, s22;
	s22 =	spop (v2sf);
	(v2sf) =	vpush v62, $0x9  }
0xd1: {  	s18 =	sadd.s32 s6, s18  }
0xd2: {  	[tilespmem:s23], [sflag:$0x2] =	stream.linear.gather [hbm4b:s18+s3], $0x80, $0x38;
	[tilespmem:$0x2A00] =	vst v63  }
0xd3: {  	s18 =	sand.u32 $0x1FFFFFF0, s19;
	s19 =	spop (v2sf);
	(v2sf) =	vpush v63, $0x9;
	_ =	sdelay $0x3  }
0xd4: {  	s18 =	sadd.s32 s5, s18  }
0xd5: {  	[tilespmem:s24], [sflag:$0x2] =	stream.linear.gather [hbm4b:s18+s3], $0x80, $0x38;
	[tilespmem:$0x2A00] =	vst v63  }
0xd6: {  	s18 =	sand.u32 $0x1FFFFFF0, s20  }
0xd7: {  	s18 =	sadd.s32 s6, s18;
	s20 =	spop (v2sf);
	(v2sf) =	vpush v62, $0xA  }
0xd8: {  	[tilespmem:s25], [sflag:$0x2] =	stream.linear.gather [hbm4b:s18+s3], $0x80, $0x38;
	[tilespmem:$0x2A00] =	vst v63  }
0xd9: {  	s18 =	sand.u32 $0x1FFFFFF0, s22;
	s22 =	spop (v2sf);
	(v2sf) =	vpush v63, $0xA  }
0xda: {  	s18 =	sadd.s32 s5, s18  }
0xdb: {  	[tilespmem:s26], [sflag:$0x2] =	stream.linear.gather [hbm4b:s18+s3], $0x80, $0x38;
	[tilespmem:$0x2A00] =	vst v63  }
0xdc: {  	s18 =	sand.u32 $0x1FFFFFF0, s19;
	s19 =	spop (v2sf);
	(v2sf) =	vpush v62, $0xB  }
0xdd: {  	s18 =	sadd.s32 s6, s18  }
0xde: {  	[tilespmem:s12], [sflag:$0x2] =	stream.linear.gather [hbm4b:s18+s3], $0x80, $0x38;
	[tilespmem:$0x2A00] =	vst v63  }
0xdf: {  	s18 =	sand.u32 $0x1FFFFFF0, s20;
	s20 =	spop (v2sf);
	(v2sf) =	vpush v63, $0xB  }
0xe0: {  	s18 =	sadd.s32 s5, s18  }
0xe1: {  	[tilespmem:s7], [sflag:$0x2] =	stream.linear.gather [hbm4b:s18+s3], $0x80, $0x38;
	[tilespmem:$0x2A00] =	vst v63  }
0xe2: {  	s18 =	sand.u32 $0x1FFFFFF0, s22  }
0xe3: {  	s18 =	sadd.s32 s6, s18  }
0xe4: {  	[tilespmem:s8], [sflag:$0x2] =	stream.linear.gather [hbm4b:s18+s3], $0x80, $0x38;
	[tilespmem:$0x2A00] =	vst v63  }
0xe5: {  	s18 =	sand.u32 $0x1FFFFFF0, s19  }
0xe6: {  	s18 =	sadd.s32 s5, s18;
	s22 =	spop (v2sf);
	(v2sf) =	vpush v62, $0xC  }
0xe7: {  	[tilespmem:s9], [sflag:$0x2] =	stream.linear.gather [hbm4b:s18+s3], $0x80, $0x38;
	[tilespmem:$0x2A00] =	vst v63  }
0xe8: {  	s18 =	sand.u32 $0x1FFFFFF0, s20;
	s19 =	spop (v2sf);
	(v2sf) =	vpush v63, $0xC  }
0xe9: {  	s18 =	sadd.s32 s6, s18  }
0xea: {  	[tilespmem:s10], [sflag:$0x2] =	stream.linear.gather [hbm4b:s18+s3], $0x80, $0x38;
	[tilespmem:$0x2A00] =	vst v63  }
0xeb: {  	s18 =	sand.u32 $0x1FFFFFF0, s22;
	s20 =	spop (v2sf);
	(v2sf) =	vpush v62, $0xD  }
0xec: {  	s18 =	sadd.s32 s5, s18  }
0xed: {  	[tilespmem:s1], [sflag:$0x2] =	stream.linear.gather [hbm4b:s18+s3], $0x80, $0x38;
	[tilespmem:$0x2A00] =	vst v63  }
0xee: {  	s18 =	sand.u32 $0x1FFFFFF0, s19;
	s22 =	spop (v2sf);
	(v2sf) =	vpush v63, $0xD  }
0xef: {  	s18 =	sadd.s32 s6, s18  }
0xf0: {  	[tilespmem:s2], [sflag:$0x2] =	stream.linear.gather [hbm4b:s18+s3], $0x80, $0x38;
	[tilespmem:$0x2A00] =	vst v63  }
0xf1: {  	s18 =	sand.u32 $0x1FFFFFF0, s20  }
0xf2: {  	s18 =	sadd.s32 s5, s18  }
0xf3: {  	[tilespmem:s13], [sflag:$0x2] =	stream.linear.gather [hbm4b:s18+s3], $0x80, $0x38;
	[tilespmem:$0x2A00] =	vst v63  }
0xf4: {  	s18 =	sand.u32 $0x1FFFFFF0, s22  }
0xf5: {  	s18 =	sadd.s32 s6, s18;
	s19 =	spop (v2sf);
	(v2sf) =	vpush v62, $0xE  }
0xf6: {  	[tilespmem:s11], [sflag:$0x2] =	stream.linear.gather [hbm4b:s18+s3], $0x80, $0x38;
	[tilespmem:$0x2A00] =	vst v63  }
0xf7: {  	s18 =	sand.u32 $0x1FFFFFF0, s19;
	s20 =	spop (v2sf);
	(v2sf) =	vpush v63, $0xE  }
0xf8: {  	s18 =	sadd.s32 s5, s18  }
0xf9: {  	[tilespmem:s28], [sflag:$0x2] =	stream.linear.gather [hbm4b:s18+s3], $0x80, $0x38;
	[tilespmem:$0x2A00] =	vst v63  }
0xfa: {  	s18 =	sand.u32 $0x1FFFFFF0, s20;
	s22 =	spop (v2sf);
	(v2sf) =	vpush v62, $0xF  }
0xfb: {  	s18 =	sadd.s32 s6, s18  }
0xfc: {  	[tilespmem:s29], [sflag:$0x2] =	stream.linear.gather [hbm4b:s18+s3], $0x80, $0x38;
	[tilespmem:$0x2A00] =	vst v63  }
0xfd: {  	s19 =	spop (v2sf);
	(v2sf) =	vpush v63, $0xF  }
0xfe: {  	s18 =	sand.u32 $0x1FFFFFF0, s22  }
0xff: {  	s18 =	sadd.s32 s5, s18  }
0x100: {  	[tilespmem:s30], [sflag:$0x2] =	stream.linear.gather [hbm4b:s18+s3], $0x80, $0x38;
	[tilespmem:$0x2A00] =	vst v63  }
0x101: {  	s18 =	sand.u32 $0x1FFFFFF0, s19  }
0x102: {  	s18 =	sadd.s32 s6, s18  }
0x103: {  	[tilespmem:s31], [sflag:$0x2] =	stream.linear.gather [hbm4b:s18+s3], $0x80, $0x38;
	[tilespmem:$0x2A00] =	vst v63  }
0x104: {  	s20 =	spop (v2sf)  }
0x105: {  	s18 =	sand.u32 $0x1FFFFFF0, s20  }
0x106: {  	s22 =	spop (v2sf);
	s18 =	sadd.s32 s5, s18  }
0x107: {  	[tilespmem:s0], [sflag:$0x2] =	stream.linear.gather [hbm4b:s18+s3], $0x80, $0x38;
	[tilespmem:$0x2A00] =	vst v63  }
0x108: {  	s18 =	sand.u32 $0x1FFFFFF0, s22  }
0x109: {  	s19 =	spop (v2sf);
	s18 =	sadd.s32 s6, s18  }
0x10a: {  	[tilespmem:s4], [sflag:$0x2] =	stream.linear.gather [hbm4b:s18+s3], $0x80, $0x38;
	[tilespmem:$0x2A00] =	vst v63  }
0x10b: {  	s18 =	sand.u32 $0x1FFFFFF0, s19  }
0x10c: {  	s20 =	spop (v2sf);
	s18 =	sadd.s32 s5, s18  }
0x10d: {  	[tilespmem:s14], [sflag:$0x2] =	stream.linear.gather [hbm4b:s18+s3], $0x80, $0x38;
	[tilespmem:$0x2A00] =	vst v63  }
0x10e: {  	s18 =	sand.u32 $0x1FFFFFF0, s20  }
0x10f: {  	s22 =	simm.s32 $0x3;
	s18 =	sadd.s32 s6, s18  }
0x110: {  	[tilespmem:s15], [sflag:$0x2] =	stream.linear.gather [hbm4b:s18+s3], $0x80, $0x38;
	[tilespmem:$0x2A00] =	vst v63  }
0x111: {  	_ =	swait.ge [sflag:s22], $0x80  }
0x112: {  	[sflag:s22] =	ssyncset.done $0x0  }
0x113: {  	[sflag:s22] =	ssyncadd.s32 $0xFFFFFF80  }
0x114: {  	_ =	swait.ge [sflag:s22], $0x80  }
0x115: {  	[sflag:s22] =	ssyncset.done $0x0  }
0x116: {  	[sflag:s22] =	ssyncadd.s32 $0xFFFFFF80  }
0x117: {  	_ =	swait.ge [sflag:s22], $0x80  }
0x118: {  	[sflag:s22] =	ssyncset.done $0x0  }
0x119: {  	[sflag:s22] =	ssyncadd.s32 $0xFFFFFF80  }
0x11a: {  	_ =	swait.ge [sflag:s22], $0x80  }
0x11b: {  	[sflag:s22] =	ssyncset.done $0x0  }
0x11c: {  	[sflag:s22] =	ssyncadd.s32 $0xFFFFFF80  }
0x11d: {  	_ =	swait.ge [sflag:s22], $0x80  }
0x11e: {  	[sflag:s22] =	ssyncset.done $0x0  }
0x11f: {  	[sflag:s22] =	ssyncadd.s32 $0xFFFFFF80  }
0x120: {  	_ =	swait.ge [sflag:s22], $0x80  }
0x121: {  	[sflag:s22] =	ssyncset.done $0x0  }
0x122: {  	[sflag:s22] =	ssyncadd.s32 $0xFFFFFF80  }
0x123: {  	_ =	swait.ge [sflag:s22], $0x80  }
0x124: {  	[sflag:s22] =	ssyncset.done $0x0  }
0x125: {  	[sflag:s22] =	ssyncadd.s32 $0xFFFFFF80  }
0x126: {  	_ =	swait.ge [sflag:s22], $0x80  }
0x127: {  	[sflag:s22] =	ssyncset.done $0x0  }
0x128: {  	s18 =	simm.s32 $0x0;
	[sflag:s22] =	ssyncadd.s32 $0xFFFFFF80  }
.LBB2_2:
0x129: {  	_ =	swait.ge [sflag:s16], $0x800  }
0x12a: {  	[sflag:s16] =	ssyncset.done $0x0  }
0x12b: {  	[sflag:s16] =	ssyncadd.s32 $0xFFFFF800  }
0x12c: {  	_ =	swait.ge [sflag:s16], $0x800  }
0x12d: {  	[sflag:s16] =	ssyncset.done $0x0  }
0x12e: {  	[sflag:s16] =	ssyncadd.s32 $0xFFFFF800  }
0x12f: {  	v0 =	vld [tilespmem:$0x400]  }
0x130: {  	v1 =	vld [tilespmem:$0x1400]  }
0x131: {  	v2 =	vld [tilespmem:$0x410]  }
0x132: {  	v3 =	vld [tilespmem:$0x1410]  }
0x133: {  	v4 =	vld [tilespmem:$0x420]  }
0x134: {  	v5 =	vld [tilespmem:$0x1420]  }
0x135: {  	v6 =	vld [tilespmem:$0x430]  }
0x136: {  	v62 =	vld [tilespmem:$0x1430]  }
0x137: {  	v8 =	vld [tilespmem:$0x480]  }
0x138: {  	v9 =	vld [tilespmem:$0x1480]  }
0x139: {  	v10 =	vld [tilespmem:$0x490]  }
0x13a: {  	v11 =	vld [tilespmem:$0x1490]  }
0x13b: {  	v22 =	vld [tilespmem:$0x4A0]  }
0x13c: {  	v13 =	vld [tilespmem:$0x14A0]  }
0x13d: {  	v23 =	vld [tilespmem:$0x4B0]  }
0x13e: {  	v15 =	vld [tilespmem:$0x14B0]  }
0x13f: {  	v16 =	vld [tilespmem:$0x500]  }
0x140: {  	v17 =	vld [tilespmem:$0x1500]  }
0x141: {  	v18 =	vld [tilespmem:$0x510]  }
0x142: {  	v19 =	vld [tilespmem:$0x1510]  }
0x143: {  	v20 =	vld [tilespmem:$0x520]  }
0x144: {  	v21 =	vld [tilespmem:$0x1520]  }
0x145: {  	v38 =	vld [tilespmem:$0x530]  }
0x146: {  	v30 =	vld [tilespmem:$0x1530]  }
0x147: {  	v24 =	vld [tilespmem:$0x580]  }
0x148: {  	v25 =	vld [tilespmem:$0x1580]  }
0x149: {  	v26 =	vld [tilespmem:$0x590]  }
0x14a: {  	v27 =	vld [tilespmem:$0x1590]  }
0x14b: {  	v28 =	vld [tilespmem:$0x5A0]  }
0x14c: {  	v29 =	vld [tilespmem:$0x15A0]  }
0x14d: {  	v53 =	vld [tilespmem:$0x5B0]  }
0x14e: {  	v54 =	vld [tilespmem:$0x15B0]  }
0x14f: {  	v32 =	vld [tilespmem:$0x600]  }
0x150: {  	v33 =	vld [tilespmem:$0x1600]  }
0x151: {  	v34 =	vld [tilespmem:$0x610]  }
0x152: {  	v35 =	vld [tilespmem:$0x1610]  }
0x153: {  	v55 =	vld [tilespmem:$0x620]  }
0x154: {  	v52 =	vld [tilespmem:$0x1620]  }
0x155: {  	v56 =	vld [tilespmem:$0x630]  }
0x156: {  	v60 =	vld [tilespmem:$0x1630]  }
0x157: {  	v40 =	vld [tilespmem:$0x680]  }
0x158: {  	v41 =	vld [tilespmem:$0x1680]  }
0x159: {  	v42 =	vld [tilespmem:$0x690]  }
0x15a: {  	v43 =	vld [tilespmem:$0x1690]  }
0x15b: {  	v44 =	vld [tilespmem:$0x6A0]  }
0x15c: {  	v45 =	vld [tilespmem:$0x16A0]  }
0x15d: {  	v57 =	vld [tilespmem:$0x6B0]  }
0x15e: {  	v58 =	vld [tilespmem:$0x16B0]  }
0x15f: {  	v48 =	vld [tilespmem:$0x700]  }
0x160: {  	v49 =	vld [tilespmem:$0x1700]  }
0x161: {  	v50 =	vld [tilespmem:$0x710]  }
0x162: {  	v51 =	vld [tilespmem:$0x1710]  }
0x163: {  	v59 =	vld [tilespmem:$0x720]  }
0x164: {  	v61 =	vld [tilespmem:$0x730]  }
0x165: {  	v63 =	vld [tilespmem:$0x1730]  }
0x166: {  	v12 =	vld [tilespmem:$0x7A0]  }
0x167: {  	v14 =	vld [tilespmem:$0x17A0]  }
0x168: {  	v31 =	vld [tilespmem:$0x7B0]  }
0x169: {  	v36 =	vld [tilespmem:$0x17B0]  }
0x16a: {  	v7 =	vld [tilespmem:$0x810]  }
0x16b: {  	v37 =	vld [tilespmem:$0x830]  }
0x16c: {  	v39 =	vld [tilespmem:$0x1830]  }
0x16d: {  	v47 =	vld [tilespmem:$0x1880]  }
0x16e: {  	v46 =	vld [tilespmem:$0x18A0]  }
0x16f: {  	[tilespmem:$0x1FE30] =	vst v53;
	v53 =	vld [tilespmem:$0x1720]  }
0x170: {  	[tilespmem:$0x1FE60] =	vst v56;
	v56 =	vld [tilespmem:$0x780]  }
0x171: {  	[tilespmem:$0x1FE70] =	vst v57;
	v57 =	vld [tilespmem:$0x1780]  }
0x172: {  	[tilespmem:$0x1FE80] =	vst v58;
	v58 =	vld [tilespmem:$0x790]  }
0x173: {  	[tilespmem:$0x1FE90] =	vst v59;
	v59 =	vld [tilespmem:$0x1790]  }
0x174: {  	[tilespmem:$0x1FED0] =	vst v14;
	v14 =	vld [tilespmem:$0x800]  }
0x175: {  	[tilespmem:$0x1FEC0] =	vst v12;
	v12 =	vld [tilespmem:$0x1800]  }
0x176: {  	[tilespmem:$0x1FE20] =	vst v6;
	v6 =	vld [tilespmem:$0x1810]  }
0x177: {  	[tilespmem:$0x1FEE0] =	vst v31;
	v31 =	vld [tilespmem:$0x820]  }
0x178: {  	[tilespmem:$0x1FE40] =	vst v54;
	v54 =	vld [tilespmem:$0x1820]  }
0x179: {  	[tilespmem:$0x1FEA0] =	vst v61;
	v61 =	vld [tilespmem:$0x880]  }
0x17a: {  	[tilespmem:$0x1FF10] =	vst v37;
	v37 =	vld [tilespmem:$0x890]  }
0x17b: {  	[tilespmem:$0x1FEF0] =	vst v36;
	v36 =	vld [tilespmem:$0x8A0]  }
0x17c: {  	[tilespmem:$0x1FE50] =	vst v55;
	v55 =	vld [tilespmem:$0x8B0]  }
0x17d: {  	[tilespmem:$0x1FEB0] =	vst v63;
	v63 =	vld [tilespmem:$0x18B0]  }
0x17e: {  	[tilespmem:$0x1FF40] =	vst v46;
	v46 =	vld [tilespmem:$0x900]  }
0x17f: {  	[tilespmem:$0x1FF20] =	vst v39;
	v39 =	vld [tilespmem:$0x1980]  }
0x180: {  	v0 =	vmul.f32 v1, v0;
	v22 =	vmul.f32 v13, v22;
	v13 =	vld [tilespmem:$0xA10]  }
0x181: {  	v1 =	vmul.f32 v17, v16;
	v15 =	vmul.f32 v15, v23;
	v17 =	vld [tilespmem:$0x1A10]  }
0x182: {  	v23 =	vmul.f32 v21, v20;
	v26 =	vmul.f32 v27, v26;
	v21 =	vld [tilespmem:$0x1A30]  }
0x183: {  	v27 =	vmul.f32 v30, v38;
	v30 =	vmul.f32 v29, v28;
	v29 =	vld [tilespmem:$0x1A90]  }
0x184: {  	v28 =	vld [tilespmem:$0x1AA0]  }
0x185: {  	v33 =	vmul.f32 v33, v32;
	v32 =	vld [tilespmem:$0xAB0]  }
0x186: {  	v34 =	vmul.f32 v35, v34;
	v35 =	vmul.f32 v41, v40;
	v40 =	vld [tilespmem:$0x1FE30]  }
0x187: {  	v41 =	vld [tilespmem:$0x1FE40]  }
0x188: {  	v38 =	vmul.f32 v43, v42;
	v42 =	vld [tilespmem:$0x1FE50]  }
0x189: {  	v43 =	vld [tilespmem:$0x1FE60]  }
0x18a: {  	v45 =	vmul.f32 v45, v44;
	v44 =	vld [tilespmem:$0x1FEE0]  }
0x18b: {  	v51 =	vmul.f32 v51, v50;
	v50 =	vld [tilespmem:$0x1FF10]  }
0x18c: {  	[tilespmem:$0x1FF00] =	vst v31;
	v31 =	vld [tilespmem:$0x1890]  }
0x18d: {  	[tilespmem:$0x1FF90] =	vst v55;
	v55 =	vld [tilespmem:$0x1900]  }
0x18e: {  	[tilespmem:$0x1FFA0] =	vst v63;
	v63 =	vld [tilespmem:$0x910]  }
0x18f: {  	[tilespmem:$0x1FF50] =	vst v46;
	v46 =	vld [tilespmem:$0x1910]  }
0x190: {  	[tilespmem:$0x1FF30] =	vst v36;
	v36 =	vld [tilespmem:$0x1990]  }
0x191: {  	v6 =	vmul.f32 v6, v7;
	v7 =	vld [tilespmem:$0x1AB0]  }
0x192: {  	v20 =	vmul.f32 v52, v42;
	v52 =	vld [tilespmem:$0x1FE70]  }
0x193: {  	v25 =	vmul.f32 v25, v24;
	v24 =	vmul.f32 v41, v40;
	v40 =	vld [tilespmem:$0x1FEA0]  }
0x194: {  	v41 =	vld [tilespmem:$0x1FEB0]  }
0x195: {  	[tilespmem:$0x1FF60] =	vst v55;
	v55 =	vld [tilespmem:$0x920]  }
0x196: {  	[tilespmem:$0x1FF70] =	vst v63;
	v63 =	vld [tilespmem:$0x1920]  }
0x197: {  	v49 =	vmul.f32 v49, v48;
	v48 =	vld [tilespmem:$0x1FF00]  }
0x198: {  	[tilespmem:$0x1FF80] =	vst v46;
	v46 =	vld [tilespmem:$0x930]  }
0x199: {  	v42 =	vld [tilespmem:$0x1FEC0]  }
0x19a: {  	v12 =	vmul.f32 v12, v14;
	[tilespmem:$0x1FFB0] =	vst v55;
	v55 =	vld [tilespmem:$0x1930]  }
0x19b: {  	[tilespmem:$0x1FFC0] =	vst v63;
	v63 =	vld [tilespmem:$0x9A0]  }
0x19c: {  	v6 =	vadd.f32 v6, v12;
	v12 =	vmul.f32 v54, v48;
	v54 =	vld [tilespmem:$0x1FF50]  }
0x19d: {  	[tilespmem:$0x1FFD0] =	vst v46;
	v46 =	vld [tilespmem:$0x990]  }
0x19e: {  	v48 =	vld [tilespmem:$0xB80]  }
0x19f: {  	[tilespmem:$0x1FFE0] =	vst v55;
	v55 =	vld [tilespmem:$0x980]  }
0x1a0: {  	[tilespmem:$0x1FFF0] =	vst v63;
	v63 =	vmul.f32 v3, v2;
	v2 =	vld [tilespmem:$0x19A0]  }
0x1a1: {  	v3 =	vld [tilespmem:$0x9B0]  }
0x1a2: {  	v36 =	vmul.f32 v36, v46;
	v46 =	vld [tilespmem:$0x1FFE0]  }
0x1a3: {  	v0 =	vadd.f32 v63, v0;
	v63 =	vmul.f32 v5, v4;
	v4 =	vld [tilespmem:$0x19B0]  }
0x1a4: {  	v5 =	vmul.f32 v9, v8;
	v9 =	vld [tilespmem:$0xA00]  }
0x1a5: {  	v8 =	vmul.f32 v11, v10;
	v11 =	vld [tilespmem:$0x1A00]  }
0x1a6: {  	v10 =	vmul.f32 v19, v18;
	v19 =	vld [tilespmem:$0xA20]  }
0x1a7: {  	v18 =	vld [tilespmem:$0xA30]  }
0x1a8: {  	v0 =	vadd.f32 v63, v0;
	v63 =	vld [tilespmem:$0x1FE20]  }
0x1a9: {  	v5 =	vadd.f32 v8, v5;
	v8 =	vadd.f32 v26, v25;
	v25 =	vld [tilespmem:$0x1A80]  }
0x1aa: {  	v26 =	vmul.f32 v60, v43;
	v60 =	vld [tilespmem:$0x1FE80]  }
0x1ab: {  	v1 =	vadd.f32 v10, v1;
	v43 =	vld [tilespmem:$0x1FED0]  }
0x1ac: {  	v10 =	vadd.f32 v34, v33;
	v34 =	vld [tilespmem:$0x1B00]  }
0x1ad: {  	v1 =	vadd.f32 v23, v1;
	v23 =	vld [tilespmem:$0xA80]  }
0x1ae: {  	v8 =	vadd.f32 v30, v8;
	v30 =	vld [tilespmem:$0xB00]  }
0x1af: {  	v10 =	vadd.f32 v20, v10;
	v20 =	vadd.f32 v51, v49;
	v51 =	vld [tilespmem:$0x1FF20]  }
0x1b0: {  	v49 =	vmul.f32 v47, v61;
	v61 =	vld [tilespmem:$0x1FFA0]  }
0x1b1: {  	v47 =	vld [tilespmem:$0x1FFF0]  }
0x1b2: {  	v5 =	vadd.f32 v22, v5;
	v1 =	vadd.f32 v27, v1;
	v27 =	vld [tilespmem:$0xA90]  }
0x1b3: {  	v8 =	vadd.f32 v24, v8;
	v24 =	vld [tilespmem:$0xAA0]  }
0x1b4: {  	v5 =	vadd.f32 v15, v5;
	v15 =	vadd.f32 v38, v35;
	v35 =	vld [tilespmem:$0xB10]  }
0x1b5: {  	v38 =	vmul.f32 v59, v58;
	v58 =	vld [tilespmem:$0x1FF80]  }
0x1b6: {  	v59 =	vmul.f32 v39, v55;
	v39 =	vld [tilespmem:$0xB30]  }
0x1b7: {  	v55 =	vld [tilespmem:$0x1B90]  }
0x1b8: {  	v16 =	vmul.f32 v62, v63;
	v62 =	vld [tilespmem:$0x1FE90]  }
0x1b9: {  	v22 =	vmul.f32 v60, v52;
	v52 =	vld [tilespmem:$0x1FF30]  }
0x1ba: {  	v63 =	vmul.f32 v57, v56;
	v56 =	vld [tilespmem:$0x1FF60]  }
0x1bb: {  	v57 =	vld [tilespmem:$0x1FF70]  }
0x1bc: {  	v31 =	vmul.f32 v31, v37;
	v14 =	vmul.f32 v41, v40;
	v60 =	vld [tilespmem:$0x1FF90]  }
0x1bd: {  	v6 =	vadd.f32 v12, v6;
	v9 =	vmul.f32 v11, v9;
	v15 =	vadd.f32 v45, v15;
	v45 =	vld [tilespmem:$0x1FEF0]  }
0x1be: {  	v3 =	vmul.f32 v4, v3;
	v0 =	vadd.f32 v16, v0;
	v16 =	vld [tilespmem:$0x1A20];
	v12 =	vmul.f32 v51, v50  }
0x1bf: {  	v2 =	vmul.f32 v2, v47;
	v15 =	vadd.f32 v22, v15;
	v22 =	vadd.f32 v38, v63;
	v63 =	vld [tilespmem:$0x1FFC0]  }
0x1c0: {  	v10 =	vadd.f32 v26, v10;
	v50 =	vmul.f32 v17, v13;
	v26 =	vmul.f32 v53, v62;
	v53 =	vld [tilespmem:$0x1FF40]  }
0x1c1: {  	v6 =	vadd.f32 v12, v6;
	v12 =	vmul.f32 v56, v54;
	v37 =	vmul.f32 v58, v57;
	v62 =	vld [tilespmem:$0x1FFB0]  }
0x1c2: {  	v51 =	vld [tilespmem:$0x1B80];
	(xrf2) =	vadd.scan.msk.f32 $0xffff, v0;
	v0 =	vmul.f32 v61, v60;
	v20 =	vadd.f32 v26, v20;
	v26 =	vmul.f32 v43, v42  }
0x1c3: {  	v56 =	vmul.f32 v25, v23;
	v33 =	vmul.f32 v45, v44;
	v45 =	vld [tilespmem:$0x1FFD0]  }
0x1c4: {  	v38 =	vld [tilespmem:$0x1B20];
	v57 =	vmul.f32 v29, v27;
	v12 =	vadd.f32 v37, v12;
	v22 =	vadd.f32 v26, v22  }
0x1c5: {  	(xrf2) =	vadd.scan.msk.f32 $0xffff, v5;
	v14 =	vadd.f32 v14, v20;
	v20 =	vld [tilespmem:$0x1B10];
	v26 =	vadd.f32 v31, v49;
	v31 =	vmul.f32 v53, v52  }
0x1c6: {  	v58 =	vld [tilespmem:$0xBA0];
	(xrf2) =	vadd.scan.msk.f32 $0xffff, v1;
	v37 =	vmul.f32 v63, v62;
	v53 =	vadd.f32 v50, v9;
	v22 =	vadd.f32 v33, v22  }
0x1c7: {  	(xrf2) =	vadd.scan.msk.f32 $0xffff, v8;
	v54 =	vmul.f32 v16, v19;
	v33 =	vld [tilespmem:$0xB20];
	v26 =	vadd.f32 v31, v26;
	v31 =	vadd.f32 v36, v59  }
0x1c8: {  	(xrf2) =	vadd.scan.msk.f32 $0xffff, v10;
	v52 =	vld [tilespmem:$0xB90];
	v62 =	vmul.f32 v21, v18;
	v5 =	vmul.f32 v46, v45;
	v49 =	vadd.f32 v37, v12  }
0x1c9: {  	v44 =	vld [tilespmem:$0x1B30];
	(xrf2) =	vadd.scan.msk.f32 $0xffff, v15;
	v63 =	vmul.f32 v28, v24;
	v59 =	vmul.f32 v34, v30;
	v2 =	vadd.f32 v2, v31  }
0x1ca: {  	v61 =	vld [tilespmem:$0x1BA0];
	(xrf2) =	vadd.scan.msk.f32 $0xffff, v14;
	v0 =	vadd.f32 v0, v26;
	v1 =	vadd.f32 v5, v49;
	v60 =	vmul.f32 v20, v35  }
0x1cb: {  	v21 =	vmul.f32 v7, v32;
	v24 =	vld [tilespmem:$0x1BB0];
	(xrf2) =	vadd.scan.msk.f32 $0xffff, v22;
	v2 =	vadd.f32 v3, v2;
	v3 =	vadd.f32 v57, v56  }
0x1cc: {  	v5 =	vadd.f32 v54, v53;
	v20 =	vld [tilespmem:$0xBB0];
	(xrf2) =	vadd.scan.msk.f32 $0xffff, v6;
	v22 =	vadd.f32 v60, v59;
	v23 =	vmul.f32 v38, v33  }
0x1cd: {  	v26 =	vmul.f32 v51, v48;
	v4 =	vmul.f32 v55, v52;
	(xrf2) =	vadd.scan.msk.f32 $0xffff, v0;
	v25 =	vadd.f32 v63, v3  }
0x1ce: {  	v30 =	vmul.f32 v44, v39;
	v27, _, _ =	vpop (xrf2);
	v28 =	vadd.f32 v62, v5;
	(xrf2) =	vadd.scan.msk.f32 $0xffff, v1;
	v29 =	vadd.f32 v23, v22  }
0x1cf: {  	v31, _, _ =	vpop (xrf2);
	v33 =	vmul.f32 v61, v58;
	v32 =	vadd.f32 v4, v26;
	(xrf2) =	vadd.scan.msk.f32 $0xffff, v2;
	v0 =	vadd.f32 v21, v25  }
0x1d0: {  	v35 =	vbroadcast v27, $0xF;
	v34, _, _ =	vpop (xrf2);
	v36 =	vbroadcast v31, $0xF;
	(xrf2) =	vadd.scan.msk.f32 $0xffff, v28;
	v5 =	vadd.f32 v30, v29  }
0x1d1: {  	v37, _, _ =	vpop (xrf2);
	v40 =	vbroadcast v34, $0xF;
	v38 =	vadd.f32 v33, v32;
	v39 =	vmul.f32 v24, v20;
	(xrf2) =	vadd.scan.msk.f32 $0xffff, v0  }
0x1d2: {  	v1 =	vsel vm0, v35, v36;
	v41 =	vbroadcast v37, $0xF;
	v42, _, _ =	vpop (xrf2);
	(xrf2) =	vadd.scan.msk.f32 $0xffff, v5  }
0x1d3: {  	v43, _, _ =	vpop (xrf2);
	v1 =	vsel vm1, v1, v40;
	v44 =	vbroadcast v42, $0xF;
	v0 =	vadd.f32 v39, v38  }
0x1d4: {  	v45, _, _ =	vpop (xrf2);
	v1 =	vsel vm2, v1, v41;
	v46 =	vbroadcast v43, $0xF  }
0x1d5: {  	v1 =	vsel vm3, v1, v44;
	v2 =	vbroadcast v45, $0xF;
	v47, _, _ =	vpop (xrf2);
	(xrf2) =	vadd.scan.msk.f32 $0xffff, v0  }
0x1d6: {  	v1 =	vsel vm4, v1, v46;
	v48, _, _ =	vpop (xrf2);
	v3 =	vbroadcast v47, $0xF  }
0x1d7: {  	v1 =	vsel vm5, v1, v2;
	v0 =	vbroadcast v48, $0xF;
	v49, _, _ =	vpop (xrf2)  }
0x1d8: {  	v1 =	vsel vm6, v1, v3;
	v50, _, _ =	vpop (xrf2);
	v51 =	vbroadcast v49, $0xF  }
0x1d9: {  	v0 =	vsel vm7, v1, v0;
	v52, _, _ =	vpop (xrf2);
	v53 =	vbroadcast v50, $0xF  }
0x1da: {  	v54, _, _ =	vpop (xrf2);
	v0 =	vsel vm8, v0, v51;
	v55 =	vbroadcast v52, $0xF  }
0x1db: {  	s19 =	sshra.s32 s18, $0x2;
	v0 =	vsel vm9, v0, v53;
	v57 =	vbroadcast v54, $0xF;
	v56, _, _ =	vpop (xrf2)  }
0x1dc: {  	v60 =	vld [tilespmem:s19+$0x2400];
	v0 =	vsel vm10, v0, v55;
	v58, _, _ =	vpop (xrf2);
	v59 =	vbroadcast v56, $0xF  }
0x1dd: {  	v0 =	vsel vm11, v0, v57;
	v61 =	vbroadcast v58, $0xF  }
0x1de: {  	v62 =	vld [tilespmem:s19+$0x2600];
	v0 =	vsel vm12, v0, v59  }
0x1df: {  	v63, _, _ =	vpop (xrf2);
	v0 =	vsel vm13, v0, v61  }
0x1e0: {  	p0 =	seq.s32 s18, $0x780;
	v0 =	vsel vm14, v0, v63  }
.Ltmp2:
0x1e1: {  	v0 =	vadd.f32 v0, v60;
	(pc) =	sbr.rel @p0 .LBB2_4-.Ltmp2, $3  }
0x1e2: {  	_ = 	snop  }
0x1e3: {  	v0 =	vadd.f32 v0, v62;
	_ =	sdelay $0x1  }
0x1e4: {  	[tilespmem:s19+$0x2800] =	vst v0  }
0x1e5: {  	v0 =	vld [tilespmem:s19+$0x20];
	_ =	sdelay $0x1  }
0x1e6: {  	v2 =	vld [tilespmem:s19+$0x220];
	_ =	sdelay $0x2  }
0x1e7: {  	v1 =	vshll.u32 v0, $0x4  }
0x1e8: {  	(v2sf) =	vpush v1, $0x0  }
0x1e9: {  	v63 =	vshll.u32 v2, $0x4  }
0x1ea: {  	(v2sf) =	vpush v63, $0x0;
	_ =	sdelay $0x4  }
0x1eb: {  	(v2sf) =	vpush v1, $0x1;
	_ =	sdelay $0x3  }
0x1ec: {  	(v2sf) =	vpush v63, $0x1;
	_ =	sdelay $0x3  }
0x1ed: {  	s20 =	spop (v2sf);
	(v2sf) =	vpush v1, $0x2  }
0x1ee: {  	s20 =	sand.u32 $0x1FFFFFF0, s20  }
0x1ef: {  	s22 =	spop (v2sf);
	s20 =	sadd.s32 s5, s20  }
0x1f0: {  	[tilespmem:s21], [sflag:$0x1] =	stream.linear.gather [hbm4b:s20+s3], $0x80, $0x38;
	[tilespmem:$0x2A00] =	vst v63  }
0x1f1: {  	(v2sf) =	vpush v63, $0x2;
	s20 =	sand.u32 $0x1FFFFFF0, s22  }
0x1f2: {  	s22 =	simm.s32 $0x1400;
	s20 =	sadd.s32 s6, s20  }
0x1f3: {  	[tilespmem:s22], [sflag:$0x1] =	stream.linear.gather [hbm4b:s20+s3], $0x80, $0x38;
	[tilespmem:$0x2A00] =	vst v63  }
0x1f4: {  	s22 =	spop (v2sf)  }
0x1f5: {  	(v2sf) =	vpush v1, $0x3;
	s20 =	sand.u32 $0x1FFFFFF0, s22  }
0x1f6: {  	s22 =	simm.s32 $0x480;
	s20 =	sadd.s32 s5, s20  }
0x1f7: {  	[tilespmem:s22], [sflag:$0x1] =	stream.linear.gather [hbm4b:s20+s3], $0x80, $0x38;
	[tilespmem:$0x2A00] =	vst v63  }
0x1f8: {  	s22 =	spop (v2sf)  }
0x1f9: {  	(v2sf) =	vpush v63, $0x3;
	s20 =	sand.u32 $0x1FFFFFF0, s22  }
0x1fa: {  	s22 =	simm.s32 $0x1480;
	s20 =	sadd.s32 s6, s20  }
0x1fb: {  	[tilespmem:s22], [sflag:$0x1] =	stream.linear.gather [hbm4b:s20+s3], $0x80, $0x38;
	[tilespmem:$0x2A00] =	vst v63  }
0x1fc: {  	s22 =	spop (v2sf)  }
0x1fd: {  	(v2sf) =	vpush v1, $0x4;
	s20 =	sand.u32 $0x1FFFFFF0, s22  }
0x1fe: {  	s22 =	simm.s32 $0x500;
	s20 =	sadd.s32 s5, s20  }
0x1ff: {  	[tilespmem:s22], [sflag:$0x1] =	stream.linear.gather [hbm4b:s20+s3], $0x80, $0x38;
	[tilespmem:$0x2A00] =	vst v63  }
0x200: {  	s22 =	spop (v2sf)  }
0x201: {  	(v2sf) =	vpush v63, $0x4;
	s20 =	sand.u32 $0x1FFFFFF0, s22  }
0x202: {  	s22 =	simm.s32 $0x1500;
	s20 =	sadd.s32 s6, s20  }
0x203: {  	[tilespmem:s22], [sflag:$0x1] =	stream.linear.gather [hbm4b:s20+s3], $0x80, $0x38;
	[tilespmem:$0x2A00] =	vst v63  }
0x204: {  	s22 =	spop (v2sf)  }
0x205: {  	(v2sf) =	vpush v1, $0x5;
	s20 =	sand.u32 $0x1FFFFFF0, s22  }
0x206: {  	s22 =	simm.s32 $0x580;
	s20 =	sadd.s32 s5, s20  }
0x207: {  	[tilespmem:s22], [sflag:$0x1] =	stream.linear.gather [hbm4b:s20+s3], $0x80, $0x38;
	[tilespmem:$0x2A00] =	vst v63  }
0x208: {  	s22 =	spop (v2sf)  }
0x209: {  	(v2sf) =	vpush v63, $0x5;
	s20 =	sand.u32 $0x1FFFFFF0, s22  }
0x20a: {  	s22 =	simm.s32 $0x1580;
	s20 =	sadd.s32 s6, s20  }
0x20b: {  	[tilespmem:s22], [sflag:$0x1] =	stream.linear.gather [hbm4b:s20+s3], $0x80, $0x38;
	[tilespmem:$0x2A00] =	vst v63  }
0x20c: {  	s22 =	spop (v2sf)  }
0x20d: {  	(v2sf) =	vpush v1, $0x6;
	s20 =	sand.u32 $0x1FFFFFF0, s22  }
0x20e: {  	s22 =	simm.s32 $0x600;
	s20 =	sadd.s32 s5, s20  }
0x20f: {  	[tilespmem:s22], [sflag:$0x1] =	stream.linear.gather [hbm4b:s20+s3], $0x80, $0x38;
	[tilespmem:$0x2A00] =	vst v63  }
0x210: {  	s22 =	spop (v2sf)  }
0x211: {  	(v2sf) =	vpush v63, $0x6;
	s20 =	sand.u32 $0x1FFFFFF0, s22  }
0x212: {  	s22 =	simm.s32 $0x1600;
	s20 =	sadd.s32 s6, s20  }
0x213: {  	[tilespmem:s22], [sflag:$0x1] =	stream.linear.gather [hbm4b:s20+s3], $0x80, $0x38;
	[tilespmem:$0x2A00] =	vst v63  }
0x214: {  	s22 =	spop (v2sf)  }
0x215: {  	(v2sf) =	vpush v1, $0x7;
	s20 =	sand.u32 $0x1FFFFFF0, s22  }
0x216: {  	s22 =	simm.s32 $0x680;
	s20 =	sadd.s32 s5, s20  }
0x217: {  	[tilespmem:s22], [sflag:$0x1] =	stream.linear.gather [hbm4b:s20+s3], $0x80, $0x38;
	[tilespmem:$0x2A00] =	vst v63  }
0x218: {  	s22 =	spop (v2sf)  }
0x219: {  	(v2sf) =	vpush v63, $0x7;
	s20 =	sand.u32 $0x1FFFFFF0, s22  }
0x21a: {  	s22 =	simm.s32 $0x1680;
	s20 =	sadd.s32 s6, s20  }
0x21b: {  	[tilespmem:s22], [sflag:$0x1] =	stream.linear.gather [hbm4b:s20+s3], $0x80, $0x38;
	[tilespmem:$0x2A00] =	vst v63  }
0x21c: {  	s22 =	spop (v2sf)  }
0x21d: {  	(v2sf) =	vpush v1, $0x8;
	s20 =	sand.u32 $0x1FFFFFF0, s22  }
0x21e: {  	s22 =	simm.s32 $0x700;
	s20 =	sadd.s32 s5, s20  }
0x21f: {  	[tilespmem:s22], [sflag:$0x1] =	stream.linear.gather [hbm4b:s20+s3], $0x80, $0x38;
	[tilespmem:$0x2A00] =	vst v63  }
0x220: {  	s22 =	spop (v2sf)  }
0x221: {  	(v2sf) =	vpush v63, $0x8;
	s20 =	sand.u32 $0x1FFFFFF0, s22  }
0x222: {  	s22 =	simm.s32 $0x1700;
	s20 =	sadd.s32 s6, s20  }
0x223: {  	[tilespmem:s22], [sflag:$0x1] =	stream.linear.gather [hbm4b:s20+s3], $0x80, $0x38;
	[tilespmem:$0x2A00] =	vst v63  }
0x224: {  	s22 =	spop (v2sf)  }
0x225: {  	(v2sf) =	vpush v1, $0x9;
	s20 =	sand.u32 $0x1FFFFFF0, s22  }
0x226: {  	s22 =	simm.s32 $0x780;
	s20 =	sadd.s32 s5, s20  }
0x227: {  	[tilespmem:s22], [sflag:$0x1] =	stream.linear.gather [hbm4b:s20+s3], $0x80, $0x38;
	[tilespmem:$0x2A00] =	vst v63  }
0x228: {  	s22 =	spop (v2sf)  }
0x229: {  	(v2sf) =	vpush v63, $0x9;
	s20 =	sand.u32 $0x1FFFFFF0, s22  }
0x22a: {  	s22 =	simm.s32 $0x1780;
	s20 =	sadd.s32 s6, s20  }
0x22b: {  	[tilespmem:s22], [sflag:$0x1] =	stream.linear.gather [hbm4b:s20+s3], $0x80, $0x38;
	[tilespmem:$0x2A00] =	vst v63  }
0x22c: {  	s22 =	spop (v2sf)  }
0x22d: {  	(v2sf) =	vpush v1, $0xA;
	s20 =	sand.u32 $0x1FFFFFF0, s22  }
0x22e: {  	s22 =	simm.s32 $0x800;
	s20 =	sadd.s32 s5, s20  }
0x22f: {  	[tilespmem:s22], [sflag:$0x1] =	stream.linear.gather [hbm4b:s20+s3], $0x80, $0x38;
	[tilespmem:$0x2A00] =	vst v63  }
0x230: {  	s22 =	spop (v2sf)  }
0x231: {  	(v2sf) =	vpush v63, $0xA;
	s20 =	sand.u32 $0x1FFFFFF0, s22  }
0x232: {  	s22 =	simm.s32 $0x1800;
	s20 =	sadd.s32 s6, s20  }
0x233: {  	[tilespmem:s22], [sflag:$0x1] =	stream.linear.gather [hbm4b:s20+s3], $0x80, $0x38;
	[tilespmem:$0x2A00] =	vst v63  }
0x234: {  	s22 =	spop (v2sf)  }
0x235: {  	(v2sf) =	vpush v1, $0xB;
	s20 =	sand.u32 $0x1FFFFFF0, s22  }
0x236: {  	s22 =	simm.s32 $0x880;
	s20 =	sadd.s32 s5, s20  }
0x237: {  	[tilespmem:s22], [sflag:$0x1] =	stream.linear.gather [hbm4b:s20+s3], $0x80, $0x38;
	[tilespmem:$0x2A00] =	vst v63  }
0x238: {  	s22 =	spop (v2sf)  }
0x239: {  	(v2sf) =	vpush v63, $0xB;
	s20 =	sand.u32 $0x1FFFFFF0, s22  }
0x23a: {  	s22 =	simm.s32 $0x1880;
	s20 =	sadd.s32 s6, s20  }
0x23b: {  	[tilespmem:s22], [sflag:$0x1] =	stream.linear.gather [hbm4b:s20+s3], $0x80, $0x38;
	[tilespmem:$0x2A00] =	vst v63  }
0x23c: {  	s22 =	spop (v2sf)  }
0x23d: {  	(v2sf) =	vpush v1, $0xC;
	s20 =	sand.u32 $0x1FFFFFF0, s22  }
0x23e: {  	s22 =	simm.s32 $0x900;
	s20 =	sadd.s32 s5, s20  }
0x23f: {  	[tilespmem:s22], [sflag:$0x1] =	stream.linear.gather [hbm4b:s20+s3], $0x80, $0x38;
	[tilespmem:$0x2A00] =	vst v63  }
0x240: {  	s22 =	spop (v2sf)  }
0x241: {  	(v2sf) =	vpush v63, $0xC;
	s20 =	sand.u32 $0x1FFFFFF0, s22  }
0x242: {  	s22 =	simm.s32 $0x1900;
	s20 =	sadd.s32 s6, s20  }
0x243: {  	[tilespmem:s22], [sflag:$0x1] =	stream.linear.gather [hbm4b:s20+s3], $0x80, $0x38;
	[tilespmem:$0x2A00] =	vst v63  }
0x244: {  	s22 =	spop (v2sf)  }
0x245: {  	(v2sf) =	vpush v1, $0xD;
	s20 =	sand.u32 $0x1FFFFFF0, s22  }
0x246: {  	s22 =	simm.s32 $0x980;
	s20 =	sadd.s32 s5, s20  }
0x247: {  	[tilespmem:s22], [sflag:$0x1] =	stream.linear.gather [hbm4b:s20+s3], $0x80, $0x38;
	[tilespmem:$0x2A00] =	vst v63  }
0x248: {  	s22 =	spop (v2sf)  }
0x249: {  	(v2sf) =	vpush v63, $0xD;
	s20 =	sand.u32 $0x1FFFFFF0, s22  }
0x24a: {  	s22 =	simm.s32 $0x1980;
	s20 =	sadd.s32 s6, s20  }
0x24b: {  	[tilespmem:s22], [sflag:$0x1] =	stream.linear.gather [hbm4b:s20+s3], $0x80, $0x38;
	[tilespmem:$0x2A00] =	vst v63  }
0x24c: {  	s22 =	spop (v2sf)  }
0x24d: {  	(v2sf) =	vpush v1, $0xE;
	s20 =	sand.u32 $0x1FFFFFF0, s22  }
0x24e: {  	s22 =	simm.s32 $0xA00;
	s20 =	sadd.s32 s5, s20  }
0x24f: {  	[tilespmem:s22], [sflag:$0x1] =	stream.linear.gather [hbm4b:s20+s3], $0x80, $0x38;
	[tilespmem:$0x2A00] =	vst v63  }
0x250: {  	s22 =	spop (v2sf)  }
0x251: {  	(v2sf) =	vpush v63, $0xE;
	s20 =	sand.u32 $0x1FFFFFF0, s22  }
0x252: {  	s22 =	simm.s32 $0x1A00;
	s20 =	sadd.s32 s6, s20  }
0x253: {  	[tilespmem:s22], [sflag:$0x1] =	stream.linear.gather [hbm4b:s20+s3], $0x80, $0x38;
	[tilespmem:$0x2A00] =	vst v63  }
0x254: {  	s22 =	spop (v2sf)  }
0x255: {  	(v2sf) =	vpush v1, $0xF;
	s20 =	sand.u32 $0x1FFFFFF0, s22  }
0x256: {  	s22 =	simm.s32 $0xA80;
	s20 =	sadd.s32 s5, s20  }
0x257: {  	[tilespmem:s22], [sflag:$0x1] =	stream.linear.gather [hbm4b:s20+s3], $0x80, $0x38;
	[tilespmem:$0x2A00] =	vst v63  }
0x258: {  	s22 =	spop (v2sf)  }
0x259: {  	(v2sf) =	vpush v63, $0xF;
	s20 =	sand.u32 $0x1FFFFFF0, s22  }
0x25a: {  	s22 =	simm.s32 $0x1A80;
	s20 =	sadd.s32 s6, s20  }
0x25b: {  	[tilespmem:s22], [sflag:$0x1] =	stream.linear.gather [hbm4b:s20+s3], $0x80, $0x38;
	[tilespmem:$0x2A00] =	vst v63  }
0x25c: {  	s22 =	spop (v2sf)  }
0x25d: {  	s20 =	sand.u32 $0x1FFFFFF0, s22  }
0x25e: {  	s22 =	simm.s32 $0xB00;
	s20 =	sadd.s32 s5, s20  }
0x25f: {  	[tilespmem:s22], [sflag:$0x1] =	stream.linear.gather [hbm4b:s20+s3], $0x80, $0x38;
	[tilespmem:$0x2A00] =	vst v63  }
0x260: {  	s22 =	spop (v2sf)  }
0x261: {  	s20 =	sand.u32 $0x1FFFFFF0, s22  }
0x262: {  	s22 =	simm.s32 $0x1B00;
	s20 =	sadd.s32 s6, s20  }
0x263: {  	[tilespmem:s22], [sflag:$0x1] =	stream.linear.gather [hbm4b:s20+s3], $0x80, $0x38;
	[tilespmem:$0x2A00] =	vst v63  }
0x264: {  	s22 =	spop (v2sf)  }
0x265: {  	s20 =	sand.u32 $0x1FFFFFF0, s22  }
0x266: {  	s22 =	simm.s32 $0xB80;
	s20 =	sadd.s32 s5, s20  }
0x267: {  	[tilespmem:s22], [sflag:$0x1] =	stream.linear.gather [hbm4b:s20+s3], $0x80, $0x38;
	[tilespmem:$0x2A00] =	vst v63  }
0x268: {  	s22 =	spop (v2sf)  }
0x269: {  	s20 =	sand.u32 $0x1FFFFFF0, s22  }
0x26a: {  	s22 =	simm.s32 $0x1B80;
	s20 =	sadd.s32 s6, s20  }
0x26b: {  	[tilespmem:s22], [sflag:$0x1] =	stream.linear.gather [hbm4b:s20+s3], $0x80, $0x38;
	[tilespmem:$0x2A00] =	vst v63  }
.LBB2_4:
0x26c: {  	_ =	swait.ge [sflag:s17], $0x800  }
0x26d: {  	[sflag:s17] =	ssyncset.done $0x0  }
0x26e: {  	[sflag:s17] =	ssyncadd.s32 $0xFFFFF800  }
0x26f: {  	_ =	swait.ge [sflag:s17], $0x800  }
0x270: {  	[sflag:s17] =	ssyncset.done $0x0  }
0x271: {  	[sflag:s17] =	ssyncadd.s32 $0xFFFFF800  }
0x272: {  	v0 =	vld [tilespmem:$0xC00]  }
0x273: {  	v1 =	vld [tilespmem:$0x1C00]  }
0x274: {  	v2 =	vld [tilespmem:$0xC10]  }
0x275: {  	v3 =	vld [tilespmem:$0x1C10]  }
0x276: {  	v4 =	vld [tilespmem:$0xC20]  }
0x277: {  	v5 =	vld [tilespmem:$0x1C20]  }
0x278: {  	v6 =	vld [tilespmem:$0xC30]  }
0x279: {  	v62 =	vld [tilespmem:$0x1C30]  }
0x27a: {  	v8 =	vld [tilespmem:$0xC80]  }
0x27b: {  	v9 =	vld [tilespmem:$0x1C80]  }
0x27c: {  	v10 =	vld [tilespmem:$0xC90]  }
0x27d: {  	v11 =	vld [tilespmem:$0x1C90]  }
0x27e: {  	v22 =	vld [tilespmem:$0xCA0]  }
0x27f: {  	v13 =	vld [tilespmem:$0x1CA0]  }
0x280: {  	v23 =	vld [tilespmem:$0xCB0]  }
0x281: {  	v15 =	vld [tilespmem:$0x1CB0]  }
0x282: {  	v16 =	vld [tilespmem:$0xD00]  }
0x283: {  	v17 =	vld [tilespmem:$0x1D00]  }
0x284: {  	v18 =	vld [tilespmem:$0xD10]  }
0x285: {  	v19 =	vld [tilespmem:$0x1D10]  }
0x286: {  	v20 =	vld [tilespmem:$0xD20]  }
0x287: {  	v21 =	vld [tilespmem:$0x1D20]  }
0x288: {  	v38 =	vld [tilespmem:$0xD30]  }
0x289: {  	v30 =	vld [tilespmem:$0x1D30]  }
0x28a: {  	v24 =	vld [tilespmem:$0xD80]  }
0x28b: {  	v25 =	vld [tilespmem:$0x1D80]  }
0x28c: {  	v26 =	vld [tilespmem:$0xD90]  }
0x28d: {  	v27 =	vld [tilespmem:$0x1D90]  }
0x28e: {  	v28 =	vld [tilespmem:$0xDA0]  }
0x28f: {  	v29 =	vld [tilespmem:$0x1DA0]  }
0x290: {  	v53 =	vld [tilespmem:$0xDB0]  }
0x291: {  	v54 =	vld [tilespmem:$0x1DB0]  }
0x292: {  	v32 =	vld [tilespmem:$0xE00]  }
0x293: {  	v33 =	vld [tilespmem:$0x1E00]  }
0x294: {  	v34 =	vld [tilespmem:$0xE10]  }
0x295: {  	v35 =	vld [tilespmem:$0x1E10]  }
0x296: {  	v55 =	vld [tilespmem:$0xE20]  }
0x297: {  	v52 =	vld [tilespmem:$0x1E20]  }
0x298: {  	v56 =	vld [tilespmem:$0xE30]  }
0x299: {  	v60 =	vld [tilespmem:$0x1E30]  }
0x29a: {  	v40 =	vld [tilespmem:$0xE80]  }
0x29b: {  	v41 =	vld [tilespmem:$0x1E80]  }
0x29c: {  	v42 =	vld [tilespmem:$0xE90]  }
0x29d: {  	v43 =	vld [tilespmem:$0x1E90]  }
0x29e: {  	v44 =	vld [tilespmem:$0xEA0]  }
0x29f: {  	v45 =	vld [tilespmem:$0x1EA0]  }
0x2a0: {  	v57 =	vld [tilespmem:$0xEB0]  }
0x2a1: {  	v58 =	vld [tilespmem:$0x1EB0]  }
0x2a2: {  	v48 =	vld [tilespmem:$0xF00]  }
0x2a3: {  	v49 =	vld [tilespmem:$0x1F00]  }
0x2a4: {  	v50 =	vld [tilespmem:$0xF10]  }
0x2a5: {  	v51 =	vld [tilespmem:$0x1F10]  }
0x2a6: {  	v59 =	vld [tilespmem:$0xF20]  }
0x2a7: {  	v61 =	vld [tilespmem:$0xF30]  }
0x2a8: {  	v63 =	vld [tilespmem:$0x1F30]  }
0x2a9: {  	v12 =	vld [tilespmem:$0xFA0]  }
0x2aa: {  	v14 =	vld [tilespmem:$0x1FA0]  }
0x2ab: {  	v31 =	vld [tilespmem:$0xFB0]  }
0x2ac: {  	v36 =	vld [tilespmem:$0x1FB0]  }
0x2ad: {  	v7 =	vld [tilespmem:$0x1010]  }
0x2ae: {  	v37 =	vld [tilespmem:$0x1030]  }
0x2af: {  	v39 =	vld [tilespmem:$0x2030]  }
0x2b0: {  	v47 =	vld [tilespmem:$0x2080]  }
0x2b1: {  	v46 =	vld [tilespmem:$0x20A0]  }
0x2b2: {  	[tilespmem:$0x1FC50] =	vst v53;
	v53 =	vld [tilespmem:$0x1F20]  }
0x2b3: {  	[tilespmem:$0x1FC80] =	vst v56;
	v56 =	vld [tilespmem:$0xF80]  }
0x2b4: {  	[tilespmem:$0x1FC90] =	vst v57;
	v57 =	vld [tilespmem:$0x1F80]  }
0x2b5: {  	[tilespmem:$0x1FCA0] =	vst v58;
	v58 =	vld [tilespmem:$0xF90]  }
0x2b6: {  	[tilespmem:$0x1FCB0] =	vst v59;
	v59 =	vld [tilespmem:$0x1F90]  }
0x2b7: {  	[tilespmem:$0x1FCF0] =	vst v14;
	v14 =	vld [tilespmem:$0x1000]  }
0x2b8: {  	[tilespmem:$0x1FCE0] =	vst v12;
	v12 =	vld [tilespmem:$0x2000]  }
0x2b9: {  	[tilespmem:$0x1FC40] =	vst v6;
	v6 =	vld [tilespmem:$0x2010]  }
0x2ba: {  	[tilespmem:$0x1FD00] =	vst v31;
	v31 =	vld [tilespmem:$0x1020]  }
0x2bb: {  	[tilespmem:$0x1FC60] =	vst v54;
	v54 =	vld [tilespmem:$0x2020]  }
0x2bc: {  	[tilespmem:$0x1FCC0] =	vst v61;
	v61 =	vld [tilespmem:$0x1080]  }
0x2bd: {  	[tilespmem:$0x1FD30] =	vst v37;
	v37 =	vld [tilespmem:$0x1090]  }
0x2be: {  	[tilespmem:$0x1FD10] =	vst v36;
	v36 =	vld [tilespmem:$0x10A0]  }
0x2bf: {  	[tilespmem:$0x1FC70] =	vst v55;
	v55 =	vld [tilespmem:$0x10B0]  }
0x2c0: {  	[tilespmem:$0x1FCD0] =	vst v63;
	v63 =	vld [tilespmem:$0x20B0]  }
0x2c1: {  	[tilespmem:$0x1FD60] =	vst v46;
	v46 =	vld [tilespmem:$0x1100]  }
0x2c2: {  	[tilespmem:$0x1FD40] =	vst v39;
	v39 =	vld [tilespmem:$0x2180]  }
0x2c3: {  	v0 =	vmul.f32 v1, v0;
	v22 =	vmul.f32 v13, v22;
	v13 =	vld [tilespmem:$0x1210]  }
0x2c4: {  	v1 =	vmul.f32 v17, v16;
	v15 =	vmul.f32 v15, v23;
	v17 =	vld [tilespmem:$0x2210]  }
0x2c5: {  	v23 =	vmul.f32 v21, v20;
	v26 =	vmul.f32 v27, v26;
	v21 =	vld [tilespmem:$0x2230]  }
0x2c6: {  	v27 =	vmul.f32 v30, v38;
	v30 =	vmul.f32 v29, v28;
	v29 =	vld [tilespmem:$0x2290]  }
0x2c7: {  	v28 =	vld [tilespmem:$0x22A0]  }
0x2c8: {  	v33 =	vmul.f32 v33, v32;
	v32 =	vld [tilespmem:$0x12B0]  }
0x2c9: {  	v34 =	vmul.f32 v35, v34;
	v35 =	vmul.f32 v41, v40;
	v40 =	vld [tilespmem:$0x1FC50]  }
0x2ca: {  	v41 =	vld [tilespmem:$0x1FC60]  }
0x2cb: {  	v38 =	vmul.f32 v43, v42;
	v42 =	vld [tilespmem:$0x1FC70]  }
0x2cc: {  	v43 =	vld [tilespmem:$0x1FC80]  }
0x2cd: {  	v45 =	vmul.f32 v45, v44;
	v44 =	vld [tilespmem:$0x1FD00]  }
0x2ce: {  	v51 =	vmul.f32 v51, v50;
	v50 =	vld [tilespmem:$0x1FD30]  }
0x2cf: {  	[tilespmem:$0x1FD20] =	vst v31;
	v31 =	vld [tilespmem:$0x2090]  }
0x2d0: {  	[tilespmem:$0x1FDB0] =	vst v55;
	v55 =	vld [tilespmem:$0x2100]  }
0x2d1: {  	[tilespmem:$0x1FDC0] =	vst v63;
	v63 =	vld [tilespmem:$0x1110]  }
0x2d2: {  	[tilespmem:$0x1FD70] =	vst v46;
	v46 =	vld [tilespmem:$0x2110]  }
0x2d3: {  	[tilespmem:$0x1FD50] =	vst v36;
	v36 =	vld [tilespmem:$0x2190]  }
0x2d4: {  	v6 =	vmul.f32 v6, v7;
	v7 =	vld [tilespmem:$0x22B0]  }
0x2d5: {  	v20 =	vmul.f32 v52, v42;
	v52 =	vld [tilespmem:$0x1FC90]  }
0x2d6: {  	v25 =	vmul.f32 v25, v24;
	v24 =	vmul.f32 v41, v40;
	v40 =	vld [tilespmem:$0x1FCC0]  }
0x2d7: {  	v41 =	vld [tilespmem:$0x1FCD0]  }
0x2d8: {  	[tilespmem:$0x1FD80] =	vst v55;
	v55 =	vld [tilespmem:$0x1120]  }
0x2d9: {  	[tilespmem:$0x1FD90] =	vst v63;
	v63 =	vld [tilespmem:$0x2120]  }
0x2da: {  	v49 =	vmul.f32 v49, v48;
	v48 =	vld [tilespmem:$0x1FD20]  }
0x2db: {  	[tilespmem:$0x1FDA0] =	vst v46;
	v46 =	vld [tilespmem:$0x1130]  }
0x2dc: {  	v42 =	vld [tilespmem:$0x1FCE0]  }
0x2dd: {  	v12 =	vmul.f32 v12, v14;
	[tilespmem:$0x1FDD0] =	vst v55;
	v55 =	vld [tilespmem:$0x2130]  }
0x2de: {  	[tilespmem:$0x1FDE0] =	vst v63;
	v63 =	vld [tilespmem:$0x11A0]  }
0x2df: {  	v6 =	vadd.f32 v6, v12;
	v12 =	vmul.f32 v54, v48;
	v54 =	vld [tilespmem:$0x1FD70]  }
0x2e0: {  	[tilespmem:$0x1FDF0] =	vst v46;
	v46 =	vld [tilespmem:$0x1190]  }
0x2e1: {  	v48 =	vld [tilespmem:$0x1380]  }
0x2e2: {  	[tilespmem:$0x1FE00] =	vst v55;
	v55 =	vld [tilespmem:$0x1180]  }
0x2e3: {  	[tilespmem:$0x1FE10] =	vst v63;
	v63 =	vmul.f32 v3, v2;
	v2 =	vld [tilespmem:$0x21A0]  }
0x2e4: {  	v3 =	vld [tilespmem:$0x11B0]  }
0x2e5: {  	v36 =	vmul.f32 v36, v46;
	v46 =	vld [tilespmem:$0x1FE00]  }
0x2e6: {  	v0 =	vadd.f32 v63, v0;
	v63 =	vmul.f32 v5, v4;
	v4 =	vld [tilespmem:$0x21B0]  }
0x2e7: {  	v5 =	vmul.f32 v9, v8;
	v9 =	vld [tilespmem:$0x1200]  }
0x2e8: {  	v8 =	vmul.f32 v11, v10;
	v11 =	vld [tilespmem:$0x2200]  }
0x2e9: {  	v10 =	vmul.f32 v19, v18;
	v19 =	vld [tilespmem:$0x1220]  }
0x2ea: {  	v18 =	vld [tilespmem:$0x1230]  }
0x2eb: {  	v0 =	vadd.f32 v63, v0;
	v63 =	vld [tilespmem:$0x1FC40]  }
0x2ec: {  	v5 =	vadd.f32 v8, v5;
	v8 =	vadd.f32 v26, v25;
	v25 =	vld [tilespmem:$0x2280]  }
0x2ed: {  	v26 =	vmul.f32 v60, v43;
	v60 =	vld [tilespmem:$0x1FCA0]  }
0x2ee: {  	v1 =	vadd.f32 v10, v1;
	v43 =	vld [tilespmem:$0x1FCF0]  }
0x2ef: {  	v10 =	vadd.f32 v34, v33;
	v34 =	vld [tilespmem:$0x2300]  }
0x2f0: {  	v1 =	vadd.f32 v23, v1;
	v23 =	vld [tilespmem:$0x1280]  }
0x2f1: {  	v8 =	vadd.f32 v30, v8;
	v30 =	vld [tilespmem:$0x1300]  }
0x2f2: {  	v10 =	vadd.f32 v20, v10;
	v20 =	vadd.f32 v51, v49;
	v51 =	vld [tilespmem:$0x1FD40]  }
0x2f3: {  	v49 =	vmul.f32 v47, v61;
	v61 =	vld [tilespmem:$0x1FDC0]  }
0x2f4: {  	v47 =	vld [tilespmem:$0x1FE10]  }
0x2f5: {  	v5 =	vadd.f32 v22, v5;
	v1 =	vadd.f32 v27, v1;
	v27 =	vld [tilespmem:$0x1290]  }
0x2f6: {  	v8 =	vadd.f32 v24, v8;
	v24 =	vld [tilespmem:$0x12A0]  }
0x2f7: {  	v5 =	vadd.f32 v15, v5;
	v15 =	vadd.f32 v38, v35;
	v35 =	vld [tilespmem:$0x1310]  }
0x2f8: {  	v38 =	vmul.f32 v59, v58;
	v58 =	vld [tilespmem:$0x1FDA0]  }
0x2f9: {  	v59 =	vmul.f32 v39, v55;
	v39 =	vld [tilespmem:$0x1330]  }
0x2fa: {  	v55 =	vld [tilespmem:$0x2390]  }
0x2fb: {  	v16 =	vmul.f32 v62, v63;
	v62 =	vld [tilespmem:$0x1FCB0]  }
0x2fc: {  	v22 =	vmul.f32 v60, v52;
	v52 =	vld [tilespmem:$0x1FD50]  }
0x2fd: {  	v63 =	vmul.f32 v57, v56;
	v56 =	vld [tilespmem:$0x1FD80]  }
0x2fe: {  	v57 =	vld [tilespmem:$0x1FD90]  }
0x2ff: {  	v31 =	vmul.f32 v31, v37;
	v14 =	vmul.f32 v41, v40;
	v60 =	vld [tilespmem:$0x1FDB0]  }
0x300: {  	v6 =	vadd.f32 v12, v6;
	v9 =	vmul.f32 v11, v9;
	v15 =	vadd.f32 v45, v15;
	v45 =	vld [tilespmem:$0x1FD10]  }
0x301: {  	v3 =	vmul.f32 v4, v3;
	v0 =	vadd.f32 v16, v0;
	v16 =	vld [tilespmem:$0x2220];
	v12 =	vmul.f32 v51, v50  }
0x302: {  	v2 =	vmul.f32 v2, v47;
	v15 =	vadd.f32 v22, v15;
	v22 =	vadd.f32 v38, v63;
	v63 =	vld [tilespmem:$0x1FDE0]  }
0x303: {  	v10 =	vadd.f32 v26, v10;
	v50 =	vmul.f32 v17, v13;
	v26 =	vmul.f32 v53, v62;
	v53 =	vld [tilespmem:$0x1FD60]  }
0x304: {  	v6 =	vadd.f32 v12, v6;
	v12 =	vmul.f32 v56, v54;
	v37 =	vmul.f32 v58, v57;
	v62 =	vld [tilespmem:$0x1FDD0]  }
0x305: {  	v51 =	vld [tilespmem:$0x2380];
	(xrf2) =	vadd.scan.msk.f32 $0xffff, v0;
	v0 =	vmul.f32 v61, v60;
	v20 =	vadd.f32 v26, v20;
	v26 =	vmul.f32 v43, v42  }
0x306: {  	v56 =	vmul.f32 v25, v23;
	v33 =	vmul.f32 v45, v44;
	v45 =	vld [tilespmem:$0x1FDF0]  }
0x307: {  	v38 =	vld [tilespmem:$0x2320];
	v57 =	vmul.f32 v29, v27;
	v12 =	vadd.f32 v37, v12;
	v22 =	vadd.f32 v26, v22  }
0x308: {  	(xrf2) =	vadd.scan.msk.f32 $0xffff, v5;
	v14 =	vadd.f32 v14, v20;
	v20 =	vld [tilespmem:$0x2310];
	v26 =	vadd.f32 v31, v49;
	v31 =	vmul.f32 v53, v52  }
0x309: {  	v58 =	vld [tilespmem:$0x13A0];
	(xrf2) =	vadd.scan.msk.f32 $0xffff, v1;
	v37 =	vmul.f32 v63, v62;
	v53 =	vadd.f32 v50, v9;
	v22 =	vadd.f32 v33, v22  }
0x30a: {  	(xrf2) =	vadd.scan.msk.f32 $0xffff, v8;
	v54 =	vmul.f32 v16, v19;
	v33 =	vld [tilespmem:$0x1320];
	v26 =	vadd.f32 v31, v26;
	v31 =	vadd.f32 v36, v59  }
0x30b: {  	(xrf2) =	vadd.scan.msk.f32 $0xffff, v10;
	v52 =	vld [tilespmem:$0x1390];
	v62 =	vmul.f32 v21, v18;
	v5 =	vmul.f32 v46, v45;
	v49 =	vadd.f32 v37, v12  }
0x30c: {  	v44 =	vld [tilespmem:$0x2330];
	(xrf2) =	vadd.scan.msk.f32 $0xffff, v15;
	v63 =	vmul.f32 v28, v24;
	v59 =	vmul.f32 v34, v30;
	v2 =	vadd.f32 v2, v31  }
0x30d: {  	v61 =	vld [tilespmem:$0x23A0];
	(xrf2) =	vadd.scan.msk.f32 $0xffff, v14;
	v0 =	vadd.f32 v0, v26;
	v1 =	vadd.f32 v5, v49;
	v60 =	vmul.f32 v20, v35  }
0x30e: {  	v21 =	vmul.f32 v7, v32;
	v24 =	vld [tilespmem:$0x23B0];
	(xrf2) =	vadd.scan.msk.f32 $0xffff, v22;
	v2 =	vadd.f32 v3, v2;
	v3 =	vadd.f32 v57, v56  }
0x30f: {  	v5 =	vadd.f32 v54, v53;
	v20 =	vld [tilespmem:$0x13B0];
	(xrf2) =	vadd.scan.msk.f32 $0xffff, v6;
	v22 =	vadd.f32 v60, v59;
	v23 =	vmul.f32 v38, v33  }
0x310: {  	v26 =	vmul.f32 v51, v48;
	v4 =	vmul.f32 v55, v52;
	(xrf2) =	vadd.scan.msk.f32 $0xffff, v0;
	v25 =	vadd.f32 v63, v3  }
0x311: {  	v30 =	vmul.f32 v44, v39;
	v27, _, _ =	vpop (xrf2);
	v28 =	vadd.f32 v62, v5;
	(xrf2) =	vadd.scan.msk.f32 $0xffff, v1;
	v29 =	vadd.f32 v23, v22  }
0x312: {  	v31, _, _ =	vpop (xrf2);
	v33 =	vmul.f32 v61, v58;
	v32 =	vadd.f32 v4, v26;
	(xrf2) =	vadd.scan.msk.f32 $0xffff, v2;
	v0 =	vadd.f32 v21, v25  }
0x313: {  	v35 =	vbroadcast v27, $0xF;
	v34, _, _ =	vpop (xrf2);
	v36 =	vbroadcast v31, $0xF;
	(xrf2) =	vadd.scan.msk.f32 $0xffff, v28;
	v5 =	vadd.f32 v30, v29  }
0x314: {  	v37, _, _ =	vpop (xrf2);
	v40 =	vbroadcast v34, $0xF;
	v38 =	vadd.f32 v33, v32;
	v39 =	vmul.f32 v24, v20;
	(xrf2) =	vadd.scan.msk.f32 $0xffff, v0  }
0x315: {  	v1 =	vsel vm0, v35, v36;
	v41 =	vbroadcast v37, $0xF;
	v42, _, _ =	vpop (xrf2);
	(xrf2) =	vadd.scan.msk.f32 $0xffff, v5  }
0x316: {  	v43, _, _ =	vpop (xrf2);
	v1 =	vsel vm1, v1, v40;
	v44 =	vbroadcast v42, $0xF;
	v0 =	vadd.f32 v39, v38  }
0x317: {  	v45, _, _ =	vpop (xrf2);
	v1 =	vsel vm2, v1, v41;
	v46 =	vbroadcast v43, $0xF  }
0x318: {  	v1 =	vsel vm3, v1, v44;
	v2 =	vbroadcast v45, $0xF;
	v47, _, _ =	vpop (xrf2);
	(xrf2) =	vadd.scan.msk.f32 $0xffff, v0  }
0x319: {  	v1 =	vsel vm4, v1, v46;
	v48, _, _ =	vpop (xrf2);
	v3 =	vbroadcast v47, $0xF  }
0x31a: {  	v1 =	vsel vm5, v1, v2;
	v0 =	vbroadcast v48, $0xF;
	v49, _, _ =	vpop (xrf2)  }
0x31b: {  	v1 =	vsel vm6, v1, v3;
	v50, _, _ =	vpop (xrf2);
	v51 =	vbroadcast v49, $0xF  }
0x31c: {  	v0 =	vsel vm7, v1, v0;
	v52, _, _ =	vpop (xrf2);
	v53 =	vbroadcast v50, $0xF  }
0x31d: {  	v54, _, _ =	vpop (xrf2);
	v0 =	vsel vm8, v0, v51;
	v55 =	vbroadcast v52, $0xF  }
0x31e: {  	v0 =	vsel vm9, v0, v53;
	v57 =	vbroadcast v54, $0xF;
	v56, _, _ =	vpop (xrf2)  }
0x31f: {  	v60 =	vld [tilespmem:s19+$0x2410];
	v0 =	vsel vm10, v0, v55;
	v58, _, _ =	vpop (xrf2);
	v59 =	vbroadcast v56, $0xF  }
0x320: {  	v0 =	vsel vm11, v0, v57;
	v61 =	vbroadcast v58, $0xF  }
0x321: {  	v62 =	vld [tilespmem:s19+$0x2610];
	v0 =	vsel vm12, v0, v59  }
0x322: {  	v63, _, _ =	vpop (xrf2);
	v0 =	vsel vm13, v0, v61  }
0x323: {  	v0 =	vsel vm14, v0, v63  }
.Ltmp3:
0x324: {  	v0 =	vadd.f32 v0, v60;
	(pc) =	sbr.rel @p0 .LBB2_6-.Ltmp3, $3  }
0x325: {  	_ = 	snop  }
0x326: {  	v0 =	vadd.f32 v0, v62;
	_ =	sdelay $0x1  }
0x327: {  	[tilespmem:s19+$0x2810] =	vst v0  }
0x328: {  	v0 =	vld [tilespmem:s19+$0x30];
	_ =	sdelay $0x3  }
0x329: {  	v2 =	vld [tilespmem:s19+$0x230]  }
0x32a: {  	v1 =	vshll.u32 v0, $0x4  }
0x32b: {  	(v2sf) =	vpush v1, $0x0;
	_ =	sdelay $0x2  }
0x32c: {  	v63 =	vshll.u32 v2, $0x4  }
0x32d: {  	(v2sf) =	vpush v63, $0x0;
	_ =	sdelay $0x1  }
0x32e: {  	(v2sf) =	vpush v1, $0x1;
	_ =	sdelay $0x3  }
0x32f: {  	(v2sf) =	vpush v63, $0x1;
	_ =	sdelay $0x4  }
0x330: {  	s22 =	spop (v2sf);
	(v2sf) =	vpush v1, $0x2  }
0x331: {  	s19 =	sand.u32 $0x1FFFFFF0, s22  }
0x332: {  	s20 =	simm.s32 $0xC00;
	s19 =	sadd.s32 s5, s19  }
0x333: {  	[tilespmem:s20], [sflag:$0x2] =	stream.linear.gather [hbm4b:s19+s3], $0x80, $0x38;
	[tilespmem:$0x2A00] =	vst v63  }
0x334: {  	s20 =	spop (v2sf);
	(v2sf) =	vpush v63, $0x2;
	_ =	sdelay $0x1  }
0x335: {  	s19 =	sand.u32 $0x1FFFFFF0, s20;
	s20 =	spop (v2sf);
	(v2sf) =	vpush v1, $0x3;
	_ =	sdelay $0x1  }
0x336: {  	s22 =	simm.s32 $0x1C00;
	s19 =	sadd.s32 s6, s19  }
0x337: {  	[tilespmem:s22], [sflag:$0x2] =	stream.linear.gather [hbm4b:s19+s3], $0x80, $0x38;
	[tilespmem:$0x2A00] =	vst v63  }
0x338: {  	s19 =	sand.u32 $0x1FFFFFF0, s20;
	s20 =	spop (v2sf);
	(v2sf) =	vpush v63, $0x3;
	_ =	sdelay $0x2  }
0x339: {  	s22 =	simm.s32 $0xC80;
	s19 =	sadd.s32 s5, s19  }
0x33a: {  	[tilespmem:s22], [sflag:$0x2] =	stream.linear.gather [hbm4b:s19+s3], $0x80, $0x38;
	[tilespmem:$0x2A00] =	vst v63  }
0x33b: {  	s19 =	sand.u32 $0x1FFFFFF0, s20;
	s20 =	spop (v2sf);
	(v2sf) =	vpush v1, $0x4  }
0x33c: {  	s22 =	simm.s32 $0x1C80;
	s19 =	sadd.s32 s6, s19  }
0x33d: {  	[tilespmem:s22], [sflag:$0x2] =	stream.linear.gather [hbm4b:s19+s3], $0x80, $0x38;
	[tilespmem:$0x2A00] =	vst v63  }
0x33e: {  	s19 =	sand.u32 $0x1FFFFFF0, s20  }
0x33f: {  	s22 =	simm.s32 $0xD00;
	s19 =	sadd.s32 s5, s19;
	s20 =	spop (v2sf);
	(v2sf) =	vpush v63, $0x4  }
0x340: {  	[tilespmem:s22], [sflag:$0x2] =	stream.linear.gather [hbm4b:s19+s3], $0x80, $0x38;
	[tilespmem:$0x2A00] =	vst v63  }
0x341: {  	s19 =	sand.u32 $0x1FFFFFF0, s20;
	s20 =	spop (v2sf);
	(v2sf) =	vpush v1, $0x5  }
0x342: {  	s22 =	simm.s32 $0x1D00;
	s19 =	sadd.s32 s6, s19  }
0x343: {  	[tilespmem:s22], [sflag:$0x2] =	stream.linear.gather [hbm4b:s19+s3], $0x80, $0x38;
	[tilespmem:$0x2A00] =	vst v63  }
0x344: {  	s19 =	sand.u32 $0x1FFFFFF0, s20  }
0x345: {  	s22 =	simm.s32 $0xD80;
	s20 =	spop (v2sf);
	s19 =	sadd.s32 s5, s19  }
0x346: {  	(v2sf) =	vpush v63, $0x5;
	[tilespmem:s22], [sflag:$0x2] =	stream.linear.gather [hbm4b:s19+s3], $0x80, $0x38;
	[tilespmem:$0x2A00] =	vst v63  }
0x347: {  	s19 =	sand.u32 $0x1FFFFFF0, s20  }
0x348: {  	s22 =	simm.s32 $0x1D80;
	s19 =	sadd.s32 s6, s19  }
0x349: {  	[tilespmem:s22], [sflag:$0x2] =	stream.linear.gather [hbm4b:s19+s3], $0x80, $0x38;
	[tilespmem:$0x2A00] =	vst v63  }
0x34a: {  	s20 =	spop (v2sf);
	(v2sf) =	vpush v1, $0x6  }
0x34b: {  	s19 =	sand.u32 $0x1FFFFFF0, s20  }
0x34c: {  	s22 =	simm.s32 $0xE00;
	s19 =	sadd.s32 s5, s19  }
0x34d: {  	[tilespmem:s22], [sflag:$0x2] =	stream.linear.gather [hbm4b:s19+s3], $0x80, $0x38;
	[tilespmem:$0x2A00] =	vst v63  }
0x34e: {  	s20 =	spop (v2sf);
	(v2sf) =	vpush v63, $0x6  }
0x34f: {  	s19 =	sand.u32 $0x1FFFFFF0, s20  }
0x350: {  	s22 =	simm.s32 $0x1E00;
	s20 =	spop (v2sf);
	(v2sf) =	vpush v1, $0x7;
	s19 =	sadd.s32 s6, s19  }
0x351: {  	[tilespmem:s22], [sflag:$0x2] =	stream.linear.gather [hbm4b:s19+s3], $0x80, $0x38;
	[tilespmem:$0x2A00] =	vst v63  }
0x352: {  	s19 =	sand.u32 $0x1FFFFFF0, s20  }
0x353: {  	s22 =	simm.s32 $0xE80;
	s19 =	sadd.s32 s5, s19  }
0x354: {  	[tilespmem:s22], [sflag:$0x2] =	stream.linear.gather [hbm4b:s19+s3], $0x80, $0x38;
	[tilespmem:$0x2A00] =	vst v63  }
0x355: {  	s22 =	spop (v2sf);
	(v2sf) =	vpush v63, $0x7  }
0x356: {  	s19 =	sand.u32 $0x1FFFFFF0, s22  }
0x357: {  	s19 =	sadd.s32 s6, s19  }
0x358: {  	[tilespmem:s23], [sflag:$0x2] =	stream.linear.gather [hbm4b:s19+s3], $0x80, $0x38;
	[tilespmem:$0x2A00] =	vst v63  }
0x359: {  	s20 =	spop (v2sf);
	(v2sf) =	vpush v1, $0x8  }
0x35a: {  	s19 =	sand.u32 $0x1FFFFFF0, s20  }
0x35b: {  	s19 =	sadd.s32 s5, s19  }
0x35c: {  	[tilespmem:s24], [sflag:$0x2] =	stream.linear.gather [hbm4b:s19+s3], $0x80, $0x38;
	[tilespmem:$0x2A00] =	vst v63  }
0x35d: {  	s22 =	spop (v2sf);
	(v2sf) =	vpush v63, $0x8  }
0x35e: {  	s19 =	sand.u32 $0x1FFFFFF0, s22  }
0x35f: {  	s20 =	spop (v2sf);
	(v2sf) =	vpush v1, $0x9;
	s19 =	sadd.s32 s6, s19  }
0x360: {  	[tilespmem:s25], [sflag:$0x2] =	stream.linear.gather [hbm4b:s19+s3], $0x80, $0x38;
	[tilespmem:$0x2A00] =	vst v63  }
0x361: {  	s19 =	sand.u32 $0x1FFFFFF0, s20  }
0x362: {  	s19 =	sadd.s32 s5, s19  }
0x363: {  	[tilespmem:s26], [sflag:$0x2] =	stream.linear.gather [hbm4b:s19+s3], $0x80, $0x38;
	[tilespmem:$0x2A00] =	vst v63  }
0x364: {  	s22 =	spop (v2sf);
	(v2sf) =	vpush v63, $0x9  }
0x365: {  	s19 =	sand.u32 $0x1FFFFFF0, s22  }
0x366: {  	s19 =	sadd.s32 s6, s19  }
0x367: {  	[tilespmem:s12], [sflag:$0x2] =	stream.linear.gather [hbm4b:s19+s3], $0x80, $0x38;
	[tilespmem:$0x2A00] =	vst v63  }
0x368: {  	s20 =	spop (v2sf);
	(v2sf) =	vpush v1, $0xA  }
0x369: {  	s19 =	sand.u32 $0x1FFFFFF0, s20  }
0x36a: {  	s19 =	sadd.s32 s5, s19  }
0x36b: {  	[tilespmem:s7], [sflag:$0x2] =	stream.linear.gather [hbm4b:s19+s3], $0x80, $0x38;
	[tilespmem:$0x2A00] =	vst v63  }
0x36c: {  	s22 =	spop (v2sf);
	(v2sf) =	vpush v63, $0xA  }
0x36d: {  	s19 =	sand.u32 $0x1FFFFFF0, s22  }
0x36e: {  	s20 =	spop (v2sf);
	(v2sf) =	vpush v1, $0xB;
	s19 =	sadd.s32 s6, s19  }
0x36f: {  	[tilespmem:s8], [sflag:$0x2] =	stream.linear.gather [hbm4b:s19+s3], $0x80, $0x38;
	[tilespmem:$0x2A00] =	vst v63  }
0x370: {  	s19 =	sand.u32 $0x1FFFFFF0, s20  }
0x371: {  	s19 =	sadd.s32 s5, s19  }
0x372: {  	[tilespmem:s9], [sflag:$0x2] =	stream.linear.gather [hbm4b:s19+s3], $0x80, $0x38;
	[tilespmem:$0x2A00] =	vst v63  }
0x373: {  	s22 =	spop (v2sf);
	(v2sf) =	vpush v63, $0xB  }
0x374: {  	s19 =	sand.u32 $0x1FFFFFF0, s22  }
0x375: {  	s19 =	sadd.s32 s6, s19  }
0x376: {  	[tilespmem:s10], [sflag:$0x2] =	stream.linear.gather [hbm4b:s19+s3], $0x80, $0x38;
	[tilespmem:$0x2A00] =	vst v63  }
0x377: {  	s20 =	spop (v2sf);
	(v2sf) =	vpush v1, $0xC  }
0x378: {  	s19 =	sand.u32 $0x1FFFFFF0, s20  }
0x379: {  	s19 =	sadd.s32 s5, s19  }
0x37a: {  	[tilespmem:s1], [sflag:$0x2] =	stream.linear.gather [hbm4b:s19+s3], $0x80, $0x38;
	[tilespmem:$0x2A00] =	vst v63  }
0x37b: {  	s22 =	spop (v2sf);
	(v2sf) =	vpush v63, $0xC  }
0x37c: {  	s19 =	sand.u32 $0x1FFFFFF0, s22  }
0x37d: {  	s20 =	spop (v2sf);
	(v2sf) =	vpush v1, $0xD;
	s19 =	sadd.s32 s6, s19  }
0x37e: {  	[tilespmem:s2], [sflag:$0x2] =	stream.linear.gather [hbm4b:s19+s3], $0x80, $0x38;
	[tilespmem:$0x2A00] =	vst v63  }
0x37f: {  	s19 =	sand.u32 $0x1FFFFFF0, s20  }
0x380: {  	s19 =	sadd.s32 s5, s19  }
0x381: {  	[tilespmem:s13], [sflag:$0x2] =	stream.linear.gather [hbm4b:s19+s3], $0x80, $0x38;
	[tilespmem:$0x2A00] =	vst v63  }
0x382: {  	s22 =	spop (v2sf);
	(v2sf) =	vpush v63, $0xD  }
0x383: {  	s19 =	sand.u32 $0x1FFFFFF0, s22  }
0x384: {  	s19 =	sadd.s32 s6, s19  }
0x385: {  	[tilespmem:s11], [sflag:$0x2] =	stream.linear.gather [hbm4b:s19+s3], $0x80, $0x38;
	[tilespmem:$0x2A00] =	vst v63  }
0x386: {  	s20 =	spop (v2sf);
	(v2sf) =	vpush v1, $0xE  }
0x387: {  	s19 =	sand.u32 $0x1FFFFFF0, s20  }
0x388: {  	s19 =	sadd.s32 s5, s19  }
0x389: {  	[tilespmem:s28], [sflag:$0x2] =	stream.linear.gather [hbm4b:s19+s3], $0x80, $0x38;
	[tilespmem:$0x2A00] =	vst v63  }
0x38a: {  	s22 =	spop (v2sf);
	(v2sf) =	vpush v63, $0xE  }
0x38b: {  	s19 =	sand.u32 $0x1FFFFFF0, s22  }
0x38c: {  	s20 =	spop (v2sf);
	(v2sf) =	vpush v1, $0xF;
	s19 =	sadd.s32 s6, s19  }
0x38d: {  	[tilespmem:s29], [sflag:$0x2] =	stream.linear.gather [hbm4b:s19+s3], $0x80, $0x38;
	[tilespmem:$0x2A00] =	vst v63  }
0x38e: {  	s19 =	sand.u32 $0x1FFFFFF0, s20  }
0x38f: {  	s19 =	sadd.s32 s5, s19  }
0x390: {  	[tilespmem:s30], [sflag:$0x2] =	stream.linear.gather [hbm4b:s19+s3], $0x80, $0x38;
	[tilespmem:$0x2A00] =	vst v63  }
0x391: {  	s22 =	spop (v2sf)  }
0x392: {  	(v2sf) =	vpush v63, $0xF;
	s19 =	sand.u32 $0x1FFFFFF0, s22  }
0x393: {  	s19 =	sadd.s32 s6, s19  }
0x394: {  	[tilespmem:s31], [sflag:$0x2] =	stream.linear.gather [hbm4b:s19+s3], $0x80, $0x38;
	[tilespmem:$0x2A00] =	vst v63  }
0x395: {  	s20 =	spop (v2sf)  }
0x396: {  	s19 =	sand.u32 $0x1FFFFFF0, s20  }
0x397: {  	s19 =	sadd.s32 s5, s19  }
0x398: {  	[tilespmem:s0], [sflag:$0x2] =	stream.linear.gather [hbm4b:s19+s3], $0x80, $0x38;
	[tilespmem:$0x2A00] =	vst v63  }
0x399: {  	s22 =	spop (v2sf)  }
0x39a: {  	s19 =	sand.u32 $0x1FFFFFF0, s22  }
0x39b: {  	s20 =	spop (v2sf);
	s19 =	sadd.s32 s6, s19  }
0x39c: {  	[tilespmem:s4], [sflag:$0x2] =	stream.linear.gather [hbm4b:s19+s3], $0x80, $0x38;
	[tilespmem:$0x2A00] =	vst v63  }
0x39d: {  	s19 =	sand.u32 $0x1FFFFFF0, s20  }
0x39e: {  	s19 =	sadd.s32 s5, s19  }
0x39f: {  	[tilespmem:s14], [sflag:$0x2] =	stream.linear.gather [hbm4b:s19+s3], $0x80, $0x38;
	[tilespmem:$0x2A00] =	vst v63  }
.Ltmp4:
0x3a0: {  	_ = 	snop;
	(pc) =	sbr.rel .LBB2_2-.Ltmp4, $4  }
0x3a1: {  	s22 =	spop (v2sf)  }
0x3a2: {  	s19 =	sand.u32 $0x1FFFFFF0, s22  }
0x3a3: {  	s18 =	sadd.s32 $0x80, s18;
	s19 =	sadd.s32 s6, s19  }
0x3a4: {  	[tilespmem:s15], [sflag:$0x2] =	stream.linear.gather [hbm4b:s19+s3], $0x80, $0x38;
	[tilespmem:$0x2A00] =	vst v63  }
.LBB2_7:
0x3a5: {  	_ =	sfence.sel $0x180000  }
0x3a6: {  	[bflag:$0x0] =	sbarrier.arrive $0xFFFF  }
0x3a7: {  	_ =	strace $0x90000047  }
0x3a8: {  	s0 =	stileid.u32;
	[bflag:$0x2] =	sbarrier.arrive $0xFFFF  }
0x3a9: {  	p0 =	sne.s32 s0, $0x0;
	s0 =	rddreg [dreg:$0x6]  }
0x3aa: {  	s0 =	sadd.s32 @!p0 $0x100000, s0  }
0x3ab: {  	[sflag:s0] =	ssyncadd.tile.s32 @!p0 $0x1;
	_ =	shalt  }
.Lfunc_end2:
_tile_overlayer_lowered:
.L_overlay_start_2:
0x3ac: {  	(tag) =	ssettag $0x2  }
0x3ad: {  	s0 =	rddreg [dreg:$0x0];
	s2 =	stileid.u32  }
0x3ae: {  	s1 =	rddreg [dreg:$0x1];
	p0 =	sne.s32 s2, $0x0  }
0x3af: {  	s3 =	rddreg [dreg:$0x2];
	[bflag:$0x3] =	sbarrier.arrive $0xFFFF;
	s2 =	simm.s32 @!p0 $0x1C04  }
0x3b0: {  	[timem:s3], [sflag:s2] =	dma.local @!p0 [hbm:s0], s1  }
0x3b1: {  	s0 =	simm.s32 @!p0 $0x4  }
0x3b2: {  	_ =	swait.ge @!p0 [sflag:s0], s1  }
0x3b3: {  	s1 =	ssub.s32 @!p0 $0x0, s1;
	[sflag:s0] =	ssyncset.done @!p0 $0x0  }
0x3b4: {  	[sflag:s0] =	ssyncadd.s32 @!p0 s1  }
0x3b5: {  	[bflag:$0x3] =	sbarrier.arrive $0xFFFF  }
0x3b6: {  	_ =	shalt  }

</sc_bundles>
